<compile_context>
chip_gen: v7x
topology: tpu7x:2x2x1
jax: 0.10.2.dev20260603
libtpu: 0.0.44.dev20260713+nightly
codegen_flags: <defaults>
</compile_context>

<pallas_src>
import functools

import jax
import jax.numpy as jnp
from jax import lax
from jax.experimental import pallas as pl
from jax.experimental.pallas import tpu as pltpu
from jax.experimental.pallas import tpu_sc as plsc

N = 10000
E = 320000
C = 128
L = 2

BN = 2000
NB = N // BN

NSC = 2
NSUB = 16
NW = NSC * NSUB
K = 128
NCH = E // K
CH_PER_W = -(-NCH // NW)
RPS = 624
RCH = 104
NRCH = RPS // RCH
TAIL0 = NSUB * RPS
TAIL = N - TAIL0

_HIGHEST = jax.lax.Precision.HIGHEST



def _sc_mesh():
    return plsc.VectorSubcoreMesh(core_axis_name="c", subcore_axis_name="s")


def _sc_deg(dst):
    @functools.partial(
        pl.kernel,
        out_type=jax.ShapeDtypeStruct((2 * N,), jnp.float32),
        mesh=_sc_mesh(),
        scratch_types=[
            pltpu.VMEM((K,), jnp.int32),
            pltpu.VMEM((K,), jnp.int32),
            pltpu.VMEM((K,), jnp.int32),
            pltpu.VMEM((K,), jnp.int32),
            pltpu.VMEM((K,), jnp.float32),
            pltpu.VMEM((RPS,), jnp.float32),
            pltpu.VMEM_SHARED((N,), jnp.float32),
            pltpu.SemaphoreType.DMA,
            pltpu.SemaphoreType.DMA,
            pltpu.SemaphoreType.DMA,
            pltpu.SemaphoreType.DMA,
        ],
    )
    def run(dst_hbm, out_hbm, ix0, ix1, ix2, ix3, ones_v, zb, acc,
            sx0, sx1, sx2, sx3):
        ixl = [ix0, ix1, ix2, ix3]
        sxl = [sx0, sx1, sx2, sx3]
        c = lax.axis_index("c")
        s = lax.axis_index("s")
        wid = c * NSUB + s

        def fill_ones(i, carry):
            ones_v[pl.ds(i * 16, 16)] = jnp.full((16,), 1.0, jnp.float32)
            return carry

        lax.fori_loop(0, K // 16, fill_ones, 0)

        def fill_zero(i, carry):
            zb[pl.ds(i * 16, 16)] = jnp.zeros((16,), jnp.float32)
            return carry

        lax.fori_loop(0, RPS // 16, fill_zero, 0)
        pltpu.sync_copy(zb, acc.at[pl.ds(s * RPS, RPS)])

        @pl.when(s == 0)
        def _():
            pltpu.sync_copy(zb.at[pl.ds(0, TAIL)], acc.at[pl.ds(TAIL0, TAIL)])

        plsc.subcore_barrier()

        def base_of(i):
            cid = wid + i * NW
            return jnp.where(cid < NCH, cid * K, 0), cid < NCH

        def issue_idx(i, slot):
            base, _ = base_of(i)
            pltpu.make_async_copy(dst_hbm.at[pl.ds(base, K)], ixl[slot],
                                  sxl[slot]).start()

        for u in range(3):
            issue_idx(u, u)

        def step(p, carry):
            for u in range(4):
                i = 4 * p + u
                pltpu.make_async_copy(dst_hbm.at[pl.ds(0, K)], ixl[u],
                                      sxl[u]).wait()
                _, valid = base_of(i)

                @pl.when(valid)
                def _(u=u):
                    pltpu.sync_copy(ones_v, acc.at[ixl[u]], add=True)

                @pl.when(i + 3 < CHU)
                def _(u=u, i=i):
                    issue_idx(i + 3, (u + 3) % 4)

            return carry

        lax.fori_loop(0, CHU // 4, step, 0)
        plsc.subcore_barrier()
        pltpu.sync_copy(acc.at[pl.ds(s * RPS, RPS)], zb)
        pltpu.sync_copy(zb, out_hbm.at[pl.ds(c * N + s * RPS, RPS)])

        @pl.when(s == 0)
        def _():
            pltpu.sync_copy(acc.at[pl.ds(TAIL0, TAIL)], zb.at[pl.ds(0, TAIL)])
            pltpu.sync_copy(zb.at[pl.ds(0, TAIL)],
                            out_hbm.at[pl.ds(c * N + TAIL0, TAIL)])

    return run(dst)


CHU = 80


def _sc_agg(src, dst, hs):
    @functools.partial(
        pl.kernel,
        out_type=jax.ShapeDtypeStruct((2 * N, C), jnp.float32),
        mesh=_sc_mesh(),
        scratch_types=(
            [pltpu.VMEM((K,), jnp.int32) for _ in range(8)]
            + [pltpu.VMEM((K, C), jnp.float32) for _ in range(2)]
            + [pltpu.VMEM((RCH, C), jnp.float32),
               pltpu.VMEM_SHARED((N, C), jnp.float32)]
            + [pltpu.SemaphoreType.DMA for _ in range(10)]
        ),
    )
    def run(src_hbm, dst_hbm, hs_hbm, out_hbm,
            is0, is1, is2, is3, id0, id1, id2, id3, rows0, rows1, zb, acc,
            gis0, gis1, gis2, gis3, gid0, gid1, gid2, gid3, gg0, gg1):
        isl = [is0, is1, is2, is3]
        idl = [id0, id1, id2, id3]
        rows = [rows0, rows1]
        sis = [gis0, gis1, gis2, gis3]
        sid = [gid0, gid1, gid2, gid3]
        sg = [gg0, gg1]
        c = lax.axis_index("c")
        s = lax.axis_index("s")
        wid = c * NSUB + s

        def fill_zero(i, carry):
            for j in range(C // 16):
                zb[i, pl.ds(j * 16, 16)] = jnp.zeros((16,), jnp.float32)
            return carry

        lax.fori_loop(0, RCH, fill_zero, 0)
        for k in range(NRCH):
            pltpu.sync_copy(zb, acc.at[pl.ds(s * RPS + k * RCH, RCH)])

        @pl.when(s == 0)
        def _():
            pltpu.sync_copy(zb.at[pl.ds(0, TAIL)], acc.at[pl.ds(TAIL0, TAIL)])

        plsc.subcore_barrier()

        def base_of(i):
            cid = wid + i * NW
            return jnp.where(cid < NCH, cid * K, 0), cid < NCH

        def issue_idx(i, slot):
            base, _ = base_of(i)
            pltpu.make_async_copy(src_hbm.at[pl.ds(base, K)], isl[slot],
                                  sis[slot]).start()
            pltpu.make_async_copy(dst_hbm.at[pl.ds(base, K)], idl[slot],
                                  sid[slot]).start()

        def wait_idx_s(slot):
            pltpu.make_async_copy(src_hbm.at[pl.ds(0, K)], isl[slot],
                                  sis[slot]).wait()

        def finish_chunk(i, slot, rb):
            pltpu.make_async_copy(hs_hbm.at[isl[slot]], rows[rb],
                                  sg[rb]).wait()
            pltpu.make_async_copy(dst_hbm.at[pl.ds(0, K)], idl[slot],
                                  sid[slot]).wait()
            _, valid = base_of(i)

            @pl.when(valid)
            def _():
                pltpu.sync_copy(rows[rb], acc.at[idl[slot]], add=True)

        for u in range(3):
            issue_idx(u, u)

        def step(p, carry):
            for u in range(4):
                i = 4 * p + u
                wait_idx_s(u)
                pltpu.make_async_copy(hs_hbm.at[isl[u]], rows[u % 2],
                                      sg[u % 2]).start()
                @pl.when(i >= 1)
                def _(u=u, i=i):
                    finish_chunk(i - 1, (u - 1) % 4, (u - 1) % 2)

                @pl.when(i + 3 < CHU)
                def _(u=u, i=i):
                    issue_idx(i + 3, (u + 3) % 4)

            return carry

        lax.fori_loop(0, CHU // 4, step, 0)
        finish_chunk(CHU - 1, (CHU - 1) % 4, (CHU - 1) % 2)
        plsc.subcore_barrier()
        pltpu.sync_copy(acc.at[pl.ds(s * RPS, RPS)],
                        out_hbm.at[pl.ds(c * N + s * RPS, RPS)])

        @pl.when(s == 0)
        def _():
            pltpu.sync_copy(acc.at[pl.ds(TAIL0, TAIL)],
                            out_hbm.at[pl.ds(c * N + TAIL0, TAIL)])

    return run(src, dst, hs)



def _dinv_block(degp_ref):
    d = degp_ref[0, :, 0:1] + degp_ref[1, :, 0:1] + 1.0
    return lax.rsqrt(d)


def _row_spec():
    return pl.BlockSpec((BN, C), lambda j: (j, 0))


def _full_spec(shape):
    return pl.BlockSpec(shape, lambda j: tuple(0 for _ in shape))


def _degp_spec():
    return pl.BlockSpec((2, BN, 8), lambda j: (0, j, 0))


def _smem_spec():
    return pl.BlockSpec(memory_space=pltpu.SMEM)


def _tc_embed_body(x_ref, we_ref, be_ref, wg_ref,
                   h_ref, hl_ref, gb_ref, nb_ref, gacc, nacc):
    j = pl.program_id(0)
    h = jnp.dot(x_ref[...], we_ref[...], precision=_HIGHEST,
                preferred_element_type=jnp.float32) + be_ref[...]
    h_ref[...] = h
    hl_ref[...] = jnp.dot(h, wg_ref[...], precision=_HIGHEST,
                          preferred_element_type=jnp.float32)

    @pl.when(j == 0)
    def _():
        gacc[...] = jnp.zeros_like(gacc)
        nacc[...] = jnp.zeros_like(nacc)

    gacc[...] += jnp.broadcast_to(jnp.sum(h, axis=0, keepdims=True), (8, C))
    nacc[...] += lax.dot_general(h, h, (((0,), (0,)), ((), ())),
                                 precision=_HIGHEST,
                                 preferred_element_type=jnp.float32)

    @pl.when(j == NB - 1)
    def _():
        gb_ref[...] = gacc[...]
        nb_ref[...] = nacc[...]


def _tc_embed(x, W_emb, b_emb, Wg0):
    return pl.pallas_call(
        _tc_embed_body,
        grid=(NB,),
        in_specs=[_row_spec(), _full_spec((C, C)), _full_spec((1, C)),
                  _full_spec((C, C))],
        out_specs=[_row_spec(), _row_spec(),
                   _full_spec((8, C)), _full_spec((C, C))],
        out_shape=[jax.ShapeDtypeStruct((N, C), jnp.float32),
                   jax.ShapeDtypeStruct((N, C), jnp.float32),
                   jax.ShapeDtypeStruct((8, C), jnp.float32),
                   jax.ShapeDtypeStruct((C, C), jnp.float32)],
        scratch_shapes=[pltpu.VMEM((8, C), jnp.float32),
                        pltpu.VMEM((C, C), jnp.float32)],
    )(x, W_emb, b_emb, Wg0)


def _tc_scale_body(hl_ref, degp_ref, hs_ref, dinv8_ref):
    dinv = _dinv_block(degp_ref)
    dinv8_ref[...] = jnp.broadcast_to(dinv, (BN, 8))
    hs_ref[...] = hl_ref[...] * dinv


def _tc_scale(hl, degp):
    return pl.pallas_call(
        _tc_scale_body,
        grid=(NB,),
        in_specs=[_row_spec(), _degp_spec()],
        out_specs=[_row_spec(), pl.BlockSpec((BN, 8), lambda j: (j, 0))],
        out_shape=[jax.ShapeDtypeStruct((N, C), jnp.float32),
                   jax.ShapeDtypeStruct((N, 8), jnp.float32)],
    )(hl, degp)


_INV_NC = 1.0 / (N * C)
_EPS = 1e-5


def _dinv8_spec_ph(phases):
    def imap(p, j):
        use = (p == phases[0])
        for q in phases[1:]:
            use = use | (p == q)
        return (jnp.where(use, j, 0), 0)
    return pl.BlockSpec((BN, 8), imap)


def _row_spec_ph(phase):
    return pl.BlockSpec((BN, C), lambda p, j: (jnp.where(p == phase, j, 0), 0))


def _full_spec2(shape):
    return pl.BlockSpec(shape, lambda p, j: tuple(0 for _ in shape))


def _smem_spec2():
    return pl.BlockSpec(memory_space=pltpu.SMEM)


def _make_tc_layer_body(has_next):
    def body(*refs):
        if has_next:
            (aggp_ref, hs_ref, dinv8_ref, bg_ref, hp_ref, wf_ref, bf_ref,
             ln1w_ref, ln1b_ref, ln2w_ref, ln2b_ref, wgn_ref,
             hn_ref, hsn_ref, gb_ref, nb_ref,
             m_all, f_all, sm1, sm2, sf1, sf2, gacc, nacc) = refs
        else:
            (aggp_ref, hs_ref, dinv8_ref, bg_ref, hp_ref, wf_ref, bf_ref,
             ln1w_ref, ln1b_ref, ln2w_ref, ln2b_ref,
             gb_ref, nb_ref,
             m_all, f_all, sm1, sm2, sf1, sf2, gacc, nacc) = refs
        p = pl.program_id(0)
        j = pl.program_id(1)
        rows = pl.ds(j * BN, BN)

        @pl.when(p == 0)
        def _():
            dinv = dinv8_ref[:, 0:1]
            m = (aggp_ref[0] + aggp_ref[1] + hs_ref[...]) * dinv + bg_ref[...]
            m_all[rows, :] = m

            @pl.when(j == 0)
            def _():
                sm1[0, 0] = 0.0
                sm2[0, 0] = 0.0

            sm1[0, 0] += jnp.sum(m)
            sm2[0, 0] += jnp.sum(m * m)

        @pl.when(p == 1)
        def _():
            mean = sm1[0, 0] * _INV_NC
            var = sm2[0, 0] * _INV_NC - mean * mean
            rstd = lax.rsqrt(var + _EPS)
            mhat = ((m_all[rows, :] - mean) * rstd * ln1w_ref[0, 0]
                    + ln1b_ref[0, 0])
            hmid = hp_ref[...] + jnp.maximum(mhat, 0.0)
            f = jnp.dot(hmid, wf_ref[...], precision=_HIGHEST,
                        preferred_element_type=jnp.float32) + bf_ref[...]
            f_all[rows, :] = f

            @pl.when(j == 0)
            def _():
                sf1[0, 0] = 0.0
                sf2[0, 0] = 0.0

            sf1[0, 0] += jnp.sum(f)
            sf2[0, 0] += jnp.sum(f * f)

        @pl.when(p == 2)
        def _():
            mean = sf1[0, 0] * _INV_NC
            var = sf2[0, 0] * _INV_NC - mean * mean
            rstd = lax.rsqrt(var + _EPS)
            fhat = ((f_all[rows, :] - mean) * rstd * ln2w_ref[0, 0]
                    + ln2b_ref[0, 0])
            hn = jnp.maximum(fhat, 0.0)

            @pl.when(j == 0)
            def _():
                gacc[...] = jnp.zeros_like(gacc)
                nacc[...] = jnp.zeros_like(nacc)

            gacc[...] += jnp.broadcast_to(
                jnp.sum(hn, axis=0, keepdims=True), (8, C))
            nacc[...] += lax.dot_general(hn, hn, (((0,), (0,)), ((), ())),
                                         precision=_HIGHEST,
                                         preferred_element_type=jnp.float32)
            if has_next:
                hn_ref[...] = hn
                hl = jnp.dot(hn, wgn_ref[...], precision=_HIGHEST,
                             preferred_element_type=jnp.float32)
                hsn_ref[...] = hl * dinv8_ref[:, 0:1]

            @pl.when(j == NB - 1)
            def _():
                gb_ref[...] = gacc[...]
                nb_ref[...] = nacc[...]

    return body


def _tc_layer(aggp, hs, dinv8, bg_i, hprev, Wf_i, bf_i, ln1w, ln1b,
              ln2w, ln2b, Wg_next):
    has_next = Wg_next is not None
    in_specs = [
        pl.BlockSpec((2, BN, C), lambda p, j: (0, jnp.where(p == 0, j, 0), 0)),
        _row_spec_ph(0),
        _dinv8_spec_ph((0, 2) if has_next else (0,)),
        _full_spec2((1, C)),
        _row_spec_ph(1),
        _full_spec2((C, C)),
        _full_spec2((1, C)),
        _smem_spec2(), _smem_spec2(), _smem_spec2(), _smem_spec2(),
    ]
    args = [aggp, hs, dinv8, bg_i, hprev, Wf_i, bf_i, ln1w, ln1b, ln2w, ln2b]
    if has_next:
        in_specs.append(_full_spec2((C, C)))
        args.append(Wg_next)
        out_specs = [_row_spec_ph(2), _row_spec_ph(2),
                     _full_spec2((8, C)), _full_spec2((C, C))]
        out_shape = [jax.ShapeDtypeStruct((N, C), jnp.float32),
                     jax.ShapeDtypeStruct((N, C), jnp.float32),
                     jax.ShapeDtypeStruct((8, C), jnp.float32),
                     jax.ShapeDtypeStruct((C, C), jnp.float32)]
    else:
        out_specs = [_full_spec2((8, C)), _full_spec2((C, C))]
        out_shape = [jax.ShapeDtypeStruct((8, C), jnp.float32),
                     jax.ShapeDtypeStruct((C, C), jnp.float32)]
    return pl.pallas_call(
        _make_tc_layer_body(has_next),
        grid=(3, NB),
        in_specs=in_specs,
        out_specs=out_specs,
        out_shape=out_shape,
        scratch_shapes=[pltpu.VMEM((N, C), jnp.float32),
                        pltpu.VMEM((N, C), jnp.float32),
                        pltpu.SMEM((1, 1), jnp.float32),
                        pltpu.SMEM((1, 1), jnp.float32),
                        pltpu.SMEM((1, 1), jnp.float32),
                        pltpu.SMEM((1, 1), jnp.float32),
                        pltpu.VMEM((8, C), jnp.float32),
                        pltpu.VMEM((C, C), jnp.float32)],
    )(*args)



def kernel(x, edge_index, batch, W_emb, b_emb, Wg, bg, ln1w, ln1b,
           Wf, bf, ln2w, ln2b):
    src = edge_index[0]
    dst = edge_index[1]
    degp = jnp.broadcast_to(_sc_deg(dst).reshape(2, N, 1), (2, N, 8))

    h0, hl0, gb0, nb0 = _tc_embed(x, W_emb, b_emb[None, :], Wg[0])
    hs0, dinv8 = _tc_scale(hl0, degp)

    gbs, nbs = [gb0], [nb0]
    h, hs = h0, hs0
    for i in range(L):
        aggp = _sc_agg(src, dst, hs).reshape(2, N, C)
        outs = _tc_layer(aggp, hs, dinv8, bg[i][None, :], h,
                         Wf[i], bf[i][None, :],
                         ln1w[i].reshape(1, 1), ln1b[i].reshape(1, 1),
                         ln2w[i].reshape(1, 1), ln2b[i].reshape(1, 1),
                         Wg[i + 1] if i + 1 < L else None)
        if i + 1 < L:
            h, hs, gb_i, nb_i = outs
        else:
            gb_i, nb_i = outs
        gbs.append(gb_i)
        nbs.append(nb_i)

    gb_out = jnp.concatenate([g[0:1] for g in gbs], axis=-1)
    nb_out = jnp.stack(nbs, axis=0)[None]
    return gb_out, nb_out

# --- scband reference (transcript-rebuilt; emitter-appended) ---
"""Pipeline reference for scband-sgim-71768903516481 (READ-ONLY COPY).

The authoritative reference and input builder live on the scoring server;
editing this copy changes nothing except your own understanding.
"""

import jax, jax.numpy as jnp
import numpy as np

N = 10000
E = 320000
C = 128
L = 2


def _gcn_conv(x, src, dst, W, b):
    # PyG GCNConv: lin(x) -> symmetric-normalized sum aggregation (self loops already appended) -> + bias
    h = x @ W
    ones_w = jnp.ones(src.shape[0], dtype=x.dtype)
    deg = jax.ops.segment_sum(ones_w, dst, num_segments=N)
    dinv = jnp.where(deg > 0, deg ** -0.5, 0.0)
    norm = dinv[src] * dinv[dst]
    msg = h[src] * norm[:, None]
    out = jax.ops.segment_sum(msg, dst, num_segments=N)
    return out + b


def _layer_norm(x, batch, w, b, eps=1e-5):
    # PyG-style graph LayerNorm with batch vector (single graph here, B=1)
    B = 1
    cnt = jax.ops.segment_sum(jnp.ones(x.shape[0], dtype=x.dtype), batch, num_segments=B)
    norm = jnp.clip(cnt, 1.0) * x.shape[-1]
    mean = jax.ops.segment_sum(x, batch, num_segments=B).sum(-1) / norm
    xc = x - mean[batch][:, None]
    var = jax.ops.segment_sum(xc * xc, batch, num_segments=B).sum(-1) / norm
    out = xc / jnp.sqrt(var + eps)[batch][:, None]
    return out * w + b


def setup_inputs(seed: int = 0):
    key = jax.random.key(seed)
    ks = jax.random.split(key, 16)
    x = jax.random.normal(ks[0], (N, C), dtype=jnp.float32)
    edge_index = jax.random.randint(ks[1], (2, E), 0, N, dtype=jnp.int32)
    batch = jnp.zeros((N,), dtype=jnp.int32)
    s = 1.0 / np.sqrt(C)
    W_emb = jax.random.uniform(ks[2], (C, C), minval=-s, maxval=s, dtype=jnp.float32)
    b_emb = jax.random.uniform(ks[3], (C,), minval=-s, maxval=s, dtype=jnp.float32)
    Wg = jax.random.uniform(ks[4], (L, C, C), minval=-s, maxval=s, dtype=jnp.float32)
    bg = jnp.zeros((L, C), dtype=jnp.float32)
    ln1w = jnp.ones((L, 1), dtype=jnp.float32)
    ln1b = jnp.zeros((L, 1), dtype=jnp.float32)
    Wf = jax.random.uniform(ks[5], (L, C, C), minval=-s, maxval=s, dtype=jnp.float32)
    bf = jax.random.uniform(ks[6], (L, C), minval=-s, maxval=s, dtype=jnp.float32)
    ln2w = jnp.ones((L, 1), dtype=jnp.float32)
    ln2b = jnp.zeros((L, 1), dtype=jnp.float32)
    return {"x": x, "edge_index": edge_index, "batch": batch,
            "W_emb": W_emb, "b_emb": b_emb,
            "Wg": Wg, "bg": bg, "ln1w": ln1w, "ln1b": ln1b,
            "Wf": Wf, "bf": bf, "ln2w": ln2w, "ln2b": ln2b}


def reference(x, edge_index, batch, W_emb, b_emb, Wg, bg, ln1w, ln1b, Wf, bf, ln2w, ln2b):
    # SGim: embedding Linear -> Backbone of L GNN_layers (GCNConv + graph LayerNorm + ReLU,
    # residual, FFN + LayerNorm + ReLU, global_add_pool, dense gram matrix per layer)
    loop = jnp.arange(N, dtype=edge_index.dtype)
    src = jnp.concatenate([edge_index[0], loop])
    dst = jnp.concatenate([edge_index[1], loop])
    h = x @ W_emb + b_emb
    gb = [jax.ops.segment_sum(h, batch, num_segments=1)]
    nb = [jnp.einsum('nc,nd->cd', h, h)[None]]
    for i in range(L):
        m = _gcn_conv(h, src, dst, Wg[i], bg[i])
        m = _layer_norm(m, batch, ln1w[i], ln1b[i])
        m = jax.nn.relu(m)
        h = h + m
        f = h @ Wf[i] + bf[i]
        f = _layer_norm(f, batch, ln2w[i], ln2b[i])
        h = jax.nn.relu(f)
        gb.append(jax.ops.segment_sum(h, batch, num_segments=1))
        nb.append(jnp.einsum('nc,nd->cd', h, h)[None])
    gb_out = jnp.concatenate(gb, axis=-1)
    nb_out = jnp.stack(nb, axis=1)
    return gb_out, nb_out

if __name__ == "__main__":
    import jax
    _d = setup_inputs()
    print(jax.jit(kernel)(*tuple(_d.values())))

</pallas_src>

<mosaic_0001>
#map = affine_map<(d0, d1) -> (0)>
module attributes {stable_mosaic.version = 14 : i64} {
  func.func @run(%arg0: i32, %arg1: i32, %arg2: memref<320000xi32, #tpu.memory_space<hbm>>, %arg3: memref<20000xf32, #tpu.memory_space<hbm>>, %arg4: memref<128xi32, #tpu.memory_space<vmem>>, %arg5: memref<128xi32, #tpu.memory_space<vmem>>, %arg6: memref<128xi32, #tpu.memory_space<vmem>>, %arg7: memref<128xi32, #tpu.memory_space<vmem>>, %arg8: memref<128xf32, #tpu.memory_space<vmem>>, %arg9: memref<624xf32, #tpu.memory_space<vmem>>, %arg10: memref<10000xf32, #tpu.memory_space<vmem_shared>>, %arg11: memref<!tpu.dma_semaphore, #tpu.memory_space<semaphore_mem>>, %arg12: memref<!tpu.dma_semaphore, #tpu.memory_space<semaphore_mem>>, %arg13: memref<!tpu.dma_semaphore, #tpu.memory_space<semaphore_mem>>, %arg14: memref<!tpu.dma_semaphore, #tpu.memory_space<semaphore_mem>>) attributes {dimension_semantics = [#tpu.dimension_semantics<core_parallel>, #tpu.dimension_semantics<subcore_parallel>], iteration_bounds = array<i64: 2, 16>, scalar_prefetch = 0 : i64, scratch_operands = 11 : i64, tpu.core_type = #tpu.core_type<sc_vector_subcore>, window_params = [{transform_indices = #map}, {transform_indices = #map}]} {
    %mul3A = arith.constant 16 : i32
    %mul3A_0 = arith.muli %arg0, %mul3A : i32
    %add3A = arith.addi %mul3A_0, %arg1 : i32
    %scan3A = arith.constant 0 : i32
    %scan3A_1 = arith.constant 0 : i32
    %scan3A_2 = arith.constant 8 : i32
    %scan3A_3 = arith.addi %scan3A_1, %scan3A_2 : i32
    %scan3A_4 = arith.constant 1 : i32
    scf.for %scan3A_67 = %scan3A_1 to %scan3A_3 step %scan3A_4  : i32 {
      %broadcast_in_dim3A = arith.constant 1.000000e+00 : f32
      %broadcast_in_dim3A_68 = vector.broadcast %broadcast_in_dim3A : f32 to vector<16xf32>
      %mul3A_69 = arith.constant 16 : i32
      %mul3A_70 = arith.muli %scan3A_67, %mul3A_69 : i32
      %swap3A = arith.index_cast %mul3A_70 : i32 to index
      %swap3A_71 = tpu.vector_load %arg8[%swap3A] {strides = array<i32>} : memref<128xf32, #tpu.memory_space<vmem>>, vector<16xf32>,
      %swap3A_72 = vector.shape_cast %swap3A_71 : vector<16xf32> to vector<16xf32>
      %swap3A_73 = vector.shape_cast %broadcast_in_dim3A_68 : vector<16xf32> to vector<16xf32>
      tpu.vector_store %arg8[%swap3A], %swap3A_73 {strides = array<i32>} : memref<128xf32, #tpu.memory_space<vmem>>, vector<16xf32>,
    }
    %scan3A_5 = arith.constant 8 : i32
    %scan3A_6 = arith.constant 0 : i32
    %scan3A_7 = arith.constant 0 : i32
    %scan3A_8 = arith.constant 39 : i32
    %scan3A_9 = arith.addi %scan3A_7, %scan3A_8 : i32
    %scan3A_10 = arith.constant 1 : i32
    scf.for %scan3A_67 = %scan3A_7 to %scan3A_9 step %scan3A_10  : i32 {
      %broadcast_in_dim3A = arith.constant 0.000000e+00 : f32
      %broadcast_in_dim3A_68 = vector.broadcast %broadcast_in_dim3A : f32 to vector<16xf32>
      %mul3A_69 = arith.constant 16 : i32
      %mul3A_70 = arith.muli %scan3A_67, %mul3A_69 : i32
      %swap3A = arith.index_cast %mul3A_70 : i32 to index
      %swap3A_71 = tpu.vector_load %arg9[%swap3A] {strides = array<i32>} : memref<624xf32, #tpu.memory_space<vmem>>, vector<16xf32>,
      %swap3A_72 = vector.shape_cast %swap3A_71 : vector<16xf32> to vector<16xf32>
      %swap3A_73 = vector.shape_cast %broadcast_in_dim3A_68 : vector<16xf32> to vector<16xf32>
      tpu.vector_store %arg9[%swap3A], %swap3A_73 {strides = array<i32>} : memref<624xf32, #tpu.memory_space<vmem>>, vector<16xf32>,
    }
    %scan3A_11 = arith.constant 39 : i32
    %mul3A_12 = arith.constant 624 : i32
    %mul3A_13 = arith.muli %arg1, %mul3A_12 : i32
    "tpu.region"() ({
      %run_scoped3A = tpu.sem_alloc : memref<!tpu.dma_semaphore, #tpu.memory_space<semaphore_mem>>
      %dma_start3A_67 = tpu.memref_slice %arg10[%mul3A_13] : memref<10000xf32, #tpu.memory_space<vmem_shared>> -> memref<624xf32, #tpu.memory_space<vmem_shared>>
      %dma_start3A_68 = tpu.memref_slice %arg10[%mul3A_13] : memref<10000xf32, #tpu.memory_space<vmem_shared>> -> memref<624xf32, #tpu.memory_space<vmem_shared>>
      tpu.enqueue_dma source(%arg9 : memref<624xf32, #tpu.memory_space<vmem>>) target(%dma_start3A_68 : memref<624xf32, #tpu.memory_space<vmem_shared>>) target_semaphore(%run_scoped3A : memref<!tpu.dma_semaphore, #tpu.memory_space<semaphore_mem>>)
      %dma_wait3A = tpu.memref_slice %arg10[%mul3A_13] : memref<10000xf32, #tpu.memory_space<vmem_shared>> -> memref<624xf32, #tpu.memory_space<vmem_shared>>
      %dma_wait3A_69 = tpu.memref_slice %arg10[%mul3A_13] : memref<10000xf32, #tpu.memory_space<vmem_shared>> -> memref<624xf32, #tpu.memory_space<vmem_shared>>
      tpu.wait_dma2 semaphore(%run_scoped3A : memref<!tpu.dma_semaphore, #tpu.memory_space<semaphore_mem>>) src(%arg9 : memref<624xf32, #tpu.memory_space<vmem>>) dst(%dma_wait3A_69 : memref<624xf32, #tpu.memory_space<vmem_shared>>)
      tpu.yield
    }) : () -> ()
    %eq3A = arith.constant 0 : i32
    %eq3A_14 = arith.cmpi eq, %arg1, %eq3A : i32
    %convert_element_type3A = arith.extui %eq3A_14 : i1 to i32
    %cond3A = arith.constant 0 : i32
    %cond3A_15 = arith.cmpi ne, %convert_element_type3A, %cond3A : i32
    scf.if %cond3A_15 {
      "tpu.region"() ({
        %run_scoped3A = tpu.sem_alloc : memref<!tpu.dma_semaphore, #tpu.memory_space<semaphore_mem>>
        %dma_start3A_67 = arith.constant 0 : i32
        %dma_start3A_68 = tpu.memref_slice %arg9[%dma_start3A_67] : memref<624xf32, #tpu.memory_space<vmem>> -> memref<16xf32, #tpu.memory_space<vmem>>
        %dma_start3A_69 = arith.constant 9984 : i32
        %dma_start3A_70 = tpu.memref_slice %arg10[%dma_start3A_69] : memref<10000xf32, #tpu.memory_space<vmem_shared>> -> memref<16xf32, #tpu.memory_space<vmem_shared>>
        %dma_start3A_71 = arith.constant 9984 : i32
        %dma_start3A_72 = tpu.memref_slice %arg10[%dma_start3A_71] : memref<10000xf32, #tpu.memory_space<vmem_shared>> -> memref<16xf32, #tpu.memory_space<vmem_shared>>
        %dma_start3A_73 = arith.constant 0 : i32
        %dma_start3A_74 = tpu.memref_slice %arg9[%dma_start3A_73] : memref<624xf32, #tpu.memory_space<vmem>> -> memref<16xf32, #tpu.memory_space<vmem>>
        tpu.enqueue_dma source(%dma_start3A_74 : memref<16xf32, #tpu.memory_space<vmem>>) target(%dma_start3A_72 : memref<16xf32, #tpu.memory_space<vmem_shared>>) target_semaphore(%run_scoped3A : memref<!tpu.dma_semaphore, #tpu.memory_space<semaphore_mem>>)
        %dma_wait3A = arith.constant 0 : i32
        %dma_wait3A_75 = tpu.memref_slice %arg9[%dma_wait3A] : memref<624xf32, #tpu.memory_space<vmem>> -> memref<16xf32, #tpu.memory_space<vmem>>
        %dma_wait3A_76 = arith.constant 9984 : i32
        %dma_wait3A_77 = tpu.memref_slice %arg10[%dma_wait3A_76] : memref<10000xf32, #tpu.memory_space<vmem_shared>> -> memref<16xf32, #tpu.memory_space<vmem_shared>>
        %dma_wait3A_78 = arith.constant 9984 : i32
        %dma_wait3A_79 = tpu.memref_slice %arg10[%dma_wait3A_78] : memref<10000xf32, #tpu.memory_space<vmem_shared>> -> memref<16xf32, #tpu.memory_space<vmem_shared>>
        %dma_wait3A_80 = arith.constant 0 : i32
        %dma_wait3A_81 = tpu.memref_slice %arg9[%dma_wait3A_80] : memref<624xf32, #tpu.memory_space<vmem>> -> memref<16xf32, #tpu.memory_space<vmem>>
        tpu.wait_dma2 semaphore(%run_scoped3A : memref<!tpu.dma_semaphore, #tpu.memory_space<semaphore_mem>>) src(%dma_wait3A_81 : memref<16xf32, #tpu.memory_space<vmem>>) dst(%dma_wait3A_79 : memref<16xf32, #tpu.memory_space<vmem_shared>>)
        tpu.yield
      }) : () -> ()
    } else {
    }
    %barrier3A = arith.constant 0 : index
    tpu.barrier barrier_id(%barrier3A)
    %add3A_16 = arith.constant 0 : i32
    %add3A_17 = arith.addi %add3A, %add3A_16 : i32
    %lt3A = arith.constant 2500 : i32
    %lt3A_18 = arith.cmpi slt, %add3A_17, %lt3A : i32
    %mul3A_19 = arith.constant 128 : i32
    %mul3A_20 = arith.muli %add3A_17, %mul3A_19 : i32
    %jit3A = arith.constant 0 : i32
    %select_n3A = arith.select %lt3A_18, %mul3A_20, %jit3A : i32
    %lt3A_21 = arith.constant 2500 : i32
    %lt3A_22 = arith.cmpi slt, %add3A_17, %lt3A_21 : i32
    %dma_start3A = tpu.memref_slice %arg2[%select_n3A] : memref<320000xi32, #tpu.memory_space<hbm>> -> memref<128xi32, #tpu.memory_space<hbm>>
    %dma_start3A_23 = tpu.memref_slice %arg2[%select_n3A] : memref<320000xi32, #tpu.memory_space<hbm>> -> memref<128xi32, #tpu.memory_space<hbm>>
    tpu.enqueue_dma source(%dma_start3A_23 : memref<128xi32, #tpu.memory_space<hbm>>) target(%arg4 : memref<128xi32, #tpu.memory_space<vmem>>) target_semaphore(%arg11 : memref<!tpu.dma_semaphore, #tpu.memory_space<semaphore_mem>>)
    %add3A_24 = arith.constant 32 : i32
    %add3A_25 = arith.addi %add3A, %add3A_24 : i32
    %lt3A_26 = arith.constant 2500 : i32
    %lt3A_27 = arith.cmpi slt, %add3A_25, %lt3A_26 : i32
    %mul3A_28 = arith.constant 128 : i32
    %mul3A_29 = arith.muli %add3A_25, %mul3A_28 : i32
    %jit3A_30 = arith.constant 0 : i32
    %select_n3A_31 = arith.select %lt3A_27, %mul3A_29, %jit3A_30 : i32
    %lt3A_32 = arith.constant 2500 : i32
    %lt3A_33 = arith.cmpi slt, %add3A_25, %lt3A_32 : i32
    %dma_start3A_34 = tpu.memref_slice %arg2[%select_n3A_31] : memref<320000xi32, #tpu.memory_space<hbm>> -> memref<128xi32, #tpu.memory_space<hbm>>
    %dma_start3A_35 = tpu.memref_slice %arg2[%select_n3A_31] : memref<320000xi32, #tpu.memory_space<hbm>> -> memref<128xi32, #tpu.memory_space<hbm>>
    tpu.enqueue_dma source(%dma_start3A_35 : memref<128xi32, #tpu.memory_space<hbm>>) target(%arg5 : memref<128xi32, #tpu.memory_space<vmem>>) target_semaphore(%arg12 : memref<!tpu.dma_semaphore, #tpu.memory_space<semaphore_mem>>)
    %add3A_36 = arith.constant 64 : i32
    %add3A_37 = arith.addi %add3A, %add3A_36 : i32
    %lt3A_38 = arith.constant 2500 : i32
    %lt3A_39 = arith.cmpi slt, %add3A_37, %lt3A_38 : i32
    %mul3A_40 = arith.constant 128 : i32
    %mul3A_41 = arith.muli %add3A_37, %mul3A_40 : i32
    %jit3A_42 = arith.constant 0 : i32
    %select_n3A_43 = arith.select %lt3A_39, %mul3A_41, %jit3A_42 : i32
    %lt3A_44 = arith.constant 2500 : i32
    %lt3A_45 = arith.cmpi slt, %add3A_37, %lt3A_44 : i32
    %dma_start3A_46 = tpu.memref_slice %arg2[%select_n3A_43] : memref<320000xi32, #tpu.memory_space<hbm>> -> memref<128xi32, #tpu.memory_space<hbm>>
    %dma_start3A_47 = tpu.memref_slice %arg2[%select_n3A_43] : memref<320000xi32, #tpu.memory_space<hbm>> -> memref<128xi32, #tpu.memory_space<hbm>>
    tpu.enqueue_dma source(%dma_start3A_47 : memref<128xi32, #tpu.memory_space<hbm>>) target(%arg6 : memref<128xi32, #tpu.memory_space<vmem>>) target_semaphore(%arg13 : memref<!tpu.dma_semaphore, #tpu.memory_space<semaphore_mem>>)
    %scan3A_48 = arith.constant 0 : i32
    %scan3A_49 = arith.constant 0 : i32
    %scan3A_50 = arith.constant 20 : i32
    %scan3A_51 = arith.addi %scan3A_49, %scan3A_50 : i32
    %scan3A_52 = arith.constant 1 : i32
    scf.for %scan3A_67 = %scan3A_49 to %scan3A_51 step %scan3A_52  : i32 {
      %mul3A_68 = arith.constant 4 : i32
      %mul3A_69 = arith.muli %mul3A_68, %scan3A_67 : i32
      %add3A_70 = arith.constant 0 : i32
      %add3A_71 = arith.addi %mul3A_69, %add3A_70 : i32
      %dma_wait3A = arith.constant 0 : i32
      %dma_wait3A_72 = tpu.memref_slice %arg2[%dma_wait3A] : memref<320000xi32, #tpu.memory_space<hbm>> -> memref<128xi32, #tpu.memory_space<hbm>>
      %dma_wait3A_73 = arith.constant 0 : i32
      %dma_wait3A_74 = tpu.memref_slice %arg2[%dma_wait3A_73] : memref<320000xi32, #tpu.memory_space<hbm>> -> memref<128xi32, #tpu.memory_space<hbm>>
      tpu.wait_dma2 semaphore(%arg11 : memref<!tpu.dma_semaphore, #tpu.memory_space<semaphore_mem>>) src(%dma_wait3A_74 : memref<128xi32, #tpu.memory_space<hbm>>) dst(%arg4 : memref<128xi32, #tpu.memory_space<vmem>>)
      %mul3A_75 = arith.constant 32 : i32
      %mul3A_76 = arith.muli %add3A_71, %mul3A_75 : i32
      %add3A_77 = arith.addi %add3A, %mul3A_76 : i32
      %lt3A_78 = arith.constant 2500 : i32
      %lt3A_79 = arith.cmpi slt, %add3A_77, %lt3A_78 : i32
      %mul3A_80 = arith.constant 128 : i32
      %mul3A_81 = arith.muli %add3A_77, %mul3A_80 : i32
      %jit3A_82 = arith.constant 0 : i32
      %select_n3A_83 = arith.select %lt3A_79, %mul3A_81, %jit3A_82 : i32
      %lt3A_84 = arith.constant 2500 : i32
      %lt3A_85 = arith.cmpi slt, %add3A_77, %lt3A_84 : i32
      %convert_element_type3A_86 = arith.extui %lt3A_85 : i1 to i32
      %cond3A_87 = arith.constant 0 : i32
      %cond3A_88 = arith.cmpi ne, %convert_element_type3A_86, %cond3A_87 : i32
      scf.if %cond3A_88 {
        "tpu.region"() ({
          %run_scoped3A = tpu.sem_alloc : memref<!tpu.dma_semaphore, #tpu.memory_space<semaphore_mem>>
          %dma_start3A_183 = arith.constant 0 : i32
          %dma_start3A_184 = tpu.memref_slice %arg10[%dma_start3A_183] : memref<10000xf32, #tpu.memory_space<vmem_shared>> -> memref<10000xf32, #tpu.memory_space<vmem_shared>>
          tpu.enqueue_indirect_dma source(%arg8 : memref<128xf32, #tpu.memory_space<vmem>>) target(%dma_start3A_184 : memref<10000xf32, #tpu.memory_space<vmem_shared>>) offsets(%arg4 : memref<128xi32, #tpu.memory_space<vmem>>) semaphore(%run_scoped3A : memref<!tpu.dma_semaphore, #tpu.memory_space<semaphore_mem>>) {add = true}
          %dma_wait3A_185 = arith.constant 0 : i32
          %dma_wait3A_186 = tpu.memref_slice %arg10[%dma_wait3A_185] : memref<10000xf32, #tpu.memory_space<vmem_shared>> -> memref<10000xf32, #tpu.memory_space<vmem_shared>>
          tpu.wait_indirect_dma semaphore(%run_scoped3A : memref<!tpu.dma_semaphore, #tpu.memory_space<semaphore_mem>>) src(%arg8 : memref<128xf32, #tpu.memory_space<vmem>>) dst(%dma_wait3A_186 : memref<10000xf32, #tpu.memory_space<vmem_shared>>)
          tpu.yield
        }) : () -> ()
      } else {
      }
      %add3A_89 = arith.constant 3 : i32
      %add3A_90 = arith.addi %add3A_71, %add3A_89 : i32
      %lt3A_91 = arith.constant 80 : i32
      %lt3A_92 = arith.cmpi slt, %add3A_90, %lt3A_91 : i32
      %convert_element_type3A_93 = arith.extui %lt3A_92 : i1 to i32
      %cond3A_94 = arith.constant 0 : i32
      %cond3A_95 = arith.cmpi ne, %convert_element_type3A_93, %cond3A_94 : i32
      scf.if %cond3A_95 {
        %add3A_183 = arith.constant 3 : i32
        %add3A_184 = arith.addi %add3A_71, %add3A_183 : i32
        %mul3A_185 = arith.constant 32 : i32
        %mul3A_186 = arith.muli %add3A_184, %mul3A_185 : i32
        %add3A_187 = arith.addi %add3A, %mul3A_186 : i32
        %lt3A_188 = arith.constant 2500 : i32
        %lt3A_189 = arith.cmpi slt, %add3A_187, %lt3A_188 : i32
        %mul3A_190 = arith.constant 128 : i32
        %mul3A_191 = arith.muli %add3A_187, %mul3A_190 : i32
        %jit3A_192 = arith.constant 0 : i32
        %select_n3A_193 = arith.select %lt3A_189, %mul3A_191, %jit3A_192 : i32
        %lt3A_194 = arith.constant 2500 : i32
        %lt3A_195 = arith.cmpi slt, %add3A_187, %lt3A_194 : i32
        %dma_start3A_196 = tpu.memref_slice %arg2[%select_n3A_193] : memref<320000xi32, #tpu.memory_space<hbm>> -> memref<128xi32, #tpu.memory_space<hbm>>
        %dma_start3A_197 = tpu.memref_slice %arg2[%select_n3A_193] : memref<320000xi32, #tpu.memory_space<hbm>> -> memref<128xi32, #tpu.memory_space<hbm>>
        tpu.enqueue_dma source(%dma_start3A_197 : memref<128xi32, #tpu.memory_space<hbm>>) target(%arg7 : memref<128xi32, #tpu.memory_space<vmem>>) target_semaphore(%arg14 : memref<!tpu.dma_semaphore, #tpu.memory_space<semaphore_mem>>)
      } else {
      }
      %mul3A_96 = arith.constant 4 : i32
      %mul3A_97 = arith.muli %mul3A_96, %scan3A_67 : i32
      %add3A_98 = arith.constant 1 : i32
      %add3A_99 = arith.addi %mul3A_97, %add3A_98 : i32
      %dma_wait3A_100 = arith.constant 0 : i32
      %dma_wait3A_101 = tpu.memref_slice %arg2[%dma_wait3A_100] : memref<320000xi32, #tpu.memory_space<hbm>> -> memref<128xi32, #tpu.memory_space<hbm>>
      %dma_wait3A_102 = arith.constant 0 : i32
      %dma_wait3A_103 = tpu.memref_slice %arg2[%dma_wait3A_102] : memref<320000xi32, #tpu.memory_space<hbm>> -> memref<128xi32, #tpu.memory_space<hbm>>
      tpu.wait_dma2 semaphore(%arg12 : memref<!tpu.dma_semaphore, #tpu.memory_space<semaphore_mem>>) src(%dma_wait3A_103 : memref<128xi32, #tpu.memory_space<hbm>>) dst(%arg5 : memref<128xi32, #tpu.memory_space<vmem>>)
      %mul3A_104 = arith.constant 32 : i32
      %mul3A_105 = arith.muli %add3A_99, %mul3A_104 : i32
      %add3A_106 = arith.addi %add3A, %mul3A_105 : i32
      %lt3A_107 = arith.constant 2500 : i32
      %lt3A_108 = arith.cmpi slt, %add3A_106, %lt3A_107 : i32
      %mul3A_109 = arith.constant 128 : i32
      %mul3A_110 = arith.muli %add3A_106, %mul3A_109 : i32
      %jit3A_111 = arith.constant 0 : i32
      %select_n3A_112 = arith.select %lt3A_108, %mul3A_110, %jit3A_111 : i32
      %lt3A_113 = arith.constant 2500 : i32
      %lt3A_114 = arith.cmpi slt, %add3A_106, %lt3A_113 : i32
      %convert_element_type3A_115 = arith.extui %lt3A_114 : i1 to i32
      %cond3A_116 = arith.constant 0 : i32
      %cond3A_117 = arith.cmpi ne, %convert_element_type3A_115, %cond3A_116 : i32
      scf.if %cond3A_117 {
        "tpu.region"() ({
          %run_scoped3A = tpu.sem_alloc : memref<!tpu.dma_semaphore, #tpu.memory_space<semaphore_mem>>
          %dma_start3A_183 = arith.constant 0 : i32
          %dma_start3A_184 = tpu.memref_slice %arg10[%dma_start3A_183] : memref<10000xf32, #tpu.memory_space<vmem_shared>> -> memref<10000xf32, #tpu.memory_space<vmem_shared>>
          tpu.enqueue_indirect_dma source(%arg8 : memref<128xf32, #tpu.memory_space<vmem>>) target(%dma_start3A_184 : memref<10000xf32, #tpu.memory_space<vmem_shared>>) offsets(%arg5 : memref<128xi32, #tpu.memory_space<vmem>>) semaphore(%run_scoped3A : memref<!tpu.dma_semaphore, #tpu.memory_space<semaphore_mem>>) {add = true}
          %dma_wait3A_185 = arith.constant 0 : i32
          %dma_wait3A_186 = tpu.memref_slice %arg10[%dma_wait3A_185] : memref<10000xf32, #tpu.memory_space<vmem_shared>> -> memref<10000xf32, #tpu.memory_space<vmem_shared>>
          tpu.wait_indirect_dma semaphore(%run_scoped3A : memref<!tpu.dma_semaphore, #tpu.memory_space<semaphore_mem>>) src(%arg8 : memref<128xf32, #tpu.memory_space<vmem>>) dst(%dma_wait3A_186 : memref<10000xf32, #tpu.memory_space<vmem_shared>>)
          tpu.yield
        }) : () -> ()
      } else {
      }
      %add3A_118 = arith.constant 3 : i32
      %add3A_119 = arith.addi %add3A_99, %add3A_118 : i32
      %lt3A_120 = arith.constant 80 : i32
      %lt3A_121 = arith.cmpi slt, %add3A_119, %lt3A_120 : i32
      %convert_element_type3A_122 = arith.extui %lt3A_121 : i1 to i32
      %cond3A_123 = arith.constant 0 : i32
      %cond3A_124 = arith.cmpi ne, %convert_element_type3A_122, %cond3A_123 : i32
      scf.if %cond3A_124 {
        %add3A_183 = arith.constant 3 : i32
        %add3A_184 = arith.addi %add3A_99, %add3A_183 : i32
        %mul3A_185 = arith.constant 32 : i32
        %mul3A_186 = arith.muli %add3A_184, %mul3A_185 : i32
        %add3A_187 = arith.addi %add3A, %mul3A_186 : i32
        %lt3A_188 = arith.constant 2500 : i32
        %lt3A_189 = arith.cmpi slt, %add3A_187, %lt3A_188 : i32
        %mul3A_190 = arith.constant 128 : i32
        %mul3A_191 = arith.muli %add3A_187, %mul3A_190 : i32
        %jit3A_192 = arith.constant 0 : i32
        %select_n3A_193 = arith.select %lt3A_189, %mul3A_191, %jit3A_192 : i32
        %lt3A_194 = arith.constant 2500 : i32
        %lt3A_195 = arith.cmpi slt, %add3A_187, %lt3A_194 : i32
        %dma_start3A_196 = tpu.memref_slice %arg2[%select_n3A_193] : memref<320000xi32, #tpu.memory_space<hbm>> -> memref<128xi32, #tpu.memory_space<hbm>>
        %dma_start3A_197 = tpu.memref_slice %arg2[%select_n3A_193] : memref<320000xi32, #tpu.memory_space<hbm>> -> memref<128xi32, #tpu.memory_space<hbm>>
        tpu.enqueue_dma source(%dma_start3A_197 : memref<128xi32, #tpu.memory_space<hbm>>) target(%arg4 : memref<128xi32, #tpu.memory_space<vmem>>) target_semaphore(%arg11 : memref<!tpu.dma_semaphore, #tpu.memory_space<semaphore_mem>>)
      } else {
      }
      %mul3A_125 = arith.constant 4 : i32
      %mul3A_126 = arith.muli %mul3A_125, %scan3A_67 : i32
      %add3A_127 = arith.constant 2 : i32
      %add3A_128 = arith.addi %mul3A_126, %add3A_127 : i32
      %dma_wait3A_129 = arith.constant 0 : i32
      %dma_wait3A_130 = tpu.memref_slice %arg2[%dma_wait3A_129] : memref<320000xi32, #tpu.memory_space<hbm>> -> memref<128xi32, #tpu.memory_space<hbm>>
      %dma_wait3A_131 = arith.constant 0 : i32
      %dma_wait3A_132 = tpu.memref_slice %arg2[%dma_wait3A_131] : memref<320000xi32, #tpu.memory_space<hbm>> -> memref<128xi32, #tpu.memory_space<hbm>>
      tpu.wait_dma2 semaphore(%arg13 : memref<!tpu.dma_semaphore, #tpu.memory_space<semaphore_mem>>) src(%dma_wait3A_132 : memref<128xi32, #tpu.memory_space<hbm>>) dst(%arg6 : memref<128xi32, #tpu.memory_space<vmem>>)
      %mul3A_133 = arith.constant 32 : i32
      %mul3A_134 = arith.muli %add3A_128, %mul3A_133 : i32
      %add3A_135 = arith.addi %add3A, %mul3A_134 : i32
      %lt3A_136 = arith.constant 2500 : i32
      %lt3A_137 = arith.cmpi slt, %add3A_135, %lt3A_136 : i32
      %mul3A_138 = arith.constant 128 : i32
      %mul3A_139 = arith.muli %add3A_135, %mul3A_138 : i32
      %jit3A_140 = arith.constant 0 : i32
      %select_n3A_141 = arith.select %lt3A_137, %mul3A_139, %jit3A_140 : i32
      %lt3A_142 = arith.constant 2500 : i32
      %lt3A_143 = arith.cmpi slt, %add3A_135, %lt3A_142 : i32
      %convert_element_type3A_144 = arith.extui %lt3A_143 : i1 to i32
      %cond3A_145 = arith.constant 0 : i32
      %cond3A_146 = arith.cmpi ne, %convert_element_type3A_144, %cond3A_145 : i32
      scf.if %cond3A_146 {
        "tpu.region"() ({
          %run_scoped3A = tpu.sem_alloc : memref<!tpu.dma_semaphore, #tpu.memory_space<semaphore_mem>>
          %dma_start3A_183 = arith.constant 0 : i32
          %dma_start3A_184 = tpu.memref_slice %arg10[%dma_start3A_183] : memref<10000xf32, #tpu.memory_space<vmem_shared>> -> memref<10000xf32, #tpu.memory_space<vmem_shared>>
          tpu.enqueue_indirect_dma source(%arg8 : memref<128xf32, #tpu.memory_space<vmem>>) target(%dma_start3A_184 : memref<10000xf32, #tpu.memory_space<vmem_shared>>) offsets(%arg6 : memref<128xi32, #tpu.memory_space<vmem>>) semaphore(%run_scoped3A : memref<!tpu.dma_semaphore, #tpu.memory_space<semaphore_mem>>) {add = true}
          %dma_wait3A_185 = arith.constant 0 : i32
          %dma_wait3A_186 = tpu.memref_slice %arg10[%dma_wait3A_185] : memref<10000xf32, #tpu.memory_space<vmem_shared>> -> memref<10000xf32, #tpu.memory_space<vmem_shared>>
          tpu.wait_indirect_dma semaphore(%run_scoped3A : memref<!tpu.dma_semaphore, #tpu.memory_space<semaphore_mem>>) src(%arg8 : memref<128xf32, #tpu.memory_space<vmem>>) dst(%dma_wait3A_186 : memref<10000xf32, #tpu.memory_space<vmem_shared>>)
          tpu.yield
        }) : () -> ()
      } else {
      }
      %add3A_147 = arith.constant 3 : i32
      %add3A_148 = arith.addi %add3A_128, %add3A_147 : i32
      %lt3A_149 = arith.constant 80 : i32
      %lt3A_150 = arith.cmpi slt, %add3A_148, %lt3A_149 : i32
      %convert_element_type3A_151 = arith.extui %lt3A_150 : i1 to i32
      %cond3A_152 = arith.constant 0 : i32
      %cond3A_153 = arith.cmpi ne, %convert_element_type3A_151, %cond3A_152 : i32
      scf.if %cond3A_153 {
        %add3A_183 = arith.constant 3 : i32
        %add3A_184 = arith.addi %add3A_128, %add3A_183 : i32
        %mul3A_185 = arith.constant 32 : i32
        %mul3A_186 = arith.muli %add3A_184, %mul3A_185 : i32
        %add3A_187 = arith.addi %add3A, %mul3A_186 : i32
        %lt3A_188 = arith.constant 2500 : i32
        %lt3A_189 = arith.cmpi slt, %add3A_187, %lt3A_188 : i32
        %mul3A_190 = arith.constant 128 : i32
        %mul3A_191 = arith.muli %add3A_187, %mul3A_190 : i32
        %jit3A_192 = arith.constant 0 : i32
        %select_n3A_193 = arith.select %lt3A_189, %mul3A_191, %jit3A_192 : i32
        %lt3A_194 = arith.constant 2500 : i32
        %lt3A_195 = arith.cmpi slt, %add3A_187, %lt3A_194 : i32
        %dma_start3A_196 = tpu.memref_slice %arg2[%select_n3A_193] : memref<320000xi32, #tpu.memory_space<hbm>> -> memref<128xi32, #tpu.memory_space<hbm>>
        %dma_start3A_197 = tpu.memref_slice %arg2[%select_n3A_193] : memref<320000xi32, #tpu.memory_space<hbm>> -> memref<128xi32, #tpu.memory_space<hbm>>
        tpu.enqueue_dma source(%dma_start3A_197 : memref<128xi32, #tpu.memory_space<hbm>>) target(%arg5 : memref<128xi32, #tpu.memory_space<vmem>>) target_semaphore(%arg12 : memref<!tpu.dma_semaphore, #tpu.memory_space<semaphore_mem>>)
      } else {
      }
      %mul3A_154 = arith.constant 4 : i32
      %mul3A_155 = arith.muli %mul3A_154, %scan3A_67 : i32
      %add3A_156 = arith.constant 3 : i32
      %add3A_157 = arith.addi %mul3A_155, %add3A_156 : i32
      %dma_wait3A_158 = arith.constant 0 : i32
      %dma_wait3A_159 = tpu.memref_slice %arg2[%dma_wait3A_158] : memref<320000xi32, #tpu.memory_space<hbm>> -> memref<128xi32, #tpu.memory_space<hbm>>
      %dma_wait3A_160 = arith.constant 0 : i32
      %dma_wait3A_161 = tpu.memref_slice %arg2[%dma_wait3A_160] : memref<320000xi32, #tpu.memory_space<hbm>> -> memref<128xi32, #tpu.memory_space<hbm>>
      tpu.wait_dma2 semaphore(%arg14 : memref<!tpu.dma_semaphore, #tpu.memory_space<semaphore_mem>>) src(%dma_wait3A_161 : memref<128xi32, #tpu.memory_space<hbm>>) dst(%arg7 : memref<128xi32, #tpu.memory_space<vmem>>)
      %mul3A_162 = arith.constant 32 : i32
      %mul3A_163 = arith.muli %add3A_157, %mul3A_162 : i32
      %add3A_164 = arith.addi %add3A, %mul3A_163 : i32
      %lt3A_165 = arith.constant 2500 : i32
      %lt3A_166 = arith.cmpi slt, %add3A_164, %lt3A_165 : i32
      %mul3A_167 = arith.constant 128 : i32
      %mul3A_168 = arith.muli %add3A_164, %mul3A_167 : i32
      %jit3A_169 = arith.constant 0 : i32
      %select_n3A_170 = arith.select %lt3A_166, %mul3A_168, %jit3A_169 : i32
      %lt3A_171 = arith.constant 2500 : i32
      %lt3A_172 = arith.cmpi slt, %add3A_164, %lt3A_171 : i32
      %convert_element_type3A_173 = arith.extui %lt3A_172 : i1 to i32
      %cond3A_174 = arith.constant 0 : i32
      %cond3A_175 = arith.cmpi ne, %convert_element_type3A_173, %cond3A_174 : i32
      scf.if %cond3A_175 {
        "tpu.region"() ({
          %run_scoped3A = tpu.sem_alloc : memref<!tpu.dma_semaphore, #tpu.memory_space<semaphore_mem>>
          %dma_start3A_183 = arith.constant 0 : i32
          %dma_start3A_184 = tpu.memref_slice %arg10[%dma_start3A_183] : memref<10000xf32, #tpu.memory_space<vmem_shared>> -> memref<10000xf32, #tpu.memory_space<vmem_shared>>
          tpu.enqueue_indirect_dma source(%arg8 : memref<128xf32, #tpu.memory_space<vmem>>) target(%dma_start3A_184 : memref<10000xf32, #tpu.memory_space<vmem_shared>>) offsets(%arg7 : memref<128xi32, #tpu.memory_space<vmem>>) semaphore(%run_scoped3A : memref<!tpu.dma_semaphore, #tpu.memory_space<semaphore_mem>>) {add = true}
          %dma_wait3A_185 = arith.constant 0 : i32
          %dma_wait3A_186 = tpu.memref_slice %arg10[%dma_wait3A_185] : memref<10000xf32, #tpu.memory_space<vmem_shared>> -> memref<10000xf32, #tpu.memory_space<vmem_shared>>
          tpu.wait_indirect_dma semaphore(%run_scoped3A : memref<!tpu.dma_semaphore, #tpu.memory_space<semaphore_mem>>) src(%arg8 : memref<128xf32, #tpu.memory_space<vmem>>) dst(%dma_wait3A_186 : memref<10000xf32, #tpu.memory_space<vmem_shared>>)
          tpu.yield
        }) : () -> ()
      } else {
      }
      %add3A_176 = arith.constant 3 : i32
      %add3A_177 = arith.addi %add3A_157, %add3A_176 : i32
      %lt3A_178 = arith.constant 80 : i32
      %lt3A_179 = arith.cmpi slt, %add3A_177, %lt3A_178 : i32
      %convert_element_type3A_180 = arith.extui %lt3A_179 : i1 to i32
      %cond3A_181 = arith.constant 0 : i32
      %cond3A_182 = arith.cmpi ne, %convert_element_type3A_180, %cond3A_181 : i32
      scf.if %cond3A_182 {
        %add3A_183 = arith.constant 3 : i32
        %add3A_184 = arith.addi %add3A_157, %add3A_183 : i32
        %mul3A_185 = arith.constant 32 : i32
        %mul3A_186 = arith.muli %add3A_184, %mul3A_185 : i32
        %add3A_187 = arith.addi %add3A, %mul3A_186 : i32
        %lt3A_188 = arith.constant 2500 : i32
        %lt3A_189 = arith.cmpi slt, %add3A_187, %lt3A_188 : i32
        %mul3A_190 = arith.constant 128 : i32
        %mul3A_191 = arith.muli %add3A_187, %mul3A_190 : i32
        %jit3A_192 = arith.constant 0 : i32
        %select_n3A_193 = arith.select %lt3A_189, %mul3A_191, %jit3A_192 : i32
        %lt3A_194 = arith.constant 2500 : i32
        %lt3A_195 = arith.cmpi slt, %add3A_187, %lt3A_194 : i32
        %dma_start3A_196 = tpu.memref_slice %arg2[%select_n3A_193] : memref<320000xi32, #tpu.memory_space<hbm>> -> memref<128xi32, #tpu.memory_space<hbm>>
        %dma_start3A_197 = tpu.memref_slice %arg2[%select_n3A_193] : memref<320000xi32, #tpu.memory_space<hbm>> -> memref<128xi32, #tpu.memory_space<hbm>>
        tpu.enqueue_dma source(%dma_start3A_197 : memref<128xi32, #tpu.memory_space<hbm>>) target(%arg6 : memref<128xi32, #tpu.memory_space<vmem>>) target_semaphore(%arg13 : memref<!tpu.dma_semaphore, #tpu.memory_space<semaphore_mem>>)
      } else {
      }
    }
    %scan3A_53 = arith.constant 20 : i32
    %barrier3A_54 = arith.constant 0 : index
    tpu.barrier barrier_id(%barrier3A_54)
    %mul3A_55 = arith.constant 624 : i32
    %mul3A_56 = arith.muli %arg1, %mul3A_55 : i32
    "tpu.region"() ({
      %run_scoped3A = tpu.sem_alloc : memref<!tpu.dma_semaphore, #tpu.memory_space<semaphore_mem>>
      %dma_start3A_67 = tpu.memref_slice %arg10[%mul3A_56] : memref<10000xf32, #tpu.memory_space<vmem_shared>> -> memref<624xf32, #tpu.memory_space<vmem_shared>>
      %dma_start3A_68 = tpu.memref_slice %arg10[%mul3A_56] : memref<10000xf32, #tpu.memory_space<vmem_shared>> -> memref<624xf32, #tpu.memory_space<vmem_shared>>
      tpu.enqueue_dma source(%dma_start3A_68 : memref<624xf32, #tpu.memory_space<vmem_shared>>) target(%arg9 : memref<624xf32, #tpu.memory_space<vmem>>) target_semaphore(%run_scoped3A : memref<!tpu.dma_semaphore, #tpu.memory_space<semaphore_mem>>)
      %dma_wait3A = tpu.memref_slice %arg10[%mul3A_56] : memref<10000xf32, #tpu.memory_space<vmem_shared>> -> memref<624xf32, #tpu.memory_space<vmem_shared>>
      %dma_wait3A_69 = tpu.memref_slice %arg10[%mul3A_56] : memref<10000xf32, #tpu.memory_space<vmem_shared>> -> memref<624xf32, #tpu.memory_space<vmem_shared>>
      tpu.wait_dma2 semaphore(%run_scoped3A : memref<!tpu.dma_semaphore, #tpu.memory_space<semaphore_mem>>) src(%dma_wait3A_69 : memref<624xf32, #tpu.memory_space<vmem_shared>>) dst(%arg9 : memref<624xf32, #tpu.memory_space<vmem>>)
      tpu.yield
    }) : () -> ()
    %mul3A_57 = arith.constant 10000 : i32
    %mul3A_58 = arith.muli %arg0, %mul3A_57 : i32
    %mul3A_59 = arith.constant 624 : i32
    %mul3A_60 = arith.muli %arg1, %mul3A_59 : i32
    %add3A_61 = arith.addi %mul3A_58, %mul3A_60 : i32
    "tpu.region"() ({
      %run_scoped3A = tpu.sem_alloc : memref<!tpu.dma_semaphore, #tpu.memory_space<semaphore_mem>>
      %dma_start3A_67 = tpu.memref_slice %arg3[%add3A_61] : memref<20000xf32, #tpu.memory_space<hbm>> -> memref<624xf32, #tpu.memory_space<hbm>>
      %dma_start3A_68 = tpu.memref_slice %arg3[%add3A_61] : memref<20000xf32, #tpu.memory_space<hbm>> -> memref<624xf32, #tpu.memory_space<hbm>>
      tpu.enqueue_dma source(%arg9 : memref<624xf32, #tpu.memory_space<vmem>>) target(%dma_start3A_68 : memref<624xf32, #tpu.memory_space<hbm>>) target_semaphore(%run_scoped3A : memref<!tpu.dma_semaphore, #tpu.memory_space<semaphore_mem>>)
      %dma_wait3A = tpu.memref_slice %arg3[%add3A_61] : memref<20000xf32, #tpu.memory_space<hbm>> -> memref<624xf32, #tpu.memory_space<hbm>>
      %dma_wait3A_69 = tpu.memref_slice %arg3[%add3A_61] : memref<20000xf32, #tpu.memory_space<hbm>> -> memref<624xf32, #tpu.memory_space<hbm>>
      tpu.wait_dma2 semaphore(%run_scoped3A : memref<!tpu.dma_semaphore, #tpu.memory_space<semaphore_mem>>) src(%arg9 : memref<624xf32, #tpu.memory_space<vmem>>) dst(%dma_wait3A_69 : memref<624xf32, #tpu.memory_space<hbm>>)
      tpu.yield
    }) : () -> ()
    %eq3A_62 = arith.constant 0 : i32
    %eq3A_63 = arith.cmpi eq, %arg1, %eq3A_62 : i32
    %convert_element_type3A_64 = arith.extui %eq3A_63 : i1 to i32
    %cond3A_65 = arith.constant 0 : i32
    %cond3A_66 = arith.cmpi ne, %convert_element_type3A_64, %cond3A_65 : i32
    scf.if %cond3A_66 {
      "tpu.region"() ({
        %run_scoped3A = tpu.sem_alloc : memref<!tpu.dma_semaphore, #tpu.memory_space<semaphore_mem>>
        %dma_start3A_71 = arith.constant 0 : i32
        %dma_start3A_72 = tpu.memref_slice %arg9[%dma_start3A_71] : memref<624xf32, #tpu.memory_space<vmem>> -> memref<16xf32, #tpu.memory_space<vmem>>
        %dma_start3A_73 = arith.constant 9984 : i32
        %dma_start3A_74 = tpu.memref_slice %arg10[%dma_start3A_73] : memref<10000xf32, #tpu.memory_space<vmem_shared>> -> memref<16xf32, #tpu.memory_space<vmem_shared>>
        %dma_start3A_75 = arith.constant 0 : i32
        %dma_start3A_76 = tpu.memref_slice %arg9[%dma_start3A_75] : memref<624xf32, #tpu.memory_space<vmem>> -> memref<16xf32, #tpu.memory_space<vmem>>
        %dma_start3A_77 = arith.constant 9984 : i32
        %dma_start3A_78 = tpu.memref_slice %arg10[%dma_start3A_77] : memref<10000xf32, #tpu.memory_space<vmem_shared>> -> memref<16xf32, #tpu.memory_space<vmem_shared>>
        tpu.enqueue_dma source(%dma_start3A_78 : memref<16xf32, #tpu.memory_space<vmem_shared>>) target(%dma_start3A_76 : memref<16xf32, #tpu.memory_space<vmem>>) target_semaphore(%run_scoped3A : memref<!tpu.dma_semaphore, #tpu.memory_space<semaphore_mem>>)
        %dma_wait3A = arith.constant 0 : i32
        %dma_wait3A_79 = tpu.memref_slice %arg9[%dma_wait3A] : memref<624xf32, #tpu.memory_space<vmem>> -> memref<16xf32, #tpu.memory_space<vmem>>
        %dma_wait3A_80 = arith.constant 9984 : i32
        %dma_wait3A_81 = tpu.memref_slice %arg10[%dma_wait3A_80] : memref<10000xf32, #tpu.memory_space<vmem_shared>> -> memref<16xf32, #tpu.memory_space<vmem_shared>>
        %dma_wait3A_82 = arith.constant 0 : i32
        %dma_wait3A_83 = tpu.memref_slice %arg9[%dma_wait3A_82] : memref<624xf32, #tpu.memory_space<vmem>> -> memref<16xf32, #tpu.memory_space<vmem>>
        %dma_wait3A_84 = arith.constant 9984 : i32
        %dma_wait3A_85 = tpu.memref_slice %arg10[%dma_wait3A_84] : memref<10000xf32, #tpu.memory_space<vmem_shared>> -> memref<16xf32, #tpu.memory_space<vmem_shared>>
        tpu.wait_dma2 semaphore(%run_scoped3A : memref<!tpu.dma_semaphore, #tpu.memory_space<semaphore_mem>>) src(%dma_wait3A_85 : memref<16xf32, #tpu.memory_space<vmem_shared>>) dst(%dma_wait3A_83 : memref<16xf32, #tpu.memory_space<vmem>>)
        tpu.yield
      }) : () -> ()
      %mul3A_67 = arith.constant 10000 : i32
      %mul3A_68 = arith.muli %arg0, %mul3A_67 : i32
      %add3A_69 = arith.constant 9984 : i32
      %add3A_70 = arith.addi %mul3A_68, %add3A_69 : i32
      "tpu.region"() ({
        %run_scoped3A = tpu.sem_alloc : memref<!tpu.dma_semaphore, #tpu.memory_space<semaphore_mem>>
        %dma_start3A_71 = arith.constant 0 : i32
        %dma_start3A_72 = tpu.memref_slice %arg9[%dma_start3A_71] : memref<624xf32, #tpu.memory_space<vmem>> -> memref<16xf32, #tpu.memory_space<vmem>>
        %dma_start3A_73 = tpu.memref_slice %arg3[%add3A_70] : memref<20000xf32, #tpu.memory_space<hbm>> -> memref<16xf32, #tpu.memory_space<hbm>>
        %dma_start3A_74 = tpu.memref_slice %arg3[%add3A_70] : memref<20000xf32, #tpu.memory_space<hbm>> -> memref<16xf32, #tpu.memory_space<hbm>>
        %dma_start3A_75 = arith.constant 0 : i32
        %dma_start3A_76 = tpu.memref_slice %arg9[%dma_start3A_75] : memref<624xf32, #tpu.memory_space<vmem>> -> memref<16xf32, #tpu.memory_space<vmem>>
        tpu.enqueue_dma source(%dma_start3A_76 : memref<16xf32, #tpu.memory_space<vmem>>) target(%dma_start3A_74 : memref<16xf32, #tpu.memory_space<hbm>>) target_semaphore(%run_scoped3A : memref<!tpu.dma_semaphore, #tpu.memory_space<semaphore_mem>>)
        %dma_wait3A = arith.constant 0 : i32
        %dma_wait3A_77 = tpu.memref_slice %arg9[%dma_wait3A] : memref<624xf32, #tpu.memory_space<vmem>> -> memref<16xf32, #tpu.memory_space<vmem>>
        %dma_wait3A_78 = tpu.memref_slice %arg3[%add3A_70] : memref<20000xf32, #tpu.memory_space<hbm>> -> memref<16xf32, #tpu.memory_space<hbm>>
        %dma_wait3A_79 = tpu.memref_slice %arg3[%add3A_70] : memref<20000xf32, #tpu.memory_space<hbm>> -> memref<16xf32, #tpu.memory_space<hbm>>
        %dma_wait3A_80 = arith.constant 0 : i32
        %dma_wait3A_81 = tpu.memref_slice %arg9[%dma_wait3A_80] : memref<624xf32, #tpu.memory_space<vmem>> -> memref<16xf32, #tpu.memory_space<vmem>>
        tpu.wait_dma2 semaphore(%run_scoped3A : memref<!tpu.dma_semaphore, #tpu.memory_space<semaphore_mem>>) src(%dma_wait3A_81 : memref<16xf32, #tpu.memory_space<vmem>>) dst(%dma_wait3A_79 : memref<16xf32, #tpu.memory_space<hbm>>)
        tpu.yield
      }) : () -> ()
    } else {
    }
    return
  }
}

#map = affine_map<(d0, d1) -> (0)>
#map1 = affine_map<(d0, d1) -> (0, 0)>
module attributes {stable_mosaic.version = 14 : i64} {
  func.func @run(%arg0: i32, %arg1: i32, %arg2: memref<320000xi32, #tpu.memory_space<hbm>>, %arg3: memref<320000xi32, #tpu.memory_space<hbm>>, %arg4: memref<10000x128xf32, #tpu.memory_space<hbm>>, %arg5: memref<20000x128xf32, #tpu.memory_space<hbm>>, %arg6: memref<128xi32, #tpu.memory_space<vmem>>, %arg7: memref<128xi32, #tpu.memory_space<vmem>>, %arg8: memref<128xi32, #tpu.memory_space<vmem>>, %arg9: memref<128xi32, #tpu.memory_space<vmem>>, %arg10: memref<128xi32, #tpu.memory_space<vmem>>, %arg11: memref<128xi32, #tpu.memory_space<vmem>>, %arg12: memref<128xi32, #tpu.memory_space<vmem>>, %arg13: memref<128xi32, #tpu.memory_space<vmem>>, %arg14: memref<128x128xf32, #tpu.memory_space<vmem>>, %arg15: memref<128x128xf32, #tpu.memory_space<vmem>>, %arg16: memref<104x128xf32, #tpu.memory_space<vmem>>, %arg17: memref<10000x128xf32, #tpu.memory_space<vmem_shared>>, %arg18: memref<!tpu.dma_semaphore, #tpu.memory_space<semaphore_mem>>, %arg19: memref<!tpu.dma_semaphore, #tpu.memory_space<semaphore_mem>>, %arg20: memref<!tpu.dma_semaphore, #tpu.memory_space<semaphore_mem>>, %arg21: memref<!tpu.dma_semaphore, #tpu.memory_space<semaphore_mem>>, %arg22: memref<!tpu.dma_semaphore, #tpu.memory_space<semaphore_mem>>, %arg23: memref<!tpu.dma_semaphore, #tpu.memory_space<semaphore_mem>>, %arg24: memref<!tpu.dma_semaphore, #tpu.memory_space<semaphore_mem>>, %arg25: memref<!tpu.dma_semaphore, #tpu.memory_space<semaphore_mem>>, %arg26: memref<!tpu.dma_semaphore, #tpu.memory_space<semaphore_mem>>, %arg27: memref<!tpu.dma_semaphore, #tpu.memory_space<semaphore_mem>>) attributes {dimension_semantics = [#tpu.dimension_semantics<core_parallel>, #tpu.dimension_semantics<subcore_parallel>], iteration_bounds = array<i64: 2, 16>, scalar_prefetch = 0 : i64, scratch_operands = 22 : i64, tpu.core_type = #tpu.core_type<sc_vector_subcore>, window_params = [{transform_indices = #map}, {transform_indices = #map}, {transform_indices = #map1}, {transform_indices = #map1}]} {
    %mul3A = arith.constant 16 : i32
    %mul3A_0 = arith.muli %arg0, %mul3A : i32
    %add3A = arith.addi %mul3A_0, %arg1 : i32
    %scan3A = arith.constant 0 : i32
    %scan3A_1 = arith.constant 0 : i32
    %scan3A_2 = arith.constant 104 : i32
    %scan3A_3 = arith.addi %scan3A_1, %scan3A_2 : i32
    %scan3A_4 = arith.constant 1 : i32
    scf.for %scan3A_108 = %scan3A_1 to %scan3A_3 step %scan3A_4  : i32 {
      %broadcast_in_dim3A = arith.constant 0.000000e+00 : f32
      %broadcast_in_dim3A_109 = vector.broadcast %broadcast_in_dim3A : f32 to vector<16xf32>
      %swap3A = arith.index_cast %scan3A_108 : i32 to index
      %swap3A_110 = arith.constant 0 : index
      %swap3A_111 = tpu.vector_load %arg16[%swap3A, %swap3A_110] {strides = array<i32>} : memref<104x128xf32, #tpu.memory_space<vmem>>, vector<1x16xf32>,
      %swap3A_112 = vector.shape_cast %swap3A_111 : vector<1x16xf32> to vector<16xf32>
      %swap3A_113 = vector.shape_cast %broadcast_in_dim3A_109 : vector<16xf32> to vector<1x16xf32>
      tpu.vector_store %arg16[%swap3A, %swap3A_110], %swap3A_113 {strides = array<i32>} : memref<104x128xf32, #tpu.memory_space<vmem>>, vector<1x16xf32>,
      %broadcast_in_dim3A_114 = arith.constant 0.000000e+00 : f32
      %broadcast_in_dim3A_115 = vector.broadcast %broadcast_in_dim3A_114 : f32 to vector<16xf32>
      %swap3A_116 = arith.index_cast %scan3A_108 : i32 to index
      %swap3A_117 = arith.constant 16 : index
      %swap3A_118 = tpu.vector_load %arg16[%swap3A_116, %swap3A_117] {strides = array<i32>} : memref<104x128xf32, #tpu.memory_space<vmem>>, vector<1x16xf32>,
      %swap3A_119 = vector.shape_cast %swap3A_118 : vector<1x16xf32> to vector<16xf32>
      %swap3A_120 = vector.shape_cast %broadcast_in_dim3A_115 : vector<16xf32> to vector<1x16xf32>
      tpu.vector_store %arg16[%swap3A_116, %swap3A_117], %swap3A_120 {strides = array<i32>} : memref<104x128xf32, #tpu.memory_space<vmem>>, vector<1x16xf32>,
      %broadcast_in_dim3A_121 = arith.constant 0.000000e+00 : f32
      %broadcast_in_dim3A_122 = vector.broadcast %broadcast_in_dim3A_121 : f32 to vector<16xf32>
      %swap3A_123 = arith.index_cast %scan3A_108 : i32 to index
      %swap3A_124 = arith.constant 32 : index
      %swap3A_125 = tpu.vector_load %arg16[%swap3A_123, %swap3A_124] {strides = array<i32>} : memref<104x128xf32, #tpu.memory_space<vmem>>, vector<1x16xf32>,
      %swap3A_126 = vector.shape_cast %swap3A_125 : vector<1x16xf32> to vector<16xf32>
      %swap3A_127 = vector.shape_cast %broadcast_in_dim3A_122 : vector<16xf32> to vector<1x16xf32>
      tpu.vector_store %arg16[%swap3A_123, %swap3A_124], %swap3A_127 {strides = array<i32>} : memref<104x128xf32, #tpu.memory_space<vmem>>, vector<1x16xf32>,
      %broadcast_in_dim3A_128 = arith.constant 0.000000e+00 : f32
      %broadcast_in_dim3A_129 = vector.broadcast %broadcast_in_dim3A_128 : f32 to vector<16xf32>
      %swap3A_130 = arith.index_cast %scan3A_108 : i32 to index
      %swap3A_131 = arith.constant 48 : index
      %swap3A_132 = tpu.vector_load %arg16[%swap3A_130, %swap3A_131] {strides = array<i32>} : memref<104x128xf32, #tpu.memory_space<vmem>>, vector<1x16xf32>,
      %swap3A_133 = vector.shape_cast %swap3A_132 : vector<1x16xf32> to vector<16xf32>
      %swap3A_134 = vector.shape_cast %broadcast_in_dim3A_129 : vector<16xf32> to vector<1x16xf32>
      tpu.vector_store %arg16[%swap3A_130, %swap3A_131], %swap3A_134 {strides = array<i32>} : memref<104x128xf32, #tpu.memory_space<vmem>>, vector<1x16xf32>,
      %broadcast_in_dim3A_135 = arith.constant 0.000000e+00 : f32
      %broadcast_in_dim3A_136 = vector.broadcast %broadcast_in_dim3A_135 : f32 to vector<16xf32>
      %swap3A_137 = arith.index_cast %scan3A_108 : i32 to index
      %swap3A_138 = arith.constant 64 : index
      %swap3A_139 = tpu.vector_load %arg16[%swap3A_137, %swap3A_138] {strides = array<i32>} : memref<104x128xf32, #tpu.memory_space<vmem>>, vector<1x16xf32>,
      %swap3A_140 = vector.shape_cast %swap3A_139 : vector<1x16xf32> to vector<16xf32>
      %swap3A_141 = vector.shape_cast %broadcast_in_dim3A_136 : vector<16xf32> to vector<1x16xf32>
      tpu.vector_store %arg16[%swap3A_137, %swap3A_138], %swap3A_141 {strides = array<i32>} : memref<104x128xf32, #tpu.memory_space<vmem>>, vector<1x16xf32>,
      %broadcast_in_dim3A_142 = arith.constant 0.000000e+00 : f32
      %broadcast_in_dim3A_143 = vector.broadcast %broadcast_in_dim3A_142 : f32 to vector<16xf32>
      %swap3A_144 = arith.index_cast %scan3A_108 : i32 to index
      %swap3A_145 = arith.constant 80 : index
      %swap3A_146 = tpu.vector_load %arg16[%swap3A_144, %swap3A_145] {strides = array<i32>} : memref<104x128xf32, #tpu.memory_space<vmem>>, vector<1x16xf32>,
      %swap3A_147 = vector.shape_cast %swap3A_146 : vector<1x16xf32> to vector<16xf32>
      %swap3A_148 = vector.shape_cast %broadcast_in_dim3A_143 : vector<16xf32> to vector<1x16xf32>
      tpu.vector_store %arg16[%swap3A_144, %swap3A_145], %swap3A_148 {strides = array<i32>} : memref<104x128xf32, #tpu.memory_space<vmem>>, vector<1x16xf32>,
      %broadcast_in_dim3A_149 = arith.constant 0.000000e+00 : f32
      %broadcast_in_dim3A_150 = vector.broadcast %broadcast_in_dim3A_149 : f32 to vector<16xf32>
      %swap3A_151 = arith.index_cast %scan3A_108 : i32 to index
      %swap3A_152 = arith.constant 96 : index
      %swap3A_153 = tpu.vector_load %arg16[%swap3A_151, %swap3A_152] {strides = array<i32>} : memref<104x128xf32, #tpu.memory_space<vmem>>, vector<1x16xf32>,
      %swap3A_154 = vector.shape_cast %swap3A_153 : vector<1x16xf32> to vector<16xf32>
      %swap3A_155 = vector.shape_cast %broadcast_in_dim3A_150 : vector<16xf32> to vector<1x16xf32>
      tpu.vector_store %arg16[%swap3A_151, %swap3A_152], %swap3A_155 {strides = array<i32>} : memref<104x128xf32, #tpu.memory_space<vmem>>, vector<1x16xf32>,
      %broadcast_in_dim3A_156 = arith.constant 0.000000e+00 : f32
      %broadcast_in_dim3A_157 = vector.broadcast %broadcast_in_dim3A_156 : f32 to vector<16xf32>
      %swap3A_158 = arith.index_cast %scan3A_108 : i32 to index
      %swap3A_159 = arith.constant 112 : index
      %swap3A_160 = tpu.vector_load %arg16[%swap3A_158, %swap3A_159] {strides = array<i32>} : memref<104x128xf32, #tpu.memory_space<vmem>>, vector<1x16xf32>,
      %swap3A_161 = vector.shape_cast %swap3A_160 : vector<1x16xf32> to vector<16xf32>
      %swap3A_162 = vector.shape_cast %broadcast_in_dim3A_157 : vector<16xf32> to vector<1x16xf32>
      tpu.vector_store %arg16[%swap3A_158, %swap3A_159], %swap3A_162 {strides = array<i32>} : memref<104x128xf32, #tpu.memory_space<vmem>>, vector<1x16xf32>,
    }
    %scan3A_5 = arith.constant 104 : i32
    %mul3A_6 = arith.constant 624 : i32
    %mul3A_7 = arith.muli %arg1, %mul3A_6 : i32
    %add3A_8 = arith.constant 0 : i32
    %add3A_9 = arith.addi %mul3A_7, %add3A_8 : i32
    "tpu.region"() ({
      %run_scoped3A = tpu.sem_alloc : memref<!tpu.dma_semaphore, #tpu.memory_space<semaphore_mem>>
      %dma_start3A_108 = arith.constant 0 : i32
      %dma_start3A_109 = tpu.memref_slice %arg17[%add3A_9, %dma_start3A_108] : memref<10000x128xf32, #tpu.memory_space<vmem_shared>> -> memref<104x128xf32, #tpu.memory_space<vmem_shared>>
      %dma_start3A_110 = arith.constant 0 : i32
      %dma_start3A_111 = tpu.memref_slice %arg17[%add3A_9, %dma_start3A_110] : memref<10000x128xf32, #tpu.memory_space<vmem_shared>> -> memref<104x128xf32, #tpu.memory_space<vmem_shared>>
      tpu.enqueue_dma source(%arg16 : memref<104x128xf32, #tpu.memory_space<vmem>>) target(%dma_start3A_111 : memref<104x128xf32, #tpu.memory_space<vmem_shared>>) target_semaphore(%run_scoped3A : memref<!tpu.dma_semaphore, #tpu.memory_space<semaphore_mem>>)
      %dma_wait3A_112 = arith.constant 0 : i32
      %dma_wait3A_113 = tpu.memref_slice %arg17[%add3A_9, %dma_wait3A_112] : memref<10000x128xf32, #tpu.memory_space<vmem_shared>> -> memref<104x128xf32, #tpu.memory_space<vmem_shared>>
      %dma_wait3A_114 = arith.constant 0 : i32
      %dma_wait3A_115 = tpu.memref_slice %arg17[%add3A_9, %dma_wait3A_114] : memref<10000x128xf32, #tpu.memory_space<vmem_shared>> -> memref<104x128xf32, #tpu.memory_space<vmem_shared>>
      tpu.wait_dma2 semaphore(%run_scoped3A : memref<!tpu.dma_semaphore, #tpu.memory_space<semaphore_mem>>) src(%arg16 : memref<104x128xf32, #tpu.memory_space<vmem>>) dst(%dma_wait3A_115 : memref<104x128xf32, #tpu.memory_space<vmem_shared>>)
      tpu.yield
    }) : () -> ()
    %mul3A_10 = arith.constant 624 : i32
    %mul3A_11 = arith.muli %arg1, %mul3A_10 : i32
    %add3A_12 = arith.constant 104 : i32
    %add3A_13 = arith.addi %mul3A_11, %add3A_12 : i32
    "tpu.region"() ({
      %run_scoped3A = tpu.sem_alloc : memref<!tpu.dma_semaphore, #tpu.memory_space<semaphore_mem>>
      %dma_start3A_108 = arith.constant 0 : i32
      %dma_start3A_109 = tpu.memref_slice %arg17[%add3A_13, %dma_start3A_108] : memref<10000x128xf32, #tpu.memory_space<vmem_shared>> -> memref<104x128xf32, #tpu.memory_space<vmem_shared>>
      %dma_start3A_110 = arith.constant 0 : i32
      %dma_start3A_111 = tpu.memref_slice %arg17[%add3A_13, %dma_start3A_110] : memref<10000x128xf32, #tpu.memory_space<vmem_shared>> -> memref<104x128xf32, #tpu.memory_space<vmem_shared>>
      tpu.enqueue_dma source(%arg16 : memref<104x128xf32, #tpu.memory_space<vmem>>) target(%dma_start3A_111 : memref<104x128xf32, #tpu.memory_space<vmem_shared>>) target_semaphore(%run_scoped3A : memref<!tpu.dma_semaphore, #tpu.memory_space<semaphore_mem>>)
      %dma_wait3A_112 = arith.constant 0 : i32
      %dma_wait3A_113 = tpu.memref_slice %arg17[%add3A_13, %dma_wait3A_112] : memref<10000x128xf32, #tpu.memory_space<vmem_shared>> -> memref<104x128xf32, #tpu.memory_space<vmem_shared>>
      %dma_wait3A_114 = arith.constant 0 : i32
      %dma_wait3A_115 = tpu.memref_slice %arg17[%add3A_13, %dma_wait3A_114] : memref<10000x128xf32, #tpu.memory_space<vmem_shared>> -> memref<104x128xf32, #tpu.memory_space<vmem_shared>>
      tpu.wait_dma2 semaphore(%run_scoped3A : memref<!tpu.dma_semaphore, #tpu.memory_space<semaphore_mem>>) src(%arg16 : memref<104x128xf32, #tpu.memory_space<vmem>>) dst(%dma_wait3A_115 : memref<104x128xf32, #tpu.memory_space<vmem_shared>>)
      tpu.yield
    }) : () -> ()
    %mul3A_14 = arith.constant 624 : i32
    %mul3A_15 = arith.muli %arg1, %mul3A_14 : i32
    %add3A_16 = arith.constant 208 : i32
    %add3A_17 = arith.addi %mul3A_15, %add3A_16 : i32
    "tpu.region"() ({
      %run_scoped3A = tpu.sem_alloc : memref<!tpu.dma_semaphore, #tpu.memory_space<semaphore_mem>>
      %dma_start3A_108 = arith.constant 0 : i32
      %dma_start3A_109 = tpu.memref_slice %arg17[%add3A_17, %dma_start3A_108] : memref<10000x128xf32, #tpu.memory_space<vmem_shared>> -> memref<104x128xf32, #tpu.memory_space<vmem_shared>>
      %dma_start3A_110 = arith.constant 0 : i32
      %dma_start3A_111 = tpu.memref_slice %arg17[%add3A_17, %dma_start3A_110] : memref<10000x128xf32, #tpu.memory_space<vmem_shared>> -> memref<104x128xf32, #tpu.memory_space<vmem_shared>>
      tpu.enqueue_dma source(%arg16 : memref<104x128xf32, #tpu.memory_space<vmem>>) target(%dma_start3A_111 : memref<104x128xf32, #tpu.memory_space<vmem_shared>>) target_semaphore(%run_scoped3A : memref<!tpu.dma_semaphore, #tpu.memory_space<semaphore_mem>>)
      %dma_wait3A_112 = arith.constant 0 : i32
      %dma_wait3A_113 = tpu.memref_slice %arg17[%add3A_17, %dma_wait3A_112] : memref<10000x128xf32, #tpu.memory_space<vmem_shared>> -> memref<104x128xf32, #tpu.memory_space<vmem_shared>>
      %dma_wait3A_114 = arith.constant 0 : i32
      %dma_wait3A_115 = tpu.memref_slice %arg17[%add3A_17, %dma_wait3A_114] : memref<10000x128xf32, #tpu.memory_space<vmem_shared>> -> memref<104x128xf32, #tpu.memory_space<vmem_shared>>
      tpu.wait_dma2 semaphore(%run_scoped3A : memref<!tpu.dma_semaphore, #tpu.memory_space<semaphore_mem>>) src(%arg16 : memref<104x128xf32, #tpu.memory_space<vmem>>) dst(%dma_wait3A_115 : memref<104x128xf32, #tpu.memory_space<vmem_shared>>)
      tpu.yield
    }) : () -> ()
    %mul3A_18 = arith.constant 624 : i32
    %mul3A_19 = arith.muli %arg1, %mul3A_18 : i32
    %add3A_20 = arith.constant 312 : i32
    %add3A_21 = arith.addi %mul3A_19, %add3A_20 : i32
    "tpu.region"() ({
      %run_scoped3A = tpu.sem_alloc : memref<!tpu.dma_semaphore, #tpu.memory_space<semaphore_mem>>
      %dma_start3A_108 = arith.constant 0 : i32
      %dma_start3A_109 = tpu.memref_slice %arg17[%add3A_21, %dma_start3A_108] : memref<10000x128xf32, #tpu.memory_space<vmem_shared>> -> memref<104x128xf32, #tpu.memory_space<vmem_shared>>
      %dma_start3A_110 = arith.constant 0 : i32
      %dma_start3A_111 = tpu.memref_slice %arg17[%add3A_21, %dma_start3A_110] : memref<10000x128xf32, #tpu.memory_space<vmem_shared>> -> memref<104x128xf32, #tpu.memory_space<vmem_shared>>
      tpu.enqueue_dma source(%arg16 : memref<104x128xf32, #tpu.memory_space<vmem>>) target(%dma_start3A_111 : memref<104x128xf32, #tpu.memory_space<vmem_shared>>) target_semaphore(%run_scoped3A : memref<!tpu.dma_semaphore, #tpu.memory_space<semaphore_mem>>)
      %dma_wait3A_112 = arith.constant 0 : i32
      %dma_wait3A_113 = tpu.memref_slice %arg17[%add3A_21, %dma_wait3A_112] : memref<10000x128xf32, #tpu.memory_space<vmem_shared>> -> memref<104x128xf32, #tpu.memory_space<vmem_shared>>
      %dma_wait3A_114 = arith.constant 0 : i32
      %dma_wait3A_115 = tpu.memref_slice %arg17[%add3A_21, %dma_wait3A_114] : memref<10000x128xf32, #tpu.memory_space<vmem_shared>> -> memref<104x128xf32, #tpu.memory_space<vmem_shared>>
      tpu.wait_dma2 semaphore(%run_scoped3A : memref<!tpu.dma_semaphore, #tpu.memory_space<semaphore_mem>>) src(%arg16 : memref<104x128xf32, #tpu.memory_space<vmem>>) dst(%dma_wait3A_115 : memref<104x128xf32, #tpu.memory_space<vmem_shared>>)
      tpu.yield
    }) : () -> ()
    %mul3A_22 = arith.constant 624 : i32
    %mul3A_23 = arith.muli %arg1, %mul3A_22 : i32
    %add3A_24 = arith.constant 416 : i32
    %add3A_25 = arith.addi %mul3A_23, %add3A_24 : i32
    "tpu.region"() ({
      %run_scoped3A = tpu.sem_alloc : memref<!tpu.dma_semaphore, #tpu.memory_space<semaphore_mem>>
      %dma_start3A_108 = arith.constant 0 : i32
      %dma_start3A_109 = tpu.memref_slice %arg17[%add3A_25, %dma_start3A_108] : memref<10000x128xf32, #tpu.memory_space<vmem_shared>> -> memref<104x128xf32, #tpu.memory_space<vmem_shared>>
      %dma_start3A_110 = arith.constant 0 : i32
      %dma_start3A_111 = tpu.memref_slice %arg17[%add3A_25, %dma_start3A_110] : memref<10000x128xf32, #tpu.memory_space<vmem_shared>> -> memref<104x128xf32, #tpu.memory_space<vmem_shared>>
      tpu.enqueue_dma source(%arg16 : memref<104x128xf32, #tpu.memory_space<vmem>>) target(%dma_start3A_111 : memref<104x128xf32, #tpu.memory_space<vmem_shared>>) target_semaphore(%run_scoped3A : memref<!tpu.dma_semaphore, #tpu.memory_space<semaphore_mem>>)
      %dma_wait3A_112 = arith.constant 0 : i32
      %dma_wait3A_113 = tpu.memref_slice %arg17[%add3A_25, %dma_wait3A_112] : memref<10000x128xf32, #tpu.memory_space<vmem_shared>> -> memref<104x128xf32, #tpu.memory_space<vmem_shared>>
      %dma_wait3A_114 = arith.constant 0 : i32
      %dma_wait3A_115 = tpu.memref_slice %arg17[%add3A_25, %dma_wait3A_114] : memref<10000x128xf32, #tpu.memory_space<vmem_shared>> -> memref<104x128xf32, #tpu.memory_space<vmem_shared>>
      tpu.wait_dma2 semaphore(%run_scoped3A : memref<!tpu.dma_semaphore, #tpu.memory_space<semaphore_mem>>) src(%arg16 : memref<104x128xf32, #tpu.memory_space<vmem>>) dst(%dma_wait3A_115 : memref<104x128xf32, #tpu.memory_space<vmem_shared>>)
      tpu.yield
    }) : () -> ()
    %mul3A_26 = arith.constant 624 : i32
    %mul3A_27 = arith.muli %arg1, %mul3A_26 : i32
    %add3A_28 = arith.constant 520 : i32
    %add3A_29 = arith.addi %mul3A_27, %add3A_28 : i32
    "tpu.region"() ({
      %run_scoped3A = tpu.sem_alloc : memref<!tpu.dma_semaphore, #tpu.memory_space<semaphore_mem>>
      %dma_start3A_108 = arith.constant 0 : i32
      %dma_start3A_109 = tpu.memref_slice %arg17[%add3A_29, %dma_start3A_108] : memref<10000x128xf32, #tpu.memory_space<vmem_shared>> -> memref<104x128xf32, #tpu.memory_space<vmem_shared>>
      %dma_start3A_110 = arith.constant 0 : i32
      %dma_start3A_111 = tpu.memref_slice %arg17[%add3A_29, %dma_start3A_110] : memref<10000x128xf32, #tpu.memory_space<vmem_shared>> -> memref<104x128xf32, #tpu.memory_space<vmem_shared>>
      tpu.enqueue_dma source(%arg16 : memref<104x128xf32, #tpu.memory_space<vmem>>) target(%dma_start3A_111 : memref<104x128xf32, #tpu.memory_space<vmem_shared>>) target_semaphore(%run_scoped3A : memref<!tpu.dma_semaphore, #tpu.memory_space<semaphore_mem>>)
      %dma_wait3A_112 = arith.constant 0 : i32
      %dma_wait3A_113 = tpu.memref_slice %arg17[%add3A_29, %dma_wait3A_112] : memref<10000x128xf32, #tpu.memory_space<vmem_shared>> -> memref<104x128xf32, #tpu.memory_space<vmem_shared>>
      %dma_wait3A_114 = arith.constant 0 : i32
      %dma_wait3A_115 = tpu.memref_slice %arg17[%add3A_29, %dma_wait3A_114] : memref<10000x128xf32, #tpu.memory_space<vmem_shared>> -> memref<104x128xf32, #tpu.memory_space<vmem_shared>>
      tpu.wait_dma2 semaphore(%run_scoped3A : memref<!tpu.dma_semaphore, #tpu.memory_space<semaphore_mem>>) src(%arg16 : memref<104x128xf32, #tpu.memory_space<vmem>>) dst(%dma_wait3A_115 : memref<104x128xf32, #tpu.memory_space<vmem_shared>>)
      tpu.yield
    }) : () -> ()
    %eq3A = arith.constant 0 : i32
    %eq3A_30 = arith.cmpi eq, %arg1, %eq3A : i32
    %convert_element_type3A = arith.extui %eq3A_30 : i1 to i32
    %cond3A = arith.constant 0 : i32
    %cond3A_31 = arith.cmpi ne, %convert_element_type3A, %cond3A : i32
    scf.if %cond3A_31 {
      "tpu.region"() ({
        %run_scoped3A = tpu.sem_alloc : memref<!tpu.dma_semaphore, #tpu.memory_space<semaphore_mem>>
        %dma_start3A_108 = arith.constant 0 : i32
        %dma_start3A_109 = arith.constant 0 : i32
        %dma_start3A_110 = tpu.memref_slice %arg16[%dma_start3A_108, %dma_start3A_109] : memref<104x128xf32, #tpu.memory_space<vmem>> -> memref<16x128xf32, #tpu.memory_space<vmem>>
        %dma_start3A_111 = arith.constant 9984 : i32
        %dma_start3A_112 = arith.constant 0 : i32
        %dma_start3A_113 = tpu.memref_slice %arg17[%dma_start3A_111, %dma_start3A_112] : memref<10000x128xf32, #tpu.memory_space<vmem_shared>> -> memref<16x128xf32, #tpu.memory_space<vmem_shared>>
        %dma_start3A_114 = arith.constant 9984 : i32
        %dma_start3A_115 = arith.constant 0 : i32
        %dma_start3A_116 = tpu.memref_slice %arg17[%dma_start3A_114, %dma_start3A_115] : memref<10000x128xf32, #tpu.memory_space<vmem_shared>> -> memref<16x128xf32, #tpu.memory_space<vmem_shared>>
        %dma_start3A_117 = arith.constant 0 : i32
        %dma_start3A_118 = arith.constant 0 : i32
        %dma_start3A_119 = tpu.memref_slice %arg16[%dma_start3A_117, %dma_start3A_118] : memref<104x128xf32, #tpu.memory_space<vmem>> -> memref<16x128xf32, #tpu.memory_space<vmem>>
        tpu.enqueue_dma source(%dma_start3A_119 : memref<16x128xf32, #tpu.memory_space<vmem>>) target(%dma_start3A_116 : memref<16x128xf32, #tpu.memory_space<vmem_shared>>) target_semaphore(%run_scoped3A : memref<!tpu.dma_semaphore, #tpu.memory_space<semaphore_mem>>)
        %dma_wait3A_120 = arith.constant 0 : i32
        %dma_wait3A_121 = arith.constant 0 : i32
        %dma_wait3A_122 = tpu.memref_slice %arg16[%dma_wait3A_120, %dma_wait3A_121] : memref<104x128xf32, #tpu.memory_space<vmem>> -> memref<16x128xf32, #tpu.memory_space<vmem>>
        %dma_wait3A_123 = arith.constant 9984 : i32
        %dma_wait3A_124 = arith.constant 0 : i32
        %dma_wait3A_125 = tpu.memref_slice %arg17[%dma_wait3A_123, %dma_wait3A_124] : memref<10000x128xf32, #tpu.memory_space<vmem_shared>> -> memref<16x128xf32, #tpu.memory_space<vmem_shared>>
        %dma_wait3A_126 = arith.constant 9984 : i32
        %dma_wait3A_127 = arith.constant 0 : i32
        %dma_wait3A_128 = tpu.memref_slice %arg17[%dma_wait3A_126, %dma_wait3A_127] : memref<10000x128xf32, #tpu.memory_space<vmem_shared>> -> memref<16x128xf32, #tpu.memory_space<vmem_shared>>
        %dma_wait3A_129 = arith.constant 0 : i32
        %dma_wait3A_130 = arith.constant 0 : i32
        %dma_wait3A_131 = tpu.memref_slice %arg16[%dma_wait3A_129, %dma_wait3A_130] : memref<104x128xf32, #tpu.memory_space<vmem>> -> memref<16x128xf32, #tpu.memory_space<vmem>>
        tpu.wait_dma2 semaphore(%run_scoped3A : memref<!tpu.dma_semaphore, #tpu.memory_space<semaphore_mem>>) src(%dma_wait3A_131 : memref<16x128xf32, #tpu.memory_space<vmem>>) dst(%dma_wait3A_128 : memref<16x128xf32, #tpu.memory_space<vmem_shared>>)
        tpu.yield
      }) : () -> ()
    } else {
    }
    %barrier3A = arith.constant 0 : index
    tpu.barrier barrier_id(%barrier3A)
    %add3A_32 = arith.constant 0 : i32
    %add3A_33 = arith.addi %add3A, %add3A_32 : i32
    %lt3A = arith.constant 2500 : i32
    %lt3A_34 = arith.cmpi slt, %add3A_33, %lt3A : i32
    %mul3A_35 = arith.constant 128 : i32
    %mul3A_36 = arith.muli %add3A_33, %mul3A_35 : i32
    %jit3A = arith.constant 0 : i32
    %select_n3A = arith.select %lt3A_34, %mul3A_36, %jit3A : i32
    %lt3A_37 = arith.constant 2500 : i32
    %lt3A_38 = arith.cmpi slt, %add3A_33, %lt3A_37 : i32
    %dma_start3A = tpu.memref_slice %arg2[%select_n3A] : memref<320000xi32, #tpu.memory_space<hbm>> -> memref<128xi32, #tpu.memory_space<hbm>>
    %dma_start3A_39 = tpu.memref_slice %arg2[%select_n3A] : memref<320000xi32, #tpu.memory_space<hbm>> -> memref<128xi32, #tpu.memory_space<hbm>>
    tpu.enqueue_dma source(%dma_start3A_39 : memref<128xi32, #tpu.memory_space<hbm>>) target(%arg6 : memref<128xi32, #tpu.memory_space<vmem>>) target_semaphore(%arg18 : memref<!tpu.dma_semaphore, #tpu.memory_space<semaphore_mem>>)
    %dma_start3A_40 = tpu.memref_slice %arg3[%select_n3A] : memref<320000xi32, #tpu.memory_space<hbm>> -> memref<128xi32, #tpu.memory_space<hbm>>
    %dma_start3A_41 = tpu.memref_slice %arg3[%select_n3A] : memref<320000xi32, #tpu.memory_space<hbm>> -> memref<128xi32, #tpu.memory_space<hbm>>
    tpu.enqueue_dma source(%dma_start3A_41 : memref<128xi32, #tpu.memory_space<hbm>>) target(%arg10 : memref<128xi32, #tpu.memory_space<vmem>>) target_semaphore(%arg22 : memref<!tpu.dma_semaphore, #tpu.memory_space<semaphore_mem>>)
    %add3A_42 = arith.constant 32 : i32
    %add3A_43 = arith.addi %add3A, %add3A_42 : i32
    %lt3A_44 = arith.constant 2500 : i32
    %lt3A_45 = arith.cmpi slt, %add3A_43, %lt3A_44 : i32
    %mul3A_46 = arith.constant 128 : i32
    %mul3A_47 = arith.muli %add3A_43, %mul3A_46 : i32
    %jit3A_48 = arith.constant 0 : i32
    %select_n3A_49 = arith.select %lt3A_45, %mul3A_47, %jit3A_48 : i32
    %lt3A_50 = arith.constant 2500 : i32
    %lt3A_51 = arith.cmpi slt, %add3A_43, %lt3A_50 : i32
    %dma_start3A_52 = tpu.memref_slice %arg2[%select_n3A_49] : memref<320000xi32, #tpu.memory_space<hbm>> -> memref<128xi32, #tpu.memory_space<hbm>>
    %dma_start3A_53 = tpu.memref_slice %arg2[%select_n3A_49] : memref<320000xi32, #tpu.memory_space<hbm>> -> memref<128xi32, #tpu.memory_space<hbm>>
    tpu.enqueue_dma source(%dma_start3A_53 : memref<128xi32, #tpu.memory_space<hbm>>) target(%arg7 : memref<128xi32, #tpu.memory_space<vmem>>) target_semaphore(%arg19 : memref<!tpu.dma_semaphore, #tpu.memory_space<semaphore_mem>>)
    %dma_start3A_54 = tpu.memref_slice %arg3[%select_n3A_49] : memref<320000xi32, #tpu.memory_space<hbm>> -> memref<128xi32, #tpu.memory_space<hbm>>
    %dma_start3A_55 = tpu.memref_slice %arg3[%select_n3A_49] : memref<320000xi32, #tpu.memory_space<hbm>> -> memref<128xi32, #tpu.memory_space<hbm>>
    tpu.enqueue_dma source(%dma_start3A_55 : memref<128xi32, #tpu.memory_space<hbm>>) target(%arg11 : memref<128xi32, #tpu.memory_space<vmem>>) target_semaphore(%arg23 : memref<!tpu.dma_semaphore, #tpu.memory_space<semaphore_mem>>)
    %add3A_56 = arith.constant 64 : i32
    %add3A_57 = arith.addi %add3A, %add3A_56 : i32
    %lt3A_58 = arith.constant 2500 : i32
    %lt3A_59 = arith.cmpi slt, %add3A_57, %lt3A_58 : i32
    %mul3A_60 = arith.constant 128 : i32
    %mul3A_61 = arith.muli %add3A_57, %mul3A_60 : i32
    %jit3A_62 = arith.constant 0 : i32
    %select_n3A_63 = arith.select %lt3A_59, %mul3A_61, %jit3A_62 : i32
    %lt3A_64 = arith.constant 2500 : i32
    %lt3A_65 = arith.cmpi slt, %add3A_57, %lt3A_64 : i32
    %dma_start3A_66 = tpu.memref_slice %arg2[%select_n3A_63] : memref<320000xi32, #tpu.memory_space<hbm>> -> memref<128xi32, #tpu.memory_space<hbm>>
    %dma_start3A_67 = tpu.memref_slice %arg2[%select_n3A_63] : memref<320000xi32, #tpu.memory_space<hbm>> -> memref<128xi32, #tpu.memory_space<hbm>>
    tpu.enqueue_dma source(%dma_start3A_67 : memref<128xi32, #tpu.memory_space<hbm>>) target(%arg8 : memref<128xi32, #tpu.memory_space<vmem>>) target_semaphore(%arg20 : memref<!tpu.dma_semaphore, #tpu.memory_space<semaphore_mem>>)
    %dma_start3A_68 = tpu.memref_slice %arg3[%select_n3A_63] : memref<320000xi32, #tpu.memory_space<hbm>> -> memref<128xi32, #tpu.memory_space<hbm>>
    %dma_start3A_69 = tpu.memref_slice %arg3[%select_n3A_63] : memref<320000xi32, #tpu.memory_space<hbm>> -> memref<128xi32, #tpu.memory_space<hbm>>
    tpu.enqueue_dma source(%dma_start3A_69 : memref<128xi32, #tpu.memory_space<hbm>>) target(%arg12 : memref<128xi32, #tpu.memory_space<vmem>>) target_semaphore(%arg24 : memref<!tpu.dma_semaphore, #tpu.memory_space<semaphore_mem>>)
    %scan3A_70 = arith.constant 0 : i32
    %scan3A_71 = arith.constant 0 : i32
    %scan3A_72 = arith.constant 20 : i32
    %scan3A_73 = arith.addi %scan3A_71, %scan3A_72 : i32
    %scan3A_74 = arith.constant 1 : i32
    scf.for %scan3A_108 = %scan3A_71 to %scan3A_73 step %scan3A_74  : i32 {
      %mul3A_109 = arith.constant 4 : i32
      %mul3A_110 = arith.muli %mul3A_109, %scan3A_108 : i32
      %add3A_111 = arith.constant 0 : i32
      %add3A_112 = arith.addi %mul3A_110, %add3A_111 : i32
      %dma_wait3A_113 = arith.constant 0 : i32
      %dma_wait3A_114 = tpu.memref_slice %arg2[%dma_wait3A_113] : memref<320000xi32, #tpu.memory_space<hbm>> -> memref<128xi32, #tpu.memory_space<hbm>>
      %dma_wait3A_115 = arith.constant 0 : i32
      %dma_wait3A_116 = tpu.memref_slice %arg2[%dma_wait3A_115] : memref<320000xi32, #tpu.memory_space<hbm>> -> memref<128xi32, #tpu.memory_space<hbm>>
      tpu.wait_dma2 semaphore(%arg18 : memref<!tpu.dma_semaphore, #tpu.memory_space<semaphore_mem>>) src(%dma_wait3A_116 : memref<128xi32, #tpu.memory_space<hbm>>) dst(%arg6 : memref<128xi32, #tpu.memory_space<vmem>>)
      %dma_start3A_117 = arith.constant 0 : i32
      %dma_start3A_118 = arith.constant 0 : i32
      %dma_start3A_119 = tpu.memref_slice %arg4[%dma_start3A_117, %dma_start3A_118] : memref<10000x128xf32, #tpu.memory_space<hbm>> -> memref<10000x128xf32, #tpu.memory_space<hbm>>
      tpu.enqueue_indirect_dma source(%dma_start3A_119 : memref<10000x128xf32, #tpu.memory_space<hbm>>) target(%arg14 : memref<128x128xf32, #tpu.memory_space<vmem>>) offsets(%arg6 : memref<128xi32, #tpu.memory_space<vmem>>) semaphore(%arg26 : memref<!tpu.dma_semaphore, #tpu.memory_space<semaphore_mem>>)
      %ge3A = arith.constant 1 : i32
      %ge3A_120 = arith.cmpi sge, %add3A_112, %ge3A : i32
      %convert_element_type3A_121 = arith.extui %ge3A_120 : i1 to i32
      %cond3A_122 = arith.constant 0 : i32
      %cond3A_123 = arith.cmpi ne, %convert_element_type3A_121, %cond3A_122 : i32
      scf.if %cond3A_123 {
        %sub3A = arith.constant 1 : i32
        %sub3A_200 = arith.subi %add3A_112, %sub3A : i32
        %dma_wait3A_201 = arith.constant 0 : i32
        %dma_wait3A_202 = arith.constant 0 : i32
        %dma_wait3A_203 = tpu.memref_slice %arg4[%dma_wait3A_201, %dma_wait3A_202] : memref<10000x128xf32, #tpu.memory_space<hbm>> -> memref<10000x128xf32, #tpu.memory_space<hbm>>
        tpu.wait_indirect_dma semaphore(%arg27 : memref<!tpu.dma_semaphore, #tpu.memory_space<semaphore_mem>>) src(%dma_wait3A_203 : memref<10000x128xf32, #tpu.memory_space<hbm>>) dst(%arg15 : memref<128x128xf32, #tpu.memory_space<vmem>>)
        %dma_wait3A_204 = arith.constant 0 : i32
        %dma_wait3A_205 = tpu.memref_slice %arg3[%dma_wait3A_204] : memref<320000xi32, #tpu.memory_space<hbm>> -> memref<128xi32, #tpu.memory_space<hbm>>
        %dma_wait3A_206 = arith.constant 0 : i32
        %dma_wait3A_207 = tpu.memref_slice %arg3[%dma_wait3A_206] : memref<320000xi32, #tpu.memory_space<hbm>> -> memref<128xi32, #tpu.memory_space<hbm>>
        tpu.wait_dma2 semaphore(%arg25 : memref<!tpu.dma_semaphore, #tpu.memory_space<semaphore_mem>>) src(%dma_wait3A_207 : memref<128xi32, #tpu.memory_space<hbm>>) dst(%arg13 : memref<128xi32, #tpu.memory_space<vmem>>)
        %mul3A_208 = arith.constant 32 : i32
        %mul3A_209 = arith.muli %sub3A_200, %mul3A_208 : i32
        %add3A_210 = arith.addi %add3A, %mul3A_209 : i32
        %lt3A_211 = arith.constant 2500 : i32
        %lt3A_212 = arith.cmpi slt, %add3A_210, %lt3A_211 : i32
        %mul3A_213 = arith.constant 128 : i32
        %mul3A_214 = arith.muli %add3A_210, %mul3A_213 : i32
        %jit3A_215 = arith.constant 0 : i32
        %select_n3A_216 = arith.select %lt3A_212, %mul3A_214, %jit3A_215 : i32
        %lt3A_217 = arith.constant 2500 : i32
        %lt3A_218 = arith.cmpi slt, %add3A_210, %lt3A_217 : i32
        %convert_element_type3A_219 = arith.extui %lt3A_218 : i1 to i32
        %cond3A_220 = arith.constant 0 : i32
        %cond3A_221 = arith.cmpi ne, %convert_element_type3A_219, %cond3A_220 : i32
        scf.if %cond3A_221 {
          "tpu.region"() ({
            %run_scoped3A = tpu.sem_alloc : memref<!tpu.dma_semaphore, #tpu.memory_space<semaphore_mem>>
            %dma_start3A_222 = arith.constant 0 : i32
            %dma_start3A_223 = arith.constant 0 : i32
            %dma_start3A_224 = tpu.memref_slice %arg17[%dma_start3A_222, %dma_start3A_223] : memref<10000x128xf32, #tpu.memory_space<vmem_shared>> -> memref<10000x128xf32, #tpu.memory_space<vmem_shared>>
            tpu.enqueue_indirect_dma source(%arg15 : memref<128x128xf32, #tpu.memory_space<vmem>>) target(%dma_start3A_224 : memref<10000x128xf32, #tpu.memory_space<vmem_shared>>) offsets(%arg13 : memref<128xi32, #tpu.memory_space<vmem>>) semaphore(%run_scoped3A : memref<!tpu.dma_semaphore, #tpu.memory_space<semaphore_mem>>) {add = true}
            %dma_wait3A_225 = arith.constant 0 : i32
            %dma_wait3A_226 = arith.constant 0 : i32
            %dma_wait3A_227 = tpu.memref_slice %arg17[%dma_wait3A_225, %dma_wait3A_226] : memref<10000x128xf32, #tpu.memory_space<vmem_shared>> -> memref<10000x128xf32, #tpu.memory_space<vmem_shared>>
            tpu.wait_indirect_dma semaphore(%run_scoped3A : memref<!tpu.dma_semaphore, #tpu.memory_space<semaphore_mem>>) src(%arg15 : memref<128x128xf32, #tpu.memory_space<vmem>>) dst(%dma_wait3A_227 : memref<10000x128xf32, #tpu.memory_space<vmem_shared>>)
            tpu.yield
          }) : () -> ()
        } else {
        }
      } else {
      }
      %add3A_124 = arith.constant 3 : i32
      %add3A_125 = arith.addi %add3A_112, %add3A_124 : i32
      %lt3A_126 = arith.constant 80 : i32
      %lt3A_127 = arith.cmpi slt, %add3A_125, %lt3A_126 : i32
      %convert_element_type3A_128 = arith.extui %lt3A_127 : i1 to i32
      %cond3A_129 = arith.constant 0 : i32
      %cond3A_130 = arith.cmpi ne, %convert_element_type3A_128, %cond3A_129 : i32
      scf.if %cond3A_130 {
        %add3A_200 = arith.constant 3 : i32
        %add3A_201 = arith.addi %add3A_112, %add3A_200 : i32
        %mul3A_202 = arith.constant 32 : i32
        %mul3A_203 = arith.muli %add3A_201, %mul3A_202 : i32
        %add3A_204 = arith.addi %add3A, %mul3A_203 : i32
        %lt3A_205 = arith.constant 2500 : i32
        %lt3A_206 = arith.cmpi slt, %add3A_204, %lt3A_205 : i32
        %mul3A_207 = arith.constant 128 : i32
        %mul3A_208 = arith.muli %add3A_204, %mul3A_207 : i32
        %jit3A_209 = arith.constant 0 : i32
        %select_n3A_210 = arith.select %lt3A_206, %mul3A_208, %jit3A_209 : i32
        %lt3A_211 = arith.constant 2500 : i32
        %lt3A_212 = arith.cmpi slt, %add3A_204, %lt3A_211 : i32
        %dma_start3A_213 = tpu.memref_slice %arg2[%select_n3A_210] : memref<320000xi32, #tpu.memory_space<hbm>> -> memref<128xi32, #tpu.memory_space<hbm>>
        %dma_start3A_214 = tpu.memref_slice %arg2[%select_n3A_210] : memref<320000xi32, #tpu.memory_space<hbm>> -> memref<128xi32, #tpu.memory_space<hbm>>
        tpu.enqueue_dma source(%dma_start3A_214 : memref<128xi32, #tpu.memory_space<hbm>>) target(%arg9 : memref<128xi32, #tpu.memory_space<vmem>>) target_semaphore(%arg21 : memref<!tpu.dma_semaphore, #tpu.memory_space<semaphore_mem>>)
        %dma_start3A_215 = tpu.memref_slice %arg3[%select_n3A_210] : memref<320000xi32, #tpu.memory_space<hbm>> -> memref<128xi32, #tpu.memory_space<hbm>>
        %dma_start3A_216 = tpu.memref_slice %arg3[%select_n3A_210] : memref<320000xi32, #tpu.memory_space<hbm>> -> memref<128xi32, #tpu.memory_space<hbm>>
        tpu.enqueue_dma source(%dma_start3A_216 : memref<128xi32, #tpu.memory_space<hbm>>) target(%arg13 : memref<128xi32, #tpu.memory_space<vmem>>) target_semaphore(%arg25 : memref<!tpu.dma_semaphore, #tpu.memory_space<semaphore_mem>>)
      } else {
      }
      %mul3A_131 = arith.constant 4 : i32
      %mul3A_132 = arith.muli %mul3A_131, %scan3A_108 : i32
      %add3A_133 = arith.constant 1 : i32
      %add3A_134 = arith.addi %mul3A_132, %add3A_133 : i32
      %dma_wait3A_135 = arith.constant 0 : i32
      %dma_wait3A_136 = tpu.memref_slice %arg2[%dma_wait3A_135] : memref<320000xi32, #tpu.memory_space<hbm>> -> memref<128xi32, #tpu.memory_space<hbm>>
      %dma_wait3A_137 = arith.constant 0 : i32
      %dma_wait3A_138 = tpu.memref_slice %arg2[%dma_wait3A_137] : memref<320000xi32, #tpu.memory_space<hbm>> -> memref<128xi32, #tpu.memory_space<hbm>>
      tpu.wait_dma2 semaphore(%arg19 : memref<!tpu.dma_semaphore, #tpu.memory_space<semaphore_mem>>) src(%dma_wait3A_138 : memref<128xi32, #tpu.memory_space<hbm>>) dst(%arg7 : memref<128xi32, #tpu.memory_space<vmem>>)
      %dma_start3A_139 = arith.constant 0 : i32
      %dma_start3A_140 = arith.constant 0 : i32
      %dma_start3A_141 = tpu.memref_slice %arg4[%dma_start3A_139, %dma_start3A_140] : memref<10000x128xf32, #tpu.memory_space<hbm>> -> memref<10000x128xf32, #tpu.memory_space<hbm>>
      tpu.enqueue_indirect_dma source(%dma_start3A_141 : memref<10000x128xf32, #tpu.memory_space<hbm>>) target(%arg15 : memref<128x128xf32, #tpu.memory_space<vmem>>) offsets(%arg7 : memref<128xi32, #tpu.memory_space<vmem>>) semaphore(%arg27 : memref<!tpu.dma_semaphore, #tpu.memory_space<semaphore_mem>>)
      %ge3A_142 = arith.constant 1 : i32
      %ge3A_143 = arith.cmpi sge, %add3A_134, %ge3A_142 : i32
      %convert_element_type3A_144 = arith.extui %ge3A_143 : i1 to i32
      %cond3A_145 = arith.constant 0 : i32
      %cond3A_146 = arith.cmpi ne, %convert_element_type3A_144, %cond3A_145 : i32
      scf.if %cond3A_146 {
        %sub3A = arith.constant 1 : i32
        %sub3A_200 = arith.subi %add3A_134, %sub3A : i32
        %dma_wait3A_201 = arith.constant 0 : i32
        %dma_wait3A_202 = arith.constant 0 : i32
        %dma_wait3A_203 = tpu.memref_slice %arg4[%dma_wait3A_201, %dma_wait3A_202] : memref<10000x128xf32, #tpu.memory_space<hbm>> -> memref<10000x128xf32, #tpu.memory_space<hbm>>
        tpu.wait_indirect_dma semaphore(%arg26 : memref<!tpu.dma_semaphore, #tpu.memory_space<semaphore_mem>>) src(%dma_wait3A_203 : memref<10000x128xf32, #tpu.memory_space<hbm>>) dst(%arg14 : memref<128x128xf32, #tpu.memory_space<vmem>>)
        %dma_wait3A_204 = arith.constant 0 : i32
        %dma_wait3A_205 = tpu.memref_slice %arg3[%dma_wait3A_204] : memref<320000xi32, #tpu.memory_space<hbm>> -> memref<128xi32, #tpu.memory_space<hbm>>
        %dma_wait3A_206 = arith.constant 0 : i32
        %dma_wait3A_207 = tpu.memref_slice %arg3[%dma_wait3A_206] : memref<320000xi32, #tpu.memory_space<hbm>> -> memref<128xi32, #tpu.memory_space<hbm>>
        tpu.wait_dma2 semaphore(%arg22 : memref<!tpu.dma_semaphore, #tpu.memory_space<semaphore_mem>>) src(%dma_wait3A_207 : memref<128xi32, #tpu.memory_space<hbm>>) dst(%arg10 : memref<128xi32, #tpu.memory_space<vmem>>)
        %mul3A_208 = arith.constant 32 : i32
        %mul3A_209 = arith.muli %sub3A_200, %mul3A_208 : i32
        %add3A_210 = arith.addi %add3A, %mul3A_209 : i32
        %lt3A_211 = arith.constant 2500 : i32
        %lt3A_212 = arith.cmpi slt, %add3A_210, %lt3A_211 : i32
        %mul3A_213 = arith.constant 128 : i32
        %mul3A_214 = arith.muli %add3A_210, %mul3A_213 : i32
        %jit3A_215 = arith.constant 0 : i32
        %select_n3A_216 = arith.select %lt3A_212, %mul3A_214, %jit3A_215 : i32
        %lt3A_217 = arith.constant 2500 : i32
        %lt3A_218 = arith.cmpi slt, %add3A_210, %lt3A_217 : i32
        %convert_element_type3A_219 = arith.extui %lt3A_218 : i1 to i32
        %cond3A_220 = arith.constant 0 : i32
        %cond3A_221 = arith.cmpi ne, %convert_element_type3A_219, %cond3A_220 : i32
        scf.if %cond3A_221 {
          "tpu.region"() ({
            %run_scoped3A = tpu.sem_alloc : memref<!tpu.dma_semaphore, #tpu.memory_space<semaphore_mem>>
            %dma_start3A_222 = arith.constant 0 : i32
            %dma_start3A_223 = arith.constant 0 : i32
            %dma_start3A_224 = tpu.memref_slice %arg17[%dma_start3A_222, %dma_start3A_223] : memref<10000x128xf32, #tpu.memory_space<vmem_shared>> -> memref<10000x128xf32, #tpu.memory_space<vmem_shared>>
            tpu.enqueue_indirect_dma source(%arg14 : memref<128x128xf32, #tpu.memory_space<vmem>>) target(%dma_start3A_224 : memref<10000x128xf32, #tpu.memory_space<vmem_shared>>) offsets(%arg10 : memref<128xi32, #tpu.memory_space<vmem>>) semaphore(%run_scoped3A : memref<!tpu.dma_semaphore, #tpu.memory_space<semaphore_mem>>) {add = true}
            %dma_wait3A_225 = arith.constant 0 : i32
            %dma_wait3A_226 = arith.constant 0 : i32
            %dma_wait3A_227 = tpu.memref_slice %arg17[%dma_wait3A_225, %dma_wait3A_226] : memref<10000x128xf32, #tpu.memory_space<vmem_shared>> -> memref<10000x128xf32, #tpu.memory_space<vmem_shared>>
            tpu.wait_indirect_dma semaphore(%run_scoped3A : memref<!tpu.dma_semaphore, #tpu.memory_space<semaphore_mem>>) src(%arg14 : memref<128x128xf32, #tpu.memory_space<vmem>>) dst(%dma_wait3A_227 : memref<10000x128xf32, #tpu.memory_space<vmem_shared>>)
            tpu.yield
          }) : () -> ()
        } else {
        }
      } else {
      }
      %add3A_147 = arith.constant 3 : i32
      %add3A_148 = arith.addi %add3A_134, %add3A_147 : i32
      %lt3A_149 = arith.constant 80 : i32
      %lt3A_150 = arith.cmpi slt, %add3A_148, %lt3A_149 : i32
      %convert_element_type3A_151 = arith.extui %lt3A_150 : i1 to i32
      %cond3A_152 = arith.constant 0 : i32
      %cond3A_153 = arith.cmpi ne, %convert_element_type3A_151, %cond3A_152 : i32
      scf.if %cond3A_153 {
        %add3A_200 = arith.constant 3 : i32
        %add3A_201 = arith.addi %add3A_134, %add3A_200 : i32
        %mul3A_202 = arith.constant 32 : i32
        %mul3A_203 = arith.muli %add3A_201, %mul3A_202 : i32
        %add3A_204 = arith.addi %add3A, %mul3A_203 : i32
        %lt3A_205 = arith.constant 2500 : i32
        %lt3A_206 = arith.cmpi slt, %add3A_204, %lt3A_205 : i32
        %mul3A_207 = arith.constant 128 : i32
        %mul3A_208 = arith.muli %add3A_204, %mul3A_207 : i32
        %jit3A_209 = arith.constant 0 : i32
        %select_n3A_210 = arith.select %lt3A_206, %mul3A_208, %jit3A_209 : i32
        %lt3A_211 = arith.constant 2500 : i32
        %lt3A_212 = arith.cmpi slt, %add3A_204, %lt3A_211 : i32
        %dma_start3A_213 = tpu.memref_slice %arg2[%select_n3A_210] : memref<320000xi32, #tpu.memory_space<hbm>> -> memref<128xi32, #tpu.memory_space<hbm>>
        %dma_start3A_214 = tpu.memref_slice %arg2[%select_n3A_210] : memref<320000xi32, #tpu.memory_space<hbm>> -> memref<128xi32, #tpu.memory_space<hbm>>
        tpu.enqueue_dma source(%dma_start3A_214 : memref<128xi32, #tpu.memory_space<hbm>>) target(%arg6 : memref<128xi32, #tpu.memory_space<vmem>>) target_semaphore(%arg18 : memref<!tpu.dma_semaphore, #tpu.memory_space<semaphore_mem>>)
        %dma_start3A_215 = tpu.memref_slice %arg3[%select_n3A_210] : memref<320000xi32, #tpu.memory_space<hbm>> -> memref<128xi32, #tpu.memory_space<hbm>>
        %dma_start3A_216 = tpu.memref_slice %arg3[%select_n3A_210] : memref<320000xi32, #tpu.memory_space<hbm>> -> memref<128xi32, #tpu.memory_space<hbm>>
        tpu.enqueue_dma source(%dma_start3A_216 : memref<128xi32, #tpu.memory_space<hbm>>) target(%arg10 : memref<128xi32, #tpu.memory_space<vmem>>) target_semaphore(%arg22 : memref<!tpu.dma_semaphore, #tpu.memory_space<semaphore_mem>>)
      } else {
      }
      %mul3A_154 = arith.constant 4 : i32
      %mul3A_155 = arith.muli %mul3A_154, %scan3A_108 : i32
      %add3A_156 = arith.constant 2 : i32
      %add3A_157 = arith.addi %mul3A_155, %add3A_156 : i32
      %dma_wait3A_158 = arith.constant 0 : i32
      %dma_wait3A_159 = tpu.memref_slice %arg2[%dma_wait3A_158] : memref<320000xi32, #tpu.memory_space<hbm>> -> memref<128xi32, #tpu.memory_space<hbm>>
      %dma_wait3A_160 = arith.constant 0 : i32
      %dma_wait3A_161 = tpu.memref_slice %arg2[%dma_wait3A_160] : memref<320000xi32, #tpu.memory_space<hbm>> -> memref<128xi32, #tpu.memory_space<hbm>>
      tpu.wait_dma2 semaphore(%arg20 : memref<!tpu.dma_semaphore, #tpu.memory_space<semaphore_mem>>) src(%dma_wait3A_161 : memref<128xi32, #tpu.memory_space<hbm>>) dst(%arg8 : memref<128xi32, #tpu.memory_space<vmem>>)
      %dma_start3A_162 = arith.constant 0 : i32
      %dma_start3A_163 = arith.constant 0 : i32
      %dma_start3A_164 = tpu.memref_slice %arg4[%dma_start3A_162, %dma_start3A_163] : memref<10000x128xf32, #tpu.memory_space<hbm>> -> memref<10000x128xf32, #tpu.memory_space<hbm>>
      tpu.enqueue_indirect_dma source(%dma_start3A_164 : memref<10000x128xf32, #tpu.memory_space<hbm>>) target(%arg14 : memref<128x128xf32, #tpu.memory_space<vmem>>) offsets(%arg8 : memref<128xi32, #tpu.memory_space<vmem>>) semaphore(%arg26 : memref<!tpu.dma_semaphore, #tpu.memory_space<semaphore_mem>>)
      %ge3A_165 = arith.constant 1 : i32
      %ge3A_166 = arith.cmpi sge, %add3A_157, %ge3A_165 : i32
      %convert_element_type3A_167 = arith.extui %ge3A_166 : i1 to i32
      %cond3A_168 = arith.constant 0 : i32
      %cond3A_169 = arith.cmpi ne, %convert_element_type3A_167, %cond3A_168 : i32
      scf.if %cond3A_169 {
        %sub3A = arith.constant 1 : i32
        %sub3A_200 = arith.subi %add3A_157, %sub3A : i32
        %dma_wait3A_201 = arith.constant 0 : i32
        %dma_wait3A_202 = arith.constant 0 : i32
        %dma_wait3A_203 = tpu.memref_slice %arg4[%dma_wait3A_201, %dma_wait3A_202] : memref<10000x128xf32, #tpu.memory_space<hbm>> -> memref<10000x128xf32, #tpu.memory_space<hbm>>
        tpu.wait_indirect_dma semaphore(%arg27 : memref<!tpu.dma_semaphore, #tpu.memory_space<semaphore_mem>>) src(%dma_wait3A_203 : memref<10000x128xf32, #tpu.memory_space<hbm>>) dst(%arg15 : memref<128x128xf32, #tpu.memory_space<vmem>>)
        %dma_wait3A_204 = arith.constant 0 : i32
        %dma_wait3A_205 = tpu.memref_slice %arg3[%dma_wait3A_204] : memref<320000xi32, #tpu.memory_space<hbm>> -> memref<128xi32, #tpu.memory_space<hbm>>
        %dma_wait3A_206 = arith.constant 0 : i32
        %dma_wait3A_207 = tpu.memref_slice %arg3[%dma_wait3A_206] : memref<320000xi32, #tpu.memory_space<hbm>> -> memref<128xi32, #tpu.memory_space<hbm>>
        tpu.wait_dma2 semaphore(%arg23 : memref<!tpu.dma_semaphore, #tpu.memory_space<semaphore_mem>>) src(%dma_wait3A_207 : memref<128xi32, #tpu.memory_space<hbm>>) dst(%arg11 : memref<128xi32, #tpu.memory_space<vmem>>)
        %mul3A_208 = arith.constant 32 : i32
        %mul3A_209 = arith.muli %sub3A_200, %mul3A_208 : i32
        %add3A_210 = arith.addi %add3A, %mul3A_209 : i32
        %lt3A_211 = arith.constant 2500 : i32
        %lt3A_212 = arith.cmpi slt, %add3A_210, %lt3A_211 : i32
        %mul3A_213 = arith.constant 128 : i32
        %mul3A_214 = arith.muli %add3A_210, %mul3A_213 : i32
        %jit3A_215 = arith.constant 0 : i32
        %select_n3A_216 = arith.select %lt3A_212, %mul3A_214, %jit3A_215 : i32
        %lt3A_217 = arith.constant 2500 : i32
        %lt3A_218 = arith.cmpi slt, %add3A_210, %lt3A_217 : i32
        %convert_element_type3A_219 = arith.extui %lt3A_218 : i1 to i32
        %cond3A_220 = arith.constant 0 : i32
        %cond3A_221 = arith.cmpi ne, %convert_element_type3A_219, %cond3A_220 : i32
        scf.if %cond3A_221 {
          "tpu.region"() ({
            %run_scoped3A = tpu.sem_alloc : memref<!tpu.dma_semaphore, #tpu.memory_space<semaphore_mem>>
            %dma_start3A_222 = arith.constant 0 : i32
            %dma_start3A_223 = arith.constant 0 : i32
            %dma_start3A_224 = tpu.memref_slice %arg17[%dma_start3A_222, %dma_start3A_223] : memref<10000x128xf32, #tpu.memory_space<vmem_shared>> -> memref<10000x128xf32, #tpu.memory_space<vmem_shared>>
            tpu.enqueue_indirect_dma source(%arg15 : memref<128x128xf32, #tpu.memory_space<vmem>>) target(%dma_start3A_224 : memref<10000x128xf32, #tpu.memory_space<vmem_shared>>) offsets(%arg11 : memref<128xi32, #tpu.memory_space<vmem>>) semaphore(%run_scoped3A : memref<!tpu.dma_semaphore, #tpu.memory_space<semaphore_mem>>) {add = true}
            %dma_wait3A_225 = arith.constant 0 : i32
            %dma_wait3A_226 = arith.constant 0 : i32
            %dma_wait3A_227 = tpu.memref_slice %arg17[%dma_wait3A_225, %dma_wait3A_226] : memref<10000x128xf32, #tpu.memory_space<vmem_shared>> -> memref<10000x128xf32, #tpu.memory_space<vmem_shared>>
            tpu.wait_indirect_dma semaphore(%run_scoped3A : memref<!tpu.dma_semaphore, #tpu.memory_space<semaphore_mem>>) src(%arg15 : memref<128x128xf32, #tpu.memory_space<vmem>>) dst(%dma_wait3A_227 : memref<10000x128xf32, #tpu.memory_space<vmem_shared>>)
            tpu.yield
          }) : () -> ()
        } else {
        }
      } else {
      }
      %add3A_170 = arith.constant 3 : i32
      %add3A_171 = arith.addi %add3A_157, %add3A_170 : i32
      %lt3A_172 = arith.constant 80 : i32
      %lt3A_173 = arith.cmpi slt, %add3A_171, %lt3A_172 : i32
      %convert_element_type3A_174 = arith.extui %lt3A_173 : i1 to i32
      %cond3A_175 = arith.constant 0 : i32
      %cond3A_176 = arith.cmpi ne, %convert_element_type3A_174, %cond3A_175 : i32
      scf.if %cond3A_176 {
        %add3A_200 = arith.constant 3 : i32
        %add3A_201 = arith.addi %add3A_157, %add3A_200 : i32
        %mul3A_202 = arith.constant 32 : i32
        %mul3A_203 = arith.muli %add3A_201, %mul3A_202 : i32
        %add3A_204 = arith.addi %add3A, %mul3A_203 : i32
        %lt3A_205 = arith.constant 2500 : i32
        %lt3A_206 = arith.cmpi slt, %add3A_204, %lt3A_205 : i32
        %mul3A_207 = arith.constant 128 : i32
        %mul3A_208 = arith.muli %add3A_204, %mul3A_207 : i32
        %jit3A_209 = arith.constant 0 : i32
        %select_n3A_210 = arith.select %lt3A_206, %mul3A_208, %jit3A_209 : i32
        %lt3A_211 = arith.constant 2500 : i32
        %lt3A_212 = arith.cmpi slt, %add3A_204, %lt3A_211 : i32
        %dma_start3A_213 = tpu.memref_slice %arg2[%select_n3A_210] : memref<320000xi32, #tpu.memory_space<hbm>> -> memref<128xi32, #tpu.memory_space<hbm>>
        %dma_start3A_214 = tpu.memref_slice %arg2[%select_n3A_210] : memref<320000xi32, #tpu.memory_space<hbm>> -> memref<128xi32, #tpu.memory_space<hbm>>
        tpu.enqueue_dma source(%dma_start3A_214 : memref<128xi32, #tpu.memory_space<hbm>>) target(%arg7 : memref<128xi32, #tpu.memory_space<vmem>>) target_semaphore(%arg19 : memref<!tpu.dma_semaphore, #tpu.memory_space<semaphore_mem>>)
        %dma_start3A_215 = tpu.memref_slice %arg3[%select_n3A_210] : memref<320000xi32, #tpu.memory_space<hbm>> -> memref<128xi32, #tpu.memory_space<hbm>>
        %dma_start3A_216 = tpu.memref_slice %arg3[%select_n3A_210] : memref<320000xi32, #tpu.memory_space<hbm>> -> memref<128xi32, #tpu.memory_space<hbm>>
        tpu.enqueue_dma source(%dma_start3A_216 : memref<128xi32, #tpu.memory_space<hbm>>) target(%arg11 : memref<128xi32, #tpu.memory_space<vmem>>) target_semaphore(%arg23 : memref<!tpu.dma_semaphore, #tpu.memory_space<semaphore_mem>>)
      } else {
      }
      %mul3A_177 = arith.constant 4 : i32
      %mul3A_178 = arith.muli %mul3A_177, %scan3A_108 : i32
      %add3A_179 = arith.constant 3 : i32
      %add3A_180 = arith.addi %mul3A_178, %add3A_179 : i32
      %dma_wait3A_181 = arith.constant 0 : i32
      %dma_wait3A_182 = tpu.memref_slice %arg2[%dma_wait3A_181] : memref<320000xi32, #tpu.memory_space<hbm>> -> memref<128xi32, #tpu.memory_space<hbm>>
      %dma_wait3A_183 = arith.constant 0 : i32
      %dma_wait3A_184 = tpu.memref_slice %arg2[%dma_wait3A_183] : memref<320000xi32, #tpu.memory_space<hbm>> -> memref<128xi32, #tpu.memory_space<hbm>>
      tpu.wait_dma2 semaphore(%arg21 : memref<!tpu.dma_semaphore, #tpu.memory_space<semaphore_mem>>) src(%dma_wait3A_184 : memref<128xi32, #tpu.memory_space<hbm>>) dst(%arg9 : memref<128xi32, #tpu.memory_space<vmem>>)
      %dma_start3A_185 = arith.constant 0 : i32
      %dma_start3A_186 = arith.constant 0 : i32
      %dma_start3A_187 = tpu.memref_slice %arg4[%dma_start3A_185, %dma_start3A_186] : memref<10000x128xf32, #tpu.memory_space<hbm>> -> memref<10000x128xf32, #tpu.memory_space<hbm>>
      tpu.enqueue_indirect_dma source(%dma_start3A_187 : memref<10000x128xf32, #tpu.memory_space<hbm>>) target(%arg15 : memref<128x128xf32, #tpu.memory_space<vmem>>) offsets(%arg9 : memref<128xi32, #tpu.memory_space<vmem>>) semaphore(%arg27 : memref<!tpu.dma_semaphore, #tpu.memory_space<semaphore_mem>>)
      %ge3A_188 = arith.constant 1 : i32
      %ge3A_189 = arith.cmpi sge, %add3A_180, %ge3A_188 : i32
      %convert_element_type3A_190 = arith.extui %ge3A_189 : i1 to i32
      %cond3A_191 = arith.constant 0 : i32
      %cond3A_192 = arith.cmpi ne, %convert_element_type3A_190, %cond3A_191 : i32
      scf.if %cond3A_192 {
        %sub3A = arith.constant 1 : i32
        %sub3A_200 = arith.subi %add3A_180, %sub3A : i32
        %dma_wait3A_201 = arith.constant 0 : i32
        %dma_wait3A_202 = arith.constant 0 : i32
        %dma_wait3A_203 = tpu.memref_slice %arg4[%dma_wait3A_201, %dma_wait3A_202] : memref<10000x128xf32, #tpu.memory_space<hbm>> -> memref<10000x128xf32, #tpu.memory_space<hbm>>
        tpu.wait_indirect_dma semaphore(%arg26 : memref<!tpu.dma_semaphore, #tpu.memory_space<semaphore_mem>>) src(%dma_wait3A_203 : memref<10000x128xf32, #tpu.memory_space<hbm>>) dst(%arg14 : memref<128x128xf32, #tpu.memory_space<vmem>>)
        %dma_wait3A_204 = arith.constant 0 : i32
        %dma_wait3A_205 = tpu.memref_slice %arg3[%dma_wait3A_204] : memref<320000xi32, #tpu.memory_space<hbm>> -> memref<128xi32, #tpu.memory_space<hbm>>
        %dma_wait3A_206 = arith.constant 0 : i32
        %dma_wait3A_207 = tpu.memref_slice %arg3[%dma_wait3A_206] : memref<320000xi32, #tpu.memory_space<hbm>> -> memref<128xi32, #tpu.memory_space<hbm>>
        tpu.wait_dma2 semaphore(%arg24 : memref<!tpu.dma_semaphore, #tpu.memory_space<semaphore_mem>>) src(%dma_wait3A_207 : memref<128xi32, #tpu.memory_space<hbm>>) dst(%arg12 : memref<128xi32, #tpu.memory_space<vmem>>)
        %mul3A_208 = arith.constant 32 : i32
        %mul3A_209 = arith.muli %sub3A_200, %mul3A_208 : i32
        %add3A_210 = arith.addi %add3A, %mul3A_209 : i32
        %lt3A_211 = arith.constant 2500 : i32
        %lt3A_212 = arith.cmpi slt, %add3A_210, %lt3A_211 : i32
        %mul3A_213 = arith.constant 128 : i32
        %mul3A_214 = arith.muli %add3A_210, %mul3A_213 : i32
        %jit3A_215 = arith.constant 0 : i32
        %select_n3A_216 = arith.select %lt3A_212, %mul3A_214, %jit3A_215 : i32
        %lt3A_217 = arith.constant 2500 : i32
        %lt3A_218 = arith.cmpi slt, %add3A_210, %lt3A_217 : i32
        %convert_element_type3A_219 = arith.extui %lt3A_218 : i1 to i32
        %cond3A_220 = arith.constant 0 : i32
        %cond3A_221 = arith.cmpi ne, %convert_element_type3A_219, %cond3A_220 : i32
        scf.if %cond3A_221 {
          "tpu.region"() ({
            %run_scoped3A = tpu.sem_alloc : memref<!tpu.dma_semaphore, #tpu.memory_space<semaphore_mem>>
            %dma_start3A_222 = arith.constant 0 : i32
            %dma_start3A_223 = arith.constant 0 : i32
            %dma_start3A_224 = tpu.memref_slice %arg17[%dma_start3A_222, %dma_start3A_223] : memref<10000x128xf32, #tpu.memory_space<vmem_shared>> -> memref<10000x128xf32, #tpu.memory_space<vmem_shared>>
            tpu.enqueue_indirect_dma source(%arg14 : memref<128x128xf32, #tpu.memory_space<vmem>>) target(%dma_start3A_224 : memref<10000x128xf32, #tpu.memory_space<vmem_shared>>) offsets(%arg12 : memref<128xi32, #tpu.memory_space<vmem>>) semaphore(%run_scoped3A : memref<!tpu.dma_semaphore, #tpu.memory_space<semaphore_mem>>) {add = true}
            %dma_wait3A_225 = arith.constant 0 : i32
            %dma_wait3A_226 = arith.constant 0 : i32
            %dma_wait3A_227 = tpu.memref_slice %arg17[%dma_wait3A_225, %dma_wait3A_226] : memref<10000x128xf32, #tpu.memory_space<vmem_shared>> -> memref<10000x128xf32, #tpu.memory_space<vmem_shared>>
            tpu.wait_indirect_dma semaphore(%run_scoped3A : memref<!tpu.dma_semaphore, #tpu.memory_space<semaphore_mem>>) src(%arg14 : memref<128x128xf32, #tpu.memory_space<vmem>>) dst(%dma_wait3A_227 : memref<10000x128xf32, #tpu.memory_space<vmem_shared>>)
            tpu.yield
          }) : () -> ()
        } else {
        }
      } else {
      }
      %add3A_193 = arith.constant 3 : i32
      %add3A_194 = arith.addi %add3A_180, %add3A_193 : i32
      %lt3A_195 = arith.constant 80 : i32
      %lt3A_196 = arith.cmpi slt, %add3A_194, %lt3A_195 : i32
      %convert_element_type3A_197 = arith.extui %lt3A_196 : i1 to i32
      %cond3A_198 = arith.constant 0 : i32
      %cond3A_199 = arith.cmpi ne, %convert_element_type3A_197, %cond3A_198 : i32
      scf.if %cond3A_199 {
        %add3A_200 = arith.constant 3 : i32
        %add3A_201 = arith.addi %add3A_180, %add3A_200 : i32
        %mul3A_202 = arith.constant 32 : i32
        %mul3A_203 = arith.muli %add3A_201, %mul3A_202 : i32
        %add3A_204 = arith.addi %add3A, %mul3A_203 : i32
        %lt3A_205 = arith.constant 2500 : i32
        %lt3A_206 = arith.cmpi slt, %add3A_204, %lt3A_205 : i32
        %mul3A_207 = arith.constant 128 : i32
        %mul3A_208 = arith.muli %add3A_204, %mul3A_207 : i32
        %jit3A_209 = arith.constant 0 : i32
        %select_n3A_210 = arith.select %lt3A_206, %mul3A_208, %jit3A_209 : i32
        %lt3A_211 = arith.constant 2500 : i32
        %lt3A_212 = arith.cmpi slt, %add3A_204, %lt3A_211 : i32
        %dma_start3A_213 = tpu.memref_slice %arg2[%select_n3A_210] : memref<320000xi32, #tpu.memory_space<hbm>> -> memref<128xi32, #tpu.memory_space<hbm>>
        %dma_start3A_214 = tpu.memref_slice %arg2[%select_n3A_210] : memref<320000xi32, #tpu.memory_space<hbm>> -> memref<128xi32, #tpu.memory_space<hbm>>
        tpu.enqueue_dma source(%dma_start3A_214 : memref<128xi32, #tpu.memory_space<hbm>>) target(%arg8 : memref<128xi32, #tpu.memory_space<vmem>>) target_semaphore(%arg20 : memref<!tpu.dma_semaphore, #tpu.memory_space<semaphore_mem>>)
        %dma_start3A_215 = tpu.memref_slice %arg3[%select_n3A_210] : memref<320000xi32, #tpu.memory_space<hbm>> -> memref<128xi32, #tpu.memory_space<hbm>>
        %dma_start3A_216 = tpu.memref_slice %arg3[%select_n3A_210] : memref<320000xi32, #tpu.memory_space<hbm>> -> memref<128xi32, #tpu.memory_space<hbm>>
        tpu.enqueue_dma source(%dma_start3A_216 : memref<128xi32, #tpu.memory_space<hbm>>) target(%arg12 : memref<128xi32, #tpu.memory_space<vmem>>) target_semaphore(%arg24 : memref<!tpu.dma_semaphore, #tpu.memory_space<semaphore_mem>>)
      } else {
      }
    }
    %scan3A_75 = arith.constant 20 : i32
    %dma_wait3A = arith.constant 0 : i32
    %dma_wait3A_76 = arith.constant 0 : i32
    %dma_wait3A_77 = tpu.memref_slice %arg4[%dma_wait3A, %dma_wait3A_76] : memref<10000x128xf32, #tpu.memory_space<hbm>> -> memref<10000x128xf32, #tpu.memory_space<hbm>>
    tpu.wait_indirect_dma semaphore(%arg27 : memref<!tpu.dma_semaphore, #tpu.memory_space<semaphore_mem>>) src(%dma_wait3A_77 : memref<10000x128xf32, #tpu.memory_space<hbm>>) dst(%arg15 : memref<128x128xf32, #tpu.memory_space<vmem>>)
    %dma_wait3A_78 = arith.constant 0 : i32
    %dma_wait3A_79 = tpu.memref_slice %arg3[%dma_wait3A_78] : memref<320000xi32, #tpu.memory_space<hbm>> -> memref<128xi32, #tpu.memory_space<hbm>>
    %dma_wait3A_80 = arith.constant 0 : i32
    %dma_wait3A_81 = tpu.memref_slice %arg3[%dma_wait3A_80] : memref<320000xi32, #tpu.memory_space<hbm>> -> memref<128xi32, #tpu.memory_space<hbm>>
    tpu.wait_dma2 semaphore(%arg25 : memref<!tpu.dma_semaphore, #tpu.memory_space<semaphore_mem>>) src(%dma_wait3A_81 : memref<128xi32, #tpu.memory_space<hbm>>) dst(%arg13 : memref<128xi32, #tpu.memory_space<vmem>>)
    %add3A_82 = arith.constant 2528 : i32
    %add3A_83 = arith.addi %add3A, %add3A_82 : i32
    %lt3A_84 = arith.constant 2500 : i32
    %lt3A_85 = arith.cmpi slt, %add3A_83, %lt3A_84 : i32
    %mul3A_86 = arith.constant 128 : i32
    %mul3A_87 = arith.muli %add3A_83, %mul3A_86 : i32
    %jit3A_88 = arith.constant 0 : i32
    %select_n3A_89 = arith.select %lt3A_85, %mul3A_87, %jit3A_88 : i32
    %lt3A_90 = arith.constant 2500 : i32
    %lt3A_91 = arith.cmpi slt, %add3A_83, %lt3A_90 : i32
    %convert_element_type3A_92 = arith.extui %lt3A_91 : i1 to i32
    %cond3A_93 = arith.constant 0 : i32
    %cond3A_94 = arith.cmpi ne, %convert_element_type3A_92, %cond3A_93 : i32
    scf.if %cond3A_94 {
      "tpu.region"() ({
        %run_scoped3A = tpu.sem_alloc : memref<!tpu.dma_semaphore, #tpu.memory_space<semaphore_mem>>
        %dma_start3A_108 = arith.constant 0 : i32
        %dma_start3A_109 = arith.constant 0 : i32
        %dma_start3A_110 = tpu.memref_slice %arg17[%dma_start3A_108, %dma_start3A_109] : memref<10000x128xf32, #tpu.memory_space<vmem_shared>> -> memref<10000x128xf32, #tpu.memory_space<vmem_shared>>
        tpu.enqueue_indirect_dma source(%arg15 : memref<128x128xf32, #tpu.memory_space<vmem>>) target(%dma_start3A_110 : memref<10000x128xf32, #tpu.memory_space<vmem_shared>>) offsets(%arg13 : memref<128xi32, #tpu.memory_space<vmem>>) semaphore(%run_scoped3A : memref<!tpu.dma_semaphore, #tpu.memory_space<semaphore_mem>>) {add = true}
        %dma_wait3A_111 = arith.constant 0 : i32
        %dma_wait3A_112 = arith.constant 0 : i32
        %dma_wait3A_113 = tpu.memref_slice %arg17[%dma_wait3A_111, %dma_wait3A_112] : memref<10000x128xf32, #tpu.memory_space<vmem_shared>> -> memref<10000x128xf32, #tpu.memory_space<vmem_shared>>
        tpu.wait_indirect_dma semaphore(%run_scoped3A : memref<!tpu.dma_semaphore, #tpu.memory_space<semaphore_mem>>) src(%arg15 : memref<128x128xf32, #tpu.memory_space<vmem>>) dst(%dma_wait3A_113 : memref<10000x128xf32, #tpu.memory_space<vmem_shared>>)
        tpu.yield
      }) : () -> ()
    } else {
    }
    %barrier3A_95 = arith.constant 0 : index
    tpu.barrier barrier_id(%barrier3A_95)
    %mul3A_96 = arith.constant 624 : i32
    %mul3A_97 = arith.muli %arg1, %mul3A_96 : i32
    %mul3A_98 = arith.constant 10000 : i32
    %mul3A_99 = arith.muli %arg0, %mul3A_98 : i32
    %mul3A_100 = arith.constant 624 : i32
    %mul3A_101 = arith.muli %arg1, %mul3A_100 : i32
    %add3A_102 = arith.addi %mul3A_99, %mul3A_101 : i32
    "tpu.region"() ({
      %run_scoped3A = tpu.sem_alloc : memref<!tpu.dma_semaphore, #tpu.memory_space<semaphore_mem>>
      %dma_start3A_108 = arith.constant 0 : i32
      %dma_start3A_109 = tpu.memref_slice %arg5[%add3A_102, %dma_start3A_108] : memref<20000x128xf32, #tpu.memory_space<hbm>> -> memref<624x128xf32, #tpu.memory_space<hbm>>
      %dma_start3A_110 = arith.constant 0 : i32
      %dma_start3A_111 = tpu.memref_slice %arg17[%mul3A_97, %dma_start3A_110] : memref<10000x128xf32, #tpu.memory_space<vmem_shared>> -> memref<624x128xf32, #tpu.memory_space<vmem_shared>>
      tpu.enqueue_dma source(%dma_start3A_111 : memref<624x128xf32, #tpu.memory_space<vmem_shared>>) target(%dma_start3A_109 : memref<624x128xf32, #tpu.memory_space<hbm>>) target_semaphore(%run_scoped3A : memref<!tpu.dma_semaphore, #tpu.memory_space<semaphore_mem>>)
      %dma_wait3A_112 = arith.constant 0 : i32
      %dma_wait3A_113 = tpu.memref_slice %arg5[%add3A_102, %dma_wait3A_112] : memref<20000x128xf32, #tpu.memory_space<hbm>> -> memref<624x128xf32, #tpu.memory_space<hbm>>
      %dma_wait3A_114 = arith.constant 0 : i32
      %dma_wait3A_115 = tpu.memref_slice %arg17[%mul3A_97, %dma_wait3A_114] : memref<10000x128xf32, #tpu.memory_space<vmem_shared>> -> memref<624x128xf32, #tpu.memory_space<vmem_shared>>
      tpu.wait_dma2 semaphore(%run_scoped3A : memref<!tpu.dma_semaphore, #tpu.memory_space<semaphore_mem>>) src(%dma_wait3A_115 : memref<624x128xf32, #tpu.memory_space<vmem_shared>>) dst(%dma_wait3A_113 : memref<624x128xf32, #tpu.memory_space<hbm>>)
      tpu.yield
    }) : () -> ()
    %eq3A_103 = arith.constant 0 : i32
    %eq3A_104 = arith.cmpi eq, %arg1, %eq3A_103 : i32
    %convert_element_type3A_105 = arith.extui %eq3A_104 : i1 to i32
    %cond3A_106 = arith.constant 0 : i32
    %cond3A_107 = arith.cmpi ne, %convert_element_type3A_105, %cond3A_106 : i32
    scf.if %cond3A_107 {
      %mul3A_108 = arith.constant 10000 : i32
      %mul3A_109 = arith.muli %arg0, %mul3A_108 : i32
      %add3A_110 = arith.constant 9984 : i32
      %add3A_111 = arith.addi %mul3A_109, %add3A_110 : i32
      "tpu.region"() ({
        %run_scoped3A = tpu.sem_alloc : memref<!tpu.dma_semaphore, #tpu.memory_space<semaphore_mem>>
        %dma_start3A_112 = arith.constant 0 : i32
        %dma_start3A_113 = tpu.memref_slice %arg5[%add3A_111, %dma_start3A_112] : memref<20000x128xf32, #tpu.memory_space<hbm>> -> memref<16x128xf32, #tpu.memory_space<hbm>>
        %dma_start3A_114 = arith.constant 9984 : i32
        %dma_start3A_115 = arith.constant 0 : i32
        %dma_start3A_116 = tpu.memref_slice %arg17[%dma_start3A_114, %dma_start3A_115] : memref<10000x128xf32, #tpu.memory_space<vmem_shared>> -> memref<16x128xf32, #tpu.memory_space<vmem_shared>>
        tpu.enqueue_dma source(%dma_start3A_116 : memref<16x128xf32, #tpu.memory_space<vmem_shared>>) target(%dma_start3A_113 : memref<16x128xf32, #tpu.memory_space<hbm>>) target_semaphore(%run_scoped3A : memref<!tpu.dma_semaphore, #tpu.memory_space<semaphore_mem>>)
        %dma_wait3A_117 = arith.constant 0 : i32
        %dma_wait3A_118 = tpu.memref_slice %arg5[%add3A_111, %dma_wait3A_117] : memref<20000x128xf32, #tpu.memory_space<hbm>> -> memref<16x128xf32, #tpu.memory_space<hbm>>
        %dma_wait3A_119 = arith.constant 9984 : i32
        %dma_wait3A_120 = arith.constant 0 : i32
        %dma_wait3A_121 = tpu.memref_slice %arg17[%dma_wait3A_119, %dma_wait3A_120] : memref<10000x128xf32, #tpu.memory_space<vmem_shared>> -> memref<16x128xf32, #tpu.memory_space<vmem_shared>>
        tpu.wait_dma2 semaphore(%run_scoped3A : memref<!tpu.dma_semaphore, #tpu.memory_space<semaphore_mem>>) src(%dma_wait3A_121 : memref<16x128xf32, #tpu.memory_space<vmem_shared>>) dst(%dma_wait3A_118 : memref<16x128xf32, #tpu.memory_space<hbm>>)
        tpu.yield
      }) : () -> ()
    } else {
    }
    return
  }
}

#map = affine_map<(d0, d1) -> (0)>
#map1 = affine_map<(d0, d1) -> (0, 0)>
module attributes {stable_mosaic.version = 14 : i64} {
  func.func @run(%arg0: i32, %arg1: i32, %arg2: memref<320000xi32, #tpu.memory_space<hbm>>, %arg3: memref<320000xi32, #tpu.memory_space<hbm>>, %arg4: memref<10000x128xf32, #tpu.memory_space<hbm>>, %arg5: memref<20000x128xf32, #tpu.memory_space<hbm>>, %arg6: memref<128xi32, #tpu.memory_space<vmem>>, %arg7: memref<128xi32, #tpu.memory_space<vmem>>, %arg8: memref<128xi32, #tpu.memory_space<vmem>>, %arg9: memref<128xi32, #tpu.memory_space<vmem>>, %arg10: memref<128xi32, #tpu.memory_space<vmem>>, %arg11: memref<128xi32, #tpu.memory_space<vmem>>, %arg12: memref<128xi32, #tpu.memory_space<vmem>>, %arg13: memref<128xi32, #tpu.memory_space<vmem>>, %arg14: memref<128x128xf32, #tpu.memory_space<vmem>>, %arg15: memref<128x128xf32, #tpu.memory_space<vmem>>, %arg16: memref<104x128xf32, #tpu.memory_space<vmem>>, %arg17: memref<10000x128xf32, #tpu.memory_space<vmem_shared>>, %arg18: memref<!tpu.dma_semaphore, #tpu.memory_space<semaphore_mem>>, %arg19: memref<!tpu.dma_semaphore, #tpu.memory_space<semaphore_mem>>, %arg20: memref<!tpu.dma_semaphore, #tpu.memory_space<semaphore_mem>>, %arg21: memref<!tpu.dma_semaphore, #tpu.memory_space<semaphore_mem>>, %arg22: memref<!tpu.dma_semaphore, #tpu.memory_space<semaphore_mem>>, %arg23: memref<!tpu.dma_semaphore, #tpu.memory_space<semaphore_mem>>, %arg24: memref<!tpu.dma_semaphore, #tpu.memory_space<semaphore_mem>>, %arg25: memref<!tpu.dma_semaphore, #tpu.memory_space<semaphore_mem>>, %arg26: memref<!tpu.dma_semaphore, #tpu.memory_space<semaphore_mem>>, %arg27: memref<!tpu.dma_semaphore, #tpu.memory_space<semaphore_mem>>) attributes {dimension_semantics = [#tpu.dimension_semantics<core_parallel>, #tpu.dimension_semantics<subcore_parallel>], iteration_bounds = array<i64: 2, 16>, scalar_prefetch = 0 : i64, scratch_operands = 22 : i64, tpu.core_type = #tpu.core_type<sc_vector_subcore>, window_params = [{transform_indices = #map}, {transform_indices = #map}, {transform_indices = #map1}, {transform_indices = #map1}]} {
    %mul3A = arith.constant 16 : i32
    %mul3A_0 = arith.muli %arg0, %mul3A : i32
    %add3A = arith.addi %mul3A_0, %arg1 : i32
    %scan3A = arith.constant 0 : i32
    %scan3A_1 = arith.constant 0 : i32
    %scan3A_2 = arith.constant 104 : i32
    %scan3A_3 = arith.addi %scan3A_1, %scan3A_2 : i32
    %scan3A_4 = arith.constant 1 : i32
    scf.for %scan3A_108 = %scan3A_1 to %scan3A_3 step %scan3A_4  : i32 {
      %broadcast_in_dim3A = arith.constant 0.000000e+00 : f32
      %broadcast_in_dim3A_109 = vector.broadcast %broadcast_in_dim3A : f32 to vector<16xf32>
      %swap3A = arith.index_cast %scan3A_108 : i32 to index
      %swap3A_110 = arith.constant 0 : index
      %swap3A_111 = tpu.vector_load %arg16[%swap3A, %swap3A_110] {strides = array<i32>} : memref<104x128xf32, #tpu.memory_space<vmem>>, vector<1x16xf32>,
      %swap3A_112 = vector.shape_cast %swap3A_111 : vector<1x16xf32> to vector<16xf32>
      %swap3A_113 = vector.shape_cast %broadcast_in_dim3A_109 : vector<16xf32> to vector<1x16xf32>
      tpu.vector_store %arg16[%swap3A, %swap3A_110], %swap3A_113 {strides = array<i32>} : memref<104x128xf32, #tpu.memory_space<vmem>>, vector<1x16xf32>,
      %broadcast_in_dim3A_114 = arith.constant 0.000000e+00 : f32
      %broadcast_in_dim3A_115 = vector.broadcast %broadcast_in_dim3A_114 : f32 to vector<16xf32>
      %swap3A_116 = arith.index_cast %scan3A_108 : i32 to index
      %swap3A_117 = arith.constant 16 : index
      %swap3A_118 = tpu.vector_load %arg16[%swap3A_116, %swap3A_117] {strides = array<i32>} : memref<104x128xf32, #tpu.memory_space<vmem>>, vector<1x16xf32>,
      %swap3A_119 = vector.shape_cast %swap3A_118 : vector<1x16xf32> to vector<16xf32>
      %swap3A_120 = vector.shape_cast %broadcast_in_dim3A_115 : vector<16xf32> to vector<1x16xf32>
      tpu.vector_store %arg16[%swap3A_116, %swap3A_117], %swap3A_120 {strides = array<i32>} : memref<104x128xf32, #tpu.memory_space<vmem>>, vector<1x16xf32>,
      %broadcast_in_dim3A_121 = arith.constant 0.000000e+00 : f32
      %broadcast_in_dim3A_122 = vector.broadcast %broadcast_in_dim3A_121 : f32 to vector<16xf32>
      %swap3A_123 = arith.index_cast %scan3A_108 : i32 to index
      %swap3A_124 = arith.constant 32 : index
      %swap3A_125 = tpu.vector_load %arg16[%swap3A_123, %swap3A_124] {strides = array<i32>} : memref<104x128xf32, #tpu.memory_space<vmem>>, vector<1x16xf32>,
      %swap3A_126 = vector.shape_cast %swap3A_125 : vector<1x16xf32> to vector<16xf32>
      %swap3A_127 = vector.shape_cast %broadcast_in_dim3A_122 : vector<16xf32> to vector<1x16xf32>
      tpu.vector_store %arg16[%swap3A_123, %swap3A_124], %swap3A_127 {strides = array<i32>} : memref<104x128xf32, #tpu.memory_space<vmem>>, vector<1x16xf32>,
      %broadcast_in_dim3A_128 = arith.constant 0.000000e+00 : f32
      %broadcast_in_dim3A_129 = vector.broadcast %broadcast_in_dim3A_128 : f32 to vector<16xf32>
      %swap3A_130 = arith.index_cast %scan3A_108 : i32 to index
      %swap3A_131 = arith.constant 48 : index
      %swap3A_132 = tpu.vector_load %arg16[%swap3A_130, %swap3A_131] {strides = array<i32>} : memref<104x128xf32, #tpu.memory_space<vmem>>, vector<1x16xf32>,
      %swap3A_133 = vector.shape_cast %swap3A_132 : vector<1x16xf32> to vector<16xf32>
      %swap3A_134 = vector.shape_cast %broadcast_in_dim3A_129 : vector<16xf32> to vector<1x16xf32>
      tpu.vector_store %arg16[%swap3A_130, %swap3A_131], %swap3A_134 {strides = array<i32>} : memref<104x128xf32, #tpu.memory_space<vmem>>, vector<1x16xf32>,
      %broadcast_in_dim3A_135 = arith.constant 0.000000e+00 : f32
      %broadcast_in_dim3A_136 = vector.broadcast %broadcast_in_dim3A_135 : f32 to vector<16xf32>
      %swap3A_137 = arith.index_cast %scan3A_108 : i32 to index
      %swap3A_138 = arith.constant 64 : index
      %swap3A_139 = tpu.vector_load %arg16[%swap3A_137, %swap3A_138] {strides = array<i32>} : memref<104x128xf32, #tpu.memory_space<vmem>>, vector<1x16xf32>,
      %swap3A_140 = vector.shape_cast %swap3A_139 : vector<1x16xf32> to vector<16xf32>
      %swap3A_141 = vector.shape_cast %broadcast_in_dim3A_136 : vector<16xf32> to vector<1x16xf32>
      tpu.vector_store %arg16[%swap3A_137, %swap3A_138], %swap3A_141 {strides = array<i32>} : memref<104x128xf32, #tpu.memory_space<vmem>>, vector<1x16xf32>,
      %broadcast_in_dim3A_142 = arith.constant 0.000000e+00 : f32
      %broadcast_in_dim3A_143 = vector.broadcast %broadcast_in_dim3A_142 : f32 to vector<16xf32>
      %swap3A_144 = arith.index_cast %scan3A_108 : i32 to index
      %swap3A_145 = arith.constant 80 : index
      %swap3A_146 = tpu.vector_load %arg16[%swap3A_144, %swap3A_145] {strides = array<i32>} : memref<104x128xf32, #tpu.memory_space<vmem>>, vector<1x16xf32>,
      %swap3A_147 = vector.shape_cast %swap3A_146 : vector<1x16xf32> to vector<16xf32>
      %swap3A_148 = vector.shape_cast %broadcast_in_dim3A_143 : vector<16xf32> to vector<1x16xf32>
      tpu.vector_store %arg16[%swap3A_144, %swap3A_145], %swap3A_148 {strides = array<i32>} : memref<104x128xf32, #tpu.memory_space<vmem>>, vector<1x16xf32>,
      %broadcast_in_dim3A_149 = arith.constant 0.000000e+00 : f32
      %broadcast_in_dim3A_150 = vector.broadcast %broadcast_in_dim3A_149 : f32 to vector<16xf32>
      %swap3A_151 = arith.index_cast %scan3A_108 : i32 to index
      %swap3A_152 = arith.constant 96 : index
      %swap3A_153 = tpu.vector_load %arg16[%swap3A_151, %swap3A_152] {strides = array<i32>} : memref<104x128xf32, #tpu.memory_space<vmem>>, vector<1x16xf32>,
      %swap3A_154 = vector.shape_cast %swap3A_153 : vector<1x16xf32> to vector<16xf32>
      %swap3A_155 = vector.shape_cast %broadcast_in_dim3A_150 : vector<16xf32> to vector<1x16xf32>
      tpu.vector_store %arg16[%swap3A_151, %swap3A_152], %swap3A_155 {strides = array<i32>} : memref<104x128xf32, #tpu.memory_space<vmem>>, vector<1x16xf32>,
      %broadcast_in_dim3A_156 = arith.constant 0.000000e+00 : f32
      %broadcast_in_dim3A_157 = vector.broadcast %broadcast_in_dim3A_156 : f32 to vector<16xf32>
      %swap3A_158 = arith.index_cast %scan3A_108 : i32 to index
      %swap3A_159 = arith.constant 112 : index
      %swap3A_160 = tpu.vector_load %arg16[%swap3A_158, %swap3A_159] {strides = array<i32>} : memref<104x128xf32, #tpu.memory_space<vmem>>, vector<1x16xf32>,
      %swap3A_161 = vector.shape_cast %swap3A_160 : vector<1x16xf32> to vector<16xf32>
      %swap3A_162 = vector.shape_cast %broadcast_in_dim3A_157 : vector<16xf32> to vector<1x16xf32>
      tpu.vector_store %arg16[%swap3A_158, %swap3A_159], %swap3A_162 {strides = array<i32>} : memref<104x128xf32, #tpu.memory_space<vmem>>, vector<1x16xf32>,
    }
    %scan3A_5 = arith.constant 104 : i32
    %mul3A_6 = arith.constant 624 : i32
    %mul3A_7 = arith.muli %arg1, %mul3A_6 : i32
    %add3A_8 = arith.constant 0 : i32
    %add3A_9 = arith.addi %mul3A_7, %add3A_8 : i32
    "tpu.region"() ({
      %run_scoped3A = tpu.sem_alloc : memref<!tpu.dma_semaphore, #tpu.memory_space<semaphore_mem>>
      %dma_start3A_108 = arith.constant 0 : i32
      %dma_start3A_109 = tpu.memref_slice %arg17[%add3A_9, %dma_start3A_108] : memref<10000x128xf32, #tpu.memory_space<vmem_shared>> -> memref<104x128xf32, #tpu.memory_space<vmem_shared>>
      %dma_start3A_110 = arith.constant 0 : i32
      %dma_start3A_111 = tpu.memref_slice %arg17[%add3A_9, %dma_start3A_110] : memref<10000x128xf32, #tpu.memory_space<vmem_shared>> -> memref<104x128xf32, #tpu.memory_space<vmem_shared>>
      tpu.enqueue_dma source(%arg16 : memref<104x128xf32, #tpu.memory_space<vmem>>) target(%dma_start3A_111 : memref<104x128xf32, #tpu.memory_space<vmem_shared>>) target_semaphore(%run_scoped3A : memref<!tpu.dma_semaphore, #tpu.memory_space<semaphore_mem>>)
      %dma_wait3A_112 = arith.constant 0 : i32
      %dma_wait3A_113 = tpu.memref_slice %arg17[%add3A_9, %dma_wait3A_112] : memref<10000x128xf32, #tpu.memory_space<vmem_shared>> -> memref<104x128xf32, #tpu.memory_space<vmem_shared>>
      %dma_wait3A_114 = arith.constant 0 : i32
      %dma_wait3A_115 = tpu.memref_slice %arg17[%add3A_9, %dma_wait3A_114] : memref<10000x128xf32, #tpu.memory_space<vmem_shared>> -> memref<104x128xf32, #tpu.memory_space<vmem_shared>>
      tpu.wait_dma2 semaphore(%run_scoped3A : memref<!tpu.dma_semaphore, #tpu.memory_space<semaphore_mem>>) src(%arg16 : memref<104x128xf32, #tpu.memory_space<vmem>>) dst(%dma_wait3A_115 : memref<104x128xf32, #tpu.memory_space<vmem_shared>>)
      tpu.yield
    }) : () -> ()
    %mul3A_10 = arith.constant 624 : i32
    %mul3A_11 = arith.muli %arg1, %mul3A_10 : i32
    %add3A_12 = arith.constant 104 : i32
    %add3A_13 = arith.addi %mul3A_11, %add3A_12 : i32
    "tpu.region"() ({
      %run_scoped3A = tpu.sem_alloc : memref<!tpu.dma_semaphore, #tpu.memory_space<semaphore_mem>>
      %dma_start3A_108 = arith.constant 0 : i32
      %dma_start3A_109 = tpu.memref_slice %arg17[%add3A_13, %dma_start3A_108] : memref<10000x128xf32, #tpu.memory_space<vmem_shared>> -> memref<104x128xf32, #tpu.memory_space<vmem_shared>>
      %dma_start3A_110 = arith.constant 0 : i32
      %dma_start3A_111 = tpu.memref_slice %arg17[%add3A_13, %dma_start3A_110] : memref<10000x128xf32, #tpu.memory_space<vmem_shared>> -> memref<104x128xf32, #tpu.memory_space<vmem_shared>>
      tpu.enqueue_dma source(%arg16 : memref<104x128xf32, #tpu.memory_space<vmem>>) target(%dma_start3A_111 : memref<104x128xf32, #tpu.memory_space<vmem_shared>>) target_semaphore(%run_scoped3A : memref<!tpu.dma_semaphore, #tpu.memory_space<semaphore_mem>>)
      %dma_wait3A_112 = arith.constant 0 : i32
      %dma_wait3A_113 = tpu.memref_slice %arg17[%add3A_13, %dma_wait3A_112] : memref<10000x128xf32, #tpu.memory_space<vmem_shared>> -> memref<104x128xf32, #tpu.memory_space<vmem_shared>>
      %dma_wait3A_114 = arith.constant 0 : i32
      %dma_wait3A_115 = tpu.memref_slice %arg17[%add3A_13, %dma_wait3A_114] : memref<10000x128xf32, #tpu.memory_space<vmem_shared>> -> memref<104x128xf32, #tpu.memory_space<vmem_shared>>
      tpu.wait_dma2 semaphore(%run_scoped3A : memref<!tpu.dma_semaphore, #tpu.memory_space<semaphore_mem>>) src(%arg16 : memref<104x128xf32, #tpu.memory_space<vmem>>) dst(%dma_wait3A_115 : memref<104x128xf32, #tpu.memory_space<vmem_shared>>)
      tpu.yield
    }) : () -> ()
    %mul3A_14 = arith.constant 624 : i32
    %mul3A_15 = arith.muli %arg1, %mul3A_14 : i32
    %add3A_16 = arith.constant 208 : i32
    %add3A_17 = arith.addi %mul3A_15, %add3A_16 : i32
    "tpu.region"() ({
      %run_scoped3A = tpu.sem_alloc : memref<!tpu.dma_semaphore, #tpu.memory_space<semaphore_mem>>
      %dma_start3A_108 = arith.constant 0 : i32
      %dma_start3A_109 = tpu.memref_slice %arg17[%add3A_17, %dma_start3A_108] : memref<10000x128xf32, #tpu.memory_space<vmem_shared>> -> memref<104x128xf32, #tpu.memory_space<vmem_shared>>
      %dma_start3A_110 = arith.constant 0 : i32
      %dma_start3A_111 = tpu.memref_slice %arg17[%add3A_17, %dma_start3A_110] : memref<10000x128xf32, #tpu.memory_space<vmem_shared>> -> memref<104x128xf32, #tpu.memory_space<vmem_shared>>
      tpu.enqueue_dma source(%arg16 : memref<104x128xf32, #tpu.memory_space<vmem>>) target(%dma_start3A_111 : memref<104x128xf32, #tpu.memory_space<vmem_shared>>) target_semaphore(%run_scoped3A : memref<!tpu.dma_semaphore, #tpu.memory_space<semaphore_mem>>)
      %dma_wait3A_112 = arith.constant 0 : i32
      %dma_wait3A_113 = tpu.memref_slice %arg17[%add3A_17, %dma_wait3A_112] : memref<10000x128xf32, #tpu.memory_space<vmem_shared>> -> memref<104x128xf32, #tpu.memory_space<vmem_shared>>
      %dma_wait3A_114 = arith.constant 0 : i32
      %dma_wait3A_115 = tpu.memref_slice %arg17[%add3A_17, %dma_wait3A_114] : memref<10000x128xf32, #tpu.memory_space<vmem_shared>> -> memref<104x128xf32, #tpu.memory_space<vmem_shared>>
      tpu.wait_dma2 semaphore(%run_scoped3A : memref<!tpu.dma_semaphore, #tpu.memory_space<semaphore_mem>>) src(%arg16 : memref<104x128xf32, #tpu.memory_space<vmem>>) dst(%dma_wait3A_115 : memref<104x128xf32, #tpu.memory_space<vmem_shared>>)
      tpu.yield
    }) : () -> ()
    %mul3A_18 = arith.constant 624 : i32
    %mul3A_19 = arith.muli %arg1, %mul3A_18 : i32
    %add3A_20 = arith.constant 312 : i32
    %add3A_21 = arith.addi %mul3A_19, %add3A_20 : i32
    "tpu.region"() ({
      %run_scoped3A = tpu.sem_alloc : memref<!tpu.dma_semaphore, #tpu.memory_space<semaphore_mem>>
      %dma_start3A_108 = arith.constant 0 : i32
      %dma_start3A_109 = tpu.memref_slice %arg17[%add3A_21, %dma_start3A_108] : memref<10000x128xf32, #tpu.memory_space<vmem_shared>> -> memref<104x128xf32, #tpu.memory_space<vmem_shared>>
      %dma_start3A_110 = arith.constant 0 : i32
      %dma_start3A_111 = tpu.memref_slice %arg17[%add3A_21, %dma_start3A_110] : memref<10000x128xf32, #tpu.memory_space<vmem_shared>> -> memref<104x128xf32, #tpu.memory_space<vmem_shared>>
      tpu.enqueue_dma source(%arg16 : memref<104x128xf32, #tpu.memory_space<vmem>>) target(%dma_start3A_111 : memref<104x128xf32, #tpu.memory_space<vmem_shared>>) target_semaphore(%run_scoped3A : memref<!tpu.dma_semaphore, #tpu.memory_space<semaphore_mem>>)
      %dma_wait3A_112 = arith.constant 0 : i32
      %dma_wait3A_113 = tpu.memref_slice %arg17[%add3A_21, %dma_wait3A_112] : memref<10000x128xf32, #tpu.memory_space<vmem_shared>> -> memref<104x128xf32, #tpu.memory_space<vmem_shared>>
      %dma_wait3A_114 = arith.constant 0 : i32
      %dma_wait3A_115 = tpu.memref_slice %arg17[%add3A_21, %dma_wait3A_114] : memref<10000x128xf32, #tpu.memory_space<vmem_shared>> -> memref<104x128xf32, #tpu.memory_space<vmem_shared>>
      tpu.wait_dma2 semaphore(%run_scoped3A : memref<!tpu.dma_semaphore, #tpu.memory_space<semaphore_mem>>) src(%arg16 : memref<104x128xf32, #tpu.memory_space<vmem>>) dst(%dma_wait3A_115 : memref<104x128xf32, #tpu.memory_space<vmem_shared>>)
      tpu.yield
    }) : () -> ()
    %mul3A_22 = arith.constant 624 : i32
    %mul3A_23 = arith.muli %arg1, %mul3A_22 : i32
    %add3A_24 = arith.constant 416 : i32
    %add3A_25 = arith.addi %mul3A_23, %add3A_24 : i32
    "tpu.region"() ({
      %run_scoped3A = tpu.sem_alloc : memref<!tpu.dma_semaphore, #tpu.memory_space<semaphore_mem>>
      %dma_start3A_108 = arith.constant 0 : i32
      %dma_start3A_109 = tpu.memref_slice %arg17[%add3A_25, %dma_start3A_108] : memref<10000x128xf32, #tpu.memory_space<vmem_shared>> -> memref<104x128xf32, #tpu.memory_space<vmem_shared>>
      %dma_start3A_110 = arith.constant 0 : i32
      %dma_start3A_111 = tpu.memref_slice %arg17[%add3A_25, %dma_start3A_110] : memref<10000x128xf32, #tpu.memory_space<vmem_shared>> -> memref<104x128xf32, #tpu.memory_space<vmem_shared>>
      tpu.enqueue_dma source(%arg16 : memref<104x128xf32, #tpu.memory_space<vmem>>) target(%dma_start3A_111 : memref<104x128xf32, #tpu.memory_space<vmem_shared>>) target_semaphore(%run_scoped3A : memref<!tpu.dma_semaphore, #tpu.memory_space<semaphore_mem>>)
      %dma_wait3A_112 = arith.constant 0 : i32
      %dma_wait3A_113 = tpu.memref_slice %arg17[%add3A_25, %dma_wait3A_112] : memref<10000x128xf32, #tpu.memory_space<vmem_shared>> -> memref<104x128xf32, #tpu.memory_space<vmem_shared>>
      %dma_wait3A_114 = arith.constant 0 : i32
      %dma_wait3A_115 = tpu.memref_slice %arg17[%add3A_25, %dma_wait3A_114] : memref<10000x128xf32, #tpu.memory_space<vmem_shared>> -> memref<104x128xf32, #tpu.memory_space<vmem_shared>>
      tpu.wait_dma2 semaphore(%run_scoped3A : memref<!tpu.dma_semaphore, #tpu.memory_space<semaphore_mem>>) src(%arg16 : memref<104x128xf32, #tpu.memory_space<vmem>>) dst(%dma_wait3A_115 : memref<104x128xf32, #tpu.memory_space<vmem_shared>>)
      tpu.yield
    }) : () -> ()
    %mul3A_26 = arith.constant 624 : i32
    %mul3A_27 = arith.muli %arg1, %mul3A_26 : i32
    %add3A_28 = arith.constant 520 : i32
    %add3A_29 = arith.addi %mul3A_27, %add3A_28 : i32
    "tpu.region"() ({
      %run_scoped3A = tpu.sem_alloc : memref<!tpu.dma_semaphore, #tpu.memory_space<semaphore_mem>>
      %dma_start3A_108 = arith.constant 0 : i32
      %dma_start3A_109 = tpu.memref_slice %arg17[%add3A_29, %dma_start3A_108] : memref<10000x128xf32, #tpu.memory_space<vmem_shared>> -> memref<104x128xf32, #tpu.memory_space<vmem_shared>>
      %dma_start3A_110 = arith.constant 0 : i32
      %dma_start3A_111 = tpu.memref_slice %arg17[%add3A_29, %dma_start3A_110] : memref<10000x128xf32, #tpu.memory_space<vmem_shared>> -> memref<104x128xf32, #tpu.memory_space<vmem_shared>>
      tpu.enqueue_dma source(%arg16 : memref<104x128xf32, #tpu.memory_space<vmem>>) target(%dma_start3A_111 : memref<104x128xf32, #tpu.memory_space<vmem_shared>>) target_semaphore(%run_scoped3A : memref<!tpu.dma_semaphore, #tpu.memory_space<semaphore_mem>>)
      %dma_wait3A_112 = arith.constant 0 : i32
      %dma_wait3A_113 = tpu.memref_slice %arg17[%add3A_29, %dma_wait3A_112] : memref<10000x128xf32, #tpu.memory_space<vmem_shared>> -> memref<104x128xf32, #tpu.memory_space<vmem_shared>>
      %dma_wait3A_114 = arith.constant 0 : i32
      %dma_wait3A_115 = tpu.memref_slice %arg17[%add3A_29, %dma_wait3A_114] : memref<10000x128xf32, #tpu.memory_space<vmem_shared>> -> memref<104x128xf32, #tpu.memory_space<vmem_shared>>
      tpu.wait_dma2 semaphore(%run_scoped3A : memref<!tpu.dma_semaphore, #tpu.memory_space<semaphore_mem>>) src(%arg16 : memref<104x128xf32, #tpu.memory_space<vmem>>) dst(%dma_wait3A_115 : memref<104x128xf32, #tpu.memory_space<vmem_shared>>)
      tpu.yield
    }) : () -> ()
    %eq3A = arith.constant 0 : i32
    %eq3A_30 = arith.cmpi eq, %arg1, %eq3A : i32
    %convert_element_type3A = arith.extui %eq3A_30 : i1 to i32
    %cond3A = arith.constant 0 : i32
    %cond3A_31 = arith.cmpi ne, %convert_element_type3A, %cond3A : i32
    scf.if %cond3A_31 {
      "tpu.region"() ({
        %run_scoped3A = tpu.sem_alloc : memref<!tpu.dma_semaphore, #tpu.memory_space<semaphore_mem>>
        %dma_start3A_108 = arith.constant 0 : i32
        %dma_start3A_109 = arith.constant 0 : i32
        %dma_start3A_110 = tpu.memref_slice %arg16[%dma_start3A_108, %dma_start3A_109] : memref<104x128xf32, #tpu.memory_space<vmem>> -> memref<16x128xf32, #tpu.memory_space<vmem>>
        %dma_start3A_111 = arith.constant 9984 : i32
        %dma_start3A_112 = arith.constant 0 : i32
        %dma_start3A_113 = tpu.memref_slice %arg17[%dma_start3A_111, %dma_start3A_112] : memref<10000x128xf32, #tpu.memory_space<vmem_shared>> -> memref<16x128xf32, #tpu.memory_space<vmem_shared>>
        %dma_start3A_114 = arith.constant 9984 : i32
        %dma_start3A_115 = arith.constant 0 : i32
        %dma_start3A_116 = tpu.memref_slice %arg17[%dma_start3A_114, %dma_start3A_115] : memref<10000x128xf32, #tpu.memory_space<vmem_shared>> -> memref<16x128xf32, #tpu.memory_space<vmem_shared>>
        %dma_start3A_117 = arith.constant 0 : i32
        %dma_start3A_118 = arith.constant 0 : i32
        %dma_start3A_119 = tpu.memref_slice %arg16[%dma_start3A_117, %dma_start3A_118] : memref<104x128xf32, #tpu.memory_space<vmem>> -> memref<16x128xf32, #tpu.memory_space<vmem>>
        tpu.enqueue_dma source(%dma_start3A_119 : memref<16x128xf32, #tpu.memory_space<vmem>>) target(%dma_start3A_116 : memref<16x128xf32, #tpu.memory_space<vmem_shared>>) target_semaphore(%run_scoped3A : memref<!tpu.dma_semaphore, #tpu.memory_space<semaphore_mem>>)
        %dma_wait3A_120 = arith.constant 0 : i32
        %dma_wait3A_121 = arith.constant 0 : i32
        %dma_wait3A_122 = tpu.memref_slice %arg16[%dma_wait3A_120, %dma_wait3A_121] : memref<104x128xf32, #tpu.memory_space<vmem>> -> memref<16x128xf32, #tpu.memory_space<vmem>>
        %dma_wait3A_123 = arith.constant 9984 : i32
        %dma_wait3A_124 = arith.constant 0 : i32
        %dma_wait3A_125 = tpu.memref_slice %arg17[%dma_wait3A_123, %dma_wait3A_124] : memref<10000x128xf32, #tpu.memory_space<vmem_shared>> -> memref<16x128xf32, #tpu.memory_space<vmem_shared>>
        %dma_wait3A_126 = arith.constant 9984 : i32
        %dma_wait3A_127 = arith.constant 0 : i32
        %dma_wait3A_128 = tpu.memref_slice %arg17[%dma_wait3A_126, %dma_wait3A_127] : memref<10000x128xf32, #tpu.memory_space<vmem_shared>> -> memref<16x128xf32, #tpu.memory_space<vmem_shared>>
        %dma_wait3A_129 = arith.constant 0 : i32
        %dma_wait3A_130 = arith.constant 0 : i32
        %dma_wait3A_131 = tpu.memref_slice %arg16[%dma_wait3A_129, %dma_wait3A_130] : memref<104x128xf32, #tpu.memory_space<vmem>> -> memref<16x128xf32, #tpu.memory_space<vmem>>
        tpu.wait_dma2 semaphore(%run_scoped3A : memref<!tpu.dma_semaphore, #tpu.memory_space<semaphore_mem>>) src(%dma_wait3A_131 : memref<16x128xf32, #tpu.memory_space<vmem>>) dst(%dma_wait3A_128 : memref<16x128xf32, #tpu.memory_space<vmem_shared>>)
        tpu.yield
      }) : () -> ()
    } else {
    }
    %barrier3A = arith.constant 0 : index
    tpu.barrier barrier_id(%barrier3A)
    %add3A_32 = arith.constant 0 : i32
    %add3A_33 = arith.addi %add3A, %add3A_32 : i32
    %lt3A = arith.constant 2500 : i32
    %lt3A_34 = arith.cmpi slt, %add3A_33, %lt3A : i32
    %mul3A_35 = arith.constant 128 : i32
    %mul3A_36 = arith.muli %add3A_33, %mul3A_35 : i32
    %jit3A = arith.constant 0 : i32
    %select_n3A = arith.select %lt3A_34, %mul3A_36, %jit3A : i32
    %lt3A_37 = arith.constant 2500 : i32
    %lt3A_38 = arith.cmpi slt, %add3A_33, %lt3A_37 : i32
    %dma_start3A = tpu.memref_slice %arg2[%select_n3A] : memref<320000xi32, #tpu.memory_space<hbm>> -> memref<128xi32, #tpu.memory_space<hbm>>
    %dma_start3A_39 = tpu.memref_slice %arg2[%select_n3A] : memref<320000xi32, #tpu.memory_space<hbm>> -> memref<128xi32, #tpu.memory_space<hbm>>
    tpu.enqueue_dma source(%dma_start3A_39 : memref<128xi32, #tpu.memory_space<hbm>>) target(%arg6 : memref<128xi32, #tpu.memory_space<vmem>>) target_semaphore(%arg18 : memref<!tpu.dma_semaphore, #tpu.memory_space<semaphore_mem>>)
    %dma_start3A_40 = tpu.memref_slice %arg3[%select_n3A] : memref<320000xi32, #tpu.memory_space<hbm>> -> memref<128xi32, #tpu.memory_space<hbm>>
    %dma_start3A_41 = tpu.memref_slice %arg3[%select_n3A] : memref<320000xi32, #tpu.memory_space<hbm>> -> memref<128xi32, #tpu.memory_space<hbm>>
    tpu.enqueue_dma source(%dma_start3A_41 : memref<128xi32, #tpu.memory_space<hbm>>) target(%arg10 : memref<128xi32, #tpu.memory_space<vmem>>) target_semaphore(%arg22 : memref<!tpu.dma_semaphore, #tpu.memory_space<semaphore_mem>>)
    %add3A_42 = arith.constant 32 : i32
    %add3A_43 = arith.addi %add3A, %add3A_42 : i32
    %lt3A_44 = arith.constant 2500 : i32
    %lt3A_45 = arith.cmpi slt, %add3A_43, %lt3A_44 : i32
    %mul3A_46 = arith.constant 128 : i32
    %mul3A_47 = arith.muli %add3A_43, %mul3A_46 : i32
    %jit3A_48 = arith.constant 0 : i32
    %select_n3A_49 = arith.select %lt3A_45, %mul3A_47, %jit3A_48 : i32
    %lt3A_50 = arith.constant 2500 : i32
    %lt3A_51 = arith.cmpi slt, %add3A_43, %lt3A_50 : i32
    %dma_start3A_52 = tpu.memref_slice %arg2[%select_n3A_49] : memref<320000xi32, #tpu.memory_space<hbm>> -> memref<128xi32, #tpu.memory_space<hbm>>
    %dma_start3A_53 = tpu.memref_slice %arg2[%select_n3A_49] : memref<320000xi32, #tpu.memory_space<hbm>> -> memref<128xi32, #tpu.memory_space<hbm>>
    tpu.enqueue_dma source(%dma_start3A_53 : memref<128xi32, #tpu.memory_space<hbm>>) target(%arg7 : memref<128xi32, #tpu.memory_space<vmem>>) target_semaphore(%arg19 : memref<!tpu.dma_semaphore, #tpu.memory_space<semaphore_mem>>)
    %dma_start3A_54 = tpu.memref_slice %arg3[%select_n3A_49] : memref<320000xi32, #tpu.memory_space<hbm>> -> memref<128xi32, #tpu.memory_space<hbm>>
    %dma_start3A_55 = tpu.memref_slice %arg3[%select_n3A_49] : memref<320000xi32, #tpu.memory_space<hbm>> -> memref<128xi32, #tpu.memory_space<hbm>>
    tpu.enqueue_dma source(%dma_start3A_55 : memref<128xi32, #tpu.memory_space<hbm>>) target(%arg11 : memref<128xi32, #tpu.memory_space<vmem>>) target_semaphore(%arg23 : memref<!tpu.dma_semaphore, #tpu.memory_space<semaphore_mem>>)
    %add3A_56 = arith.constant 64 : i32
    %add3A_57 = arith.addi %add3A, %add3A_56 : i32
    %lt3A_58 = arith.constant 2500 : i32
    %lt3A_59 = arith.cmpi slt, %add3A_57, %lt3A_58 : i32
    %mul3A_60 = arith.constant 128 : i32
    %mul3A_61 = arith.muli %add3A_57, %mul3A_60 : i32
    %jit3A_62 = arith.constant 0 : i32
    %select_n3A_63 = arith.select %lt3A_59, %mul3A_61, %jit3A_62 : i32
    %lt3A_64 = arith.constant 2500 : i32
    %lt3A_65 = arith.cmpi slt, %add3A_57, %lt3A_64 : i32
    %dma_start3A_66 = tpu.memref_slice %arg2[%select_n3A_63] : memref<320000xi32, #tpu.memory_space<hbm>> -> memref<128xi32, #tpu.memory_space<hbm>>
    %dma_start3A_67 = tpu.memref_slice %arg2[%select_n3A_63] : memref<320000xi32, #tpu.memory_space<hbm>> -> memref<128xi32, #tpu.memory_space<hbm>>
    tpu.enqueue_dma source(%dma_start3A_67 : memref<128xi32, #tpu.memory_space<hbm>>) target(%arg8 : memref<128xi32, #tpu.memory_space<vmem>>) target_semaphore(%arg20 : memref<!tpu.dma_semaphore, #tpu.memory_space<semaphore_mem>>)
    %dma_start3A_68 = tpu.memref_slice %arg3[%select_n3A_63] : memref<320000xi32, #tpu.memory_space<hbm>> -> memref<128xi32, #tpu.memory_space<hbm>>
    %dma_start3A_69 = tpu.memref_slice %arg3[%select_n3A_63] : memref<320000xi32, #tpu.memory_space<hbm>> -> memref<128xi32, #tpu.memory_space<hbm>>
    tpu.enqueue_dma source(%dma_start3A_69 : memref<128xi32, #tpu.memory_space<hbm>>) target(%arg12 : memref<128xi32, #tpu.memory_space<vmem>>) target_semaphore(%arg24 : memref<!tpu.dma_semaphore, #tpu.memory_space<semaphore_mem>>)
    %scan3A_70 = arith.constant 0 : i32
    %scan3A_71 = arith.constant 0 : i32
    %scan3A_72 = arith.constant 20 : i32
    %scan3A_73 = arith.addi %scan3A_71, %scan3A_72 : i32
    %scan3A_74 = arith.constant 1 : i32
    scf.for %scan3A_108 = %scan3A_71 to %scan3A_73 step %scan3A_74  : i32 {
      %mul3A_109 = arith.constant 4 : i32
      %mul3A_110 = arith.muli %mul3A_109, %scan3A_108 : i32
      %add3A_111 = arith.constant 0 : i32
      %add3A_112 = arith.addi %mul3A_110, %add3A_111 : i32
      %dma_wait3A_113 = arith.constant 0 : i32
      %dma_wait3A_114 = tpu.memref_slice %arg2[%dma_wait3A_113] : memref<320000xi32, #tpu.memory_space<hbm>> -> memref<128xi32, #tpu.memory_space<hbm>>
      %dma_wait3A_115 = arith.constant 0 : i32
      %dma_wait3A_116 = tpu.memref_slice %arg2[%dma_wait3A_115] : memref<320000xi32, #tpu.memory_space<hbm>> -> memref<128xi32, #tpu.memory_space<hbm>>
      tpu.wait_dma2 semaphore(%arg18 : memref<!tpu.dma_semaphore, #tpu.memory_space<semaphore_mem>>) src(%dma_wait3A_116 : memref<128xi32, #tpu.memory_space<hbm>>) dst(%arg6 : memref<128xi32, #tpu.memory_space<vmem>>)
      %dma_start3A_117 = arith.constant 0 : i32
      %dma_start3A_118 = arith.constant 0 : i32
      %dma_start3A_119 = tpu.memref_slice %arg4[%dma_start3A_117, %dma_start3A_118] : memref<10000x128xf32, #tpu.memory_space<hbm>> -> memref<10000x128xf32, #tpu.memory_space<hbm>>
      tpu.enqueue_indirect_dma source(%dma_start3A_119 : memref<10000x128xf32, #tpu.memory_space<hbm>>) target(%arg14 : memref<128x128xf32, #tpu.memory_space<vmem>>) offsets(%arg6 : memref<128xi32, #tpu.memory_space<vmem>>) semaphore(%arg26 : memref<!tpu.dma_semaphore, #tpu.memory_space<semaphore_mem>>)
      %ge3A = arith.constant 1 : i32
      %ge3A_120 = arith.cmpi sge, %add3A_112, %ge3A : i32
      %convert_element_type3A_121 = arith.extui %ge3A_120 : i1 to i32
      %cond3A_122 = arith.constant 0 : i32
      %cond3A_123 = arith.cmpi ne, %convert_element_type3A_121, %cond3A_122 : i32
      scf.if %cond3A_123 {
        %sub3A = arith.constant 1 : i32
        %sub3A_200 = arith.subi %add3A_112, %sub3A : i32
        %dma_wait3A_201 = arith.constant 0 : i32
        %dma_wait3A_202 = arith.constant 0 : i32
        %dma_wait3A_203 = tpu.memref_slice %arg4[%dma_wait3A_201, %dma_wait3A_202] : memref<10000x128xf32, #tpu.memory_space<hbm>> -> memref<10000x128xf32, #tpu.memory_space<hbm>>
        tpu.wait_indirect_dma semaphore(%arg27 : memref<!tpu.dma_semaphore, #tpu.memory_space<semaphore_mem>>) src(%dma_wait3A_203 : memref<10000x128xf32, #tpu.memory_space<hbm>>) dst(%arg15 : memref<128x128xf32, #tpu.memory_space<vmem>>)
        %dma_wait3A_204 = arith.constant 0 : i32
        %dma_wait3A_205 = tpu.memref_slice %arg3[%dma_wait3A_204] : memref<320000xi32, #tpu.memory_space<hbm>> -> memref<128xi32, #tpu.memory_space<hbm>>
        %dma_wait3A_206 = arith.constant 0 : i32
        %dma_wait3A_207 = tpu.memref_slice %arg3[%dma_wait3A_206] : memref<320000xi32, #tpu.memory_space<hbm>> -> memref<128xi32, #tpu.memory_space<hbm>>
        tpu.wait_dma2 semaphore(%arg25 : memref<!tpu.dma_semaphore, #tpu.memory_space<semaphore_mem>>) src(%dma_wait3A_207 : memref<128xi32, #tpu.memory_space<hbm>>) dst(%arg13 : memref<128xi32, #tpu.memory_space<vmem>>)
        %mul3A_208 = arith.constant 32 : i32
        %mul3A_209 = arith.muli %sub3A_200, %mul3A_208 : i32
        %add3A_210 = arith.addi %add3A, %mul3A_209 : i32
        %lt3A_211 = arith.constant 2500 : i32
        %lt3A_212 = arith.cmpi slt, %add3A_210, %lt3A_211 : i32
        %mul3A_213 = arith.constant 128 : i32
        %mul3A_214 = arith.muli %add3A_210, %mul3A_213 : i32
        %jit3A_215 = arith.constant 0 : i32
        %select_n3A_216 = arith.select %lt3A_212, %mul3A_214, %jit3A_215 : i32
        %lt3A_217 = arith.constant 2500 : i32
        %lt3A_218 = arith.cmpi slt, %add3A_210, %lt3A_217 : i32
        %convert_element_type3A_219 = arith.extui %lt3A_218 : i1 to i32
        %cond3A_220 = arith.constant 0 : i32
        %cond3A_221 = arith.cmpi ne, %convert_element_type3A_219, %cond3A_220 : i32
        scf.if %cond3A_221 {
          "tpu.region"() ({
            %run_scoped3A = tpu.sem_alloc : memref<!tpu.dma_semaphore, #tpu.memory_space<semaphore_mem>>
            %dma_start3A_222 = arith.constant 0 : i32
            %dma_start3A_223 = arith.constant 0 : i32
            %dma_start3A_224 = tpu.memref_slice %arg17[%dma_start3A_222, %dma_start3A_223] : memref<10000x128xf32, #tpu.memory_space<vmem_shared>> -> memref<10000x128xf32, #tpu.memory_space<vmem_shared>>
            tpu.enqueue_indirect_dma source(%arg15 : memref<128x128xf32, #tpu.memory_space<vmem>>) target(%dma_start3A_224 : memref<10000x128xf32, #tpu.memory_space<vmem_shared>>) offsets(%arg13 : memref<128xi32, #tpu.memory_space<vmem>>) semaphore(%run_scoped3A : memref<!tpu.dma_semaphore, #tpu.memory_space<semaphore_mem>>) {add = true}
            %dma_wait3A_225 = arith.constant 0 : i32
            %dma_wait3A_226 = arith.constant 0 : i32
            %dma_wait3A_227 = tpu.memref_slice %arg17[%dma_wait3A_225, %dma_wait3A_226] : memref<10000x128xf32, #tpu.memory_space<vmem_shared>> -> memref<10000x128xf32, #tpu.memory_space<vmem_shared>>
            tpu.wait_indirect_dma semaphore(%run_scoped3A : memref<!tpu.dma_semaphore, #tpu.memory_space<semaphore_mem>>) src(%arg15 : memref<128x128xf32, #tpu.memory_space<vmem>>) dst(%dma_wait3A_227 : memref<10000x128xf32, #tpu.memory_space<vmem_shared>>)
            tpu.yield
          }) : () -> ()
        } else {
        }
      } else {
      }
      %add3A_124 = arith.constant 3 : i32
      %add3A_125 = arith.addi %add3A_112, %add3A_124 : i32
      %lt3A_126 = arith.constant 80 : i32
      %lt3A_127 = arith.cmpi slt, %add3A_125, %lt3A_126 : i32
      %convert_element_type3A_128 = arith.extui %lt3A_127 : i1 to i32
      %cond3A_129 = arith.constant 0 : i32
      %cond3A_130 = arith.cmpi ne, %convert_element_type3A_128, %cond3A_129 : i32
      scf.if %cond3A_130 {
        %add3A_200 = arith.constant 3 : i32
        %add3A_201 = arith.addi %add3A_112, %add3A_200 : i32
        %mul3A_202 = arith.constant 32 : i32
        %mul3A_203 = arith.muli %add3A_201, %mul3A_202 : i32
        %add3A_204 = arith.addi %add3A, %mul3A_203 : i32
        %lt3A_205 = arith.constant 2500 : i32
        %lt3A_206 = arith.cmpi slt, %add3A_204, %lt3A_205 : i32
        %mul3A_207 = arith.constant 128 : i32
        %mul3A_208 = arith.muli %add3A_204, %mul3A_207 : i32
        %jit3A_209 = arith.constant 0 : i32
        %select_n3A_210 = arith.select %lt3A_206, %mul3A_208, %jit3A_209 : i32
        %lt3A_211 = arith.constant 2500 : i32
        %lt3A_212 = arith.cmpi slt, %add3A_204, %lt3A_211 : i32
        %dma_start3A_213 = tpu.memref_slice %arg2[%select_n3A_210] : memref<320000xi32, #tpu.memory_space<hbm>> -> memref<128xi32, #tpu.memory_space<hbm>>
        %dma_start3A_214 = tpu.memref_slice %arg2[%select_n3A_210] : memref<320000xi32, #tpu.memory_space<hbm>> -> memref<128xi32, #tpu.memory_space<hbm>>
        tpu.enqueue_dma source(%dma_start3A_214 : memref<128xi32, #tpu.memory_space<hbm>>) target(%arg9 : memref<128xi32, #tpu.memory_space<vmem>>) target_semaphore(%arg21 : memref<!tpu.dma_semaphore, #tpu.memory_space<semaphore_mem>>)
        %dma_start3A_215 = tpu.memref_slice %arg3[%select_n3A_210] : memref<320000xi32, #tpu.memory_space<hbm>> -> memref<128xi32, #tpu.memory_space<hbm>>
        %dma_start3A_216 = tpu.memref_slice %arg3[%select_n3A_210] : memref<320000xi32, #tpu.memory_space<hbm>> -> memref<128xi32, #tpu.memory_space<hbm>>
        tpu.enqueue_dma source(%dma_start3A_216 : memref<128xi32, #tpu.memory_space<hbm>>) target(%arg13 : memref<128xi32, #tpu.memory_space<vmem>>) target_semaphore(%arg25 : memref<!tpu.dma_semaphore, #tpu.memory_space<semaphore_mem>>)
      } else {
      }
      %mul3A_131 = arith.constant 4 : i32
      %mul3A_132 = arith.muli %mul3A_131, %scan3A_108 : i32
      %add3A_133 = arith.constant 1 : i32
      %add3A_134 = arith.addi %mul3A_132, %add3A_133 : i32
      %dma_wait3A_135 = arith.constant 0 : i32
      %dma_wait3A_136 = tpu.memref_slice %arg2[%dma_wait3A_135] : memref<320000xi32, #tpu.memory_space<hbm>> -> memref<128xi32, #tpu.memory_space<hbm>>
      %dma_wait3A_137 = arith.constant 0 : i32
      %dma_wait3A_138 = tpu.memref_slice %arg2[%dma_wait3A_137] : memref<320000xi32, #tpu.memory_space<hbm>> -> memref<128xi32, #tpu.memory_space<hbm>>
      tpu.wait_dma2 semaphore(%arg19 : memref<!tpu.dma_semaphore, #tpu.memory_space<semaphore_mem>>) src(%dma_wait3A_138 : memref<128xi32, #tpu.memory_space<hbm>>) dst(%arg7 : memref<128xi32, #tpu.memory_space<vmem>>)
      %dma_start3A_139 = arith.constant 0 : i32
      %dma_start3A_140 = arith.constant 0 : i32
      %dma_start3A_141 = tpu.memref_slice %arg4[%dma_start3A_139, %dma_start3A_140] : memref<10000x128xf32, #tpu.memory_space<hbm>> -> memref<10000x128xf32, #tpu.memory_space<hbm>>
      tpu.enqueue_indirect_dma source(%dma_start3A_141 : memref<10000x128xf32, #tpu.memory_space<hbm>>) target(%arg15 : memref<128x128xf32, #tpu.memory_space<vmem>>) offsets(%arg7 : memref<128xi32, #tpu.memory_space<vmem>>) semaphore(%arg27 : memref<!tpu.dma_semaphore, #tpu.memory_space<semaphore_mem>>)
      %ge3A_142 = arith.constant 1 : i32
      %ge3A_143 = arith.cmpi sge, %add3A_134, %ge3A_142 : i32
      %convert_element_type3A_144 = arith.extui %ge3A_143 : i1 to i32
      %cond3A_145 = arith.constant 0 : i32
      %cond3A_146 = arith.cmpi ne, %convert_element_type3A_144, %cond3A_145 : i32
      scf.if %cond3A_146 {
        %sub3A = arith.constant 1 : i32
        %sub3A_200 = arith.subi %add3A_134, %sub3A : i32
        %dma_wait3A_201 = arith.constant 0 : i32
        %dma_wait3A_202 = arith.constant 0 : i32
        %dma_wait3A_203 = tpu.memref_slice %arg4[%dma_wait3A_201, %dma_wait3A_202] : memref<10000x128xf32, #tpu.memory_space<hbm>> -> memref<10000x128xf32, #tpu.memory_space<hbm>>
        tpu.wait_indirect_dma semaphore(%arg26 : memref<!tpu.dma_semaphore, #tpu.memory_space<semaphore_mem>>) src(%dma_wait3A_203 : memref<10000x128xf32, #tpu.memory_space<hbm>>) dst(%arg14 : memref<128x128xf32, #tpu.memory_space<vmem>>)
        %dma_wait3A_204 = arith.constant 0 : i32
        %dma_wait3A_205 = tpu.memref_slice %arg3[%dma_wait3A_204] : memref<320000xi32, #tpu.memory_space<hbm>> -> memref<128xi32, #tpu.memory_space<hbm>>
        %dma_wait3A_206 = arith.constant 0 : i32
        %dma_wait3A_207 = tpu.memref_slice %arg3[%dma_wait3A_206] : memref<320000xi32, #tpu.memory_space<hbm>> -> memref<128xi32, #tpu.memory_space<hbm>>
        tpu.wait_dma2 semaphore(%arg22 : memref<!tpu.dma_semaphore, #tpu.memory_space<semaphore_mem>>) src(%dma_wait3A_207 : memref<128xi32, #tpu.memory_space<hbm>>) dst(%arg10 : memref<128xi32, #tpu.memory_space<vmem>>)
        %mul3A_208 = arith.constant 32 : i32
        %mul3A_209 = arith.muli %sub3A_200, %mul3A_208 : i32
        %add3A_210 = arith.addi %add3A, %mul3A_209 : i32
        %lt3A_211 = arith.constant 2500 : i32
        %lt3A_212 = arith.cmpi slt, %add3A_210, %lt3A_211 : i32
        %mul3A_213 = arith.constant 128 : i32
        %mul3A_214 = arith.muli %add3A_210, %mul3A_213 : i32
        %jit3A_215 = arith.constant 0 : i32
        %select_n3A_216 = arith.select %lt3A_212, %mul3A_214, %jit3A_215 : i32
        %lt3A_217 = arith.constant 2500 : i32
        %lt3A_218 = arith.cmpi slt, %add3A_210, %lt3A_217 : i32
        %convert_element_type3A_219 = arith.extui %lt3A_218 : i1 to i32
        %cond3A_220 = arith.constant 0 : i32
        %cond3A_221 = arith.cmpi ne, %convert_element_type3A_219, %cond3A_220 : i32
        scf.if %cond3A_221 {
          "tpu.region"() ({
            %run_scoped3A = tpu.sem_alloc : memref<!tpu.dma_semaphore, #tpu.memory_space<semaphore_mem>>
            %dma_start3A_222 = arith.constant 0 : i32
            %dma_start3A_223 = arith.constant 0 : i32
            %dma_start3A_224 = tpu.memref_slice %arg17[%dma_start3A_222, %dma_start3A_223] : memref<10000x128xf32, #tpu.memory_space<vmem_shared>> -> memref<10000x128xf32, #tpu.memory_space<vmem_shared>>
            tpu.enqueue_indirect_dma source(%arg14 : memref<128x128xf32, #tpu.memory_space<vmem>>) target(%dma_start3A_224 : memref<10000x128xf32, #tpu.memory_space<vmem_shared>>) offsets(%arg10 : memref<128xi32, #tpu.memory_space<vmem>>) semaphore(%run_scoped3A : memref<!tpu.dma_semaphore, #tpu.memory_space<semaphore_mem>>) {add = true}
            %dma_wait3A_225 = arith.constant 0 : i32
            %dma_wait3A_226 = arith.constant 0 : i32
            %dma_wait3A_227 = tpu.memref_slice %arg17[%dma_wait3A_225, %dma_wait3A_226] : memref<10000x128xf32, #tpu.memory_space<vmem_shared>> -> memref<10000x128xf32, #tpu.memory_space<vmem_shared>>
            tpu.wait_indirect_dma semaphore(%run_scoped3A : memref<!tpu.dma_semaphore, #tpu.memory_space<semaphore_mem>>) src(%arg14 : memref<128x128xf32, #tpu.memory_space<vmem>>) dst(%dma_wait3A_227 : memref<10000x128xf32, #tpu.memory_space<vmem_shared>>)
            tpu.yield
          }) : () -> ()
        } else {
        }
      } else {
      }
      %add3A_147 = arith.constant 3 : i32
      %add3A_148 = arith.addi %add3A_134, %add3A_147 : i32
      %lt3A_149 = arith.constant 80 : i32
      %lt3A_150 = arith.cmpi slt, %add3A_148, %lt3A_149 : i32
      %convert_element_type3A_151 = arith.extui %lt3A_150 : i1 to i32
      %cond3A_152 = arith.constant 0 : i32
      %cond3A_153 = arith.cmpi ne, %convert_element_type3A_151, %cond3A_152 : i32
      scf.if %cond3A_153 {
        %add3A_200 = arith.constant 3 : i32
        %add3A_201 = arith.addi %add3A_134, %add3A_200 : i32
        %mul3A_202 = arith.constant 32 : i32
        %mul3A_203 = arith.muli %add3A_201, %mul3A_202 : i32
        %add3A_204 = arith.addi %add3A, %mul3A_203 : i32
        %lt3A_205 = arith.constant 2500 : i32
        %lt3A_206 = arith.cmpi slt, %add3A_204, %lt3A_205 : i32
        %mul3A_207 = arith.constant 128 : i32
        %mul3A_208 = arith.muli %add3A_204, %mul3A_207 : i32
        %jit3A_209 = arith.constant 0 : i32
        %select_n3A_210 = arith.select %lt3A_206, %mul3A_208, %jit3A_209 : i32
        %lt3A_211 = arith.constant 2500 : i32
        %lt3A_212 = arith.cmpi slt, %add3A_204, %lt3A_211 : i32
        %dma_start3A_213 = tpu.memref_slice %arg2[%select_n3A_210] : memref<320000xi32, #tpu.memory_space<hbm>> -> memref<128xi32, #tpu.memory_space<hbm>>
        %dma_start3A_214 = tpu.memref_slice %arg2[%select_n3A_210] : memref<320000xi32, #tpu.memory_space<hbm>> -> memref<128xi32, #tpu.memory_space<hbm>>
        tpu.enqueue_dma source(%dma_start3A_214 : memref<128xi32, #tpu.memory_space<hbm>>) target(%arg6 : memref<128xi32, #tpu.memory_space<vmem>>) target_semaphore(%arg18 : memref<!tpu.dma_semaphore, #tpu.memory_space<semaphore_mem>>)
        %dma_start3A_215 = tpu.memref_slice %arg3[%select_n3A_210] : memref<320000xi32, #tpu.memory_space<hbm>> -> memref<128xi32, #tpu.memory_space<hbm>>
        %dma_start3A_216 = tpu.memref_slice %arg3[%select_n3A_210] : memref<320000xi32, #tpu.memory_space<hbm>> -> memref<128xi32, #tpu.memory_space<hbm>>
        tpu.enqueue_dma source(%dma_start3A_216 : memref<128xi32, #tpu.memory_space<hbm>>) target(%arg10 : memref<128xi32, #tpu.memory_space<vmem>>) target_semaphore(%arg22 : memref<!tpu.dma_semaphore, #tpu.memory_space<semaphore_mem>>)
      } else {
      }
      %mul3A_154 = arith.constant 4 : i32
      %mul3A_155 = arith.muli %mul3A_154, %scan3A_108 : i32
      %add3A_156 = arith.constant 2 : i32
      %add3A_157 = arith.addi %mul3A_155, %add3A_156 : i32
      %dma_wait3A_158 = arith.constant 0 : i32
      %dma_wait3A_159 = tpu.memref_slice %arg2[%dma_wait3A_158] : memref<320000xi32, #tpu.memory_space<hbm>> -> memref<128xi32, #tpu.memory_space<hbm>>
      %dma_wait3A_160 = arith.constant 0 : i32
      %dma_wait3A_161 = tpu.memref_slice %arg2[%dma_wait3A_160] : memref<320000xi32, #tpu.memory_space<hbm>> -> memref<128xi32, #tpu.memory_space<hbm>>
      tpu.wait_dma2 semaphore(%arg20 : memref<!tpu.dma_semaphore, #tpu.memory_space<semaphore_mem>>) src(%dma_wait3A_161 : memref<128xi32, #tpu.memory_space<hbm>>) dst(%arg8 : memref<128xi32, #tpu.memory_space<vmem>>)
      %dma_start3A_162 = arith.constant 0 : i32
      %dma_start3A_163 = arith.constant 0 : i32
      %dma_start3A_164 = tpu.memref_slice %arg4[%dma_start3A_162, %dma_start3A_163] : memref<10000x128xf32, #tpu.memory_space<hbm>> -> memref<10000x128xf32, #tpu.memory_space<hbm>>
      tpu.enqueue_indirect_dma source(%dma_start3A_164 : memref<10000x128xf32, #tpu.memory_space<hbm>>) target(%arg14 : memref<128x128xf32, #tpu.memory_space<vmem>>) offsets(%arg8 : memref<128xi32, #tpu.memory_space<vmem>>) semaphore(%arg26 : memref<!tpu.dma_semaphore, #tpu.memory_space<semaphore_mem>>)
      %ge3A_165 = arith.constant 1 : i32
      %ge3A_166 = arith.cmpi sge, %add3A_157, %ge3A_165 : i32
      %convert_element_type3A_167 = arith.extui %ge3A_166 : i1 to i32
      %cond3A_168 = arith.constant 0 : i32
      %cond3A_169 = arith.cmpi ne, %convert_element_type3A_167, %cond3A_168 : i32
      scf.if %cond3A_169 {
        %sub3A = arith.constant 1 : i32
        %sub3A_200 = arith.subi %add3A_157, %sub3A : i32
        %dma_wait3A_201 = arith.constant 0 : i32
        %dma_wait3A_202 = arith.constant 0 : i32
        %dma_wait3A_203 = tpu.memref_slice %arg4[%dma_wait3A_201, %dma_wait3A_202] : memref<10000x128xf32, #tpu.memory_space<hbm>> -> memref<10000x128xf32, #tpu.memory_space<hbm>>
        tpu.wait_indirect_dma semaphore(%arg27 : memref<!tpu.dma_semaphore, #tpu.memory_space<semaphore_mem>>) src(%dma_wait3A_203 : memref<10000x128xf32, #tpu.memory_space<hbm>>) dst(%arg15 : memref<128x128xf32, #tpu.memory_space<vmem>>)
        %dma_wait3A_204 = arith.constant 0 : i32
        %dma_wait3A_205 = tpu.memref_slice %arg3[%dma_wait3A_204] : memref<320000xi32, #tpu.memory_space<hbm>> -> memref<128xi32, #tpu.memory_space<hbm>>
        %dma_wait3A_206 = arith.constant 0 : i32
        %dma_wait3A_207 = tpu.memref_slice %arg3[%dma_wait3A_206] : memref<320000xi32, #tpu.memory_space<hbm>> -> memref<128xi32, #tpu.memory_space<hbm>>
        tpu.wait_dma2 semaphore(%arg23 : memref<!tpu.dma_semaphore, #tpu.memory_space<semaphore_mem>>) src(%dma_wait3A_207 : memref<128xi32, #tpu.memory_space<hbm>>) dst(%arg11 : memref<128xi32, #tpu.memory_space<vmem>>)
        %mul3A_208 = arith.constant 32 : i32
        %mul3A_209 = arith.muli %sub3A_200, %mul3A_208 : i32
        %add3A_210 = arith.addi %add3A, %mul3A_209 : i32
        %lt3A_211 = arith.constant 2500 : i32
        %lt3A_212 = arith.cmpi slt, %add3A_210, %lt3A_211 : i32
        %mul3A_213 = arith.constant 128 : i32
        %mul3A_214 = arith.muli %add3A_210, %mul3A_213 : i32
        %jit3A_215 = arith.constant 0 : i32
        %select_n3A_216 = arith.select %lt3A_212, %mul3A_214, %jit3A_215 : i32
        %lt3A_217 = arith.constant 2500 : i32
        %lt3A_218 = arith.cmpi slt, %add3A_210, %lt3A_217 : i32
        %convert_element_type3A_219 = arith.extui %lt3A_218 : i1 to i32
        %cond3A_220 = arith.constant 0 : i32
        %cond3A_221 = arith.cmpi ne, %convert_element_type3A_219, %cond3A_220 : i32
        scf.if %cond3A_221 {
          "tpu.region"() ({
            %run_scoped3A = tpu.sem_alloc : memref<!tpu.dma_semaphore, #tpu.memory_space<semaphore_mem>>
            %dma_start3A_222 = arith.constant 0 : i32
            %dma_start3A_223 = arith.constant 0 : i32
            %dma_start3A_224 = tpu.memref_slice %arg17[%dma_start3A_222, %dma_start3A_223] : memref<10000x128xf32, #tpu.memory_space<vmem_shared>> -> memref<10000x128xf32, #tpu.memory_space<vmem_shared>>
            tpu.enqueue_indirect_dma source(%arg15 : memref<128x128xf32, #tpu.memory_space<vmem>>) target(%dma_start3A_224 : memref<10000x128xf32, #tpu.memory_space<vmem_shared>>) offsets(%arg11 : memref<128xi32, #tpu.memory_space<vmem>>) semaphore(%run_scoped3A : memref<!tpu.dma_semaphore, #tpu.memory_space<semaphore_mem>>) {add = true}
            %dma_wait3A_225 = arith.constant 0 : i32
            %dma_wait3A_226 = arith.constant 0 : i32
            %dma_wait3A_227 = tpu.memref_slice %arg17[%dma_wait3A_225, %dma_wait3A_226] : memref<10000x128xf32, #tpu.memory_space<vmem_shared>> -> memref<10000x128xf32, #tpu.memory_space<vmem_shared>>
            tpu.wait_indirect_dma semaphore(%run_scoped3A : memref<!tpu.dma_semaphore, #tpu.memory_space<semaphore_mem>>) src(%arg15 : memref<128x128xf32, #tpu.memory_space<vmem>>) dst(%dma_wait3A_227 : memref<10000x128xf32, #tpu.memory_space<vmem_shared>>)
            tpu.yield
          }) : () -> ()
        } else {
        }
      } else {
      }
      %add3A_170 = arith.constant 3 : i32
      %add3A_171 = arith.addi %add3A_157, %add3A_170 : i32
      %lt3A_172 = arith.constant 80 : i32
      %lt3A_173 = arith.cmpi slt, %add3A_171, %lt3A_172 : i32
      %convert_element_type3A_174 = arith.extui %lt3A_173 : i1 to i32
      %cond3A_175 = arith.constant 0 : i32
      %cond3A_176 = arith.cmpi ne, %convert_element_type3A_174, %cond3A_175 : i32
      scf.if %cond3A_176 {
        %add3A_200 = arith.constant 3 : i32
        %add3A_201 = arith.addi %add3A_157, %add3A_200 : i32
        %mul3A_202 = arith.constant 32 : i32
        %mul3A_203 = arith.muli %add3A_201, %mul3A_202 : i32
        %add3A_204 = arith.addi %add3A, %mul3A_203 : i32
        %lt3A_205 = arith.constant 2500 : i32
        %lt3A_206 = arith.cmpi slt, %add3A_204, %lt3A_205 : i32
        %mul3A_207 = arith.constant 128 : i32
        %mul3A_208 = arith.muli %add3A_204, %mul3A_207 : i32
        %jit3A_209 = arith.constant 0 : i32
        %select_n3A_210 = arith.select %lt3A_206, %mul3A_208, %jit3A_209 : i32
        %lt3A_211 = arith.constant 2500 : i32
        %lt3A_212 = arith.cmpi slt, %add3A_204, %lt3A_211 : i32
        %dma_start3A_213 = tpu.memref_slice %arg2[%select_n3A_210] : memref<320000xi32, #tpu.memory_space<hbm>> -> memref<128xi32, #tpu.memory_space<hbm>>
        %dma_start3A_214 = tpu.memref_slice %arg2[%select_n3A_210] : memref<320000xi32, #tpu.memory_space<hbm>> -> memref<128xi32, #tpu.memory_space<hbm>>
        tpu.enqueue_dma source(%dma_start3A_214 : memref<128xi32, #tpu.memory_space<hbm>>) target(%arg7 : memref<128xi32, #tpu.memory_space<vmem>>) target_semaphore(%arg19 : memref<!tpu.dma_semaphore, #tpu.memory_space<semaphore_mem>>)
        %dma_start3A_215 = tpu.memref_slice %arg3[%select_n3A_210] : memref<320000xi32, #tpu.memory_space<hbm>> -> memref<128xi32, #tpu.memory_space<hbm>>
        %dma_start3A_216 = tpu.memref_slice %arg3[%select_n3A_210] : memref<320000xi32, #tpu.memory_space<hbm>> -> memref<128xi32, #tpu.memory_space<hbm>>
        tpu.enqueue_dma source(%dma_start3A_216 : memref<128xi32, #tpu.memory_space<hbm>>) target(%arg11 : memref<128xi32, #tpu.memory_space<vmem>>) target_semaphore(%arg23 : memref<!tpu.dma_semaphore, #tpu.memory_space<semaphore_mem>>)
      } else {
      }
      %mul3A_177 = arith.constant 4 : i32
      %mul3A_178 = arith.muli %mul3A_177, %scan3A_108 : i32
      %add3A_179 = arith.constant 3 : i32
      %add3A_180 = arith.addi %mul3A_178, %add3A_179 : i32
      %dma_wait3A_181 = arith.constant 0 : i32
      %dma_wait3A_182 = tpu.memref_slice %arg2[%dma_wait3A_181] : memref<320000xi32, #tpu.memory_space<hbm>> -> memref<128xi32, #tpu.memory_space<hbm>>
      %dma_wait3A_183 = arith.constant 0 : i32
      %dma_wait3A_184 = tpu.memref_slice %arg2[%dma_wait3A_183] : memref<320000xi32, #tpu.memory_space<hbm>> -> memref<128xi32, #tpu.memory_space<hbm>>
      tpu.wait_dma2 semaphore(%arg21 : memref<!tpu.dma_semaphore, #tpu.memory_space<semaphore_mem>>) src(%dma_wait3A_184 : memref<128xi32, #tpu.memory_space<hbm>>) dst(%arg9 : memref<128xi32, #tpu.memory_space<vmem>>)
      %dma_start3A_185 = arith.constant 0 : i32
      %dma_start3A_186 = arith.constant 0 : i32
      %dma_start3A_187 = tpu.memref_slice %arg4[%dma_start3A_185, %dma_start3A_186] : memref<10000x128xf32, #tpu.memory_space<hbm>> -> memref<10000x128xf32, #tpu.memory_space<hbm>>
      tpu.enqueue_indirect_dma source(%dma_start3A_187 : memref<10000x128xf32, #tpu.memory_space<hbm>>) target(%arg15 : memref<128x128xf32, #tpu.memory_space<vmem>>) offsets(%arg9 : memref<128xi32, #tpu.memory_space<vmem>>) semaphore(%arg27 : memref<!tpu.dma_semaphore, #tpu.memory_space<semaphore_mem>>)
      %ge3A_188 = arith.constant 1 : i32
      %ge3A_189 = arith.cmpi sge, %add3A_180, %ge3A_188 : i32
      %convert_element_type3A_190 = arith.extui %ge3A_189 : i1 to i32
      %cond3A_191 = arith.constant 0 : i32
      %cond3A_192 = arith.cmpi ne, %convert_element_type3A_190, %cond3A_191 : i32
      scf.if %cond3A_192 {
        %sub3A = arith.constant 1 : i32
        %sub3A_200 = arith.subi %add3A_180, %sub3A : i32
        %dma_wait3A_201 = arith.constant 0 : i32
        %dma_wait3A_202 = arith.constant 0 : i32
        %dma_wait3A_203 = tpu.memref_slice %arg4[%dma_wait3A_201, %dma_wait3A_202] : memref<10000x128xf32, #tpu.memory_space<hbm>> -> memref<10000x128xf32, #tpu.memory_space<hbm>>
        tpu.wait_indirect_dma semaphore(%arg26 : memref<!tpu.dma_semaphore, #tpu.memory_space<semaphore_mem>>) src(%dma_wait3A_203 : memref<10000x128xf32, #tpu.memory_space<hbm>>) dst(%arg14 : memref<128x128xf32, #tpu.memory_space<vmem>>)
        %dma_wait3A_204 = arith.constant 0 : i32
        %dma_wait3A_205 = tpu.memref_slice %arg3[%dma_wait3A_204] : memref<320000xi32, #tpu.memory_space<hbm>> -> memref<128xi32, #tpu.memory_space<hbm>>
        %dma_wait3A_206 = arith.constant 0 : i32
        %dma_wait3A_207 = tpu.memref_slice %arg3[%dma_wait3A_206] : memref<320000xi32, #tpu.memory_space<hbm>> -> memref<128xi32, #tpu.memory_space<hbm>>
        tpu.wait_dma2 semaphore(%arg24 : memref<!tpu.dma_semaphore, #tpu.memory_space<semaphore_mem>>) src(%dma_wait3A_207 : memref<128xi32, #tpu.memory_space<hbm>>) dst(%arg12 : memref<128xi32, #tpu.memory_space<vmem>>)
        %mul3A_208 = arith.constant 32 : i32
        %mul3A_209 = arith.muli %sub3A_200, %mul3A_208 : i32
        %add3A_210 = arith.addi %add3A, %mul3A_209 : i32
        %lt3A_211 = arith.constant 2500 : i32
        %lt3A_212 = arith.cmpi slt, %add3A_210, %lt3A_211 : i32
        %mul3A_213 = arith.constant 128 : i32
        %mul3A_214 = arith.muli %add3A_210, %mul3A_213 : i32
        %jit3A_215 = arith.constant 0 : i32
        %select_n3A_216 = arith.select %lt3A_212, %mul3A_214, %jit3A_215 : i32
        %lt3A_217 = arith.constant 2500 : i32
        %lt3A_218 = arith.cmpi slt, %add3A_210, %lt3A_217 : i32
        %convert_element_type3A_219 = arith.extui %lt3A_218 : i1 to i32
        %cond3A_220 = arith.constant 0 : i32
        %cond3A_221 = arith.cmpi ne, %convert_element_type3A_219, %cond3A_220 : i32
        scf.if %cond3A_221 {
          "tpu.region"() ({
            %run_scoped3A = tpu.sem_alloc : memref<!tpu.dma_semaphore, #tpu.memory_space<semaphore_mem>>
            %dma_start3A_222 = arith.constant 0 : i32
            %dma_start3A_223 = arith.constant 0 : i32
            %dma_start3A_224 = tpu.memref_slice %arg17[%dma_start3A_222, %dma_start3A_223] : memref<10000x128xf32, #tpu.memory_space<vmem_shared>> -> memref<10000x128xf32, #tpu.memory_space<vmem_shared>>
            tpu.enqueue_indirect_dma source(%arg14 : memref<128x128xf32, #tpu.memory_space<vmem>>) target(%dma_start3A_224 : memref<10000x128xf32, #tpu.memory_space<vmem_shared>>) offsets(%arg12 : memref<128xi32, #tpu.memory_space<vmem>>) semaphore(%run_scoped3A : memref<!tpu.dma_semaphore, #tpu.memory_space<semaphore_mem>>) {add = true}
            %dma_wait3A_225 = arith.constant 0 : i32
            %dma_wait3A_226 = arith.constant 0 : i32
            %dma_wait3A_227 = tpu.memref_slice %arg17[%dma_wait3A_225, %dma_wait3A_226] : memref<10000x128xf32, #tpu.memory_space<vmem_shared>> -> memref<10000x128xf32, #tpu.memory_space<vmem_shared>>
            tpu.wait_indirect_dma semaphore(%run_scoped3A : memref<!tpu.dma_semaphore, #tpu.memory_space<semaphore_mem>>) src(%arg14 : memref<128x128xf32, #tpu.memory_space<vmem>>) dst(%dma_wait3A_227 : memref<10000x128xf32, #tpu.memory_space<vmem_shared>>)
            tpu.yield
          }) : () -> ()
        } else {
        }
      } else {
      }
      %add3A_193 = arith.constant 3 : i32
      %add3A_194 = arith.addi %add3A_180, %add3A_193 : i32
      %lt3A_195 = arith.constant 80 : i32
      %lt3A_196 = arith.cmpi slt, %add3A_194, %lt3A_195 : i32
      %convert_element_type3A_197 = arith.extui %lt3A_196 : i1 to i32
      %cond3A_198 = arith.constant 0 : i32
      %cond3A_199 = arith.cmpi ne, %convert_element_type3A_197, %cond3A_198 : i32
      scf.if %cond3A_199 {
        %add3A_200 = arith.constant 3 : i32
        %add3A_201 = arith.addi %add3A_180, %add3A_200 : i32
        %mul3A_202 = arith.constant 32 : i32
        %mul3A_203 = arith.muli %add3A_201, %mul3A_202 : i32
        %add3A_204 = arith.addi %add3A, %mul3A_203 : i32
        %lt3A_205 = arith.constant 2500 : i32
        %lt3A_206 = arith.cmpi slt, %add3A_204, %lt3A_205 : i32
        %mul3A_207 = arith.constant 128 : i32
        %mul3A_208 = arith.muli %add3A_204, %mul3A_207 : i32
        %jit3A_209 = arith.constant 0 : i32
        %select_n3A_210 = arith.select %lt3A_206, %mul3A_208, %jit3A_209 : i32
        %lt3A_211 = arith.constant 2500 : i32
        %lt3A_212 = arith.cmpi slt, %add3A_204, %lt3A_211 : i32
        %dma_start3A_213 = tpu.memref_slice %arg2[%select_n3A_210] : memref<320000xi32, #tpu.memory_space<hbm>> -> memref<128xi32, #tpu.memory_space<hbm>>
        %dma_start3A_214 = tpu.memref_slice %arg2[%select_n3A_210] : memref<320000xi32, #tpu.memory_space<hbm>> -> memref<128xi32, #tpu.memory_space<hbm>>
        tpu.enqueue_dma source(%dma_start3A_214 : memref<128xi32, #tpu.memory_space<hbm>>) target(%arg8 : memref<128xi32, #tpu.memory_space<vmem>>) target_semaphore(%arg20 : memref<!tpu.dma_semaphore, #tpu.memory_space<semaphore_mem>>)
        %dma_start3A_215 = tpu.memref_slice %arg3[%select_n3A_210] : memref<320000xi32, #tpu.memory_space<hbm>> -> memref<128xi32, #tpu.memory_space<hbm>>
        %dma_start3A_216 = tpu.memref_slice %arg3[%select_n3A_210] : memref<320000xi32, #tpu.memory_space<hbm>> -> memref<128xi32, #tpu.memory_space<hbm>>
        tpu.enqueue_dma source(%dma_start3A_216 : memref<128xi32, #tpu.memory_space<hbm>>) target(%arg12 : memref<128xi32, #tpu.memory_space<vmem>>) target_semaphore(%arg24 : memref<!tpu.dma_semaphore, #tpu.memory_space<semaphore_mem>>)
      } else {
      }
    }
    %scan3A_75 = arith.constant 20 : i32
    %dma_wait3A = arith.constant 0 : i32
    %dma_wait3A_76 = arith.constant 0 : i32
    %dma_wait3A_77 = tpu.memref_slice %arg4[%dma_wait3A, %dma_wait3A_76] : memref<10000x128xf32, #tpu.memory_space<hbm>> -> memref<10000x128xf32, #tpu.memory_space<hbm>>
    tpu.wait_indirect_dma semaphore(%arg27 : memref<!tpu.dma_semaphore, #tpu.memory_space<semaphore_mem>>) src(%dma_wait3A_77 : memref<10000x128xf32, #tpu.memory_space<hbm>>) dst(%arg15 : memref<128x128xf32, #tpu.memory_space<vmem>>)
    %dma_wait3A_78 = arith.constant 0 : i32
    %dma_wait3A_79 = tpu.memref_slice %arg3[%dma_wait3A_78] : memref<320000xi32, #tpu.memory_space<hbm>> -> memref<128xi32, #tpu.memory_space<hbm>>
    %dma_wait3A_80 = arith.constant 0 : i32
    %dma_wait3A_81 = tpu.memref_slice %arg3[%dma_wait3A_80] : memref<320000xi32, #tpu.memory_space<hbm>> -> memref<128xi32, #tpu.memory_space<hbm>>
    tpu.wait_dma2 semaphore(%arg25 : memref<!tpu.dma_semaphore, #tpu.memory_space<semaphore_mem>>) src(%dma_wait3A_81 : memref<128xi32, #tpu.memory_space<hbm>>) dst(%arg13 : memref<128xi32, #tpu.memory_space<vmem>>)
    %add3A_82 = arith.constant 2528 : i32
    %add3A_83 = arith.addi %add3A, %add3A_82 : i32
    %lt3A_84 = arith.constant 2500 : i32
    %lt3A_85 = arith.cmpi slt, %add3A_83, %lt3A_84 : i32
    %mul3A_86 = arith.constant 128 : i32
    %mul3A_87 = arith.muli %add3A_83, %mul3A_86 : i32
    %jit3A_88 = arith.constant 0 : i32
    %select_n3A_89 = arith.select %lt3A_85, %mul3A_87, %jit3A_88 : i32
    %lt3A_90 = arith.constant 2500 : i32
    %lt3A_91 = arith.cmpi slt, %add3A_83, %lt3A_90 : i32
    %convert_element_type3A_92 = arith.extui %lt3A_91 : i1 to i32
    %cond3A_93 = arith.constant 0 : i32
    %cond3A_94 = arith.cmpi ne, %convert_element_type3A_92, %cond3A_93 : i32
    scf.if %cond3A_94 {
      "tpu.region"() ({
        %run_scoped3A = tpu.sem_alloc : memref<!tpu.dma_semaphore, #tpu.memory_space<semaphore_mem>>
        %dma_start3A_108 = arith.constant 0 : i32
        %dma_start3A_109 = arith.constant 0 : i32
        %dma_start3A_110 = tpu.memref_slice %arg17[%dma_start3A_108, %dma_start3A_109] : memref<10000x128xf32, #tpu.memory_space<vmem_shared>> -> memref<10000x128xf32, #tpu.memory_space<vmem_shared>>
        tpu.enqueue_indirect_dma source(%arg15 : memref<128x128xf32, #tpu.memory_space<vmem>>) target(%dma_start3A_110 : memref<10000x128xf32, #tpu.memory_space<vmem_shared>>) offsets(%arg13 : memref<128xi32, #tpu.memory_space<vmem>>) semaphore(%run_scoped3A : memref<!tpu.dma_semaphore, #tpu.memory_space<semaphore_mem>>) {add = true}
        %dma_wait3A_111 = arith.constant 0 : i32
        %dma_wait3A_112 = arith.constant 0 : i32
        %dma_wait3A_113 = tpu.memref_slice %arg17[%dma_wait3A_111, %dma_wait3A_112] : memref<10000x128xf32, #tpu.memory_space<vmem_shared>> -> memref<10000x128xf32, #tpu.memory_space<vmem_shared>>
        tpu.wait_indirect_dma semaphore(%run_scoped3A : memref<!tpu.dma_semaphore, #tpu.memory_space<semaphore_mem>>) src(%arg15 : memref<128x128xf32, #tpu.memory_space<vmem>>) dst(%dma_wait3A_113 : memref<10000x128xf32, #tpu.memory_space<vmem_shared>>)
        tpu.yield
      }) : () -> ()
    } else {
    }
    %barrier3A_95 = arith.constant 0 : index
    tpu.barrier barrier_id(%barrier3A_95)
    %mul3A_96 = arith.constant 624 : i32
    %mul3A_97 = arith.muli %arg1, %mul3A_96 : i32
    %mul3A_98 = arith.constant 10000 : i32
    %mul3A_99 = arith.muli %arg0, %mul3A_98 : i32
    %mul3A_100 = arith.constant 624 : i32
    %mul3A_101 = arith.muli %arg1, %mul3A_100 : i32
    %add3A_102 = arith.addi %mul3A_99, %mul3A_101 : i32
    "tpu.region"() ({
      %run_scoped3A = tpu.sem_alloc : memref<!tpu.dma_semaphore, #tpu.memory_space<semaphore_mem>>
      %dma_start3A_108 = arith.constant 0 : i32
      %dma_start3A_109 = tpu.memref_slice %arg5[%add3A_102, %dma_start3A_108] : memref<20000x128xf32, #tpu.memory_space<hbm>> -> memref<624x128xf32, #tpu.memory_space<hbm>>
      %dma_start3A_110 = arith.constant 0 : i32
      %dma_start3A_111 = tpu.memref_slice %arg17[%mul3A_97, %dma_start3A_110] : memref<10000x128xf32, #tpu.memory_space<vmem_shared>> -> memref<624x128xf32, #tpu.memory_space<vmem_shared>>
      tpu.enqueue_dma source(%dma_start3A_111 : memref<624x128xf32, #tpu.memory_space<vmem_shared>>) target(%dma_start3A_109 : memref<624x128xf32, #tpu.memory_space<hbm>>) target_semaphore(%run_scoped3A : memref<!tpu.dma_semaphore, #tpu.memory_space<semaphore_mem>>)
      %dma_wait3A_112 = arith.constant 0 : i32
      %dma_wait3A_113 = tpu.memref_slice %arg5[%add3A_102, %dma_wait3A_112] : memref<20000x128xf32, #tpu.memory_space<hbm>> -> memref<624x128xf32, #tpu.memory_space<hbm>>
      %dma_wait3A_114 = arith.constant 0 : i32
      %dma_wait3A_115 = tpu.memref_slice %arg17[%mul3A_97, %dma_wait3A_114] : memref<10000x128xf32, #tpu.memory_space<vmem_shared>> -> memref<624x128xf32, #tpu.memory_space<vmem_shared>>
      tpu.wait_dma2 semaphore(%run_scoped3A : memref<!tpu.dma_semaphore, #tpu.memory_space<semaphore_mem>>) src(%dma_wait3A_115 : memref<624x128xf32, #tpu.memory_space<vmem_shared>>) dst(%dma_wait3A_113 : memref<624x128xf32, #tpu.memory_space<hbm>>)
      tpu.yield
    }) : () -> ()
    %eq3A_103 = arith.constant 0 : i32
    %eq3A_104 = arith.cmpi eq, %arg1, %eq3A_103 : i32
    %convert_element_type3A_105 = arith.extui %eq3A_104 : i1 to i32
    %cond3A_106 = arith.constant 0 : i32
    %cond3A_107 = arith.cmpi ne, %convert_element_type3A_105, %cond3A_106 : i32
    scf.if %cond3A_107 {
      %mul3A_108 = arith.constant 10000 : i32
      %mul3A_109 = arith.muli %arg0, %mul3A_108 : i32
      %add3A_110 = arith.constant 9984 : i32
      %add3A_111 = arith.addi %mul3A_109, %add3A_110 : i32
      "tpu.region"() ({
        %run_scoped3A = tpu.sem_alloc : memref<!tpu.dma_semaphore, #tpu.memory_space<semaphore_mem>>
        %dma_start3A_112 = arith.constant 0 : i32
        %dma_start3A_113 = tpu.memref_slice %arg5[%add3A_111, %dma_start3A_112] : memref<20000x128xf32, #tpu.memory_space<hbm>> -> memref<16x128xf32, #tpu.memory_space<hbm>>
        %dma_start3A_114 = arith.constant 9984 : i32
        %dma_start3A_115 = arith.constant 0 : i32
        %dma_start3A_116 = tpu.memref_slice %arg17[%dma_start3A_114, %dma_start3A_115] : memref<10000x128xf32, #tpu.memory_space<vmem_shared>> -> memref<16x128xf32, #tpu.memory_space<vmem_shared>>
        tpu.enqueue_dma source(%dma_start3A_116 : memref<16x128xf32, #tpu.memory_space<vmem_shared>>) target(%dma_start3A_113 : memref<16x128xf32, #tpu.memory_space<hbm>>) target_semaphore(%run_scoped3A : memref<!tpu.dma_semaphore, #tpu.memory_space<semaphore_mem>>)
        %dma_wait3A_117 = arith.constant 0 : i32
        %dma_wait3A_118 = tpu.memref_slice %arg5[%add3A_111, %dma_wait3A_117] : memref<20000x128xf32, #tpu.memory_space<hbm>> -> memref<16x128xf32, #tpu.memory_space<hbm>>
        %dma_wait3A_119 = arith.constant 9984 : i32
        %dma_wait3A_120 = arith.constant 0 : i32
        %dma_wait3A_121 = tpu.memref_slice %arg17[%dma_wait3A_119, %dma_wait3A_120] : memref<10000x128xf32, #tpu.memory_space<vmem_shared>> -> memref<16x128xf32, #tpu.memory_space<vmem_shared>>
        tpu.wait_dma2 semaphore(%run_scoped3A : memref<!tpu.dma_semaphore, #tpu.memory_space<semaphore_mem>>) src(%dma_wait3A_121 : memref<16x128xf32, #tpu.memory_space<vmem_shared>>) dst(%dma_wait3A_118 : memref<16x128xf32, #tpu.memory_space<hbm>>)
        tpu.yield
      }) : () -> ()
    } else {
    }
    return
  }
}

module attributes {stable_mosaic.version = 14 : i64} {
  func.func @_tc_embed_body(%arg0: i32, %arg1: memref<2000x128xf32, #tpu.memory_space<vmem>>, %arg2: memref<128x128xf32, #tpu.memory_space<vmem>>, %arg3: memref<1x128xf32, #tpu.memory_space<vmem>>, %arg4: memref<128x128xf32, #tpu.memory_space<vmem>>, %arg5: memref<2000x128xf32, #tpu.memory_space<vmem>>, %arg6: memref<2000x128xf32, #tpu.memory_space<vmem>>, %arg7: memref<8x128xf32, #tpu.memory_space<vmem>>, %arg8: memref<128x128xf32, #tpu.memory_space<vmem>>, %arg9: memref<8x128xf32, #tpu.memory_space<vmem>>, %arg10: memref<128x128xf32, #tpu.memory_space<vmem>>) attributes {dimension_semantics = [#tpu.dimension_semantics<arbitrary>], iteration_bounds = array<i64: 5>, scalar_prefetch = 0 : i64, scratch_operands = 2 : i64, tpu.core_type = #tpu.core_type<tc>, window_params = [{transform_indices = @transform_0, window_bounds = array<i64: 2000, 128>}, {pipeline_mode = #tpu.pipeline_mode<synchronous>, transform_indices = @transform_1, window_bounds = array<i64: 128, 128>}, {pipeline_mode = #tpu.pipeline_mode<synchronous>, transform_indices = @transform_2, window_bounds = array<i64: 1, 128>}, {pipeline_mode = #tpu.pipeline_mode<synchronous>, transform_indices = @transform_3, window_bounds = array<i64: 128, 128>}, {transform_indices = @transform_4, window_bounds = array<i64: 2000, 128>}, {transform_indices = @transform_5, window_bounds = array<i64: 2000, 128>}, {pipeline_mode = #tpu.pipeline_mode<synchronous>, transform_indices = @transform_6, window_bounds = array<i64: 8, 128>}, {pipeline_mode = #tpu.pipeline_mode<synchronous>, transform_indices = @transform_7, window_bounds = array<i64: 128, 128>}]} {
    %get3A = arith.constant 0 : index
    %get3A_0 = arith.constant 0 : index
    %get3A_1 = vector.load %arg1[%get3A, %get3A_0] : memref<2000x128xf32, #tpu.memory_space<vmem>>, vector<2000x128xf32>
    %get3A_2 = arith.constant 0 : index
    %get3A_3 = arith.constant 0 : index
    %get3A_4 = vector.load %arg2[%get3A_2, %get3A_3] : memref<128x128xf32, #tpu.memory_space<vmem>>, vector<128x128xf32>
    %dot_general3A = arith.constant dense<0.000000e+00> : vector<2000x128xf32>
    %dot_general3A_5 = tpu.matmul %get3A_1, %get3A_4, %dot_general3A {dimension_numbers = #tpu.dot_dimension_numbers<[1], [0], [0], [1], [0, 0, 1, 1], [], []>, precision = #tpu.contract_precision<fp32>, transpose_lhs_hint = false} : vector<2000x128xf32>, vector<128x128xf32>, vector<2000x128xf32> -> vector<2000x128xf32>
    %get3A_6 = arith.constant 0 : index
    %get3A_7 = arith.constant 0 : index
    %get3A_8 = vector.load %arg3[%get3A_6, %get3A_7] : memref<1x128xf32, #tpu.memory_space<vmem>>, vector<1x128xf32>
    %add3A = vector.broadcast %get3A_8 : vector<1x128xf32> to vector<2000x128xf32>
    %add3A_9 = arith.addf %dot_general3A_5, %add3A : vector<2000x128xf32>
    %swap3A = arith.constant 0 : index
    %swap3A_10 = arith.constant 0 : index
    %swap3A_11 = vector.load %arg5[%swap3A, %swap3A_10] : memref<2000x128xf32, #tpu.memory_space<vmem>>, vector<2000x128xf32>
    tpu.vector_store %arg5[%swap3A, %swap3A_10], %add3A_9 {strides = array<i32>} : memref<2000x128xf32, #tpu.memory_space<vmem>>, vector<2000x128xf32>,
    %get3A_12 = arith.constant 0 : index
    %get3A_13 = arith.constant 0 : index
    %get3A_14 = vector.load %arg4[%get3A_12, %get3A_13] : memref<128x128xf32, #tpu.memory_space<vmem>>, vector<128x128xf32>
    %dot_general3A_15 = arith.constant dense<0.000000e+00> : vector<2000x128xf32>
    %dot_general3A_16 = tpu.matmul %add3A_9, %get3A_14, %dot_general3A_15 {dimension_numbers = #tpu.dot_dimension_numbers<[1], [0], [0], [1], [0, 0, 1, 1], [], []>, precision = #tpu.contract_precision<fp32>, transpose_lhs_hint = false} : vector<2000x128xf32>, vector<128x128xf32>, vector<2000x128xf32> -> vector<2000x128xf32>
    %swap3A_17 = arith.constant 0 : index
    %swap3A_18 = arith.constant 0 : index
    %swap3A_19 = vector.load %arg6[%swap3A_17, %swap3A_18] : memref<2000x128xf32, #tpu.memory_space<vmem>>, vector<2000x128xf32>
    tpu.vector_store %arg6[%swap3A_17, %swap3A_18], %dot_general3A_16 {strides = array<i32>} : memref<2000x128xf32, #tpu.memory_space<vmem>>, vector<2000x128xf32>,
    %eq3A = arith.constant 0 : i32
    %eq3A_20 = arith.cmpi eq, %arg0, %eq3A : i32
    %convert_element_type3A = arith.extui %eq3A_20 : i1 to i32
    %cond3A = arith.constant 0 : i32
    %cond3A_21 = arith.cmpi ne, %convert_element_type3A, %cond3A : i32
    scf.if %cond3A_21 {
      %broadcast_in_dim3A_46 = arith.constant 0.000000e+00 : f32
      %broadcast_in_dim3A_47 = vector.broadcast %broadcast_in_dim3A_46 : f32 to vector<8x128xf32>
      %swap3A_48 = arith.constant 0 : index
      %swap3A_49 = arith.constant 0 : index
      %swap3A_50 = vector.load %arg9[%swap3A_48, %swap3A_49] : memref<8x128xf32, #tpu.memory_space<vmem>>, vector<8x128xf32>
      tpu.vector_store %arg9[%swap3A_48, %swap3A_49], %broadcast_in_dim3A_47 {strides = array<i32>} : memref<8x128xf32, #tpu.memory_space<vmem>>, vector<8x128xf32>,
      %broadcast_in_dim3A_51 = arith.constant 0.000000e+00 : f32
      %broadcast_in_dim3A_52 = vector.broadcast %broadcast_in_dim3A_51 : f32 to vector<128x128xf32>
      %swap3A_53 = arith.constant 0 : index
      %swap3A_54 = arith.constant 0 : index
      %swap3A_55 = vector.load %arg10[%swap3A_53, %swap3A_54] : memref<128x128xf32, #tpu.memory_space<vmem>>, vector<128x128xf32>
      tpu.vector_store %arg10[%swap3A_53, %swap3A_54], %broadcast_in_dim3A_52 {strides = array<i32>} : memref<128x128xf32, #tpu.memory_space<vmem>>, vector<128x128xf32>,
    } else {
    }
    %get3A_22 = arith.constant 0 : index
    %get3A_23 = arith.constant 0 : index
    %get3A_24 = vector.load %arg9[%get3A_22, %get3A_23] : memref<8x128xf32, #tpu.memory_space<vmem>>, vector<8x128xf32>
    %reduce_sum3A = arith.constant dense<0.000000e+00> : vector<128xf32>
    %reduce_sum3A_25 = vector.multi_reduction <add>, %add3A_9, %reduce_sum3A [0] : vector<2000x128xf32> to vector<128xf32>
    %broadcast_in_dim3A = vector.shape_cast %reduce_sum3A_25 : vector<128xf32> to vector<1x128xf32>
    %broadcast_in_dim3A_26 = vector.shape_cast %broadcast_in_dim3A : vector<1x128xf32> to vector<1x128xf32>
    %broadcast_in_dim3A_27 = vector.broadcast %broadcast_in_dim3A_26 : vector<1x128xf32> to vector<8x128xf32>
    %add3A_28 = arith.addf %get3A_24, %broadcast_in_dim3A_27 : vector<8x128xf32>
    %swap3A_29 = arith.constant 0 : index
    %swap3A_30 = arith.constant 0 : index
    %swap3A_31 = vector.load %arg9[%swap3A_29, %swap3A_30] : memref<8x128xf32, #tpu.memory_space<vmem>>, vector<8x128xf32>
    tpu.vector_store %arg9[%swap3A_29, %swap3A_30], %add3A_28 {strides = array<i32>} : memref<8x128xf32, #tpu.memory_space<vmem>>, vector<8x128xf32>,
    %get3A_32 = arith.constant 0 : index
    %get3A_33 = arith.constant 0 : index
    %get3A_34 = vector.load %arg10[%get3A_32, %get3A_33] : memref<128x128xf32, #tpu.memory_space<vmem>>, vector<128x128xf32>
    %dot_general3A_35 = arith.constant dense<0.000000e+00> : vector<128x128xf32>
    %dot_general3A_36 = tpu.matmul %add3A_9, %add3A_9, %dot_general3A_35 {dimension_numbers = #tpu.dot_dimension_numbers<[0], [0], [1], [1], [0, 1, 1, 1], [], []>, precision = #tpu.contract_precision<fp32>, transpose_lhs_hint = false} : vector<2000x128xf32>, vector<2000x128xf32>, vector<128x128xf32> -> vector<128x128xf32>
    %add3A_37 = arith.addf %get3A_34, %dot_general3A_36 : vector<128x128xf32>
    %swap3A_38 = arith.constant 0 : index
    %swap3A_39 = arith.constant 0 : index
    %swap3A_40 = vector.load %arg10[%swap3A_38, %swap3A_39] : memref<128x128xf32, #tpu.memory_space<vmem>>, vector<128x128xf32>
    tpu.vector_store %arg10[%swap3A_38, %swap3A_39], %add3A_37 {strides = array<i32>} : memref<128x128xf32, #tpu.memory_space<vmem>>, vector<128x128xf32>,
    %eq3A_41 = arith.constant 4 : i32
    %eq3A_42 = arith.cmpi eq, %arg0, %eq3A_41 : i32
    %convert_element_type3A_43 = arith.extui %eq3A_42 : i1 to i32
    %cond3A_44 = arith.constant 0 : i32
    %cond3A_45 = arith.cmpi ne, %convert_element_type3A_43, %cond3A_44 : i32
    scf.if %cond3A_45 {
      %get3A_46 = arith.constant 0 : index
      %get3A_47 = arith.constant 0 : index
      %get3A_48 = vector.load %arg9[%get3A_46, %get3A_47] : memref<8x128xf32, #tpu.memory_space<vmem>>, vector<8x128xf32>
      %swap3A_49 = arith.constant 0 : index
      %swap3A_50 = arith.constant 0 : index
      %swap3A_51 = vector.load %arg7[%swap3A_49, %swap3A_50] : memref<8x128xf32, #tpu.memory_space<vmem>>, vector<8x128xf32>
      tpu.vector_store %arg7[%swap3A_49, %swap3A_50], %get3A_48 {strides = array<i32>} : memref<8x128xf32, #tpu.memory_space<vmem>>, vector<8x128xf32>,
      %get3A_52 = arith.constant 0 : index
      %get3A_53 = arith.constant 0 : index
      %get3A_54 = vector.load %arg10[%get3A_52, %get3A_53] : memref<128x128xf32, #tpu.memory_space<vmem>>, vector<128x128xf32>
      %swap3A_55 = arith.constant 0 : index
      %swap3A_56 = arith.constant 0 : index
      %swap3A_57 = vector.load %arg8[%swap3A_55, %swap3A_56] : memref<128x128xf32, #tpu.memory_space<vmem>>, vector<128x128xf32>
      tpu.vector_store %arg8[%swap3A_55, %swap3A_56], %get3A_54 {strides = array<i32>} : memref<128x128xf32, #tpu.memory_space<vmem>>, vector<128x128xf32>,
    } else {
    }
    return
  }
  func.func @transform_0(%arg0: i32) -> (i32, i32) {
    %c0_i32 = arith.constant 0 : i32
    %c0_i32_0 = arith.constant 0 : i32
    return %arg0, %c0_i32 : i32, i32
  }
  func.func @transform_1(%arg0: i32) -> (i32, i32) {
    %c0_i32 = arith.constant 0 : i32
    %c0_i32_0 = arith.constant 0 : i32
    %c0_i32_1 = arith.constant 0 : i32
    return %c0_i32, %c0_i32_0 : i32, i32
  }
  func.func @transform_2(%arg0: i32) -> (i32, i32) {
    %c0_i32 = arith.constant 0 : i32
    %c0_i32_0 = arith.constant 0 : i32
    %c0_i32_1 = arith.constant 0 : i32
    return %c0_i32, %c0_i32_0 : i32, i32
  }
  func.func @transform_3(%arg0: i32) -> (i32, i32) {
    %c0_i32 = arith.constant 0 : i32
    %c0_i32_0 = arith.constant 0 : i32
    %c0_i32_1 = arith.constant 0 : i32
    return %c0_i32, %c0_i32_0 : i32, i32
  }
  func.func @transform_4(%arg0: i32) -> (i32, i32) {
    %c0_i32 = arith.constant 0 : i32
    %c0_i32_0 = arith.constant 0 : i32
    return %arg0, %c0_i32 : i32, i32
  }
  func.func @transform_5(%arg0: i32) -> (i32, i32) {
    %c0_i32 = arith.constant 0 : i32
    %c0_i32_0 = arith.constant 0 : i32
    return %arg0, %c0_i32 : i32, i32
  }
  func.func @transform_6(%arg0: i32) -> (i32, i32) {
    %c0_i32 = arith.constant 0 : i32
    %c0_i32_0 = arith.constant 0 : i32
    %c0_i32_1 = arith.constant 0 : i32
    return %c0_i32, %c0_i32_0 : i32, i32
  }
  func.func @transform_7(%arg0: i32) -> (i32, i32) {
    %c0_i32 = arith.constant 0 : i32
    %c0_i32_0 = arith.constant 0 : i32
    %c0_i32_1 = arith.constant 0 : i32
    return %c0_i32, %c0_i32_0 : i32, i32
  }
}

module attributes {stable_mosaic.version = 14 : i64} {
  func.func @_tc_scale_body(%arg0: i32, %arg1: memref<2000x128xf32, #tpu.memory_space<vmem>>, %arg2: memref<2x2000x8xf32, #tpu.memory_space<vmem>>, %arg3: memref<2000x128xf32, #tpu.memory_space<vmem>>, %arg4: memref<2000x8xf32, #tpu.memory_space<vmem>>) attributes {dimension_semantics = [#tpu.dimension_semantics<arbitrary>], iteration_bounds = array<i64: 5>, scalar_prefetch = 0 : i64, scratch_operands = 0 : i64, tpu.core_type = #tpu.core_type<tc>, window_params = [{transform_indices = @transform_0, window_bounds = array<i64: 2000, 128>}, {transform_indices = @transform_1, window_bounds = array<i64: 2, 2000, 8>}, {transform_indices = @transform_2, window_bounds = array<i64: 2000, 128>}, {transform_indices = @transform_3, window_bounds = array<i64: 2000, 8>}]} {
    %get3A = arith.constant 0 : index
    %get3A_0 = arith.constant 0 : index
    %get3A_1 = arith.constant 0 : index
    %get3A_2 = vector.load %arg2[%get3A, %get3A_0, %get3A_1] : memref<2x2000x8xf32, #tpu.memory_space<vmem>>, vector<1x2000x1xf32>
    %get3A_3 = vector.shape_cast %get3A_2 : vector<1x2000x1xf32> to vector<2000x1xf32>
    %get3A_4 = arith.constant 1 : index
    %get3A_5 = arith.constant 0 : index
    %get3A_6 = arith.constant 0 : index
    %get3A_7 = vector.load %arg2[%get3A_4, %get3A_5, %get3A_6] : memref<2x2000x8xf32, #tpu.memory_space<vmem>>, vector<1x2000x1xf32>
    %get3A_8 = vector.shape_cast %get3A_7 : vector<1x2000x1xf32> to vector<2000x1xf32>
    %add3A = arith.addf %get3A_3, %get3A_8 : vector<2000x1xf32>
    %add3A_9 = arith.constant 1.000000e+00 : f32
    %add3A_10 = vector.broadcast %add3A_9 : f32 to vector<2000x1xf32>
    %add3A_11 = arith.addf %add3A, %add3A_10 : vector<2000x1xf32>
    %rsqrt3A = math.rsqrt %add3A_11 : vector<2000x1xf32>
    %broadcast_in_dim3A = vector.shape_cast %rsqrt3A : vector<2000x1xf32> to vector<2000x1xf32>
    %broadcast_in_dim3A_12 = vector.broadcast %broadcast_in_dim3A : vector<2000x1xf32> to vector<2000x8xf32>
    %swap3A = arith.constant 0 : index
    %swap3A_13 = arith.constant 0 : index
    %swap3A_14 = vector.load %arg4[%swap3A, %swap3A_13] : memref<2000x8xf32, #tpu.memory_space<vmem>>, vector<2000x8xf32>
    tpu.vector_store %arg4[%swap3A, %swap3A_13], %broadcast_in_dim3A_12 {strides = array<i32>} : memref<2000x8xf32, #tpu.memory_space<vmem>>, vector<2000x8xf32>,
    %get3A_15 = arith.constant 0 : index
    %get3A_16 = arith.constant 0 : index
    %get3A_17 = vector.load %arg1[%get3A_15, %get3A_16] : memref<2000x128xf32, #tpu.memory_space<vmem>>, vector<2000x128xf32>
    %mul3A = vector.broadcast %rsqrt3A : vector<2000x1xf32> to vector<2000x128xf32>
    %mul3A_18 = arith.mulf %get3A_17, %mul3A : vector<2000x128xf32>
    %swap3A_19 = arith.constant 0 : index
    %swap3A_20 = arith.constant 0 : index
    %swap3A_21 = vector.load %arg3[%swap3A_19, %swap3A_20] : memref<2000x128xf32, #tpu.memory_space<vmem>>, vector<2000x128xf32>
    tpu.vector_store %arg3[%swap3A_19, %swap3A_20], %mul3A_18 {strides = array<i32>} : memref<2000x128xf32, #tpu.memory_space<vmem>>, vector<2000x128xf32>,
    return
  }
  func.func @transform_0(%arg0: i32) -> (i32, i32) {
    %c0_i32 = arith.constant 0 : i32
    %c0_i32_0 = arith.constant 0 : i32
    return %arg0, %c0_i32 : i32, i32
  }
  func.func @transform_1(%arg0: i32) -> (i32, i32, i32) {
    %c0_i32 = arith.constant 0 : i32
    %c0_i32_0 = arith.constant 0 : i32
    %c0_i32_1 = arith.constant 0 : i32
    return %c0_i32, %arg0, %c0_i32_0 : i32, i32, i32
  }
  func.func @transform_2(%arg0: i32) -> (i32, i32) {
    %c0_i32 = arith.constant 0 : i32
    %c0_i32_0 = arith.constant 0 : i32
    return %arg0, %c0_i32 : i32, i32
  }
  func.func @transform_3(%arg0: i32) -> (i32, i32) {
    %c0_i32 = arith.constant 0 : i32
    %c0_i32_0 = arith.constant 0 : i32
    return %arg0, %c0_i32 : i32, i32
  }
}

module attributes {stable_mosaic.version = 14 : i64} {
  func.func @body(%arg0: i32, %arg1: i32, %arg2: memref<2x2000x128xf32, #tpu.memory_space<vmem>>, %arg3: memref<2000x128xf32, #tpu.memory_space<vmem>>, %arg4: memref<2000x8xf32, #tpu.memory_space<vmem>>, %arg5: memref<1x128xf32, #tpu.memory_space<vmem>>, %arg6: memref<2000x128xf32, #tpu.memory_space<vmem>>, %arg7: memref<128x128xf32, #tpu.memory_space<vmem>>, %arg8: memref<1x128xf32, #tpu.memory_space<vmem>>, %arg9: memref<1x1xf32, #tpu.memory_space<smem>>, %arg10: memref<1x1xf32, #tpu.memory_space<smem>>, %arg11: memref<1x1xf32, #tpu.memory_space<smem>>, %arg12: memref<1x1xf32, #tpu.memory_space<smem>>, %arg13: memref<128x128xf32, #tpu.memory_space<vmem>>, %arg14: memref<2000x128xf32, #tpu.memory_space<vmem>>, %arg15: memref<2000x128xf32, #tpu.memory_space<vmem>>, %arg16: memref<8x128xf32, #tpu.memory_space<vmem>>, %arg17: memref<128x128xf32, #tpu.memory_space<vmem>>, %arg18: memref<10000x128xf32, #tpu.memory_space<vmem>>, %arg19: memref<10000x128xf32, #tpu.memory_space<vmem>>, %arg20: memref<1x1xf32, #tpu.memory_space<smem>>, %arg21: memref<1x1xf32, #tpu.memory_space<smem>>, %arg22: memref<1x1xf32, #tpu.memory_space<smem>>, %arg23: memref<1x1xf32, #tpu.memory_space<smem>>, %arg24: memref<8x128xf32, #tpu.memory_space<vmem>>, %arg25: memref<128x128xf32, #tpu.memory_space<vmem>>) attributes {dimension_semantics = [#tpu.dimension_semantics<arbitrary>, #tpu.dimension_semantics<arbitrary>], iteration_bounds = array<i64: 3, 5>, scalar_prefetch = 0 : i64, scratch_operands = 8 : i64, tpu.core_type = #tpu.core_type<tc>, window_params = [{transform_indices = @transform_0, window_bounds = array<i64: 2, 2000, 128>}, {transform_indices = @transform_1, window_bounds = array<i64: 2000, 128>}, {transform_indices = @transform_2, window_bounds = array<i64: 2000, 8>}, {pipeline_mode = #tpu.pipeline_mode<synchronous>, transform_indices = @transform_3, window_bounds = array<i64: 1, 128>}, {transform_indices = @transform_4, window_bounds = array<i64: 2000, 128>}, {pipeline_mode = #tpu.pipeline_mode<synchronous>, transform_indices = @transform_5, window_bounds = array<i64: 128, 128>}, {pipeline_mode = #tpu.pipeline_mode<synchronous>, transform_indices = @transform_6, window_bounds = array<i64: 1, 128>}, {transform_indices = @transform_7, window_bounds = array<i64: 1, 1>}, {transform_indices = @transform_8, window_bounds = array<i64: 1, 1>}, {transform_indices = @transform_9, window_bounds = array<i64: 1, 1>}, {transform_indices = @transform_10, window_bounds = array<i64: 1, 1>}, {pipeline_mode = #tpu.pipeline_mode<synchronous>, transform_indices = @transform_11, window_bounds = array<i64: 128, 128>}, {transform_indices = @transform_12, window_bounds = array<i64: 2000, 128>}, {transform_indices = @transform_13, window_bounds = array<i64: 2000, 128>}, {pipeline_mode = #tpu.pipeline_mode<synchronous>, transform_indices = @transform_14, window_bounds = array<i64: 8, 128>}, {pipeline_mode = #tpu.pipeline_mode<synchronous>, transform_indices = @transform_15, window_bounds = array<i64: 128, 128>}]} {
    %mul3A = arith.constant 2000 : i32
    %mul3A_0 = arith.muli %arg1, %mul3A : i32
    %eq3A = arith.constant 0 : i32
    %eq3A_1 = arith.cmpi eq, %arg0, %eq3A : i32
    %convert_element_type3A = arith.extui %eq3A_1 : i1 to i32
    %cond3A = arith.constant 0 : i32
    %cond3A_2 = arith.cmpi ne, %convert_element_type3A, %cond3A : i32
    scf.if %cond3A_2 {
      %get3A = arith.constant 0 : index
      %get3A_13 = arith.constant 0 : index
      %get3A_14 = vector.load %arg4[%get3A, %get3A_13] : memref<2000x8xf32, #tpu.memory_space<vmem>>, vector<2000x1xf32>
      %get3A_15 = arith.constant 0 : index
      %get3A_16 = arith.constant 0 : index
      %get3A_17 = arith.constant 0 : index
      %get3A_18 = vector.load %arg2[%get3A_15, %get3A_16, %get3A_17] : memref<2x2000x128xf32, #tpu.memory_space<vmem>>, vector<1x2000x128xf32>
      %get3A_19 = vector.shape_cast %get3A_18 : vector<1x2000x128xf32> to vector<2000x128xf32>
      %get3A_20 = arith.constant 1 : index
      %get3A_21 = arith.constant 0 : index
      %get3A_22 = arith.constant 0 : index
      %get3A_23 = vector.load %arg2[%get3A_20, %get3A_21, %get3A_22] : memref<2x2000x128xf32, #tpu.memory_space<vmem>>, vector<1x2000x128xf32>
      %get3A_24 = vector.shape_cast %get3A_23 : vector<1x2000x128xf32> to vector<2000x128xf32>
      %add3A = arith.addf %get3A_19, %get3A_24 : vector<2000x128xf32>
      %get3A_25 = arith.constant 0 : index
      %get3A_26 = arith.constant 0 : index
      %get3A_27 = vector.load %arg3[%get3A_25, %get3A_26] : memref<2000x128xf32, #tpu.memory_space<vmem>>, vector<2000x128xf32>
      %add3A_28 = arith.addf %add3A, %get3A_27 : vector<2000x128xf32>
      %mul3A_29 = vector.broadcast %get3A_14 : vector<2000x1xf32> to vector<2000x128xf32>
      %mul3A_30 = arith.mulf %add3A_28, %mul3A_29 : vector<2000x128xf32>
      %get3A_31 = arith.constant 0 : index
      %get3A_32 = arith.constant 0 : index
      %get3A_33 = vector.load %arg5[%get3A_31, %get3A_32] : memref<1x128xf32, #tpu.memory_space<vmem>>, vector<1x128xf32>
      %add3A_34 = vector.broadcast %get3A_33 : vector<1x128xf32> to vector<2000x128xf32>
      %add3A_35 = arith.addf %mul3A_30, %add3A_34 : vector<2000x128xf32>
      %swap3A = arith.index_cast %mul3A_0 : i32 to index
      %swap3A_36 = arith.constant 0 : index
      %swap3A_37 = vector.load %arg18[%swap3A, %swap3A_36] : memref<10000x128xf32, #tpu.memory_space<vmem>>, vector<2000x128xf32>
      tpu.vector_store %arg18[%swap3A, %swap3A_36], %add3A_35 {strides = array<i32>} : memref<10000x128xf32, #tpu.memory_space<vmem>>, vector<2000x128xf32>,
      %eq3A_38 = arith.constant 0 : i32
      %eq3A_39 = arith.cmpi eq, %arg1, %eq3A_38 : i32
      %convert_element_type3A_40 = arith.extui %eq3A_39 : i1 to i32
      %cond3A_41 = arith.constant 0 : i32
      %cond3A_42 = arith.cmpi ne, %convert_element_type3A_40, %cond3A_41 : i32
      scf.if %cond3A_42 {
        %swap3A_67 = arith.constant 0.000000e+00 : f32
        %swap3A_68 = arith.constant 0 : index
        %swap3A_69 = arith.constant 0 : index
        %swap3A_70 = memref.load %arg20[%swap3A_68, %swap3A_69] : memref<1x1xf32, #tpu.memory_space<smem>>
        memref.store %swap3A_67, %arg20[%swap3A_68, %swap3A_69] : memref<1x1xf32, #tpu.memory_space<smem>>
        %swap3A_71 = arith.constant 0.000000e+00 : f32
        %swap3A_72 = arith.constant 0 : index
        %swap3A_73 = arith.constant 0 : index
        %swap3A_74 = memref.load %arg21[%swap3A_72, %swap3A_73] : memref<1x1xf32, #tpu.memory_space<smem>>
        memref.store %swap3A_71, %arg21[%swap3A_72, %swap3A_73] : memref<1x1xf32, #tpu.memory_space<smem>>
      } else {
      }
      %get3A_43 = arith.constant 0 : index
      %get3A_44 = arith.constant 0 : index
      %get3A_45 = memref.load %arg20[%get3A_43, %get3A_44] : memref<1x1xf32, #tpu.memory_space<smem>>
      %reduce_sum3A = vector.shape_cast %add3A_35 : vector<2000x128xf32> to vector<1x2000x128xf32>
      %reduce_sum3A_46 = arith.constant dense<0.000000e+00> : vector<1xf32>
      %reduce_sum3A_47 = vector.multi_reduction <add>, %reduce_sum3A, %reduce_sum3A_46 [1, 2] : vector<1x2000x128xf32> to vector<1xf32>
      %reduce_sum3A_48 = vector.shape_cast %reduce_sum3A_47 : vector<1xf32> to vector<1x1x1xf32>
      %reduce_sum3A_49 = vector.extract %reduce_sum3A_48[0, 0, 0] : f32 from vector<1x1x1xf32>
      %add3A_50 = arith.addf %get3A_45, %reduce_sum3A_49 : f32
      %swap3A_51 = arith.constant 0 : index
      %swap3A_52 = arith.constant 0 : index
      %swap3A_53 = memref.load %arg20[%swap3A_51, %swap3A_52] : memref<1x1xf32, #tpu.memory_space<smem>>
      memref.store %add3A_50, %arg20[%swap3A_51, %swap3A_52] : memref<1x1xf32, #tpu.memory_space<smem>>
      %get3A_54 = arith.constant 0 : index
      %get3A_55 = arith.constant 0 : index
      %get3A_56 = memref.load %arg21[%get3A_54, %get3A_55] : memref<1x1xf32, #tpu.memory_space<smem>>
      %mul3A_57 = arith.mulf %add3A_35, %add3A_35 : vector<2000x128xf32>
      %reduce_sum3A_58 = vector.shape_cast %mul3A_57 : vector<2000x128xf32> to vector<1x2000x128xf32>
      %reduce_sum3A_59 = arith.constant dense<0.000000e+00> : vector<1xf32>
      %reduce_sum3A_60 = vector.multi_reduction <add>, %reduce_sum3A_58, %reduce_sum3A_59 [1, 2] : vector<1x2000x128xf32> to vector<1xf32>
      %reduce_sum3A_61 = vector.shape_cast %reduce_sum3A_60 : vector<1xf32> to vector<1x1x1xf32>
      %reduce_sum3A_62 = vector.extract %reduce_sum3A_61[0, 0, 0] : f32 from vector<1x1x1xf32>
      %add3A_63 = arith.addf %get3A_56, %reduce_sum3A_62 : f32
      %swap3A_64 = arith.constant 0 : index
      %swap3A_65 = arith.constant 0 : index
      %swap3A_66 = memref.load %arg21[%swap3A_64, %swap3A_65] : memref<1x1xf32, #tpu.memory_space<smem>>
      memref.store %add3A_63, %arg21[%swap3A_64, %swap3A_65] : memref<1x1xf32, #tpu.memory_space<smem>>
    } else {
    }
    %eq3A_3 = arith.constant 1 : i32
    %eq3A_4 = arith.cmpi eq, %arg0, %eq3A_3 : i32
    %convert_element_type3A_5 = arith.extui %eq3A_4 : i1 to i32
    %cond3A_6 = arith.constant 0 : i32
    %cond3A_7 = arith.cmpi ne, %convert_element_type3A_5, %cond3A_6 : i32
    scf.if %cond3A_7 {
      %get3A = arith.constant 0 : index
      %get3A_13 = arith.constant 0 : index
      %get3A_14 = memref.load %arg20[%get3A, %get3A_13] : memref<1x1xf32, #tpu.memory_space<smem>>
      %mul3A_15 = arith.constant 7.812500e-07 : f32
      %mul3A_16 = arith.mulf %get3A_14, %mul3A_15 : f32
      %get3A_17 = arith.constant 0 : index
      %get3A_18 = arith.constant 0 : index
      %get3A_19 = memref.load %arg21[%get3A_17, %get3A_18] : memref<1x1xf32, #tpu.memory_space<smem>>
      %mul3A_20 = arith.constant 7.812500e-07 : f32
      %mul3A_21 = arith.mulf %get3A_19, %mul3A_20 : f32
      %mul3A_22 = arith.mulf %mul3A_16, %mul3A_16 : f32
      %sub3A = arith.subf %mul3A_21, %mul3A_22 : f32
      %add3A = arith.constant 9.99999974E-6 : f32
      %add3A_23 = arith.addf %sub3A, %add3A : f32
      %rsqrt3A = math.rsqrt %add3A_23 : f32
      %get3A_24 = arith.index_cast %mul3A_0 : i32 to index
      %get3A_25 = arith.constant 0 : index
      %get3A_26 = vector.load %arg18[%get3A_24, %get3A_25] : memref<10000x128xf32, #tpu.memory_space<vmem>>, vector<2000x128xf32>
      %sub3A_27 = vector.broadcast %mul3A_16 : f32 to vector<2000x128xf32>
      %sub3A_28 = arith.subf %get3A_26, %sub3A_27 : vector<2000x128xf32>
      %mul3A_29 = vector.broadcast %rsqrt3A : f32 to vector<2000x128xf32>
      %mul3A_30 = arith.mulf %sub3A_28, %mul3A_29 : vector<2000x128xf32>
      %get3A_31 = arith.constant 0 : index
      %get3A_32 = arith.constant 0 : index
      %get3A_33 = memref.load %arg9[%get3A_31, %get3A_32] : memref<1x1xf32, #tpu.memory_space<smem>>
      %mul3A_34 = vector.broadcast %get3A_33 : f32 to vector<2000x128xf32>
      %mul3A_35 = arith.mulf %mul3A_30, %mul3A_34 : vector<2000x128xf32>
      %get3A_36 = arith.constant 0 : index
      %get3A_37 = arith.constant 0 : index
      %get3A_38 = memref.load %arg10[%get3A_36, %get3A_37] : memref<1x1xf32, #tpu.memory_space<smem>>
      %add3A_39 = vector.broadcast %get3A_38 : f32 to vector<2000x128xf32>
      %add3A_40 = arith.addf %mul3A_35, %add3A_39 : vector<2000x128xf32>
      %get3A_41 = arith.constant 0 : index
      %get3A_42 = arith.constant 0 : index
      %get3A_43 = vector.load %arg6[%get3A_41, %get3A_42] : memref<2000x128xf32, #tpu.memory_space<vmem>>, vector<2000x128xf32>
      %max3A = arith.constant 0.000000e+00 : f32
      %max3A_44 = vector.broadcast %max3A : f32 to vector<2000x128xf32>
      %max3A_45 = arith.maximumf %add3A_40, %max3A_44 : vector<2000x128xf32>
      %add3A_46 = arith.addf %get3A_43, %max3A_45 : vector<2000x128xf32>
      %get3A_47 = arith.constant 0 : index
      %get3A_48 = arith.constant 0 : index
      %get3A_49 = vector.load %arg7[%get3A_47, %get3A_48] : memref<128x128xf32, #tpu.memory_space<vmem>>, vector<128x128xf32>
      %dot_general3A = arith.constant dense<0.000000e+00> : vector<2000x128xf32>
      %dot_general3A_50 = tpu.matmul %add3A_46, %get3A_49, %dot_general3A {dimension_numbers = #tpu.dot_dimension_numbers<[1], [0], [0], [1], [0, 0, 1, 1], [], []>, precision = #tpu.contract_precision<fp32>, transpose_lhs_hint = false} : vector<2000x128xf32>, vector<128x128xf32>, vector<2000x128xf32> -> vector<2000x128xf32>
      %get3A_51 = arith.constant 0 : index
      %get3A_52 = arith.constant 0 : index
      %get3A_53 = vector.load %arg8[%get3A_51, %get3A_52] : memref<1x128xf32, #tpu.memory_space<vmem>>, vector<1x128xf32>
      %add3A_54 = vector.broadcast %get3A_53 : vector<1x128xf32> to vector<2000x128xf32>
      %add3A_55 = arith.addf %dot_general3A_50, %add3A_54 : vector<2000x128xf32>
      %swap3A = arith.index_cast %mul3A_0 : i32 to index
      %swap3A_56 = arith.constant 0 : index
      %swap3A_57 = vector.load %arg19[%swap3A, %swap3A_56] : memref<10000x128xf32, #tpu.memory_space<vmem>>, vector<2000x128xf32>
      tpu.vector_store %arg19[%swap3A, %swap3A_56], %add3A_55 {strides = array<i32>} : memref<10000x128xf32, #tpu.memory_space<vmem>>, vector<2000x128xf32>,
      %eq3A_58 = arith.constant 0 : i32
      %eq3A_59 = arith.cmpi eq, %arg1, %eq3A_58 : i32
      %convert_element_type3A_60 = arith.extui %eq3A_59 : i1 to i32
      %cond3A_61 = arith.constant 0 : i32
      %cond3A_62 = arith.cmpi ne, %convert_element_type3A_60, %cond3A_61 : i32
      scf.if %cond3A_62 {
        %swap3A_87 = arith.constant 0.000000e+00 : f32
        %swap3A_88 = arith.constant 0 : index
        %swap3A_89 = arith.constant 0 : index
        %swap3A_90 = memref.load %arg22[%swap3A_88, %swap3A_89] : memref<1x1xf32, #tpu.memory_space<smem>>
        memref.store %swap3A_87, %arg22[%swap3A_88, %swap3A_89] : memref<1x1xf32, #tpu.memory_space<smem>>
        %swap3A_91 = arith.constant 0.000000e+00 : f32
        %swap3A_92 = arith.constant 0 : index
        %swap3A_93 = arith.constant 0 : index
        %swap3A_94 = memref.load %arg23[%swap3A_92, %swap3A_93] : memref<1x1xf32, #tpu.memory_space<smem>>
        memref.store %swap3A_91, %arg23[%swap3A_92, %swap3A_93] : memref<1x1xf32, #tpu.memory_space<smem>>
      } else {
      }
      %get3A_63 = arith.constant 0 : index
      %get3A_64 = arith.constant 0 : index
      %get3A_65 = memref.load %arg22[%get3A_63, %get3A_64] : memref<1x1xf32, #tpu.memory_space<smem>>
      %reduce_sum3A = vector.shape_cast %add3A_55 : vector<2000x128xf32> to vector<1x2000x128xf32>
      %reduce_sum3A_66 = arith.constant dense<0.000000e+00> : vector<1xf32>
      %reduce_sum3A_67 = vector.multi_reduction <add>, %reduce_sum3A, %reduce_sum3A_66 [1, 2] : vector<1x2000x128xf32> to vector<1xf32>
      %reduce_sum3A_68 = vector.shape_cast %reduce_sum3A_67 : vector<1xf32> to vector<1x1x1xf32>
      %reduce_sum3A_69 = vector.extract %reduce_sum3A_68[0, 0, 0] : f32 from vector<1x1x1xf32>
      %add3A_70 = arith.addf %get3A_65, %reduce_sum3A_69 : f32
      %swap3A_71 = arith.constant 0 : index
      %swap3A_72 = arith.constant 0 : index
      %swap3A_73 = memref.load %arg22[%swap3A_71, %swap3A_72] : memref<1x1xf32, #tpu.memory_space<smem>>
      memref.store %add3A_70, %arg22[%swap3A_71, %swap3A_72] : memref<1x1xf32, #tpu.memory_space<smem>>
      %get3A_74 = arith.constant 0 : index
      %get3A_75 = arith.constant 0 : index
      %get3A_76 = memref.load %arg23[%get3A_74, %get3A_75] : memref<1x1xf32, #tpu.memory_space<smem>>
      %mul3A_77 = arith.mulf %add3A_55, %add3A_55 : vector<2000x128xf32>
      %reduce_sum3A_78 = vector.shape_cast %mul3A_77 : vector<2000x128xf32> to vector<1x2000x128xf32>
      %reduce_sum3A_79 = arith.constant dense<0.000000e+00> : vector<1xf32>
      %reduce_sum3A_80 = vector.multi_reduction <add>, %reduce_sum3A_78, %reduce_sum3A_79 [1, 2] : vector<1x2000x128xf32> to vector<1xf32>
      %reduce_sum3A_81 = vector.shape_cast %reduce_sum3A_80 : vector<1xf32> to vector<1x1x1xf32>
      %reduce_sum3A_82 = vector.extract %reduce_sum3A_81[0, 0, 0] : f32 from vector<1x1x1xf32>
      %add3A_83 = arith.addf %get3A_76, %reduce_sum3A_82 : f32
      %swap3A_84 = arith.constant 0 : index
      %swap3A_85 = arith.constant 0 : index
      %swap3A_86 = memref.load %arg23[%swap3A_84, %swap3A_85] : memref<1x1xf32, #tpu.memory_space<smem>>
      memref.store %add3A_83, %arg23[%swap3A_84, %swap3A_85] : memref<1x1xf32, #tpu.memory_space<smem>>
    } else {
    }
    %eq3A_8 = arith.constant 2 : i32
    %eq3A_9 = arith.cmpi eq, %arg0, %eq3A_8 : i32
    %convert_element_type3A_10 = arith.extui %eq3A_9 : i1 to i32
    %cond3A_11 = arith.constant 0 : i32
    %cond3A_12 = arith.cmpi ne, %convert_element_type3A_10, %cond3A_11 : i32
    scf.if %cond3A_12 {
      %get3A = arith.constant 0 : index
      %get3A_13 = arith.constant 0 : index
      %get3A_14 = memref.load %arg22[%get3A, %get3A_13] : memref<1x1xf32, #tpu.memory_space<smem>>
      %mul3A_15 = arith.constant 7.812500e-07 : f32
      %mul3A_16 = arith.mulf %get3A_14, %mul3A_15 : f32
      %get3A_17 = arith.constant 0 : index
      %get3A_18 = arith.constant 0 : index
      %get3A_19 = memref.load %arg23[%get3A_17, %get3A_18] : memref<1x1xf32, #tpu.memory_space<smem>>
      %mul3A_20 = arith.constant 7.812500e-07 : f32
      %mul3A_21 = arith.mulf %get3A_19, %mul3A_20 : f32
      %mul3A_22 = arith.mulf %mul3A_16, %mul3A_16 : f32
      %sub3A = arith.subf %mul3A_21, %mul3A_22 : f32
      %add3A = arith.constant 9.99999974E-6 : f32
      %add3A_23 = arith.addf %sub3A, %add3A : f32
      %rsqrt3A = math.rsqrt %add3A_23 : f32
      %get3A_24 = arith.index_cast %mul3A_0 : i32 to index
      %get3A_25 = arith.constant 0 : index
      %get3A_26 = vector.load %arg19[%get3A_24, %get3A_25] : memref<10000x128xf32, #tpu.memory_space<vmem>>, vector<2000x128xf32>
      %sub3A_27 = vector.broadcast %mul3A_16 : f32 to vector<2000x128xf32>
      %sub3A_28 = arith.subf %get3A_26, %sub3A_27 : vector<2000x128xf32>
      %mul3A_29 = vector.broadcast %rsqrt3A : f32 to vector<2000x128xf32>
      %mul3A_30 = arith.mulf %sub3A_28, %mul3A_29 : vector<2000x128xf32>
      %get3A_31 = arith.constant 0 : index
      %get3A_32 = arith.constant 0 : index
      %get3A_33 = memref.load %arg11[%get3A_31, %get3A_32] : memref<1x1xf32, #tpu.memory_space<smem>>
      %mul3A_34 = vector.broadcast %get3A_33 : f32 to vector<2000x128xf32>
      %mul3A_35 = arith.mulf %mul3A_30, %mul3A_34 : vector<2000x128xf32>
      %get3A_36 = arith.constant 0 : index
      %get3A_37 = arith.constant 0 : index
      %get3A_38 = memref.load %arg12[%get3A_36, %get3A_37] : memref<1x1xf32, #tpu.memory_space<smem>>
      %add3A_39 = vector.broadcast %get3A_38 : f32 to vector<2000x128xf32>
      %add3A_40 = arith.addf %mul3A_35, %add3A_39 : vector<2000x128xf32>
      %max3A = arith.constant 0.000000e+00 : f32
      %max3A_41 = vector.broadcast %max3A : f32 to vector<2000x128xf32>
      %max3A_42 = arith.maximumf %add3A_40, %max3A_41 : vector<2000x128xf32>
      %eq3A_43 = arith.constant 0 : i32
      %eq3A_44 = arith.cmpi eq, %arg1, %eq3A_43 : i32
      %convert_element_type3A_45 = arith.extui %eq3A_44 : i1 to i32
      %cond3A_46 = arith.constant 0 : i32
      %cond3A_47 = arith.cmpi ne, %convert_element_type3A_45, %cond3A_46 : i32
      scf.if %cond3A_47 {
        %broadcast_in_dim3A_86 = arith.constant 0.000000e+00 : f32
        %broadcast_in_dim3A_87 = vector.broadcast %broadcast_in_dim3A_86 : f32 to vector<8x128xf32>
        %swap3A_88 = arith.constant 0 : index
        %swap3A_89 = arith.constant 0 : index
        %swap3A_90 = vector.load %arg24[%swap3A_88, %swap3A_89] : memref<8x128xf32, #tpu.memory_space<vmem>>, vector<8x128xf32>
        tpu.vector_store %arg24[%swap3A_88, %swap3A_89], %broadcast_in_dim3A_87 {strides = array<i32>} : memref<8x128xf32, #tpu.memory_space<vmem>>, vector<8x128xf32>,
        %broadcast_in_dim3A_91 = arith.constant 0.000000e+00 : f32
        %broadcast_in_dim3A_92 = vector.broadcast %broadcast_in_dim3A_91 : f32 to vector<128x128xf32>
        %swap3A_93 = arith.constant 0 : index
        %swap3A_94 = arith.constant 0 : index
        %swap3A_95 = vector.load %arg25[%swap3A_93, %swap3A_94] : memref<128x128xf32, #tpu.memory_space<vmem>>, vector<128x128xf32>
        tpu.vector_store %arg25[%swap3A_93, %swap3A_94], %broadcast_in_dim3A_92 {strides = array<i32>} : memref<128x128xf32, #tpu.memory_space<vmem>>, vector<128x128xf32>,
      } else {
      }
      %get3A_48 = arith.constant 0 : index
      %get3A_49 = arith.constant 0 : index
      %get3A_50 = vector.load %arg24[%get3A_48, %get3A_49] : memref<8x128xf32, #tpu.memory_space<vmem>>, vector<8x128xf32>
      %reduce_sum3A = arith.constant dense<0.000000e+00> : vector<128xf32>
      %reduce_sum3A_51 = vector.multi_reduction <add>, %max3A_42, %reduce_sum3A [0] : vector<2000x128xf32> to vector<128xf32>
      %broadcast_in_dim3A = vector.shape_cast %reduce_sum3A_51 : vector<128xf32> to vector<1x128xf32>
      %broadcast_in_dim3A_52 = vector.shape_cast %broadcast_in_dim3A : vector<1x128xf32> to vector<1x128xf32>
      %broadcast_in_dim3A_53 = vector.broadcast %broadcast_in_dim3A_52 : vector<1x128xf32> to vector<8x128xf32>
      %add3A_54 = arith.addf %get3A_50, %broadcast_in_dim3A_53 : vector<8x128xf32>
      %swap3A = arith.constant 0 : index
      %swap3A_55 = arith.constant 0 : index
      %swap3A_56 = vector.load %arg24[%swap3A, %swap3A_55] : memref<8x128xf32, #tpu.memory_space<vmem>>, vector<8x128xf32>
      tpu.vector_store %arg24[%swap3A, %swap3A_55], %add3A_54 {strides = array<i32>} : memref<8x128xf32, #tpu.memory_space<vmem>>, vector<8x128xf32>,
      %get3A_57 = arith.constant 0 : index
      %get3A_58 = arith.constant 0 : index
      %get3A_59 = vector.load %arg25[%get3A_57, %get3A_58] : memref<128x128xf32, #tpu.memory_space<vmem>>, vector<128x128xf32>
      %dot_general3A = arith.constant dense<0.000000e+00> : vector<128x128xf32>
      %dot_general3A_60 = tpu.matmul %max3A_42, %max3A_42, %dot_general3A {dimension_numbers = #tpu.dot_dimension_numbers<[0], [0], [1], [1], [0, 1, 1, 1], [], []>, precision = #tpu.contract_precision<fp32>, transpose_lhs_hint = false} : vector<2000x128xf32>, vector<2000x128xf32>, vector<128x128xf32> -> vector<128x128xf32>
      %add3A_61 = arith.addf %get3A_59, %dot_general3A_60 : vector<128x128xf32>
      %swap3A_62 = arith.constant 0 : index
      %swap3A_63 = arith.constant 0 : index
      %swap3A_64 = vector.load %arg25[%swap3A_62, %swap3A_63] : memref<128x128xf32, #tpu.memory_space<vmem>>, vector<128x128xf32>
      tpu.vector_store %arg25[%swap3A_62, %swap3A_63], %add3A_61 {strides = array<i32>} : memref<128x128xf32, #tpu.memory_space<vmem>>, vector<128x128xf32>,
      %swap3A_65 = arith.constant 0 : index
      %swap3A_66 = arith.constant 0 : index
      %swap3A_67 = vector.load %arg14[%swap3A_65, %swap3A_66] : memref<2000x128xf32, #tpu.memory_space<vmem>>, vector<2000x128xf32>
      tpu.vector_store %arg14[%swap3A_65, %swap3A_66], %max3A_42 {strides = array<i32>} : memref<2000x128xf32, #tpu.memory_space<vmem>>, vector<2000x128xf32>,
      %get3A_68 = arith.constant 0 : index
      %get3A_69 = arith.constant 0 : index
      %get3A_70 = vector.load %arg13[%get3A_68, %get3A_69] : memref<128x128xf32, #tpu.memory_space<vmem>>, vector<128x128xf32>
      %dot_general3A_71 = arith.constant dense<0.000000e+00> : vector<2000x128xf32>
      %dot_general3A_72 = tpu.matmul %max3A_42, %get3A_70, %dot_general3A_71 {dimension_numbers = #tpu.dot_dimension_numbers<[1], [0], [0], [1], [0, 0, 1, 1], [], []>, precision = #tpu.contract_precision<fp32>, transpose_lhs_hint = false} : vector<2000x128xf32>, vector<128x128xf32>, vector<2000x128xf32> -> vector<2000x128xf32>
      %get3A_73 = arith.constant 0 : index
      %get3A_74 = arith.constant 0 : index
      %get3A_75 = vector.load %arg4[%get3A_73, %get3A_74] : memref<2000x8xf32, #tpu.memory_space<vmem>>, vector<2000x1xf32>
      %mul3A_76 = vector.broadcast %get3A_75 : vector<2000x1xf32> to vector<2000x128xf32>
      %mul3A_77 = arith.mulf %dot_general3A_72, %mul3A_76 : vector<2000x128xf32>
      %swap3A_78 = arith.constant 0 : index
      %swap3A_79 = arith.constant 0 : index
      %swap3A_80 = vector.load %arg15[%swap3A_78, %swap3A_79] : memref<2000x128xf32, #tpu.memory_space<vmem>>, vector<2000x128xf32>
      tpu.vector_store %arg15[%swap3A_78, %swap3A_79], %mul3A_77 {strides = array<i32>} : memref<2000x128xf32, #tpu.memory_space<vmem>>, vector<2000x128xf32>,
      %eq3A_81 = arith.constant 4 : i32
      %eq3A_82 = arith.cmpi eq, %arg1, %eq3A_81 : i32
      %convert_element_type3A_83 = arith.extui %eq3A_82 : i1 to i32
      %cond3A_84 = arith.constant 0 : i32
      %cond3A_85 = arith.cmpi ne, %convert_element_type3A_83, %cond3A_84 : i32
      scf.if %cond3A_85 {
        %get3A_86 = arith.constant 0 : index
        %get3A_87 = arith.constant 0 : index
        %get3A_88 = vector.load %arg24[%get3A_86, %get3A_87] : memref<8x128xf32, #tpu.memory_space<vmem>>, vector<8x128xf32>
        %swap3A_89 = arith.constant 0 : index
        %swap3A_90 = arith.constant 0 : index
        %swap3A_91 = vector.load %arg16[%swap3A_89, %swap3A_90] : memref<8x128xf32, #tpu.memory_space<vmem>>, vector<8x128xf32>
        tpu.vector_store %arg16[%swap3A_89, %swap3A_90], %get3A_88 {strides = array<i32>} : memref<8x128xf32, #tpu.memory_space<vmem>>, vector<8x128xf32>,
        %get3A_92 = arith.constant 0 : index
        %get3A_93 = arith.constant 0 : index
        %get3A_94 = vector.load %arg25[%get3A_92, %get3A_93] : memref<128x128xf32, #tpu.memory_space<vmem>>, vector<128x128xf32>
        %swap3A_95 = arith.constant 0 : index
        %swap3A_96 = arith.constant 0 : index
        %swap3A_97 = vector.load %arg17[%swap3A_95, %swap3A_96] : memref<128x128xf32, #tpu.memory_space<vmem>>, vector<128x128xf32>
        tpu.vector_store %arg17[%swap3A_95, %swap3A_96], %get3A_94 {strides = array<i32>} : memref<128x128xf32, #tpu.memory_space<vmem>>, vector<128x128xf32>,
      } else {
      }
    } else {
    }
    return
  }
  func.func @transform_0(%arg0: i32, %arg1: i32) -> (i32, i32, i32) {
    %eq3A = arith.constant 0 : i32
    %eq3A_0 = arith.cmpi eq, %arg0, %eq3A : i32
    %jit3A = arith.constant 0 : i32
    %select_n3A = arith.select %eq3A_0, %arg1, %jit3A : i32
    %c0_i32 = arith.constant 0 : i32
    %c0_i32_1 = arith.constant 0 : i32
    %c0_i32_2 = arith.constant 0 : i32
    return %c0_i32, %select_n3A, %c0_i32_1 : i32, i32, i32
  }
  func.func @transform_1(%arg0: i32, %arg1: i32) -> (i32, i32) {
    %eq3A = arith.constant 0 : i32
    %eq3A_0 = arith.cmpi eq, %arg0, %eq3A : i32
    %jit3A = arith.constant 0 : i32
    %select_n3A = arith.select %eq3A_0, %arg1, %jit3A : i32
    %c0_i32 = arith.constant 0 : i32
    %c0_i32_1 = arith.constant 0 : i32
    return %select_n3A, %c0_i32 : i32, i32
  }
  func.func @transform_2(%arg0: i32, %arg1: i32) -> (i32, i32) {
    %eq3A = arith.constant 0 : i32
    %eq3A_0 = arith.cmpi eq, %arg0, %eq3A : i32
    %eq3A_1 = arith.constant 2 : i32
    %eq3A_2 = arith.cmpi eq, %arg0, %eq3A_1 : i32
    %or3A = arith.ori %eq3A_0, %eq3A_2 : i1
    %jit3A = arith.constant 0 : i32
    %select_n3A = arith.select %or3A, %arg1, %jit3A : i32
    %c0_i32 = arith.constant 0 : i32
    %c0_i32_3 = arith.constant 0 : i32
    return %select_n3A, %c0_i32 : i32, i32
  }
  func.func @transform_3(%arg0: i32, %arg1: i32) -> (i32, i32) {
    %c0_i32 = arith.constant 0 : i32
    %c0_i32_0 = arith.constant 0 : i32
    %c0_i32_1 = arith.constant 0 : i32
    return %c0_i32, %c0_i32_0 : i32, i32
  }
  func.func @transform_4(%arg0: i32, %arg1: i32) -> (i32, i32) {
    %eq3A = arith.constant 1 : i32
    %eq3A_0 = arith.cmpi eq, %arg0, %eq3A : i32
    %jit3A = arith.constant 0 : i32
    %select_n3A = arith.select %eq3A_0, %arg1, %jit3A : i32
    %c0_i32 = arith.constant 0 : i32
    %c0_i32_1 = arith.constant 0 : i32
    return %select_n3A, %c0_i32 : i32, i32
  }
  func.func @transform_5(%arg0: i32, %arg1: i32) -> (i32, i32) {
    %c0_i32 = arith.constant 0 : i32
    %c0_i32_0 = arith.constant 0 : i32
    %c0_i32_1 = arith.constant 0 : i32
    return %c0_i32, %c0_i32_0 : i32, i32
  }
  func.func @transform_6(%arg0: i32, %arg1: i32) -> (i32, i32) {
    %c0_i32 = arith.constant 0 : i32
    %c0_i32_0 = arith.constant 0 : i32
    %c0_i32_1 = arith.constant 0 : i32
    return %c0_i32, %c0_i32_0 : i32, i32
  }
  func.func @transform_7(%arg0: i32, %arg1: i32) -> (i32, i32) {
    %c0_i32 = arith.constant 0 : i32
    %c0_i32_0 = arith.constant 0 : i32
    %c0_i32_1 = arith.constant 0 : i32
    return %c0_i32, %c0_i32_0 : i32, i32
  }
  func.func @transform_8(%arg0: i32, %arg1: i32) -> (i32, i32) {
    %c0_i32 = arith.constant 0 : i32
    %c0_i32_0 = arith.constant 0 : i32
    %c0_i32_1 = arith.constant 0 : i32
    return %c0_i32, %c0_i32_0 : i32, i32
  }
  func.func @transform_9(%arg0: i32, %arg1: i32) -> (i32, i32) {
    %c0_i32 = arith.constant 0 : i32
    %c0_i32_0 = arith.constant 0 : i32
    %c0_i32_1 = arith.constant 0 : i32
    return %c0_i32, %c0_i32_0 : i32, i32
  }
  func.func @transform_10(%arg0: i32, %arg1: i32) -> (i32, i32) {
    %c0_i32 = arith.constant 0 : i32
    %c0_i32_0 = arith.constant 0 : i32
    %c0_i32_1 = arith.constant 0 : i32
    return %c0_i32, %c0_i32_0 : i32, i32
  }
  func.func @transform_11(%arg0: i32, %arg1: i32) -> (i32, i32) {
    %c0_i32 = arith.constant 0 : i32
    %c0_i32_0 = arith.constant 0 : i32
    %c0_i32_1 = arith.constant 0 : i32
    return %c0_i32, %c0_i32_0 : i32, i32
  }
  func.func @transform_12(%arg0: i32, %arg1: i32) -> (i32, i32) {
    %eq3A = arith.constant 2 : i32
    %eq3A_0 = arith.cmpi eq, %arg0, %eq3A : i32
    %jit3A = arith.constant 0 : i32
    %select_n3A = arith.select %eq3A_0, %arg1, %jit3A : i32
    %c0_i32 = arith.constant 0 : i32
    %c0_i32_1 = arith.constant 0 : i32
    return %select_n3A, %c0_i32 : i32, i32
  }
  func.func @transform_13(%arg0: i32, %arg1: i32) -> (i32, i32) {
    %eq3A = arith.constant 2 : i32
    %eq3A_0 = arith.cmpi eq, %arg0, %eq3A : i32
    %jit3A = arith.constant 0 : i32
    %select_n3A = arith.select %eq3A_0, %arg1, %jit3A : i32
    %c0_i32 = arith.constant 0 : i32
    %c0_i32_1 = arith.constant 0 : i32
    return %select_n3A, %c0_i32 : i32, i32
  }
  func.func @transform_14(%arg0: i32, %arg1: i32) -> (i32, i32) {
    %c0_i32 = arith.constant 0 : i32
    %c0_i32_0 = arith.constant 0 : i32
    %c0_i32_1 = arith.constant 0 : i32
    return %c0_i32, %c0_i32_0 : i32, i32
  }
  func.func @transform_15(%arg0: i32, %arg1: i32) -> (i32, i32) {
    %c0_i32 = arith.constant 0 : i32
    %c0_i32_0 = arith.constant 0 : i32
    %c0_i32_1 = arith.constant 0 : i32
    return %c0_i32, %c0_i32_0 : i32, i32
  }
}

module attributes {stable_mosaic.version = 14 : i64} {
  func.func @body(%arg0: i32, %arg1: i32, %arg2: memref<2x2000x128xf32, #tpu.memory_space<vmem>>, %arg3: memref<2000x128xf32, #tpu.memory_space<vmem>>, %arg4: memref<2000x8xf32, #tpu.memory_space<vmem>>, %arg5: memref<1x128xf32, #tpu.memory_space<vmem>>, %arg6: memref<2000x128xf32, #tpu.memory_space<vmem>>, %arg7: memref<128x128xf32, #tpu.memory_space<vmem>>, %arg8: memref<1x128xf32, #tpu.memory_space<vmem>>, %arg9: memref<1x1xf32, #tpu.memory_space<smem>>, %arg10: memref<1x1xf32, #tpu.memory_space<smem>>, %arg11: memref<1x1xf32, #tpu.memory_space<smem>>, %arg12: memref<1x1xf32, #tpu.memory_space<smem>>, %arg13: memref<8x128xf32, #tpu.memory_space<vmem>>, %arg14: memref<128x128xf32, #tpu.memory_space<vmem>>, %arg15: memref<10000x128xf32, #tpu.memory_space<vmem>>, %arg16: memref<10000x128xf32, #tpu.memory_space<vmem>>, %arg17: memref<1x1xf32, #tpu.memory_space<smem>>, %arg18: memref<1x1xf32, #tpu.memory_space<smem>>, %arg19: memref<1x1xf32, #tpu.memory_space<smem>>, %arg20: memref<1x1xf32, #tpu.memory_space<smem>>, %arg21: memref<8x128xf32, #tpu.memory_space<vmem>>, %arg22: memref<128x128xf32, #tpu.memory_space<vmem>>) attributes {dimension_semantics = [#tpu.dimension_semantics<arbitrary>, #tpu.dimension_semantics<arbitrary>], iteration_bounds = array<i64: 3, 5>, scalar_prefetch = 0 : i64, scratch_operands = 8 : i64, tpu.core_type = #tpu.core_type<tc>, window_params = [{transform_indices = @transform_0, window_bounds = array<i64: 2, 2000, 128>}, {transform_indices = @transform_1, window_bounds = array<i64: 2000, 128>}, {transform_indices = @transform_2, window_bounds = array<i64: 2000, 8>}, {pipeline_mode = #tpu.pipeline_mode<synchronous>, transform_indices = @transform_3, window_bounds = array<i64: 1, 128>}, {transform_indices = @transform_4, window_bounds = array<i64: 2000, 128>}, {pipeline_mode = #tpu.pipeline_mode<synchronous>, transform_indices = @transform_5, window_bounds = array<i64: 128, 128>}, {pipeline_mode = #tpu.pipeline_mode<synchronous>, transform_indices = @transform_6, window_bounds = array<i64: 1, 128>}, {transform_indices = @transform_7, window_bounds = array<i64: 1, 1>}, {transform_indices = @transform_8, window_bounds = array<i64: 1, 1>}, {transform_indices = @transform_9, window_bounds = array<i64: 1, 1>}, {transform_indices = @transform_10, window_bounds = array<i64: 1, 1>}, {pipeline_mode = #tpu.pipeline_mode<synchronous>, transform_indices = @transform_11, window_bounds = array<i64: 8, 128>}, {pipeline_mode = #tpu.pipeline_mode<synchronous>, transform_indices = @transform_12, window_bounds = array<i64: 128, 128>}]} {
    %mul3A = arith.constant 2000 : i32
    %mul3A_0 = arith.muli %arg1, %mul3A : i32
    %eq3A = arith.constant 0 : i32
    %eq3A_1 = arith.cmpi eq, %arg0, %eq3A : i32
    %convert_element_type3A = arith.extui %eq3A_1 : i1 to i32
    %cond3A = arith.constant 0 : i32
    %cond3A_2 = arith.cmpi ne, %convert_element_type3A, %cond3A : i32
    scf.if %cond3A_2 {
      %get3A = arith.constant 0 : index
      %get3A_13 = arith.constant 0 : index
      %get3A_14 = vector.load %arg4[%get3A, %get3A_13] : memref<2000x8xf32, #tpu.memory_space<vmem>>, vector<2000x1xf32>
      %get3A_15 = arith.constant 0 : index
      %get3A_16 = arith.constant 0 : index
      %get3A_17 = arith.constant 0 : index
      %get3A_18 = vector.load %arg2[%get3A_15, %get3A_16, %get3A_17] : memref<2x2000x128xf32, #tpu.memory_space<vmem>>, vector<1x2000x128xf32>
      %get3A_19 = vector.shape_cast %get3A_18 : vector<1x2000x128xf32> to vector<2000x128xf32>
      %get3A_20 = arith.constant 1 : index
      %get3A_21 = arith.constant 0 : index
      %get3A_22 = arith.constant 0 : index
      %get3A_23 = vector.load %arg2[%get3A_20, %get3A_21, %get3A_22] : memref<2x2000x128xf32, #tpu.memory_space<vmem>>, vector<1x2000x128xf32>
      %get3A_24 = vector.shape_cast %get3A_23 : vector<1x2000x128xf32> to vector<2000x128xf32>
      %add3A = arith.addf %get3A_19, %get3A_24 : vector<2000x128xf32>
      %get3A_25 = arith.constant 0 : index
      %get3A_26 = arith.constant 0 : index
      %get3A_27 = vector.load %arg3[%get3A_25, %get3A_26] : memref<2000x128xf32, #tpu.memory_space<vmem>>, vector<2000x128xf32>
      %add3A_28 = arith.addf %add3A, %get3A_27 : vector<2000x128xf32>
      %mul3A_29 = vector.broadcast %get3A_14 : vector<2000x1xf32> to vector<2000x128xf32>
      %mul3A_30 = arith.mulf %add3A_28, %mul3A_29 : vector<2000x128xf32>
      %get3A_31 = arith.constant 0 : index
      %get3A_32 = arith.constant 0 : index
      %get3A_33 = vector.load %arg5[%get3A_31, %get3A_32] : memref<1x128xf32, #tpu.memory_space<vmem>>, vector<1x128xf32>
      %add3A_34 = vector.broadcast %get3A_33 : vector<1x128xf32> to vector<2000x128xf32>
      %add3A_35 = arith.addf %mul3A_30, %add3A_34 : vector<2000x128xf32>
      %swap3A = arith.index_cast %mul3A_0 : i32 to index
      %swap3A_36 = arith.constant 0 : index
      %swap3A_37 = vector.load %arg15[%swap3A, %swap3A_36] : memref<10000x128xf32, #tpu.memory_space<vmem>>, vector<2000x128xf32>
      tpu.vector_store %arg15[%swap3A, %swap3A_36], %add3A_35 {strides = array<i32>} : memref<10000x128xf32, #tpu.memory_space<vmem>>, vector<2000x128xf32>,
      %eq3A_38 = arith.constant 0 : i32
      %eq3A_39 = arith.cmpi eq, %arg1, %eq3A_38 : i32
      %convert_element_type3A_40 = arith.extui %eq3A_39 : i1 to i32
      %cond3A_41 = arith.constant 0 : i32
      %cond3A_42 = arith.cmpi ne, %convert_element_type3A_40, %cond3A_41 : i32
      scf.if %cond3A_42 {
        %swap3A_67 = arith.constant 0.000000e+00 : f32
        %swap3A_68 = arith.constant 0 : index
        %swap3A_69 = arith.constant 0 : index
        %swap3A_70 = memref.load %arg17[%swap3A_68, %swap3A_69] : memref<1x1xf32, #tpu.memory_space<smem>>
        memref.store %swap3A_67, %arg17[%swap3A_68, %swap3A_69] : memref<1x1xf32, #tpu.memory_space<smem>>
        %swap3A_71 = arith.constant 0.000000e+00 : f32
        %swap3A_72 = arith.constant 0 : index
        %swap3A_73 = arith.constant 0 : index
        %swap3A_74 = memref.load %arg18[%swap3A_72, %swap3A_73] : memref<1x1xf32, #tpu.memory_space<smem>>
        memref.store %swap3A_71, %arg18[%swap3A_72, %swap3A_73] : memref<1x1xf32, #tpu.memory_space<smem>>
      } else {
      }
      %get3A_43 = arith.constant 0 : index
      %get3A_44 = arith.constant 0 : index
      %get3A_45 = memref.load %arg17[%get3A_43, %get3A_44] : memref<1x1xf32, #tpu.memory_space<smem>>
      %reduce_sum3A = vector.shape_cast %add3A_35 : vector<2000x128xf32> to vector<1x2000x128xf32>
      %reduce_sum3A_46 = arith.constant dense<0.000000e+00> : vector<1xf32>
      %reduce_sum3A_47 = vector.multi_reduction <add>, %reduce_sum3A, %reduce_sum3A_46 [1, 2] : vector<1x2000x128xf32> to vector<1xf32>
      %reduce_sum3A_48 = vector.shape_cast %reduce_sum3A_47 : vector<1xf32> to vector<1x1x1xf32>
      %reduce_sum3A_49 = vector.extract %reduce_sum3A_48[0, 0, 0] : f32 from vector<1x1x1xf32>
      %add3A_50 = arith.addf %get3A_45, %reduce_sum3A_49 : f32
      %swap3A_51 = arith.constant 0 : index
      %swap3A_52 = arith.constant 0 : index
      %swap3A_53 = memref.load %arg17[%swap3A_51, %swap3A_52] : memref<1x1xf32, #tpu.memory_space<smem>>
      memref.store %add3A_50, %arg17[%swap3A_51, %swap3A_52] : memref<1x1xf32, #tpu.memory_space<smem>>
      %get3A_54 = arith.constant 0 : index
      %get3A_55 = arith.constant 0 : index
      %get3A_56 = memref.load %arg18[%get3A_54, %get3A_55] : memref<1x1xf32, #tpu.memory_space<smem>>
      %mul3A_57 = arith.mulf %add3A_35, %add3A_35 : vector<2000x128xf32>
      %reduce_sum3A_58 = vector.shape_cast %mul3A_57 : vector<2000x128xf32> to vector<1x2000x128xf32>
      %reduce_sum3A_59 = arith.constant dense<0.000000e+00> : vector<1xf32>
      %reduce_sum3A_60 = vector.multi_reduction <add>, %reduce_sum3A_58, %reduce_sum3A_59 [1, 2] : vector<1x2000x128xf32> to vector<1xf32>
      %reduce_sum3A_61 = vector.shape_cast %reduce_sum3A_60 : vector<1xf32> to vector<1x1x1xf32>
      %reduce_sum3A_62 = vector.extract %reduce_sum3A_61[0, 0, 0] : f32 from vector<1x1x1xf32>
      %add3A_63 = arith.addf %get3A_56, %reduce_sum3A_62 : f32
      %swap3A_64 = arith.constant 0 : index
      %swap3A_65 = arith.constant 0 : index
      %swap3A_66 = memref.load %arg18[%swap3A_64, %swap3A_65] : memref<1x1xf32, #tpu.memory_space<smem>>
      memref.store %add3A_63, %arg18[%swap3A_64, %swap3A_65] : memref<1x1xf32, #tpu.memory_space<smem>>
    } else {
    }
    %eq3A_3 = arith.constant 1 : i32
    %eq3A_4 = arith.cmpi eq, %arg0, %eq3A_3 : i32
    %convert_element_type3A_5 = arith.extui %eq3A_4 : i1 to i32
    %cond3A_6 = arith.constant 0 : i32
    %cond3A_7 = arith.cmpi ne, %convert_element_type3A_5, %cond3A_6 : i32
    scf.if %cond3A_7 {
      %get3A = arith.constant 0 : index
      %get3A_13 = arith.constant 0 : index
      %get3A_14 = memref.load %arg17[%get3A, %get3A_13] : memref<1x1xf32, #tpu.memory_space<smem>>
      %mul3A_15 = arith.constant 7.812500e-07 : f32
      %mul3A_16 = arith.mulf %get3A_14, %mul3A_15 : f32
      %get3A_17 = arith.constant 0 : index
      %get3A_18 = arith.constant 0 : index
      %get3A_19 = memref.load %arg18[%get3A_17, %get3A_18] : memref<1x1xf32, #tpu.memory_space<smem>>
      %mul3A_20 = arith.constant 7.812500e-07 : f32
      %mul3A_21 = arith.mulf %get3A_19, %mul3A_20 : f32
      %mul3A_22 = arith.mulf %mul3A_16, %mul3A_16 : f32
      %sub3A = arith.subf %mul3A_21, %mul3A_22 : f32
      %add3A = arith.constant 9.99999974E-6 : f32
      %add3A_23 = arith.addf %sub3A, %add3A : f32
      %rsqrt3A = math.rsqrt %add3A_23 : f32
      %get3A_24 = arith.index_cast %mul3A_0 : i32 to index
      %get3A_25 = arith.constant 0 : index
      %get3A_26 = vector.load %arg15[%get3A_24, %get3A_25] : memref<10000x128xf32, #tpu.memory_space<vmem>>, vector<2000x128xf32>
      %sub3A_27 = vector.broadcast %mul3A_16 : f32 to vector<2000x128xf32>
      %sub3A_28 = arith.subf %get3A_26, %sub3A_27 : vector<2000x128xf32>
      %mul3A_29 = vector.broadcast %rsqrt3A : f32 to vector<2000x128xf32>
      %mul3A_30 = arith.mulf %sub3A_28, %mul3A_29 : vector<2000x128xf32>
      %get3A_31 = arith.constant 0 : index
      %get3A_32 = arith.constant 0 : index
      %get3A_33 = memref.load %arg9[%get3A_31, %get3A_32] : memref<1x1xf32, #tpu.memory_space<smem>>
      %mul3A_34 = vector.broadcast %get3A_33 : f32 to vector<2000x128xf32>
      %mul3A_35 = arith.mulf %mul3A_30, %mul3A_34 : vector<2000x128xf32>
      %get3A_36 = arith.constant 0 : index
      %get3A_37 = arith.constant 0 : index
      %get3A_38 = memref.load %arg10[%get3A_36, %get3A_37] : memref<1x1xf32, #tpu.memory_space<smem>>
      %add3A_39 = vector.broadcast %get3A_38 : f32 to vector<2000x128xf32>
      %add3A_40 = arith.addf %mul3A_35, %add3A_39 : vector<2000x128xf32>
      %get3A_41 = arith.constant 0 : index
      %get3A_42 = arith.constant 0 : index
      %get3A_43 = vector.load %arg6[%get3A_41, %get3A_42] : memref<2000x128xf32, #tpu.memory_space<vmem>>, vector<2000x128xf32>
      %max3A = arith.constant 0.000000e+00 : f32
      %max3A_44 = vector.broadcast %max3A : f32 to vector<2000x128xf32>
      %max3A_45 = arith.maximumf %add3A_40, %max3A_44 : vector<2000x128xf32>
      %add3A_46 = arith.addf %get3A_43, %max3A_45 : vector<2000x128xf32>
      %get3A_47 = arith.constant 0 : index
      %get3A_48 = arith.constant 0 : index
      %get3A_49 = vector.load %arg7[%get3A_47, %get3A_48] : memref<128x128xf32, #tpu.memory_space<vmem>>, vector<128x128xf32>
      %dot_general3A = arith.constant dense<0.000000e+00> : vector<2000x128xf32>
      %dot_general3A_50 = tpu.matmul %add3A_46, %get3A_49, %dot_general3A {dimension_numbers = #tpu.dot_dimension_numbers<[1], [0], [0], [1], [0, 0, 1, 1], [], []>, precision = #tpu.contract_precision<fp32>, transpose_lhs_hint = false} : vector<2000x128xf32>, vector<128x128xf32>, vector<2000x128xf32> -> vector<2000x128xf32>
      %get3A_51 = arith.constant 0 : index
      %get3A_52 = arith.constant 0 : index
      %get3A_53 = vector.load %arg8[%get3A_51, %get3A_52] : memref<1x128xf32, #tpu.memory_space<vmem>>, vector<1x128xf32>
      %add3A_54 = vector.broadcast %get3A_53 : vector<1x128xf32> to vector<2000x128xf32>
      %add3A_55 = arith.addf %dot_general3A_50, %add3A_54 : vector<2000x128xf32>
      %swap3A = arith.index_cast %mul3A_0 : i32 to index
      %swap3A_56 = arith.constant 0 : index
      %swap3A_57 = vector.load %arg16[%swap3A, %swap3A_56] : memref<10000x128xf32, #tpu.memory_space<vmem>>, vector<2000x128xf32>
      tpu.vector_store %arg16[%swap3A, %swap3A_56], %add3A_55 {strides = array<i32>} : memref<10000x128xf32, #tpu.memory_space<vmem>>, vector<2000x128xf32>,
      %eq3A_58 = arith.constant 0 : i32
      %eq3A_59 = arith.cmpi eq, %arg1, %eq3A_58 : i32
      %convert_element_type3A_60 = arith.extui %eq3A_59 : i1 to i32
      %cond3A_61 = arith.constant 0 : i32
      %cond3A_62 = arith.cmpi ne, %convert_element_type3A_60, %cond3A_61 : i32
      scf.if %cond3A_62 {
        %swap3A_87 = arith.constant 0.000000e+00 : f32
        %swap3A_88 = arith.constant 0 : index
        %swap3A_89 = arith.constant 0 : index
        %swap3A_90 = memref.load %arg19[%swap3A_88, %swap3A_89] : memref<1x1xf32, #tpu.memory_space<smem>>
        memref.store %swap3A_87, %arg19[%swap3A_88, %swap3A_89] : memref<1x1xf32, #tpu.memory_space<smem>>
        %swap3A_91 = arith.constant 0.000000e+00 : f32
        %swap3A_92 = arith.constant 0 : index
        %swap3A_93 = arith.constant 0 : index
        %swap3A_94 = memref.load %arg20[%swap3A_92, %swap3A_93] : memref<1x1xf32, #tpu.memory_space<smem>>
        memref.store %swap3A_91, %arg20[%swap3A_92, %swap3A_93] : memref<1x1xf32, #tpu.memory_space<smem>>
      } else {
      }
      %get3A_63 = arith.constant 0 : index
      %get3A_64 = arith.constant 0 : index
      %get3A_65 = memref.load %arg19[%get3A_63, %get3A_64] : memref<1x1xf32, #tpu.memory_space<smem>>
      %reduce_sum3A = vector.shape_cast %add3A_55 : vector<2000x128xf32> to vector<1x2000x128xf32>
      %reduce_sum3A_66 = arith.constant dense<0.000000e+00> : vector<1xf32>
      %reduce_sum3A_67 = vector.multi_reduction <add>, %reduce_sum3A, %reduce_sum3A_66 [1, 2] : vector<1x2000x128xf32> to vector<1xf32>
      %reduce_sum3A_68 = vector.shape_cast %reduce_sum3A_67 : vector<1xf32> to vector<1x1x1xf32>
      %reduce_sum3A_69 = vector.extract %reduce_sum3A_68[0, 0, 0] : f32 from vector<1x1x1xf32>
      %add3A_70 = arith.addf %get3A_65, %reduce_sum3A_69 : f32
      %swap3A_71 = arith.constant 0 : index
      %swap3A_72 = arith.constant 0 : index
      %swap3A_73 = memref.load %arg19[%swap3A_71, %swap3A_72] : memref<1x1xf32, #tpu.memory_space<smem>>
      memref.store %add3A_70, %arg19[%swap3A_71, %swap3A_72] : memref<1x1xf32, #tpu.memory_space<smem>>
      %get3A_74 = arith.constant 0 : index
      %get3A_75 = arith.constant 0 : index
      %get3A_76 = memref.load %arg20[%get3A_74, %get3A_75] : memref<1x1xf32, #tpu.memory_space<smem>>
      %mul3A_77 = arith.mulf %add3A_55, %add3A_55 : vector<2000x128xf32>
      %reduce_sum3A_78 = vector.shape_cast %mul3A_77 : vector<2000x128xf32> to vector<1x2000x128xf32>
      %reduce_sum3A_79 = arith.constant dense<0.000000e+00> : vector<1xf32>
      %reduce_sum3A_80 = vector.multi_reduction <add>, %reduce_sum3A_78, %reduce_sum3A_79 [1, 2] : vector<1x2000x128xf32> to vector<1xf32>
      %reduce_sum3A_81 = vector.shape_cast %reduce_sum3A_80 : vector<1xf32> to vector<1x1x1xf32>
      %reduce_sum3A_82 = vector.extract %reduce_sum3A_81[0, 0, 0] : f32 from vector<1x1x1xf32>
      %add3A_83 = arith.addf %get3A_76, %reduce_sum3A_82 : f32
      %swap3A_84 = arith.constant 0 : index
      %swap3A_85 = arith.constant 0 : index
      %swap3A_86 = memref.load %arg20[%swap3A_84, %swap3A_85] : memref<1x1xf32, #tpu.memory_space<smem>>
      memref.store %add3A_83, %arg20[%swap3A_84, %swap3A_85] : memref<1x1xf32, #tpu.memory_space<smem>>
    } else {
    }
    %eq3A_8 = arith.constant 2 : i32
    %eq3A_9 = arith.cmpi eq, %arg0, %eq3A_8 : i32
    %convert_element_type3A_10 = arith.extui %eq3A_9 : i1 to i32
    %cond3A_11 = arith.constant 0 : i32
    %cond3A_12 = arith.cmpi ne, %convert_element_type3A_10, %cond3A_11 : i32
    scf.if %cond3A_12 {
      %get3A = arith.constant 0 : index
      %get3A_13 = arith.constant 0 : index
      %get3A_14 = memref.load %arg19[%get3A, %get3A_13] : memref<1x1xf32, #tpu.memory_space<smem>>
      %mul3A_15 = arith.constant 7.812500e-07 : f32
      %mul3A_16 = arith.mulf %get3A_14, %mul3A_15 : f32
      %get3A_17 = arith.constant 0 : index
      %get3A_18 = arith.constant 0 : index
      %get3A_19 = memref.load %arg20[%get3A_17, %get3A_18] : memref<1x1xf32, #tpu.memory_space<smem>>
      %mul3A_20 = arith.constant 7.812500e-07 : f32
      %mul3A_21 = arith.mulf %get3A_19, %mul3A_20 : f32
      %mul3A_22 = arith.mulf %mul3A_16, %mul3A_16 : f32
      %sub3A = arith.subf %mul3A_21, %mul3A_22 : f32
      %add3A = arith.constant 9.99999974E-6 : f32
      %add3A_23 = arith.addf %sub3A, %add3A : f32
      %rsqrt3A = math.rsqrt %add3A_23 : f32
      %get3A_24 = arith.index_cast %mul3A_0 : i32 to index
      %get3A_25 = arith.constant 0 : index
      %get3A_26 = vector.load %arg16[%get3A_24, %get3A_25] : memref<10000x128xf32, #tpu.memory_space<vmem>>, vector<2000x128xf32>
      %sub3A_27 = vector.broadcast %mul3A_16 : f32 to vector<2000x128xf32>
      %sub3A_28 = arith.subf %get3A_26, %sub3A_27 : vector<2000x128xf32>
      %mul3A_29 = vector.broadcast %rsqrt3A : f32 to vector<2000x128xf32>
      %mul3A_30 = arith.mulf %sub3A_28, %mul3A_29 : vector<2000x128xf32>
      %get3A_31 = arith.constant 0 : index
      %get3A_32 = arith.constant 0 : index
      %get3A_33 = memref.load %arg11[%get3A_31, %get3A_32] : memref<1x1xf32, #tpu.memory_space<smem>>
      %mul3A_34 = vector.broadcast %get3A_33 : f32 to vector<2000x128xf32>
      %mul3A_35 = arith.mulf %mul3A_30, %mul3A_34 : vector<2000x128xf32>
      %get3A_36 = arith.constant 0 : index
      %get3A_37 = arith.constant 0 : index
      %get3A_38 = memref.load %arg12[%get3A_36, %get3A_37] : memref<1x1xf32, #tpu.memory_space<smem>>
      %add3A_39 = vector.broadcast %get3A_38 : f32 to vector<2000x128xf32>
      %add3A_40 = arith.addf %mul3A_35, %add3A_39 : vector<2000x128xf32>
      %max3A = arith.constant 0.000000e+00 : f32
      %max3A_41 = vector.broadcast %max3A : f32 to vector<2000x128xf32>
      %max3A_42 = arith.maximumf %add3A_40, %max3A_41 : vector<2000x128xf32>
      %eq3A_43 = arith.constant 0 : i32
      %eq3A_44 = arith.cmpi eq, %arg1, %eq3A_43 : i32
      %convert_element_type3A_45 = arith.extui %eq3A_44 : i1 to i32
      %cond3A_46 = arith.constant 0 : i32
      %cond3A_47 = arith.cmpi ne, %convert_element_type3A_45, %cond3A_46 : i32
      scf.if %cond3A_47 {
        %broadcast_in_dim3A_70 = arith.constant 0.000000e+00 : f32
        %broadcast_in_dim3A_71 = vector.broadcast %broadcast_in_dim3A_70 : f32 to vector<8x128xf32>
        %swap3A_72 = arith.constant 0 : index
        %swap3A_73 = arith.constant 0 : index
        %swap3A_74 = vector.load %arg21[%swap3A_72, %swap3A_73] : memref<8x128xf32, #tpu.memory_space<vmem>>, vector<8x128xf32>
        tpu.vector_store %arg21[%swap3A_72, %swap3A_73], %broadcast_in_dim3A_71 {strides = array<i32>} : memref<8x128xf32, #tpu.memory_space<vmem>>, vector<8x128xf32>,
        %broadcast_in_dim3A_75 = arith.constant 0.000000e+00 : f32
        %broadcast_in_dim3A_76 = vector.broadcast %broadcast_in_dim3A_75 : f32 to vector<128x128xf32>
        %swap3A_77 = arith.constant 0 : index
        %swap3A_78 = arith.constant 0 : index
        %swap3A_79 = vector.load %arg22[%swap3A_77, %swap3A_78] : memref<128x128xf32, #tpu.memory_space<vmem>>, vector<128x128xf32>
        tpu.vector_store %arg22[%swap3A_77, %swap3A_78], %broadcast_in_dim3A_76 {strides = array<i32>} : memref<128x128xf32, #tpu.memory_space<vmem>>, vector<128x128xf32>,
      } else {
      }
      %get3A_48 = arith.constant 0 : index
      %get3A_49 = arith.constant 0 : index
      %get3A_50 = vector.load %arg21[%get3A_48, %get3A_49] : memref<8x128xf32, #tpu.memory_space<vmem>>, vector<8x128xf32>
      %reduce_sum3A = arith.constant dense<0.000000e+00> : vector<128xf32>
      %reduce_sum3A_51 = vector.multi_reduction <add>, %max3A_42, %reduce_sum3A [0] : vector<2000x128xf32> to vector<128xf32>
      %broadcast_in_dim3A = vector.shape_cast %reduce_sum3A_51 : vector<128xf32> to vector<1x128xf32>
      %broadcast_in_dim3A_52 = vector.shape_cast %broadcast_in_dim3A : vector<1x128xf32> to vector<1x128xf32>
      %broadcast_in_dim3A_53 = vector.broadcast %broadcast_in_dim3A_52 : vector<1x128xf32> to vector<8x128xf32>
      %add3A_54 = arith.addf %get3A_50, %broadcast_in_dim3A_53 : vector<8x128xf32>
      %swap3A = arith.constant 0 : index
      %swap3A_55 = arith.constant 0 : index
      %swap3A_56 = vector.load %arg21[%swap3A, %swap3A_55] : memref<8x128xf32, #tpu.memory_space<vmem>>, vector<8x128xf32>
      tpu.vector_store %arg21[%swap3A, %swap3A_55], %add3A_54 {strides = array<i32>} : memref<8x128xf32, #tpu.memory_space<vmem>>, vector<8x128xf32>,
      %get3A_57 = arith.constant 0 : index
      %get3A_58 = arith.constant 0 : index
      %get3A_59 = vector.load %arg22[%get3A_57, %get3A_58] : memref<128x128xf32, #tpu.memory_space<vmem>>, vector<128x128xf32>
      %dot_general3A = arith.constant dense<0.000000e+00> : vector<128x128xf32>
      %dot_general3A_60 = tpu.matmul %max3A_42, %max3A_42, %dot_general3A {dimension_numbers = #tpu.dot_dimension_numbers<[0], [0], [1], [1], [0, 1, 1, 1], [], []>, precision = #tpu.contract_precision<fp32>, transpose_lhs_hint = false} : vector<2000x128xf32>, vector<2000x128xf32>, vector<128x128xf32> -> vector<128x128xf32>
      %add3A_61 = arith.addf %get3A_59, %dot_general3A_60 : vector<128x128xf32>
      %swap3A_62 = arith.constant 0 : index
      %swap3A_63 = arith.constant 0 : index
      %swap3A_64 = vector.load %arg22[%swap3A_62, %swap3A_63] : memref<128x128xf32, #tpu.memory_space<vmem>>, vector<128x128xf32>
      tpu.vector_store %arg22[%swap3A_62, %swap3A_63], %add3A_61 {strides = array<i32>} : memref<128x128xf32, #tpu.memory_space<vmem>>, vector<128x128xf32>,
      %eq3A_65 = arith.constant 4 : i32
      %eq3A_66 = arith.cmpi eq, %arg1, %eq3A_65 : i32
      %convert_element_type3A_67 = arith.extui %eq3A_66 : i1 to i32
      %cond3A_68 = arith.constant 0 : i32
      %cond3A_69 = arith.cmpi ne, %convert_element_type3A_67, %cond3A_68 : i32
      scf.if %cond3A_69 {
        %get3A_70 = arith.constant 0 : index
        %get3A_71 = arith.constant 0 : index
        %get3A_72 = vector.load %arg21[%get3A_70, %get3A_71] : memref<8x128xf32, #tpu.memory_space<vmem>>, vector<8x128xf32>
        %swap3A_73 = arith.constant 0 : index
        %swap3A_74 = arith.constant 0 : index
        %swap3A_75 = vector.load %arg13[%swap3A_73, %swap3A_74] : memref<8x128xf32, #tpu.memory_space<vmem>>, vector<8x128xf32>
        tpu.vector_store %arg13[%swap3A_73, %swap3A_74], %get3A_72 {strides = array<i32>} : memref<8x128xf32, #tpu.memory_space<vmem>>, vector<8x128xf32>,
        %get3A_76 = arith.constant 0 : index
        %get3A_77 = arith.constant 0 : index
        %get3A_78 = vector.load %arg22[%get3A_76, %get3A_77] : memref<128x128xf32, #tpu.memory_space<vmem>>, vector<128x128xf32>
        %swap3A_79 = arith.constant 0 : index
        %swap3A_80 = arith.constant 0 : index
        %swap3A_81 = vector.load %arg14[%swap3A_79, %swap3A_80] : memref<128x128xf32, #tpu.memory_space<vmem>>, vector<128x128xf32>
        tpu.vector_store %arg14[%swap3A_79, %swap3A_80], %get3A_78 {strides = array<i32>} : memref<128x128xf32, #tpu.memory_space<vmem>>, vector<128x128xf32>,
      } else {
      }
    } else {
    }
    return
  }
  func.func @transform_0(%arg0: i32, %arg1: i32) -> (i32, i32, i32) {
    %eq3A = arith.constant 0 : i32
    %eq3A_0 = arith.cmpi eq, %arg0, %eq3A : i32
    %jit3A = arith.constant 0 : i32
    %select_n3A = arith.select %eq3A_0, %arg1, %jit3A : i32
    %c0_i32 = arith.constant 0 : i32
    %c0_i32_1 = arith.constant 0 : i32
    %c0_i32_2 = arith.constant 0 : i32
    return %c0_i32, %select_n3A, %c0_i32_1 : i32, i32, i32
  }
  func.func @transform_1(%arg0: i32, %arg1: i32) -> (i32, i32) {
    %eq3A = arith.constant 0 : i32
    %eq3A_0 = arith.cmpi eq, %arg0, %eq3A : i32
    %jit3A = arith.constant 0 : i32
    %select_n3A = arith.select %eq3A_0, %arg1, %jit3A : i32
    %c0_i32 = arith.constant 0 : i32
    %c0_i32_1 = arith.constant 0 : i32
    return %select_n3A, %c0_i32 : i32, i32
  }
  func.func @transform_2(%arg0: i32, %arg1: i32) -> (i32, i32) {
    %eq3A = arith.constant 0 : i32
    %eq3A_0 = arith.cmpi eq, %arg0, %eq3A : i32
    %jit3A = arith.constant 0 : i32
    %select_n3A = arith.select %eq3A_0, %arg1, %jit3A : i32
    %c0_i32 = arith.constant 0 : i32
    %c0_i32_1 = arith.constant 0 : i32
    return %select_n3A, %c0_i32 : i32, i32
  }
  func.func @transform_3(%arg0: i32, %arg1: i32) -> (i32, i32) {
    %c0_i32 = arith.constant 0 : i32
    %c0_i32_0 = arith.constant 0 : i32
    %c0_i32_1 = arith.constant 0 : i32
    return %c0_i32, %c0_i32_0 : i32, i32
  }
  func.func @transform_4(%arg0: i32, %arg1: i32) -> (i32, i32) {
    %eq3A = arith.constant 1 : i32
    %eq3A_0 = arith.cmpi eq, %arg0, %eq3A : i32
    %jit3A = arith.constant 0 : i32
    %select_n3A = arith.select %eq3A_0, %arg1, %jit3A : i32
    %c0_i32 = arith.constant 0 : i32
    %c0_i32_1 = arith.constant 0 : i32
    return %select_n3A, %c0_i32 : i32, i32
  }
  func.func @transform_5(%arg0: i32, %arg1: i32) -> (i32, i32) {
    %c0_i32 = arith.constant 0 : i32
    %c0_i32_0 = arith.constant 0 : i32
    %c0_i32_1 = arith.constant 0 : i32
    return %c0_i32, %c0_i32_0 : i32, i32
  }
  func.func @transform_6(%arg0: i32, %arg1: i32) -> (i32, i32) {
    %c0_i32 = arith.constant 0 : i32
    %c0_i32_0 = arith.constant 0 : i32
    %c0_i32_1 = arith.constant 0 : i32
    return %c0_i32, %c0_i32_0 : i32, i32
  }
  func.func @transform_7(%arg0: i32, %arg1: i32) -> (i32, i32) {
    %c0_i32 = arith.constant 0 : i32
    %c0_i32_0 = arith.constant 0 : i32
    %c0_i32_1 = arith.constant 0 : i32
    return %c0_i32, %c0_i32_0 : i32, i32
  }
  func.func @transform_8(%arg0: i32, %arg1: i32) -> (i32, i32) {
    %c0_i32 = arith.constant 0 : i32
    %c0_i32_0 = arith.constant 0 : i32
    %c0_i32_1 = arith.constant 0 : i32
    return %c0_i32, %c0_i32_0 : i32, i32
  }
  func.func @transform_9(%arg0: i32, %arg1: i32) -> (i32, i32) {
    %c0_i32 = arith.constant 0 : i32
    %c0_i32_0 = arith.constant 0 : i32
    %c0_i32_1 = arith.constant 0 : i32
    return %c0_i32, %c0_i32_0 : i32, i32
  }
  func.func @transform_10(%arg0: i32, %arg1: i32) -> (i32, i32) {
    %c0_i32 = arith.constant 0 : i32
    %c0_i32_0 = arith.constant 0 : i32
    %c0_i32_1 = arith.constant 0 : i32
    return %c0_i32, %c0_i32_0 : i32, i32
  }
  func.func @transform_11(%arg0: i32, %arg1: i32) -> (i32, i32) {
    %c0_i32 = arith.constant 0 : i32
    %c0_i32_0 = arith.constant 0 : i32
    %c0_i32_1 = arith.constant 0 : i32
    return %c0_i32, %c0_i32_0 : i32, i32
  }
  func.func @transform_12(%arg0: i32, %arg1: i32) -> (i32, i32) {
    %c0_i32 = arith.constant 0 : i32
    %c0_i32_0 = arith.constant 0 : i32
    %c0_i32_1 = arith.constant 0 : i32
    return %c0_i32, %c0_i32_0 : i32, i32
  }
}

</mosaic_0001>

<sc_bundles>
// kernel: kernel.12.cloned.1.call-start
scs
__scs_entry_jumppad:
0x0: {  	(pc) =	sbr.rel $0x88, $3  }
0x1: {  	(tag) =	ssettag $0x0;
	lr =	simm.s32 $0x1  }
0x2: {  	[smem:$0x3F95] =	sst lr;
	_ =	strace $0xD0000000  }
0x3: {  	_ = 	snop  }
0x4: {  	_ = 	snop  }
0x5: {  	_ = 	snop  }
0x6: {  	_ = 	snop  }
0x7: {  	_ = 	snop  }
__scs_overlays_trampoline_lowered:
0x8: {  	[smem:$0x3FA4] =	sst s0  }
0x9: {  	[smem:$0x3FA5] =	sst s1  }
0xa: {  	[smem:$0x3FA6] =	sst s2  }
0xb: {  	[smem:$0x3FA7] =	sst s3  }
0xc: {  	[smem:$0x3FA8] =	sst s4  }
0xd: {  	[smem:$0x3FA9] =	sst s5  }
0xe: {  	[smem:$0x3FAA] =	sst s6  }
0xf: {  	[smem:$0x3FAB] =	sst s7  }
0x10: {  	[smem:$0x3FAC] =	sst s8  }
0x11: {  	[smem:$0x3FAD] =	sst s9;
	s0 =	simm.s32 @!p0 $0x0  }
0x12: {  	s1 =	sld [smem:$0x3F93];
	s0 =	simm.s32 @p0 $0x1  }
0x13: {  	[smem:$0x3FAE] =	sst s0;
	s0 =	simm.s32 @!p1 $0x0  }
0x14: {  	s2 =	sld [smem:$0x3F92];
	s0 =	simm.s32 @p1 $0x1  }
0x15: {  	[smem:$0x3FAF] =	sst s0;
	s0 =	simm.s32 @!p2 $0x0  }
0x16: {  	s3 =	sld [smem:$0x3FDB];
	s0 =	simm.s32 @p2 $0x1  }
0x17: {  	s4 =	simm.s32 $0x1BF5;
	[smem:$0x3FB1] =	sst s0  }
0x18: {  	s0 =	sld [smem:$0x3F94];
	_ =	swait.ge [sflag:s4], $0x0  }
0x19: {  	s7 =	sld [smem:$0x3F95]  }
0x1a: {  	s8 =	sadd.s32 $0xFFFFE003, lr  }
0x1b: {  	s9 =	sadd.s32 $0xFFFFFEF7, lr;
	s5 =	simm.s32 $0xFFFFFFFF;
	p2 =	slt.u32 s8, $0xFFFFF086  }
0x1c: {  	p1 =	slt.u32 s9, $0xF7A;
	s5 =	simm.s32 @!p2 $0x0  }
0x1d: {  	s5 =	simm.s32 @p1 $0x1;
	p0 =	seq.s32 s7, s2  }
0x1e: {  	s7 =	smul.u32 @!p0 $0xF7A, s2;
	p2 =	seq.s32 @!p0 s5, $0x0  }
0x1f: {  	s9 =	smul.u32 $0xF7A, s1;
	s8 =	simm.s32 @!p0 $0x1BF5;
	p2 =	por !p2, p0  }
0x20: {  	[sflag:s8] =	ssyncset.s32 @!p0 $0xFFFFF086;
	s6 =	sadd.s32 @!p0 s3, s7;
	s7 =	simm.s32 @!p0 $0x108  }
0x21: {  	s3 =	sadd.s32 s3, s9;
	s6 =	sadd.s32 @!p0 $0x88, s6;
	s7 =	simm.s32 @p2 $0x1082  }
0x22: {  	[simem:s7], [sflag:s8] =	dma.local @!p0 [hbm:s6], $0xF7A  }
0x23: {  	s9 =	sor.u32 $0xD0000000, s2;
	s6 =	simm.s32 $0x108;
	_ =	swait.ge @!p0 [sflag:s8], $0x0  }
0x24: {  	s3 =	sadd.s32 $0x88, s3;
	s6 =	simm.s32 @!p1 $0x1082;
	[sflag:s4] =	ssyncset.s32 $0xFFFFF086  }
0x25: {  	[simem:s6], [sflag:s4] =	dma.local [hbm:s3], $0xF7A  }
0x26: {  	[smem:$0x3F95] =	sst s1;
	(tag) =	ssettag s2;
	_ =	strace s9  }
0x27: {  	s1 =	sld [smem:$0x3FA5]  }
0x28: {  	s2 =	sld [smem:$0x3FA6]  }
0x29: {  	s4 =	sld [smem:$0x3FA8]  }
0x2a: {  	p0 =	seq.s32 s5, $0x0;
	s5 =	sld [smem:$0x3FA9]  }
0x2b: {  	s6 =	sld [smem:$0x3FAA]  }
0x2c: {  	s7 =	sld [smem:$0x3FAB]  }
0x2d: {  	s3 =	simm.s32 $0x108;
	s8 =	sld [smem:$0x3FAC]  }
0x2e: {  	s3 =	simm.s32 @!p0 $0x1082;
	s9 =	sld [smem:$0x3FAD]  }
0x2f: {  	lr =	sadd.s32 s0, s3;
	s0 =	sld [smem:$0x3FA4]  }
0x30: {  	s3 =	sld [smem:$0x3FA7]  }
0x31: {  	[smem:$0x3FB0] =	sst s10  }
0x32: {  	s10 =	sld [smem:$0x3FAE];
	_ =	sdelay $0x3  }
0x33: {  	p0 =	seq.s32 s10, $0x1;
	s10 =	sld [smem:$0x3FB0];
	_ =	sdelay $0x3  }
0x34: {  	[smem:$0x3FB0] =	sst s10  }
0x35: {  	s10 =	sld [smem:$0x3FAF];
	_ =	sdelay $0x3  }
0x36: {  	p1 =	seq.s32 s10, $0x1;
	s10 =	sld [smem:$0x3FB0];
	_ =	sdelay $0x3  }
0x37: {  	[smem:$0x3FB0] =	sst s10  }
0x38: {  	s10 =	sld [smem:$0x3FB1]  }
0x39: {  	_ = 	snop;
	(pc) =	sbr.ind lr, $3  }
0x3a: {  	_ = 	snop  }
0x3b: {  	_ = 	snop  }
0x3c: {  	p2 =	seq.s32 s10, $0x1;
	s10 =	sld [smem:$0x3FB0]  }
0x3d: {  	_ =	shalt  }
0x3e: {  	_ =	shalt  }
0x3f: {  	_ =	shalt  }
0x40: {  	_ =	shalt  }
0x41: {  	_ =	shalt  }
0x42: {  	_ =	shalt  }
0x43: {  	_ =	shalt  }
0x44: {  	_ =	shalt  }
0x45: {  	_ =	shalt  }
0x46: {  	_ =	shalt  }
0x47: {  	_ =	shalt  }
0x48: {  	_ =	shalt  }
0x49: {  	_ =	shalt  }
0x4a: {  	_ =	shalt  }
0x4b: {  	_ =	shalt  }
0x4c: {  	_ =	shalt  }
0x4d: {  	_ =	shalt  }
0x4e: {  	_ =	shalt  }
0x4f: {  	_ =	shalt  }
0x50: {  	_ =	shalt  }
0x51: {  	_ =	shalt  }
0x52: {  	_ =	shalt  }
0x53: {  	_ =	shalt  }
0x54: {  	_ =	shalt  }
0x55: {  	_ =	shalt  }
0x56: {  	_ =	shalt  }
0x57: {  	_ =	shalt  }
0x58: {  	_ =	shalt  }
0x59: {  	_ =	shalt  }
0x5a: {  	_ =	shalt  }
0x5b: {  	_ =	shalt  }
0x5c: {  	_ =	shalt  }
0x5d: {  	_ =	shalt  }
0x5e: {  	_ =	shalt  }
0x5f: {  	_ =	shalt  }
0x60: {  	_ =	shalt  }
0x61: {  	_ =	shalt  }
0x62: {  	_ =	shalt  }
0x63: {  	_ =	shalt  }
0x64: {  	_ =	shalt  }
0x65: {  	_ =	shalt  }
0x66: {  	_ =	shalt  }
0x67: {  	_ =	shalt  }
0x68: {  	_ =	shalt  }
0x69: {  	_ =	shalt  }
0x6a: {  	_ =	shalt  }
0x6b: {  	_ =	shalt  }
0x6c: {  	_ =	shalt  }
0x6d: {  	_ =	shalt  }
0x6e: {  	_ =	shalt  }
0x6f: {  	_ =	shalt  }
0x70: {  	_ =	shalt  }
0x71: {  	_ =	shalt  }
0x72: {  	_ =	shalt  }
0x73: {  	_ =	shalt  }
0x74: {  	_ =	shalt  }
0x75: {  	_ =	shalt  }
0x76: {  	_ =	shalt  }
0x77: {  	_ =	shalt  }
0x78: {  	_ =	shalt  }
0x79: {  	_ =	shalt  }
0x7a: {  	_ =	shalt  }
0x7b: {  	_ =	shalt  }
0x7c: {  	_ =	shalt  }
0x7d: {  	_ =	shalt  }
0x7e: {  	_ =	shalt  }
0x7f: {  	_ =	shalt  }
0x80: {  	_ =	shalt  }
0x81: {  	_ =	shalt  }
0x82: {  	_ =	shalt  }
0x83: {  	_ =	shalt  }
0x84: {  	_ =	shalt  }
0x85: {  	_ =	shalt  }
0x86: {  	_ =	shalt  }
0x87: {  	_ =	shalt  }
.Lfunc_end0:
.L_simem_size_0:
called_computation.1_lowered:
.L_overlay_start_0:
0x88: {  	s2 =	sld [smem:$0x3FD9]  }
0x89: {  	s3 =	sld [smem:$0x3FFE];
	_ =	sdelay $0x1  }
0x8a: {  	s1 =	srdreg.scid  }
0x8b: {  	s0 =	sand.u32 $0x1, s1  }
0x8c: {  	s16 =	sshll.u32 s0, $0xA;
	s2 =	sadd.s32 s3, s2  }
0x8d: {  	s2 =	sadd.s32 s2, s16  }
0x8e: {  	[smem:$0x3FBC] =	sst s2  }
0x8f: {  	_ = 	snop  }
0x90: {  	(tm) =	ssettm $0x1  }
0x91: {  	s17 =	sld [smem:$0x3FFB];
	_ =	sdelay $0x3  }
0x92: {  	_ =	strace s17  }
0x93: {  	s2 =	sld [smem:$0x3FFC];
	_ =	sdelay $0x3  }
0x94: {  	_ =	strace s2  }
0x95: {  	s2 =	sld [smem:$0x3FFD];
	_ =	sdelay $0x3  }
0x96: {  	_ =	strace s2  }
0x97: {  	_ =	strace $0x8FFFFFFF  }
0x98: {  	s18 =	sld [smem:$0x3FDB];
	_ =	sdelay $0x1  }
0x99: {  	s19 =	simm.s32 $_scs_section_size  }
0x9a: {  	s4 =	simm.s32 $_size__tile_overlayer_lowered;
	s5 =	simm.s32 $_tile_overlayer_lowered  }
0x9b: {  	s22 =	simm.s32 $0x1BFF;
	s21 =	sshll.u32 s5, $0x1;
	s2 =	sadd.s32 s19, s18  }
0x9c: {  	s6 =	simm.s32 $0x0;
	s20 =	sshll.u32 s4, $0x1;
	s4 =	sadd.s32 s21, s2  }
0x9d: {  	[timem:s6], [sflag:s22] =	dma.local [hbm:s4], s20  }
0x9e: {  	_ =	swait.ge [sflag:s22], s20  }
0x9f: {  	s3 =	ssub.s32 $0x0, s20;
	[sflag:s22] =	ssyncset.done $0x0  }
0xa0: {  	[sflag:s22] =	ssyncadd.s32 s3;
	_ =	sdelay $0x1  }
0xa1: {  	s23 =	simm.s32 $0x1B8B  }
0xa2: {  	_ =	swait.ge [sflag:s23], $0x1  }
0xa3: {  	[sflag:s23] =	ssyncset.done $0x0  }
0xa4: {  	s25 =	simm.s32 $0x1B8E;
	s24 =	sld [smem:$0x3FFE];
	[sflag:s23] =	ssyncadd.s32 $0xFFFFFFFF  }
0xa5: {  	s26 =	simm.s32 $execute0_lowered;
	[smem:$0x3FD2] =	sst s25  }
0xa6: {  	s4 =	sshll.u32 s26, $0x1;
	_ =	strace $0x80000049;
	[dreg:$0x1] =	wrdreg $0xFFFFFFFF  }
0xa7: {  	s28 =	simm.s32 $_size_execute0_lowered;
	s2 =	sadd.s32 s2, s4;
	[dreg:$0x0] =	wrdreg $0x0  }
0xa8: {  	s4 =	sshll.u32 s28, $0x1;
	[dreg:$0x2] =	wrdreg s2  }
0xa9: {  	[dreg:$0x3] =	wrdreg s4  }
0xaa: {  	[dreg:$0x4] =	wrdreg $0xC0  }
0xab: {  	_ =	task [dreg:s6], $0x5FFFF  }
0xac: {  	[dreg:$0x1] =	wrdreg $0xFFFFFFFF  }
0xad: {  	[dreg:$0x0] =	wrdreg $0x60  }
0xae: {  	[dreg:$0x2] =	wrdreg s24  }
0xaf: {  	[dreg:$0x3] =	wrdreg $0xB8000  }
0xb0: {  	[dreg:$0x4] =	wrdreg $0x9  }
0xb1: {  	_ =	task.clear_ibuf [dreg:s6], $0x5FFFF;
	_ =	strace $0x90000049  }
0xb2: {  	s29 =	simm.s32 $0x9;
	_ =	strace $0x8000004B  }
0xb3: {  	_ =	swait.ge [sflag:s29], $0x1  }
0xb4: {  	[sflag:s29] =	ssyncadd.s32 $0xFFFFFFFF  }
0xb5: {  	_ =	strace $0x9000004B  }
0xb6: {  	_ =	sfence  }
0xb7: {  	s30 =	sld [smem:$0x0];
	_ =	sdelay $0x2  }
0xb8: {  	s31 =	sshll.u32 s1, $0xD;
	s1 =	sshrl.u32 s1, $0x2  }
0xb9: {  	s3 =	sand.u32 $0x4000, s31;
	s1 =	sadd.s32 s1, s30  }
0xba: {  	s0 =	sor.u32 s3, s0;
	s1 =	sshll.u32 s1, $0x11  }
0xbb: {  	s0 =	sor.u32 s1, s0  }
0xbc: {  	s0 =	sadd.s32 $0x8F2B, s0  }
0xbd: {  	[sflag:s0] =	ssyncadd.remote.s32 $0x1  }
0xbe: {  	_ =	sfence.sel $0xFFFF  }
0xbf: {  	[dreg:$0x0] =	wrdreg $0xFFFFFFFF;
	(pc) =	sbr.abs _section_cstart, $3  }
0xc0: {  	[dreg:$0x1] =	wrdreg $0xFFFFFFFF  }
0xc1: {  	_ =	task.clear_ibuf [dreg:s6], $0x2FFFF;
	_ =	strace $0x9FFFFFFF  }
0xc2: {  	(tm) =	ssettm $0x7FFFFFFF  }
0xc3: {  	_ =	shalt  }
tec
execute0_lowered:
.L_overlay_start_1:
0x0: {  	(tag) =	ssettag $0x1  }
0x1: {  	s0 =	rddreg [dreg:$0x0]  }
0x2: {  	s1 =	rddreg [dreg:$0x1];
	s2 =	simm.s32 $0x0;
	s4 =	srdreg.scid  }
0x3: {  	s14 =	stileid.u32;
	s28 =	simm.s32 $0xB;
	s30 =	simm.s32 $0x80  }
0x4: {  	s31 =	simm.s32 $0x280;
	[smem:$0x7FF] =	sst s2;
	s3 =	sadd.s32 $0xDC00, s0  }
0x5: {  	s5 =	sadd.s32 $0x3E00, s0;
	s4 =	sand.u32 $0x1, s4;
	s7 =	smul.u32 $0x4E000, s14  }
0x6: {  	s6 =	sadd.s32 $0x3EC00, s0;
	s0 =	sadd.s32 $0x65E00, s0;
	s29 =	smul.u32 $0x2700, s14  }
0x7: {  	s25 =	sadd.s32 $0x138000, s1;
	s26 =	sshll.u32 s14, $0x4;
	p0 =	sne.s32 s14, $0x0  }
0x8: {  	_ =	strace $0x8000004A;
	s8 =	ssub.s32 $0x2, s4;
	s10 =	sshll.u32 s4, $0x4  }
0x9: {  	s21 =	smul.u32 $0x138800, s4;
	[dreg:$0x9] =	wrdreg s25;
	s11 =	sshrl.u32 s7, $0x2  }
0xa: {  	s9 =	sshrl.u32 s8, $0x1;
	s7 =	sor.u32 s14, s10;
	s22 =	sadd.s32 s11, s1  }
0xb: {  	s14 =	simm.s32 $0x0;
	s12 =	sadd.s32 $0x3400, s22;
	[dreg:$0x3] =	wrdreg s22  }
0xc: {  	s8 =	ssub.s32 s8, s9;
	s13 =	sadd.s32 $0x6800, s22;
	[dreg:$0x4] =	wrdreg s12  }
0xd: {  	s17 =	sshll.u32 s7, $0x4;
	s15 =	sadd.s32 $0x9C00, s22;
	[dreg:$0x5] =	wrdreg s13  }
0xe: {  	s24 =	sshrl.u32 s21, $0x3;
	s16 =	sadd.s32 $0xD000, s22;
	[dreg:$0x6] =	wrdreg s15  }
0xf: {  	s21 =	simm.s32 $0x4;
	s11 =	sadd.s32 $0x10400, s22;
	[dreg:$0x7] =	wrdreg s16  }
0x10: {  	s18 =	sadd.s32 s3, s17;
	s19 =	sadd.s32 s5, s17;
	[dreg:$0x8] =	wrdreg s11  }
0x11: {  	s20 =	sor.u32 $0x200, s17;
	s10 =	sor.u32 $0x400, s17;
	[dreg:$0xa] =	wrdreg s18  }
0x12: {  	s17 =	simm.s32 $0x5;
	[dreg:$0xb] =	wrdreg s19;
	s12 =	smul.u32 $0x27100, s4  }
0x13: {  	s13 =	sadd.s32 s3, s20;
	s11 =	sadd.s32 s5, s20;
	s23 =	sadd.s32 s3, s10  }
0x14: {  	s10 =	sadd.s32 s5, s10;
	s4 =	sshll.u32 s4, $0x8;
	[dreg:$0xc] =	wrdreg s13  }
0x15: {  	s15 =	simm.s32 $0x4400;
	s16 =	simm.s32 $0x9;
	[dreg:$0xd] =	wrdreg s11  }
0x16: {  	s18 =	simm.s32 $0x3;
	s19 =	simm.s32 $0xA;
	[dreg:$0xe] =	wrdreg s23  }
0x17: {  	s20 =	simm.s32 $0x6;
	[dreg:$0xf] =	wrdreg s10;
	s4 =	sor.u32 s26, s4  }
0x18: {  	s23 =	ssub.s32 $0x984, s7;
	s10 =	simm.s32 $0x400;
	s11 =	simm.s32 $0x180  }
.Ltmp0:
0x19: {  	s13 =	simm.s32 $0x2;
	s9 =	sadd.s32 s29, s12;
	(pc) =	sbr.rel .LBB2_1-.Ltmp0, $4  }
0x1a: {  	[dreg:$0x11] =	wrdreg s4;
	s29 =	smax.u32 s8, $0x1;
	s12 =	simm.s32 $0x380  }
0x1b: {  	s9 =	sadd.s32 s0, s9;
	s0 =	sadd.s32 s0, s24;
	[dreg:$0x13] =	wrdreg s29  }
0x1c: {  	s24 =	simm.s32 $0x7;
	[dreg:$0x10] =	wrdreg s9;
	s0 =	sadd.s32 $0x27000, s0  }
0x1d: {  	v0 =	vimm.f32 $0.0e+00;
	s9 =	simm.s32 $0x1;
	[dreg:$0x12] =	wrdreg s0;
	s0 =	simm.s32 $0x100  }
.LBB2_6:
0x1e: {  	_ =	swait.ge [sflag:s19], $0x4000  }
0x1f: {  	[sflag:s19] =	ssyncset.done $0x0  }
0x20: {  	s4 =	simm.s32 $0x8;
	[sflag:s19] =	ssyncadd.s32 $0xFFFFC000  }
0x21: {  	_ =	swait.ge [sflag:s4], $0x80  }
0x22: {  	[sflag:s4] =	ssyncset.done $0x0  }
0x23: {  	[sflag:s4] =	ssyncadd.s32 $0xFFFFFF80  }
0x24: {  	s25 =	stileid.u32;
	[bflag:$0x0] =	sbarrier.arrive $0xFFFF  }
0x25: {  	s4 =	sshll.u32 s25, $0x6;
	s22 =	rddreg [dreg:$0x3]  }
0x26: {  	s4 =	sor.u32 $0x1C0B, s4;
	s14 =	rddreg [dreg:$0x10];
	s8 =	sshrl.u32 s22, $0x3  }
0x27: {  	[hbm:s14], [sflag:s4] =	dma.local [spmem:s8], $0x2700  }
0x28: {  	_ =	swait.ge [sflag:s28], $0x2700  }
0x29: {  	[sflag:s28] =	ssyncset.done $0x0;
	s25 =	rddreg [dreg:$0x9]  }
0x2a: {  	s14 =	rddreg [dreg:$0x12];
	[sflag:s28] =	ssyncadd.s32 $0xFFFFD900;
	s8 =	sshrl.u32 @!p0 s25, $0x3  }
0x2b: {  	[hbm:s14], [sflag:s4] =	dma.local @!p0 [spmem:s8], $0x100  }
0x2c: {  	s4 =	simm.s32 @!p0 $0xB  }
0x2d: {  	_ =	swait.ge @!p0 [sflag:s4], $0x100  }
0x2e: {  	s26 =	rddreg [dreg:$0x14]  }
0x2f: {  	s29 =	rddreg [dreg:$0x13];
	s14 =	sadd.s32 $0x1, s26  }
0x30: {  	p1 =	sne.s32 s14, s29  }
.Ltmp1:
0x31: {  	_ = 	snop;
	(pc) =	sbr.rel @!p1 .LBB2_7-.Ltmp1, $3  }
0x32: {  	_ =	sdelay $0x1  }
0x33: {  	[sflag:s4] =	ssyncset.done @!p0 $0x0  }
0x34: {  	[sflag:s4] =	ssyncadd.s32 @!p0 $0xFFFFFF00  }
.LBB2_1:
0x35: {  	[dreg:$0x14] =	wrdreg s14;
	s8 =	simm.s32 $0x0;
	s14 =	simm.s32 $0x200  }
.LBB2_2:
0x36: {  	p1 =	sne.s32 s14, $0xCE00;
	[tilespmem:s8+$0x8470] =	vst v0  }
0x37: {  	[tilespmem:s8+$0x8400] =	vst v0  }
0x38: {  	[tilespmem:s8+$0x8410] =	vst v0  }
.Ltmp2:
0x39: {  	[tilespmem:s8+$0x8420] =	vst v0;
	(pc) =	sbr.rel @p1 .LBB2_2-.Ltmp2, $4  }
0x3a: {  	[tilespmem:s8+$0x8430] =	vst v0  }
0x3b: {  	[tilespmem:s8+$0x8440] =	vst v0  }
0x3c: {  	[tilespmem:s8+$0x8450] =	vst v0  }
0x3d: {  	[tilespmem:s8+$0x8460] =	vst v0;
	s8 =	sshra.s32 s14, $0x2;
	s14 =	sadd.s32 $0x200, s14  }
0x3e: {  	[tilespmem:s8+$0x8470] =	vst v0  }
0x3f: {  	[tilespmem:s8+$0x8400] =	vst v0  }
0x40: {  	[tilespmem:s8+$0x8410] =	vst v0  }
0x41: {  	[tilespmem:s8+$0x8420] =	vst v0  }
0x42: {  	[tilespmem:s8+$0x8430] =	vst v0  }
0x43: {  	[tilespmem:s8+$0x8440] =	vst v0  }
0x44: {  	[tilespmem:s8+$0x8450] =	vst v0  }
0x45: {  	[tilespmem:s8+$0x8460] =	vst v0;
	s8 =	simm.s32 $0x8400  }
0x46: {  	[spmem:s22] =	stream.linear.scatter [tilespmem:s8], [sflag:$0xB], $0x3400, $0x38;
	[tilespmem:$0x1F080] =	vst v63  }
0x47: {  	_ =	swait.ge [sflag:s28], $0x3400  }
0x48: {  	[sflag:s28] =	ssyncset.done $0x0  }
0x49: {  	s4 =	rddreg [dreg:$0x4];
	[sflag:s28] =	ssyncadd.s32 $0xFFFFCC00  }
0x4a: {  	[spmem:s4] =	stream.linear.scatter [tilespmem:s8], [sflag:$0xB], $0x3400, $0x38;
	[tilespmem:$0x1F080] =	vst v63  }
0x4b: {  	_ =	swait.ge [sflag:s28], $0x3400  }
0x4c: {  	[sflag:s28] =	ssyncset.done $0x0  }
0x4d: {  	s26 =	rddreg [dreg:$0x5];
	[sflag:s28] =	ssyncadd.s32 $0xFFFFCC00  }
0x4e: {  	[spmem:s26] =	stream.linear.scatter [tilespmem:s8], [sflag:$0xB], $0x3400, $0x38;
	[tilespmem:$0x1F080] =	vst v63  }
0x4f: {  	_ =	swait.ge [sflag:s28], $0x3400  }
0x50: {  	[sflag:s28] =	ssyncset.done $0x0  }
0x51: {  	s29 =	rddreg [dreg:$0x6];
	[sflag:s28] =	ssyncadd.s32 $0xFFFFCC00  }
0x52: {  	[spmem:s29] =	stream.linear.scatter [tilespmem:s8], [sflag:$0xB], $0x3400, $0x38;
	[tilespmem:$0x1F080] =	vst v63  }
0x53: {  	_ =	swait.ge [sflag:s28], $0x3400  }
0x54: {  	[sflag:s28] =	ssyncset.done $0x0  }
0x55: {  	s14 =	rddreg [dreg:$0x7];
	[sflag:s28] =	ssyncadd.s32 $0xFFFFCC00  }
0x56: {  	[spmem:s14] =	stream.linear.scatter [tilespmem:s8], [sflag:$0xB], $0x3400, $0x38;
	[tilespmem:$0x1F080] =	vst v63  }
0x57: {  	_ =	swait.ge [sflag:s28], $0x3400  }
0x58: {  	[sflag:s28] =	ssyncset.done $0x0  }
0x59: {  	s22 =	rddreg [dreg:$0x8];
	[sflag:s28] =	ssyncadd.s32 $0xFFFFCC00  }
0x5a: {  	[spmem:s22] =	stream.linear.scatter [tilespmem:s8], [sflag:$0xB], $0x3400, $0x38;
	[tilespmem:$0x1F080] =	vst v63  }
0x5b: {  	_ =	swait.ge [sflag:s28], $0x3400  }
0x5c: {  	[sflag:s28] =	ssyncset.done $0x0  }
0x5d: {  	s8 =	simm.s32 @!p0 $0x8400;
	[sflag:s28] =	ssyncadd.s32 $0xFFFFCC00  }
0x5e: {  	[spmem:s25] =	stream.linear.scatter @!p0 [tilespmem:s8], [sflag:$0xB], $0x800, $0x38;
	[tilespmem:$0x1F080] =	vst v63  }
0x5f: {  	s8 =	simm.s32 @!p0 $0xB  }
0x60: {  	_ =	swait.ge @!p0 [sflag:s8], $0x800  }
0x61: {  	[sflag:s8] =	ssyncset.done @!p0 $0x0  }
0x62: {  	[sflag:s8] =	ssyncadd.s32 @!p0 $0xFFFFF800  }
0x63: {  	[bflag:$0x0] =	sbarrier.arrive $0xFFFF  }
0x64: {  	s25 =	rddreg [dreg:$0xa]  }
0x65: {  	s22 =	simm.s32 $0x0;
	s26 =	rddreg [dreg:$0xb]  }
0x66: {  	[tilespmem:s22], [sflag:$0x1] =	stream.linear.gather [hbm4b:s25+s22], $0x80, $0x38;
	[tilespmem:$0x1F080] =	vst v63  }
0x67: {  	s29 =	simm.s32 $0x200;
	s8 =	rddreg [dreg:$0xc]  }
0x68: {  	[tilespmem:s29], [sflag:$0x5] =	stream.linear.gather [hbm4b:s26+s22], $0x80, $0x38;
	[tilespmem:$0x1F080] =	vst v63  }
0x69: {  	s14 =	rddreg [dreg:$0xd]  }
0x6a: {  	[tilespmem:s30], [sflag:$0x2] =	stream.linear.gather [hbm4b:s8+s22], $0x80, $0x38;
	[tilespmem:$0x1F080] =	vst v63  }
0x6b: {  	s25 =	rddreg [dreg:$0xe]  }
0x6c: {  	[tilespmem:s31], [sflag:$0x6] =	stream.linear.gather [hbm4b:s14+s22], $0x80, $0x38;
	[tilespmem:$0x1F080] =	vst v63  }
0x6d: {  	s26 =	rddreg [dreg:$0xf]  }
0x6e: {  	[tilespmem:s0], [sflag:$0x3] =	stream.linear.gather [hbm4b:s25+s22], $0x80, $0x38;
	[tilespmem:$0x1F080] =	vst v63  }
0x6f: {  	s29 =	simm.s32 $0x300;
	s14 =	rddreg [dreg:$0x11]  }
0x70: {  	[tilespmem:s29], [sflag:$0x7] =	stream.linear.gather [hbm4b:s26+s22], $0x80, $0x38;
	[tilespmem:$0x1F080] =	vst v63  }
.LBB2_4:
0x71: {  	_ =	swait.ge [sflag:s9], $0x80  }
0x72: {  	p1 =	seq.s32 s22, $0x0;
	[sflag:s9] =	ssyncset.done $0x0  }
0x73: {  	s8 =	simm.s32 @!p1 $0xA;
	[sflag:s9] =	ssyncadd.s32 $0xFFFFFF80  }
0x74: {  	[tilespmem:s10], [sflag:$0x9] =	stream.indirect.gather [hbm4b:s6+s30], $0x80, s2, s30, $0xb8;
	[tilespmem:$0x1F080] =	vst v63  }
0x75: {  	_ =	swait.ge @!p1 [sflag:s8], $0x4000  }
0x76: {  	[sflag:s8] =	ssyncset.done @!p1 $0x0  }
0x77: {  	[sflag:s8] =	ssyncadd.s32 @!p1 $0xFFFFC000;
	s8 =	simm.s32 @!p1 $0x8  }
0x78: {  	_ =	swait.ge @!p1 [sflag:s8], $0x80  }
0x79: {  	s26 =	simm.s32 @!p1 $0x380;
	[sflag:s8] =	ssyncset.done @!p1 $0x0  }
0x7a: {  	s25 =	simm.s32 @!p1 $0x4400;
	[sflag:s8] =	ssyncadd.s32 @!p1 $0xFFFFFF80;
	s8 =	simm.s32 @!p1 $0x80  }
0x7b: {  	[spmem:s1] =	stream.indirect.scatter.add.f32 @!p1 [tilespmem:s25], [sflag:$0xB], $0x80, s26, s8, $0xb8;
	[tilespmem:$0x1F080] =	vst v63  }
0x7c: {  	s8 =	sadd.s32 s22, s7  }
0x7d: {  	s25 =	simm.s32 @!p1 $0xB;
	s29 =	sadd.s32 $0x60, s8  }
0x7e: {  	s26 =	sadd.s32 $0x600, s14;
	_ =	swait.ge @!p1 [sflag:s25], $0x4000;
	p2 =	slt.u32 s29, $0x9C4  }
0x7f: {  	[sflag:s25] =	ssyncset.done @!p1 $0x0;
	s26 =	simm.s32 @!p2 $0x0  }
0x80: {  	[sflag:s25] =	ssyncadd.s32 @!p1 $0xFFFFC000;
	s4 =	sadd.s32 s3, s26  }
0x81: {  	[tilespmem:s11], [sflag:$0x4] =	stream.linear.gather [hbm4b:s4+s2], $0x80, $0x38;
	[tilespmem:$0x1F080] =	vst v63  }
0x82: {  	s29 =	sadd.s32 s5, s26  }
0x83: {  	[tilespmem:s12], [sflag:$0x8] =	stream.linear.gather [hbm4b:s29+s2], $0x80, $0x38;
	[tilespmem:$0x1F080] =	vst v63  }
0x84: {  	_ =	swait.ge [sflag:s13], $0x80  }
0x85: {  	[sflag:s13] =	ssyncset.done $0x0  }
0x86: {  	[sflag:s13] =	ssyncadd.s32 $0xFFFFFF80  }
0x87: {  	[tilespmem:s15], [sflag:$0xA] =	stream.indirect.gather [hbm4b:s6+s30], $0x80, s30, s30, $0xb8;
	[tilespmem:$0x1F080] =	vst v63  }
0x88: {  	_ =	swait.ge [sflag:s16], $0x4000  }
0x89: {  	[sflag:s16] =	ssyncset.done $0x0  }
0x8a: {  	p1 =	seq.s32 s22, $0x980;
	[sflag:s16] =	ssyncadd.s32 $0xFFFFC000  }
0x8b: {  	s25 =	sadd.s32 @!p1 s22, s7;
	_ =	swait.ge [sflag:s17], $0x80  }
0x8c: {  	s26 =	sadd.s32 @!p1 $0x80, s25;
	[sflag:s17] =	ssyncset.done $0x0  }
0x8d: {  	s4 =	simm.s32 $0x200;
	p2 =	slt.u32 @!p1 s26, $0x9C4;
	[sflag:s17] =	ssyncadd.s32 $0xFFFFFF80  }
0x8e: {  	[spmem:s1] =	stream.indirect.scatter.add.f32 [tilespmem:s10], [sflag:$0xB], $0x80, s4, s30, $0xb8;
	[tilespmem:$0x1F080] =	vst v63  }
0x8f: {  	s26 =	sadd.s32 @!p1 $0x800, s14;
	p2 =	por !p2, p1;
	_ =	swait.ge [sflag:s28], $0x4000  }
0x90: {  	s26 =	simm.s32 @p2 $0x0;
	[sflag:s28] =	ssyncset.done $0x0  }
0x91: {  	s29 =	simm.s32 @!p1 $0x0;
	s4 =	sadd.s32 @!p1 s3, s26;
	[sflag:s28] =	ssyncadd.s32 $0xFFFFC000  }
0x92: {  	[tilespmem:s29], [sflag:$0x1] =	stream.linear.gather @!p1 [hbm4b:s4+s29], $0x80, $0x38;
	[tilespmem:$0x1F080] =	vst v63  }
0x93: {  	s4 =	sadd.s32 @!p1 s5, s26;
	s26 =	simm.s32 @!p1 $0x200  }
0x94: {  	[tilespmem:s26], [sflag:$0x5] =	stream.linear.gather @!p1 [hbm4b:s4+s29], $0x80, $0x38;
	[tilespmem:$0x1F080] =	vst v63  }
0x95: {  	_ =	swait.ge [sflag:s18], $0x80  }
0x96: {  	[sflag:s18] =	ssyncset.done $0x0  }
0x97: {  	[sflag:s18] =	ssyncadd.s32 $0xFFFFFF80  }
0x98: {  	[tilespmem:s10], [sflag:$0x9] =	stream.indirect.gather [hbm4b:s6+s30], $0x80, s0, s30, $0xb8;
	[tilespmem:$0x1F080] =	vst v63  }
0x99: {  	_ =	swait.ge [sflag:s19], $0x4000  }
0x9a: {  	[sflag:s19] =	ssyncset.done $0x0  }
0x9b: {  	[sflag:s19] =	ssyncadd.s32 $0xFFFFC000  }
0x9c: {  	_ =	swait.ge [sflag:s20], $0x80  }
0x9d: {  	s4 =	sadd.s32 @!p1 $0xA0, s25;
	[sflag:s20] =	ssyncset.done $0x0  }
0x9e: {  	p2 =	slt.u32 @!p1 s4, $0x9C4;
	[sflag:s20] =	ssyncadd.s32 $0xFFFFFF80  }
0x9f: {  	[spmem:s1] =	stream.indirect.scatter.add.f32 [tilespmem:s15], [sflag:$0xB], $0x80, s31, s30, $0xb8;
	[tilespmem:$0x1F080] =	vst v63  }
0xa0: {  	s4 =	sadd.s32 @!p1 $0xA00, s14;
	p2 =	por !p2, p1;
	_ =	swait.ge [sflag:s28], $0x4000  }
0xa1: {  	s4 =	simm.s32 @p2 $0x0;
	[sflag:s28] =	ssyncset.done $0x0  }
0xa2: {  	s26 =	simm.s32 @!p1 $0x80;
	s25 =	sadd.s32 @!p1 s3, s4;
	[sflag:s28] =	ssyncadd.s32 $0xFFFFC000  }
0xa3: {  	[tilespmem:s26], [sflag:$0x2] =	stream.linear.gather @!p1 [hbm4b:s25+s29], $0x80, $0x38;
	[tilespmem:$0x1F080] =	vst v63  }
0xa4: {  	s4 =	sadd.s32 @!p1 s5, s4;
	s25 =	simm.s32 @!p1 $0x280  }
0xa5: {  	[tilespmem:s25], [sflag:$0x6] =	stream.linear.gather @!p1 [hbm4b:s4+s29], $0x80, $0x38;
	[tilespmem:$0x1F080] =	vst v63  }
0xa6: {  	_ =	swait.ge [sflag:s21], $0x80  }
0xa7: {  	[sflag:s21] =	ssyncset.done $0x0  }
0xa8: {  	[sflag:s21] =	ssyncadd.s32 $0xFFFFFF80  }
0xa9: {  	[tilespmem:s15], [sflag:$0xA] =	stream.indirect.gather [hbm4b:s6+s30], $0x80, s11, s30, $0xb8;
	[tilespmem:$0x1F080] =	vst v63  }
0xaa: {  	_ =	swait.ge [sflag:s16], $0x4000  }
0xab: {  	[sflag:s16] =	ssyncset.done $0x0  }
0xac: {  	[sflag:s16] =	ssyncadd.s32 $0xFFFFC000  }
0xad: {  	p2 =	sge.u32 s22, s23;
	_ =	swait.ge [sflag:s24], $0x80  }
0xae: {  	s26 =	simm.s32 @!p2 $0x400;
	[sflag:s24] =	ssyncset.done $0x0  }
0xaf: {  	s4 =	simm.s32 @!p2 $0x80;
	s25 =	simm.s32 @!p2 $0x300;
	[sflag:s24] =	ssyncadd.s32 $0xFFFFFF80  }
0xb0: {  	[spmem:s1] =	stream.indirect.scatter.add.f32 @!p2 [tilespmem:s26], [sflag:$0xB], $0x80, s25, s4, $0xb8;
	[tilespmem:$0x1F080] =	vst v63  }
.Ltmp3:
0xb1: {  	_ = 	snop;
	(pc) =	sbr.rel @p1 .LBB2_6-.Ltmp3, $4  }
0xb2: {  	s4 =	simm.s32 @!p2 $0xB  }
0xb3: {  	_ =	swait.ge @!p2 [sflag:s4], $0x4000  }
0xb4: {  	[sflag:s4] =	ssyncset.done @!p2 $0x0  }
0xb5: {  	[sflag:s4] =	ssyncadd.s32 @!p2 $0xFFFFC000  }
0xb6: {  	s4 =	sadd.s32 $0xC0, s8  }
0xb7: {  	p1 =	slt.u32 s4, $0x9C4;
	s4 =	sadd.s32 $0xC00, s14  }
.Ltmp4:
0xb8: {  	s4 =	simm.s32 @!p1 $0x0;
	(pc) =	sbr.rel .LBB2_4-.Ltmp4, $4  }
0xb9: {  	s29 =	simm.s32 $0x300;
	s26 =	sadd.s32 s3, s4  }
0xba: {  	[tilespmem:s0], [sflag:$0x3] =	stream.linear.gather [hbm4b:s26+s2], $0x80, $0x38;
	[tilespmem:$0x1F080] =	vst v63  }
0xbb: {  	s22 =	sadd.s32 $0x80, s22;
	s14 =	sadd.s32 $0x800, s14;
	s4 =	sadd.s32 s5, s4  }
0xbc: {  	[tilespmem:s29], [sflag:$0x7] =	stream.linear.gather [hbm4b:s4+s2], $0x80, $0x38;
	[tilespmem:$0x1F080] =	vst v63  }
.LBB2_7:
0xbd: {  	_ =	sfence.sel $0x180000  }
0xbe: {  	[bflag:$0x0] =	sbarrier.arrive $0xFFFF  }
0xbf: {  	_ =	strace $0x9000004A  }
0xc0: {  	[bflag:$0x2] =	sbarrier.arrive $0xFFFF  }
0xc1: {  	s0 =	rddreg [dreg:$0x2]  }
0xc2: {  	s0 =	sadd.s32 @!p0 $0x100000, s0  }
0xc3: {  	[sflag:s0] =	ssyncadd.tile.s32 @!p0 $0x1;
	_ =	shalt  }
.Lfunc_end2:
_tile_overlayer_lowered:
.L_overlay_start_2:
0xc4: {  	(tag) =	ssettag $0x2  }
0xc5: {  	s0 =	rddreg [dreg:$0x0];
	s2 =	stileid.u32  }
0xc6: {  	s1 =	rddreg [dreg:$0x1];
	p0 =	sne.s32 s2, $0x0  }
0xc7: {  	s3 =	rddreg [dreg:$0x2];
	[bflag:$0x3] =	sbarrier.arrive $0xFFFF;
	s2 =	simm.s32 @!p0 $0x1C0B  }
0xc8: {  	[timem:s3], [sflag:s2] =	dma.local @!p0 [hbm:s0], s1  }
0xc9: {  	s0 =	simm.s32 @!p0 $0xB  }
0xca: {  	_ =	swait.ge @!p0 [sflag:s0], s1  }
0xcb: {  	s1 =	ssub.s32 @!p0 $0x0, s1;
	[sflag:s0] =	ssyncset.done @!p0 $0x0  }
0xcc: {  	[sflag:s0] =	ssyncadd.s32 @!p0 s1  }
0xcd: {  	[bflag:$0x3] =	sbarrier.arrive $0xFFFF  }
0xce: {  	_ =	shalt  }

// kernel: kernel.15.cloned.1.call-start
scs
__scs_entry_jumppad:
0x0: {  	(pc) =	sbr.rel $0x88, $3  }
0x1: {  	(tag) =	ssettag $0x0;
	lr =	simm.s32 $0x1  }
0x2: {  	[smem:$0x3F95] =	sst lr;
	_ =	strace $0xD0000000  }
0x3: {  	_ = 	snop  }
0x4: {  	_ = 	snop  }
0x5: {  	_ = 	snop  }
0x6: {  	_ = 	snop  }
0x7: {  	_ = 	snop  }
__scs_overlays_trampoline_lowered:
0x8: {  	[smem:$0x3FA4] =	sst s0  }
0x9: {  	[smem:$0x3FA5] =	sst s1  }
0xa: {  	[smem:$0x3FA6] =	sst s2  }
0xb: {  	[smem:$0x3FA7] =	sst s3  }
0xc: {  	[smem:$0x3FA8] =	sst s4  }
0xd: {  	[smem:$0x3FA9] =	sst s5  }
0xe: {  	[smem:$0x3FAA] =	sst s6  }
0xf: {  	[smem:$0x3FAB] =	sst s7  }
0x10: {  	[smem:$0x3FAC] =	sst s8  }
0x11: {  	[smem:$0x3FAD] =	sst s9;
	s0 =	simm.s32 @!p0 $0x0  }
0x12: {  	s1 =	sld [smem:$0x3F93];
	s0 =	simm.s32 @p0 $0x1  }
0x13: {  	[smem:$0x3FAE] =	sst s0;
	s0 =	simm.s32 @!p1 $0x0  }
0x14: {  	s2 =	sld [smem:$0x3F92];
	s0 =	simm.s32 @p1 $0x1  }
0x15: {  	[smem:$0x3FAF] =	sst s0;
	s0 =	simm.s32 @!p2 $0x0  }
0x16: {  	s3 =	sld [smem:$0x3FDB];
	s0 =	simm.s32 @p2 $0x1  }
0x17: {  	s4 =	simm.s32 $0x1BF5;
	[smem:$0x3FB1] =	sst s0  }
0x18: {  	s0 =	sld [smem:$0x3F94];
	_ =	swait.ge [sflag:s4], $0x0  }
0x19: {  	s7 =	sld [smem:$0x3F95]  }
0x1a: {  	s8 =	sadd.s32 $0xFFFFE003, lr  }
0x1b: {  	s9 =	sadd.s32 $0xFFFFFEF7, lr;
	s5 =	simm.s32 $0xFFFFFFFF;
	p2 =	slt.u32 s8, $0xFFFFF086  }
0x1c: {  	p1 =	slt.u32 s9, $0xF7A;
	s5 =	simm.s32 @!p2 $0x0  }
0x1d: {  	s5 =	simm.s32 @p1 $0x1;
	p0 =	seq.s32 s7, s2  }
0x1e: {  	s7 =	smul.u32 @!p0 $0xF7A, s2;
	p2 =	seq.s32 @!p0 s5, $0x0  }
0x1f: {  	s9 =	smul.u32 $0xF7A, s1;
	s8 =	simm.s32 @!p0 $0x1BF5;
	p2 =	por !p2, p0  }
0x20: {  	[sflag:s8] =	ssyncset.s32 @!p0 $0xFFFFF086;
	s6 =	sadd.s32 @!p0 s3, s7;
	s7 =	simm.s32 @!p0 $0x108  }
0x21: {  	s3 =	sadd.s32 s3, s9;
	s6 =	sadd.s32 @!p0 $0x88, s6;
	s7 =	simm.s32 @p2 $0x1082  }
0x22: {  	[simem:s7], [sflag:s8] =	dma.local @!p0 [hbm:s6], $0xF7A  }
0x23: {  	s9 =	sor.u32 $0xD0000000, s2;
	s6 =	simm.s32 $0x108;
	_ =	swait.ge @!p0 [sflag:s8], $0x0  }
0x24: {  	s3 =	sadd.s32 $0x88, s3;
	s6 =	simm.s32 @!p1 $0x1082;
	[sflag:s4] =	ssyncset.s32 $0xFFFFF086  }
0x25: {  	[simem:s6], [sflag:s4] =	dma.local [hbm:s3], $0xF7A  }
0x26: {  	[smem:$0x3F95] =	sst s1;
	(tag) =	ssettag s2;
	_ =	strace s9  }
0x27: {  	s1 =	sld [smem:$0x3FA5]  }
0x28: {  	s2 =	sld [smem:$0x3FA6]  }
0x29: {  	s4 =	sld [smem:$0x3FA8]  }
0x2a: {  	p0 =	seq.s32 s5, $0x0;
	s5 =	sld [smem:$0x3FA9]  }
0x2b: {  	s6 =	sld [smem:$0x3FAA]  }
0x2c: {  	s7 =	sld [smem:$0x3FAB]  }
0x2d: {  	s3 =	simm.s32 $0x108;
	s8 =	sld [smem:$0x3FAC]  }
0x2e: {  	s3 =	simm.s32 @!p0 $0x1082;
	s9 =	sld [smem:$0x3FAD]  }
0x2f: {  	lr =	sadd.s32 s0, s3;
	s0 =	sld [smem:$0x3FA4]  }
0x30: {  	s3 =	sld [smem:$0x3FA7]  }
0x31: {  	[smem:$0x3FB0] =	sst s10  }
0x32: {  	s10 =	sld [smem:$0x3FAE];
	_ =	sdelay $0x3  }
0x33: {  	p0 =	seq.s32 s10, $0x1;
	s10 =	sld [smem:$0x3FB0];
	_ =	sdelay $0x3  }
0x34: {  	[smem:$0x3FB0] =	sst s10  }
0x35: {  	s10 =	sld [smem:$0x3FAF];
	_ =	sdelay $0x3  }
0x36: {  	p1 =	seq.s32 s10, $0x1;
	s10 =	sld [smem:$0x3FB0];
	_ =	sdelay $0x3  }
0x37: {  	[smem:$0x3FB0] =	sst s10  }
0x38: {  	s10 =	sld [smem:$0x3FB1]  }
0x39: {  	_ = 	snop;
	(pc) =	sbr.ind lr, $3  }
0x3a: {  	_ = 	snop  }
0x3b: {  	_ = 	snop  }
0x3c: {  	p2 =	seq.s32 s10, $0x1;
	s10 =	sld [smem:$0x3FB0]  }
0x3d: {  	_ =	shalt  }
0x3e: {  	_ =	shalt  }
0x3f: {  	_ =	shalt  }
0x40: {  	_ =	shalt  }
0x41: {  	_ =	shalt  }
0x42: {  	_ =	shalt  }
0x43: {  	_ =	shalt  }
0x44: {  	_ =	shalt  }
0x45: {  	_ =	shalt  }
0x46: {  	_ =	shalt  }
0x47: {  	_ =	shalt  }
0x48: {  	_ =	shalt  }
0x49: {  	_ =	shalt  }
0x4a: {  	_ =	shalt  }
0x4b: {  	_ =	shalt  }
0x4c: {  	_ =	shalt  }
0x4d: {  	_ =	shalt  }
0x4e: {  	_ =	shalt  }
0x4f: {  	_ =	shalt  }
0x50: {  	_ =	shalt  }
0x51: {  	_ =	shalt  }
0x52: {  	_ =	shalt  }
0x53: {  	_ =	shalt  }
0x54: {  	_ =	shalt  }
0x55: {  	_ =	shalt  }
0x56: {  	_ =	shalt  }
0x57: {  	_ =	shalt  }
0x58: {  	_ =	shalt  }
0x59: {  	_ =	shalt  }
0x5a: {  	_ =	shalt  }
0x5b: {  	_ =	shalt  }
0x5c: {  	_ =	shalt  }
0x5d: {  	_ =	shalt  }
0x5e: {  	_ =	shalt  }
0x5f: {  	_ =	shalt  }
0x60: {  	_ =	shalt  }
0x61: {  	_ =	shalt  }
0x62: {  	_ =	shalt  }
0x63: {  	_ =	shalt  }
0x64: {  	_ =	shalt  }
0x65: {  	_ =	shalt  }
0x66: {  	_ =	shalt  }
0x67: {  	_ =	shalt  }
0x68: {  	_ =	shalt  }
0x69: {  	_ =	shalt  }
0x6a: {  	_ =	shalt  }
0x6b: {  	_ =	shalt  }
0x6c: {  	_ =	shalt  }
0x6d: {  	_ =	shalt  }
0x6e: {  	_ =	shalt  }
0x6f: {  	_ =	shalt  }
0x70: {  	_ =	shalt  }
0x71: {  	_ =	shalt  }
0x72: {  	_ =	shalt  }
0x73: {  	_ =	shalt  }
0x74: {  	_ =	shalt  }
0x75: {  	_ =	shalt  }
0x76: {  	_ =	shalt  }
0x77: {  	_ =	shalt  }
0x78: {  	_ =	shalt  }
0x79: {  	_ =	shalt  }
0x7a: {  	_ =	shalt  }
0x7b: {  	_ =	shalt  }
0x7c: {  	_ =	shalt  }
0x7d: {  	_ =	shalt  }
0x7e: {  	_ =	shalt  }
0x7f: {  	_ =	shalt  }
0x80: {  	_ =	shalt  }
0x81: {  	_ =	shalt  }
0x82: {  	_ =	shalt  }
0x83: {  	_ =	shalt  }
0x84: {  	_ =	shalt  }
0x85: {  	_ =	shalt  }
0x86: {  	_ =	shalt  }
0x87: {  	_ =	shalt  }
.Lfunc_end0:
.L_simem_size_0:
called_computation.2_lowered:
.L_overlay_start_0:
0x88: {  	s2 =	sld [smem:$0x3FD9]  }
0x89: {  	s3 =	sld [smem:$0x3FFE];
	_ =	sdelay $0x1  }
0x8a: {  	s1 =	srdreg.scid  }
0x8b: {  	s0 =	sand.u32 $0x1, s1  }
0x8c: {  	s16 =	sshll.u32 s0, $0xA;
	s2 =	sadd.s32 s3, s2  }
0x8d: {  	s2 =	sadd.s32 s2, s16  }
0x8e: {  	[smem:$0x3FBC] =	sst s2  }
0x8f: {  	_ = 	snop  }
0x90: {  	(tm) =	ssettm $0x1  }
0x91: {  	s17 =	sld [smem:$0x3FFB];
	_ =	sdelay $0x3  }
0x92: {  	_ =	strace s17  }
0x93: {  	s2 =	sld [smem:$0x3FFC];
	_ =	sdelay $0x3  }
0x94: {  	_ =	strace s2  }
0x95: {  	s2 =	sld [smem:$0x3FFD];
	_ =	sdelay $0x3  }
0x96: {  	_ =	strace s2  }
0x97: {  	_ =	strace $0x8FFFFFFF  }
0x98: {  	s18 =	sld [smem:$0x3FDB];
	_ =	sdelay $0x1  }
0x99: {  	s19 =	simm.s32 $_scs_section_size  }
0x9a: {  	s4 =	simm.s32 $_size__tile_overlayer_lowered;
	s5 =	simm.s32 $_tile_overlayer_lowered  }
0x9b: {  	s22 =	simm.s32 $0x1BFF;
	s21 =	sshll.u32 s5, $0x1;
	s2 =	sadd.s32 s19, s18  }
0x9c: {  	s6 =	simm.s32 $0x0;
	s20 =	sshll.u32 s4, $0x1;
	s4 =	sadd.s32 s21, s2  }
0x9d: {  	[timem:s6], [sflag:s22] =	dma.local [hbm:s4], s20  }
0x9e: {  	_ =	swait.ge [sflag:s22], s20  }
0x9f: {  	s3 =	ssub.s32 $0x0, s20;
	[sflag:s22] =	ssyncset.done $0x0  }
0xa0: {  	[sflag:s22] =	ssyncadd.s32 s3;
	_ =	sdelay $0x1  }
0xa1: {  	s23 =	simm.s32 $0x1B8B  }
0xa2: {  	_ =	swait.ge [sflag:s23], $0x1  }
0xa3: {  	[sflag:s23] =	ssyncset.done $0x0  }
0xa4: {  	s25 =	simm.s32 $0x1B8E;
	s24 =	sld [smem:$0x3FFE];
	[sflag:s23] =	ssyncadd.s32 $0xFFFFFFFF  }
0xa5: {  	s26 =	simm.s32 $execute0_lowered;
	[smem:$0x3FD2] =	sst s25  }
0xa6: {  	s4 =	sshll.u32 s26, $0x1;
	_ =	strace $0x8000004C;
	[dreg:$0x1] =	wrdreg $0xFFFFFFFF  }
0xa7: {  	s28 =	simm.s32 $_size_execute0_lowered;
	s2 =	sadd.s32 s2, s4;
	[dreg:$0x0] =	wrdreg $0x0  }
0xa8: {  	s4 =	sshll.u32 s28, $0x1;
	[dreg:$0x2] =	wrdreg s2  }
0xa9: {  	[dreg:$0x3] =	wrdreg s4  }
0xaa: {  	[dreg:$0x4] =	wrdreg $0xC0  }
0xab: {  	_ =	task [dreg:s6], $0x5FFFF  }
0xac: {  	[dreg:$0x1] =	wrdreg $0xFFFFFFFF  }
0xad: {  	[dreg:$0x0] =	wrdreg $0x60  }
0xae: {  	[dreg:$0x2] =	wrdreg s24  }
0xaf: {  	[dreg:$0x3] =	wrdreg $0xB8000  }
0xb0: {  	[dreg:$0x4] =	wrdreg $0x9  }
0xb1: {  	_ =	task.clear_ibuf [dreg:s6], $0x5FFFF;
	_ =	strace $0x9000004C  }
0xb2: {  	s29 =	simm.s32 $0x9;
	_ =	strace $0x8000004E  }
0xb3: {  	_ =	swait.ge [sflag:s29], $0x1  }
0xb4: {  	[sflag:s29] =	ssyncadd.s32 $0xFFFFFFFF  }
0xb5: {  	_ =	strace $0x9000004E  }
0xb6: {  	_ =	sfence  }
0xb7: {  	s30 =	sld [smem:$0x0];
	_ =	sdelay $0x2  }
0xb8: {  	s31 =	sshll.u32 s1, $0xD;
	s1 =	sshrl.u32 s1, $0x2  }
0xb9: {  	s3 =	sand.u32 $0x4000, s31;
	s1 =	sadd.s32 s1, s30  }
0xba: {  	s0 =	sor.u32 s3, s0;
	s1 =	sshll.u32 s1, $0x11  }
0xbb: {  	s0 =	sor.u32 s1, s0  }
0xbc: {  	s0 =	sadd.s32 $0x8F2B, s0  }
0xbd: {  	[sflag:s0] =	ssyncadd.remote.s32 $0x1  }
0xbe: {  	_ =	sfence.sel $0xFFFF  }
0xbf: {  	[dreg:$0x0] =	wrdreg $0xFFFFFFFF;
	(pc) =	sbr.abs _section_cstart, $3  }
0xc0: {  	[dreg:$0x1] =	wrdreg $0xFFFFFFFF  }
0xc1: {  	_ =	task.clear_ibuf [dreg:s6], $0x2FFFF;
	_ =	strace $0x9FFFFFFF  }
0xc2: {  	(tm) =	ssettm $0x7FFFFFFF  }
0xc3: {  	_ =	shalt  }
tec
execute0_lowered:
.L_overlay_start_1:
0x0: {  	(tag) =	ssettag $0x1  }
0x1: {  	s0 =	rddreg [dreg:$0x0]  }
0x2: {  	s1 =	rddreg [dreg:$0x1];
	s2 =	simm.s32 $0x0;
	s4 =	srdreg.scid  }
0x3: {  	s14 =	stileid.u32;
	s28 =	simm.s32 $0xB;
	s30 =	simm.s32 $0x80  }
0x4: {  	s31 =	simm.s32 $0x280;
	[smem:$0x7FF] =	sst s2;
	s3 =	sadd.s32 $0xDC00, s0  }
0x5: {  	s5 =	sadd.s32 $0x3E00, s0;
	s4 =	sand.u32 $0x1, s4;
	s7 =	smul.u32 $0x4E000, s14  }
0x6: {  	s6 =	sadd.s32 $0x17A00, s0;
	s0 =	sadd.s32 $0x3EC00, s0;
	s29 =	smul.u32 $0x2700, s14  }
0x7: {  	s25 =	sadd.s32 $0x138000, s1;
	s26 =	sshll.u32 s14, $0x4;
	p0 =	sne.s32 s14, $0x0  }
0x8: {  	_ =	strace $0x8000004D;
	s8 =	ssub.s32 $0x2, s4;
	s10 =	sshll.u32 s4, $0x4  }
0x9: {  	s21 =	smul.u32 $0x138800, s4;
	[dreg:$0x9] =	wrdreg s25;
	s11 =	sshrl.u32 s7, $0x2  }
0xa: {  	s9 =	sshrl.u32 s8, $0x1;
	s7 =	sor.u32 s14, s10;
	s22 =	sadd.s32 s11, s1  }
0xb: {  	s14 =	simm.s32 $0x0;
	s12 =	sadd.s32 $0x3400, s22;
	[dreg:$0x3] =	wrdreg s22  }
0xc: {  	s8 =	ssub.s32 s8, s9;
	s13 =	sadd.s32 $0x6800, s22;
	[dreg:$0x4] =	wrdreg s12  }
0xd: {  	s17 =	sshll.u32 s7, $0x4;
	s15 =	sadd.s32 $0x9C00, s22;
	[dreg:$0x5] =	wrdreg s13  }
0xe: {  	s24 =	sshrl.u32 s21, $0x3;
	s16 =	sadd.s32 $0xD000, s22;
	[dreg:$0x6] =	wrdreg s15  }
0xf: {  	s21 =	simm.s32 $0x4;
	s11 =	sadd.s32 $0x10400, s22;
	[dreg:$0x7] =	wrdreg s16  }
0x10: {  	s18 =	sadd.s32 s3, s17;
	s19 =	sadd.s32 s5, s17;
	[dreg:$0x8] =	wrdreg s11  }
0x11: {  	s20 =	sor.u32 $0x200, s17;
	s10 =	sor.u32 $0x400, s17;
	[dreg:$0xa] =	wrdreg s18  }
0x12: {  	s17 =	simm.s32 $0x5;
	[dreg:$0xb] =	wrdreg s19;
	s12 =	smul.u32 $0x27100, s4  }
0x13: {  	s13 =	sadd.s32 s3, s20;
	s11 =	sadd.s32 s5, s20;
	s23 =	sadd.s32 s3, s10  }
0x14: {  	s10 =	sadd.s32 s5, s10;
	s4 =	sshll.u32 s4, $0x8;
	[dreg:$0xc] =	wrdreg s13  }
0x15: {  	s15 =	simm.s32 $0x4400;
	s16 =	simm.s32 $0x9;
	[dreg:$0xd] =	wrdreg s11  }
0x16: {  	s18 =	simm.s32 $0x3;
	s19 =	simm.s32 $0xA;
	[dreg:$0xe] =	wrdreg s23  }
0x17: {  	s20 =	simm.s32 $0x6;
	[dreg:$0xf] =	wrdreg s10;
	s4 =	sor.u32 s26, s4  }
0x18: {  	s23 =	ssub.s32 $0x984, s7;
	s10 =	simm.s32 $0x400;
	s11 =	simm.s32 $0x180  }
.Ltmp0:
0x19: {  	s13 =	simm.s32 $0x2;
	s9 =	sadd.s32 s29, s12;
	(pc) =	sbr.rel .LBB2_1-.Ltmp0, $4  }
0x1a: {  	[dreg:$0x11] =	wrdreg s4;
	s29 =	smax.u32 s8, $0x1;
	s12 =	simm.s32 $0x380  }
0x1b: {  	s9 =	sadd.s32 s0, s9;
	s0 =	sadd.s32 s0, s24;
	[dreg:$0x13] =	wrdreg s29  }
0x1c: {  	s24 =	simm.s32 $0x7;
	[dreg:$0x10] =	wrdreg s9;
	s0 =	sadd.s32 $0x27000, s0  }
0x1d: {  	v0 =	vimm.f32 $0.0e+00;
	s9 =	simm.s32 $0x1;
	[dreg:$0x12] =	wrdreg s0;
	s0 =	simm.s32 $0x100  }
.LBB2_6:
0x1e: {  	_ =	swait.ge [sflag:s19], $0x4000  }
0x1f: {  	[sflag:s19] =	ssyncset.done $0x0  }
0x20: {  	s4 =	simm.s32 $0x8;
	[sflag:s19] =	ssyncadd.s32 $0xFFFFC000  }
0x21: {  	_ =	swait.ge [sflag:s4], $0x80  }
0x22: {  	[sflag:s4] =	ssyncset.done $0x0  }
0x23: {  	[sflag:s4] =	ssyncadd.s32 $0xFFFFFF80  }
0x24: {  	s25 =	stileid.u32;
	[bflag:$0x0] =	sbarrier.arrive $0xFFFF  }
0x25: {  	s4 =	sshll.u32 s25, $0x6;
	s22 =	rddreg [dreg:$0x3]  }
0x26: {  	s4 =	sor.u32 $0x1C0B, s4;
	s14 =	rddreg [dreg:$0x10];
	s8 =	sshrl.u32 s22, $0x3  }
0x27: {  	[hbm:s14], [sflag:s4] =	dma.local [spmem:s8], $0x2700  }
0x28: {  	_ =	swait.ge [sflag:s28], $0x2700  }
0x29: {  	[sflag:s28] =	ssyncset.done $0x0;
	s25 =	rddreg [dreg:$0x9]  }
0x2a: {  	s14 =	rddreg [dreg:$0x12];
	[sflag:s28] =	ssyncadd.s32 $0xFFFFD900;
	s8 =	sshrl.u32 @!p0 s25, $0x3  }
0x2b: {  	[hbm:s14], [sflag:s4] =	dma.local @!p0 [spmem:s8], $0x100  }
0x2c: {  	s4 =	simm.s32 @!p0 $0xB  }
0x2d: {  	_ =	swait.ge @!p0 [sflag:s4], $0x100  }
0x2e: {  	s26 =	rddreg [dreg:$0x14]  }
0x2f: {  	s29 =	rddreg [dreg:$0x13];
	s14 =	sadd.s32 $0x1, s26  }
0x30: {  	p1 =	sne.s32 s14, s29  }
.Ltmp1:
0x31: {  	_ = 	snop;
	(pc) =	sbr.rel @!p1 .LBB2_7-.Ltmp1, $3  }
0x32: {  	_ =	sdelay $0x1  }
0x33: {  	[sflag:s4] =	ssyncset.done @!p0 $0x0  }
0x34: {  	[sflag:s4] =	ssyncadd.s32 @!p0 $0xFFFFFF00  }
.LBB2_1:
0x35: {  	[dreg:$0x14] =	wrdreg s14;
	s8 =	simm.s32 $0x0;
	s14 =	simm.s32 $0x200  }
.LBB2_2:
0x36: {  	p1 =	sne.s32 s14, $0xCE00;
	[tilespmem:s8+$0x8470] =	vst v0  }
0x37: {  	[tilespmem:s8+$0x8400] =	vst v0  }
0x38: {  	[tilespmem:s8+$0x8410] =	vst v0  }
.Ltmp2:
0x39: {  	[tilespmem:s8+$0x8420] =	vst v0;
	(pc) =	sbr.rel @p1 .LBB2_2-.Ltmp2, $4  }
0x3a: {  	[tilespmem:s8+$0x8430] =	vst v0  }
0x3b: {  	[tilespmem:s8+$0x8440] =	vst v0  }
0x3c: {  	[tilespmem:s8+$0x8450] =	vst v0  }
0x3d: {  	[tilespmem:s8+$0x8460] =	vst v0;
	s8 =	sshra.s32 s14, $0x2;
	s14 =	sadd.s32 $0x200, s14  }
0x3e: {  	[tilespmem:s8+$0x8470] =	vst v0  }
0x3f: {  	[tilespmem:s8+$0x8400] =	vst v0  }
0x40: {  	[tilespmem:s8+$0x8410] =	vst v0  }
0x41: {  	[tilespmem:s8+$0x8420] =	vst v0  }
0x42: {  	[tilespmem:s8+$0x8430] =	vst v0  }
0x43: {  	[tilespmem:s8+$0x8440] =	vst v0  }
0x44: {  	[tilespmem:s8+$0x8450] =	vst v0  }
0x45: {  	[tilespmem:s8+$0x8460] =	vst v0;
	s8 =	simm.s32 $0x8400  }
0x46: {  	[spmem:s22] =	stream.linear.scatter [tilespmem:s8], [sflag:$0xB], $0x3400, $0x38;
	[tilespmem:$0x1F080] =	vst v63  }
0x47: {  	_ =	swait.ge [sflag:s28], $0x3400  }
0x48: {  	[sflag:s28] =	ssyncset.done $0x0  }
0x49: {  	s4 =	rddreg [dreg:$0x4];
	[sflag:s28] =	ssyncadd.s32 $0xFFFFCC00  }
0x4a: {  	[spmem:s4] =	stream.linear.scatter [tilespmem:s8], [sflag:$0xB], $0x3400, $0x38;
	[tilespmem:$0x1F080] =	vst v63  }
0x4b: {  	_ =	swait.ge [sflag:s28], $0x3400  }
0x4c: {  	[sflag:s28] =	ssyncset.done $0x0  }
0x4d: {  	s26 =	rddreg [dreg:$0x5];
	[sflag:s28] =	ssyncadd.s32 $0xFFFFCC00  }
0x4e: {  	[spmem:s26] =	stream.linear.scatter [tilespmem:s8], [sflag:$0xB], $0x3400, $0x38;
	[tilespmem:$0x1F080] =	vst v63  }
0x4f: {  	_ =	swait.ge [sflag:s28], $0x3400  }
0x50: {  	[sflag:s28] =	ssyncset.done $0x0  }
0x51: {  	s29 =	rddreg [dreg:$0x6];
	[sflag:s28] =	ssyncadd.s32 $0xFFFFCC00  }
0x52: {  	[spmem:s29] =	stream.linear.scatter [tilespmem:s8], [sflag:$0xB], $0x3400, $0x38;
	[tilespmem:$0x1F080] =	vst v63  }
0x53: {  	_ =	swait.ge [sflag:s28], $0x3400  }
0x54: {  	[sflag:s28] =	ssyncset.done $0x0  }
0x55: {  	s14 =	rddreg [dreg:$0x7];
	[sflag:s28] =	ssyncadd.s32 $0xFFFFCC00  }
0x56: {  	[spmem:s14] =	stream.linear.scatter [tilespmem:s8], [sflag:$0xB], $0x3400, $0x38;
	[tilespmem:$0x1F080] =	vst v63  }
0x57: {  	_ =	swait.ge [sflag:s28], $0x3400  }
0x58: {  	[sflag:s28] =	ssyncset.done $0x0  }
0x59: {  	s22 =	rddreg [dreg:$0x8];
	[sflag:s28] =	ssyncadd.s32 $0xFFFFCC00  }
0x5a: {  	[spmem:s22] =	stream.linear.scatter [tilespmem:s8], [sflag:$0xB], $0x3400, $0x38;
	[tilespmem:$0x1F080] =	vst v63  }
0x5b: {  	_ =	swait.ge [sflag:s28], $0x3400  }
0x5c: {  	[sflag:s28] =	ssyncset.done $0x0  }
0x5d: {  	s8 =	simm.s32 @!p0 $0x8400;
	[sflag:s28] =	ssyncadd.s32 $0xFFFFCC00  }
0x5e: {  	[spmem:s25] =	stream.linear.scatter @!p0 [tilespmem:s8], [sflag:$0xB], $0x800, $0x38;
	[tilespmem:$0x1F080] =	vst v63  }
0x5f: {  	s8 =	simm.s32 @!p0 $0xB  }
0x60: {  	_ =	swait.ge @!p0 [sflag:s8], $0x800  }
0x61: {  	[sflag:s8] =	ssyncset.done @!p0 $0x0  }
0x62: {  	[sflag:s8] =	ssyncadd.s32 @!p0 $0xFFFFF800  }
0x63: {  	[bflag:$0x0] =	sbarrier.arrive $0xFFFF  }
0x64: {  	s25 =	rddreg [dreg:$0xa]  }
0x65: {  	s22 =	simm.s32 $0x0;
	s26 =	rddreg [dreg:$0xb]  }
0x66: {  	[tilespmem:s22], [sflag:$0x1] =	stream.linear.gather [hbm4b:s25+s22], $0x80, $0x38;
	[tilespmem:$0x1F080] =	vst v63  }
0x67: {  	s29 =	simm.s32 $0x200;
	s8 =	rddreg [dreg:$0xc]  }
0x68: {  	[tilespmem:s29], [sflag:$0x5] =	stream.linear.gather [hbm4b:s26+s22], $0x80, $0x38;
	[tilespmem:$0x1F080] =	vst v63  }
0x69: {  	s14 =	rddreg [dreg:$0xd]  }
0x6a: {  	[tilespmem:s30], [sflag:$0x2] =	stream.linear.gather [hbm4b:s8+s22], $0x80, $0x38;
	[tilespmem:$0x1F080] =	vst v63  }
0x6b: {  	s25 =	rddreg [dreg:$0xe]  }
0x6c: {  	[tilespmem:s31], [sflag:$0x6] =	stream.linear.gather [hbm4b:s14+s22], $0x80, $0x38;
	[tilespmem:$0x1F080] =	vst v63  }
0x6d: {  	s26 =	rddreg [dreg:$0xf]  }
0x6e: {  	[tilespmem:s0], [sflag:$0x3] =	stream.linear.gather [hbm4b:s25+s22], $0x80, $0x38;
	[tilespmem:$0x1F080] =	vst v63  }
0x6f: {  	s29 =	simm.s32 $0x300;
	s14 =	rddreg [dreg:$0x11]  }
0x70: {  	[tilespmem:s29], [sflag:$0x7] =	stream.linear.gather [hbm4b:s26+s22], $0x80, $0x38;
	[tilespmem:$0x1F080] =	vst v63  }
.LBB2_4:
0x71: {  	_ =	swait.ge [sflag:s9], $0x80  }
0x72: {  	p1 =	seq.s32 s22, $0x0;
	[sflag:s9] =	ssyncset.done $0x0  }
0x73: {  	s8 =	simm.s32 @!p1 $0xA;
	[sflag:s9] =	ssyncadd.s32 $0xFFFFFF80  }
0x74: {  	[tilespmem:s10], [sflag:$0x9] =	stream.indirect.gather [hbm4b:s6+s30], $0x80, s2, s30, $0xb8;
	[tilespmem:$0x1F080] =	vst v63  }
0x75: {  	_ =	swait.ge @!p1 [sflag:s8], $0x4000  }
0x76: {  	[sflag:s8] =	ssyncset.done @!p1 $0x0  }
0x77: {  	[sflag:s8] =	ssyncadd.s32 @!p1 $0xFFFFC000;
	s8 =	simm.s32 @!p1 $0x8  }
0x78: {  	_ =	swait.ge @!p1 [sflag:s8], $0x80  }
0x79: {  	s26 =	simm.s32 @!p1 $0x380;
	[sflag:s8] =	ssyncset.done @!p1 $0x0  }
0x7a: {  	s25 =	simm.s32 @!p1 $0x4400;
	[sflag:s8] =	ssyncadd.s32 @!p1 $0xFFFFFF80;
	s8 =	simm.s32 @!p1 $0x80  }
0x7b: {  	[spmem:s1] =	stream.indirect.scatter.add.f32 @!p1 [tilespmem:s25], [sflag:$0xB], $0x80, s26, s8, $0xb8;
	[tilespmem:$0x1F080] =	vst v63  }
0x7c: {  	s8 =	sadd.s32 s22, s7  }
0x7d: {  	s25 =	simm.s32 @!p1 $0xB;
	s29 =	sadd.s32 $0x60, s8  }
0x7e: {  	s26 =	sadd.s32 $0x600, s14;
	_ =	swait.ge @!p1 [sflag:s25], $0x4000;
	p2 =	slt.u32 s29, $0x9C4  }
0x7f: {  	[sflag:s25] =	ssyncset.done @!p1 $0x0;
	s26 =	simm.s32 @!p2 $0x0  }
0x80: {  	[sflag:s25] =	ssyncadd.s32 @!p1 $0xFFFFC000;
	s4 =	sadd.s32 s3, s26  }
0x81: {  	[tilespmem:s11], [sflag:$0x4] =	stream.linear.gather [hbm4b:s4+s2], $0x80, $0x38;
	[tilespmem:$0x1F080] =	vst v63  }
0x82: {  	s29 =	sadd.s32 s5, s26  }
0x83: {  	[tilespmem:s12], [sflag:$0x8] =	stream.linear.gather [hbm4b:s29+s2], $0x80, $0x38;
	[tilespmem:$0x1F080] =	vst v63  }
0x84: {  	_ =	swait.ge [sflag:s13], $0x80  }
0x85: {  	[sflag:s13] =	ssyncset.done $0x0  }
0x86: {  	[sflag:s13] =	ssyncadd.s32 $0xFFFFFF80  }
0x87: {  	[tilespmem:s15], [sflag:$0xA] =	stream.indirect.gather [hbm4b:s6+s30], $0x80, s30, s30, $0xb8;
	[tilespmem:$0x1F080] =	vst v63  }
0x88: {  	_ =	swait.ge [sflag:s16], $0x4000  }
0x89: {  	[sflag:s16] =	ssyncset.done $0x0  }
0x8a: {  	p1 =	seq.s32 s22, $0x980;
	[sflag:s16] =	ssyncadd.s32 $0xFFFFC000  }
0x8b: {  	s25 =	sadd.s32 @!p1 s22, s7;
	_ =	swait.ge [sflag:s17], $0x80  }
0x8c: {  	s26 =	sadd.s32 @!p1 $0x80, s25;
	[sflag:s17] =	ssyncset.done $0x0  }
0x8d: {  	s4 =	simm.s32 $0x200;
	p2 =	slt.u32 @!p1 s26, $0x9C4;
	[sflag:s17] =	ssyncadd.s32 $0xFFFFFF80  }
0x8e: {  	[spmem:s1] =	stream.indirect.scatter.add.f32 [tilespmem:s10], [sflag:$0xB], $0x80, s4, s30, $0xb8;
	[tilespmem:$0x1F080] =	vst v63  }
0x8f: {  	s26 =	sadd.s32 @!p1 $0x800, s14;
	p2 =	por !p2, p1;
	_ =	swait.ge [sflag:s28], $0x4000  }
0x90: {  	s26 =	simm.s32 @p2 $0x0;
	[sflag:s28] =	ssyncset.done $0x0  }
0x91: {  	s29 =	simm.s32 @!p1 $0x0;
	s4 =	sadd.s32 @!p1 s3, s26;
	[sflag:s28] =	ssyncadd.s32 $0xFFFFC000  }
0x92: {  	[tilespmem:s29], [sflag:$0x1] =	stream.linear.gather @!p1 [hbm4b:s4+s29], $0x80, $0x38;
	[tilespmem:$0x1F080] =	vst v63  }
0x93: {  	s4 =	sadd.s32 @!p1 s5, s26;
	s26 =	simm.s32 @!p1 $0x200  }
0x94: {  	[tilespmem:s26], [sflag:$0x5] =	stream.linear.gather @!p1 [hbm4b:s4+s29], $0x80, $0x38;
	[tilespmem:$0x1F080] =	vst v63  }
0x95: {  	_ =	swait.ge [sflag:s18], $0x80  }
0x96: {  	[sflag:s18] =	ssyncset.done $0x0  }
0x97: {  	[sflag:s18] =	ssyncadd.s32 $0xFFFFFF80  }
0x98: {  	[tilespmem:s10], [sflag:$0x9] =	stream.indirect.gather [hbm4b:s6+s30], $0x80, s0, s30, $0xb8;
	[tilespmem:$0x1F080] =	vst v63  }
0x99: {  	_ =	swait.ge [sflag:s19], $0x4000  }
0x9a: {  	[sflag:s19] =	ssyncset.done $0x0  }
0x9b: {  	[sflag:s19] =	ssyncadd.s32 $0xFFFFC000  }
0x9c: {  	_ =	swait.ge [sflag:s20], $0x80  }
0x9d: {  	s4 =	sadd.s32 @!p1 $0xA0, s25;
	[sflag:s20] =	ssyncset.done $0x0  }
0x9e: {  	p2 =	slt.u32 @!p1 s4, $0x9C4;
	[sflag:s20] =	ssyncadd.s32 $0xFFFFFF80  }
0x9f: {  	[spmem:s1] =	stream.indirect.scatter.add.f32 [tilespmem:s15], [sflag:$0xB], $0x80, s31, s30, $0xb8;
	[tilespmem:$0x1F080] =	vst v63  }
0xa0: {  	s4 =	sadd.s32 @!p1 $0xA00, s14;
	p2 =	por !p2, p1;
	_ =	swait.ge [sflag:s28], $0x4000  }
0xa1: {  	s4 =	simm.s32 @p2 $0x0;
	[sflag:s28] =	ssyncset.done $0x0  }
0xa2: {  	s26 =	simm.s32 @!p1 $0x80;
	s25 =	sadd.s32 @!p1 s3, s4;
	[sflag:s28] =	ssyncadd.s32 $0xFFFFC000  }
0xa3: {  	[tilespmem:s26], [sflag:$0x2] =	stream.linear.gather @!p1 [hbm4b:s25+s29], $0x80, $0x38;
	[tilespmem:$0x1F080] =	vst v63  }
0xa4: {  	s4 =	sadd.s32 @!p1 s5, s4;
	s25 =	simm.s32 @!p1 $0x280  }
0xa5: {  	[tilespmem:s25], [sflag:$0x6] =	stream.linear.gather @!p1 [hbm4b:s4+s29], $0x80, $0x38;
	[tilespmem:$0x1F080] =	vst v63  }
0xa6: {  	_ =	swait.ge [sflag:s21], $0x80  }
0xa7: {  	[sflag:s21] =	ssyncset.done $0x0  }
0xa8: {  	[sflag:s21] =	ssyncadd.s32 $0xFFFFFF80  }
0xa9: {  	[tilespmem:s15], [sflag:$0xA] =	stream.indirect.gather [hbm4b:s6+s30], $0x80, s11, s30, $0xb8;
	[tilespmem:$0x1F080] =	vst v63  }
0xaa: {  	_ =	swait.ge [sflag:s16], $0x4000  }
0xab: {  	[sflag:s16] =	ssyncset.done $0x0  }
0xac: {  	[sflag:s16] =	ssyncadd.s32 $0xFFFFC000  }
0xad: {  	p2 =	sge.u32 s22, s23;
	_ =	swait.ge [sflag:s24], $0x80  }
0xae: {  	s26 =	simm.s32 @!p2 $0x400;
	[sflag:s24] =	ssyncset.done $0x0  }
0xaf: {  	s4 =	simm.s32 @!p2 $0x80;
	s25 =	simm.s32 @!p2 $0x300;
	[sflag:s24] =	ssyncadd.s32 $0xFFFFFF80  }
0xb0: {  	[spmem:s1] =	stream.indirect.scatter.add.f32 @!p2 [tilespmem:s26], [sflag:$0xB], $0x80, s25, s4, $0xb8;
	[tilespmem:$0x1F080] =	vst v63  }
.Ltmp3:
0xb1: {  	_ = 	snop;
	(pc) =	sbr.rel @p1 .LBB2_6-.Ltmp3, $4  }
0xb2: {  	s4 =	simm.s32 @!p2 $0xB  }
0xb3: {  	_ =	swait.ge @!p2 [sflag:s4], $0x4000  }
0xb4: {  	[sflag:s4] =	ssyncset.done @!p2 $0x0  }
0xb5: {  	[sflag:s4] =	ssyncadd.s32 @!p2 $0xFFFFC000  }
0xb6: {  	s4 =	sadd.s32 $0xC0, s8  }
0xb7: {  	p1 =	slt.u32 s4, $0x9C4;
	s4 =	sadd.s32 $0xC00, s14  }
.Ltmp4:
0xb8: {  	s4 =	simm.s32 @!p1 $0x0;
	(pc) =	sbr.rel .LBB2_4-.Ltmp4, $4  }
0xb9: {  	s29 =	simm.s32 $0x300;
	s26 =	sadd.s32 s3, s4  }
0xba: {  	[tilespmem:s0], [sflag:$0x3] =	stream.linear.gather [hbm4b:s26+s2], $0x80, $0x38;
	[tilespmem:$0x1F080] =	vst v63  }
0xbb: {  	s22 =	sadd.s32 $0x80, s22;
	s14 =	sadd.s32 $0x800, s14;
	s4 =	sadd.s32 s5, s4  }
0xbc: {  	[tilespmem:s29], [sflag:$0x7] =	stream.linear.gather [hbm4b:s4+s2], $0x80, $0x38;
	[tilespmem:$0x1F080] =	vst v63  }
.LBB2_7:
0xbd: {  	_ =	sfence.sel $0x180000  }
0xbe: {  	[bflag:$0x0] =	sbarrier.arrive $0xFFFF  }
0xbf: {  	_ =	strace $0x9000004D  }
0xc0: {  	[bflag:$0x2] =	sbarrier.arrive $0xFFFF  }
0xc1: {  	s0 =	rddreg [dreg:$0x2]  }
0xc2: {  	s0 =	sadd.s32 @!p0 $0x100000, s0  }
0xc3: {  	[sflag:s0] =	ssyncadd.tile.s32 @!p0 $0x1;
	_ =	shalt  }
.Lfunc_end2:
_tile_overlayer_lowered:
.L_overlay_start_2:
0xc4: {  	(tag) =	ssettag $0x2  }
0xc5: {  	s0 =	rddreg [dreg:$0x0];
	s2 =	stileid.u32  }
0xc6: {  	s1 =	rddreg [dreg:$0x1];
	p0 =	sne.s32 s2, $0x0  }
0xc7: {  	s3 =	rddreg [dreg:$0x2];
	[bflag:$0x3] =	sbarrier.arrive $0xFFFF;
	s2 =	simm.s32 @!p0 $0x1C0B  }
0xc8: {  	[timem:s3], [sflag:s2] =	dma.local @!p0 [hbm:s0], s1  }
0xc9: {  	s0 =	simm.s32 @!p0 $0xB  }
0xca: {  	_ =	swait.ge @!p0 [sflag:s0], s1  }
0xcb: {  	s1 =	ssub.s32 @!p0 $0x0, s1;
	[sflag:s0] =	ssyncset.done @!p0 $0x0  }
0xcc: {  	[sflag:s0] =	ssyncadd.s32 @!p0 s1  }
0xcd: {  	[bflag:$0x3] =	sbarrier.arrive $0xFFFF  }
0xce: {  	_ =	shalt  }

// kernel: kernel.9.cloned.1.call-start
scs
__scs_entry_jumppad:
0x0: {  	(pc) =	sbr.rel $0x88, $3  }
0x1: {  	(tag) =	ssettag $0x0;
	lr =	simm.s32 $0x1  }
0x2: {  	[smem:$0x3F95] =	sst lr;
	_ =	strace $0xD0000000  }
0x3: {  	_ = 	snop  }
0x4: {  	_ = 	snop  }
0x5: {  	_ = 	snop  }
0x6: {  	_ = 	snop  }
0x7: {  	_ = 	snop  }
__scs_overlays_trampoline_lowered:
0x8: {  	[smem:$0x3FA4] =	sst s0  }
0x9: {  	[smem:$0x3FA5] =	sst s1  }
0xa: {  	[smem:$0x3FA6] =	sst s2  }
0xb: {  	[smem:$0x3FA7] =	sst s3  }
0xc: {  	[smem:$0x3FA8] =	sst s4  }
0xd: {  	[smem:$0x3FA9] =	sst s5  }
0xe: {  	[smem:$0x3FAA] =	sst s6  }
0xf: {  	[smem:$0x3FAB] =	sst s7  }
0x10: {  	[smem:$0x3FAC] =	sst s8  }
0x11: {  	[smem:$0x3FAD] =	sst s9;
	s0 =	simm.s32 @!p0 $0x0  }
0x12: {  	s1 =	sld [smem:$0x3F93];
	s0 =	simm.s32 @p0 $0x1  }
0x13: {  	[smem:$0x3FAE] =	sst s0;
	s0 =	simm.s32 @!p1 $0x0  }
0x14: {  	s2 =	sld [smem:$0x3F92];
	s0 =	simm.s32 @p1 $0x1  }
0x15: {  	[smem:$0x3FAF] =	sst s0;
	s0 =	simm.s32 @!p2 $0x0  }
0x16: {  	s3 =	sld [smem:$0x3FDB];
	s0 =	simm.s32 @p2 $0x1  }
0x17: {  	s4 =	simm.s32 $0x1BF5;
	[smem:$0x3FB1] =	sst s0  }
0x18: {  	s0 =	sld [smem:$0x3F94];
	_ =	swait.ge [sflag:s4], $0x0  }
0x19: {  	s7 =	sld [smem:$0x3F95]  }
0x1a: {  	s8 =	sadd.s32 $0xFFFFE003, lr  }
0x1b: {  	s9 =	sadd.s32 $0xFFFFFEF7, lr;
	s5 =	simm.s32 $0xFFFFFFFF;
	p2 =	slt.u32 s8, $0xFFFFF086  }
0x1c: {  	p1 =	slt.u32 s9, $0xF7A;
	s5 =	simm.s32 @!p2 $0x0  }
0x1d: {  	s5 =	simm.s32 @p1 $0x1;
	p0 =	seq.s32 s7, s2  }
0x1e: {  	s7 =	smul.u32 @!p0 $0xF7A, s2;
	p2 =	seq.s32 @!p0 s5, $0x0  }
0x1f: {  	s9 =	smul.u32 $0xF7A, s1;
	s8 =	simm.s32 @!p0 $0x1BF5;
	p2 =	por !p2, p0  }
0x20: {  	[sflag:s8] =	ssyncset.s32 @!p0 $0xFFFFF086;
	s6 =	sadd.s32 @!p0 s3, s7;
	s7 =	simm.s32 @!p0 $0x108  }
0x21: {  	s3 =	sadd.s32 s3, s9;
	s6 =	sadd.s32 @!p0 $0x88, s6;
	s7 =	simm.s32 @p2 $0x1082  }
0x22: {  	[simem:s7], [sflag:s8] =	dma.local @!p0 [hbm:s6], $0xF7A  }
0x23: {  	s9 =	sor.u32 $0xD0000000, s2;
	s6 =	simm.s32 $0x108;
	_ =	swait.ge @!p0 [sflag:s8], $0x0  }
0x24: {  	s3 =	sadd.s32 $0x88, s3;
	s6 =	simm.s32 @!p1 $0x1082;
	[sflag:s4] =	ssyncset.s32 $0xFFFFF086  }
0x25: {  	[simem:s6], [sflag:s4] =	dma.local [hbm:s3], $0xF7A  }
0x26: {  	[smem:$0x3F95] =	sst s1;
	(tag) =	ssettag s2;
	_ =	strace s9  }
0x27: {  	s1 =	sld [smem:$0x3FA5]  }
0x28: {  	s2 =	sld [smem:$0x3FA6]  }
0x29: {  	s4 =	sld [smem:$0x3FA8]  }
0x2a: {  	p0 =	seq.s32 s5, $0x0;
	s5 =	sld [smem:$0x3FA9]  }
0x2b: {  	s6 =	sld [smem:$0x3FAA]  }
0x2c: {  	s7 =	sld [smem:$0x3FAB]  }
0x2d: {  	s3 =	simm.s32 $0x108;
	s8 =	sld [smem:$0x3FAC]  }
0x2e: {  	s3 =	simm.s32 @!p0 $0x1082;
	s9 =	sld [smem:$0x3FAD]  }
0x2f: {  	lr =	sadd.s32 s0, s3;
	s0 =	sld [smem:$0x3FA4]  }
0x30: {  	s3 =	sld [smem:$0x3FA7]  }
0x31: {  	[smem:$0x3FB0] =	sst s10  }
0x32: {  	s10 =	sld [smem:$0x3FAE];
	_ =	sdelay $0x3  }
0x33: {  	p0 =	seq.s32 s10, $0x1;
	s10 =	sld [smem:$0x3FB0];
	_ =	sdelay $0x3  }
0x34: {  	[smem:$0x3FB0] =	sst s10  }
0x35: {  	s10 =	sld [smem:$0x3FAF];
	_ =	sdelay $0x3  }
0x36: {  	p1 =	seq.s32 s10, $0x1;
	s10 =	sld [smem:$0x3FB0];
	_ =	sdelay $0x3  }
0x37: {  	[smem:$0x3FB0] =	sst s10  }
0x38: {  	s10 =	sld [smem:$0x3FB1]  }
0x39: {  	_ = 	snop;
	(pc) =	sbr.ind lr, $3  }
0x3a: {  	_ = 	snop  }
0x3b: {  	_ = 	snop  }
0x3c: {  	p2 =	seq.s32 s10, $0x1;
	s10 =	sld [smem:$0x3FB0]  }
0x3d: {  	_ =	shalt  }
0x3e: {  	_ =	shalt  }
0x3f: {  	_ =	shalt  }
0x40: {  	_ =	shalt  }
0x41: {  	_ =	shalt  }
0x42: {  	_ =	shalt  }
0x43: {  	_ =	shalt  }
0x44: {  	_ =	shalt  }
0x45: {  	_ =	shalt  }
0x46: {  	_ =	shalt  }
0x47: {  	_ =	shalt  }
0x48: {  	_ =	shalt  }
0x49: {  	_ =	shalt  }
0x4a: {  	_ =	shalt  }
0x4b: {  	_ =	shalt  }
0x4c: {  	_ =	shalt  }
0x4d: {  	_ =	shalt  }
0x4e: {  	_ =	shalt  }
0x4f: {  	_ =	shalt  }
0x50: {  	_ =	shalt  }
0x51: {  	_ =	shalt  }
0x52: {  	_ =	shalt  }
0x53: {  	_ =	shalt  }
0x54: {  	_ =	shalt  }
0x55: {  	_ =	shalt  }
0x56: {  	_ =	shalt  }
0x57: {  	_ =	shalt  }
0x58: {  	_ =	shalt  }
0x59: {  	_ =	shalt  }
0x5a: {  	_ =	shalt  }
0x5b: {  	_ =	shalt  }
0x5c: {  	_ =	shalt  }
0x5d: {  	_ =	shalt  }
0x5e: {  	_ =	shalt  }
0x5f: {  	_ =	shalt  }
0x60: {  	_ =	shalt  }
0x61: {  	_ =	shalt  }
0x62: {  	_ =	shalt  }
0x63: {  	_ =	shalt  }
0x64: {  	_ =	shalt  }
0x65: {  	_ =	shalt  }
0x66: {  	_ =	shalt  }
0x67: {  	_ =	shalt  }
0x68: {  	_ =	shalt  }
0x69: {  	_ =	shalt  }
0x6a: {  	_ =	shalt  }
0x6b: {  	_ =	shalt  }
0x6c: {  	_ =	shalt  }
0x6d: {  	_ =	shalt  }
0x6e: {  	_ =	shalt  }
0x6f: {  	_ =	shalt  }
0x70: {  	_ =	shalt  }
0x71: {  	_ =	shalt  }
0x72: {  	_ =	shalt  }
0x73: {  	_ =	shalt  }
0x74: {  	_ =	shalt  }
0x75: {  	_ =	shalt  }
0x76: {  	_ =	shalt  }
0x77: {  	_ =	shalt  }
0x78: {  	_ =	shalt  }
0x79: {  	_ =	shalt  }
0x7a: {  	_ =	shalt  }
0x7b: {  	_ =	shalt  }
0x7c: {  	_ =	shalt  }
0x7d: {  	_ =	shalt  }
0x7e: {  	_ =	shalt  }
0x7f: {  	_ =	shalt  }
0x80: {  	_ =	shalt  }
0x81: {  	_ =	shalt  }
0x82: {  	_ =	shalt  }
0x83: {  	_ =	shalt  }
0x84: {  	_ =	shalt  }
0x85: {  	_ =	shalt  }
0x86: {  	_ =	shalt  }
0x87: {  	_ =	shalt  }
.Lfunc_end0:
.L_simem_size_0:
called_computation_lowered:
.L_overlay_start_0:
0x88: {  	s2 =	sld [smem:$0x3FD9]  }
0x89: {  	s3 =	sld [smem:$0x3FFE];
	_ =	sdelay $0x1  }
0x8a: {  	s1 =	srdreg.scid  }
0x8b: {  	s0 =	sand.u32 $0x1, s1  }
0x8c: {  	s14 =	sshll.u32 s0, $0xA;
	s2 =	sadd.s32 s3, s2  }
0x8d: {  	s2 =	sadd.s32 s2, s14  }
0x8e: {  	[smem:$0x3FBC] =	sst s2  }
0x8f: {  	_ = 	snop  }
0x90: {  	s2 =	sld [smem:$0x3FD0];
	_ =	sdelay $0x2  }
0x91: {  	s15 =	simm.s32 $0xA;
	s4 =	simm.s32 $0x10  }
0x92: {  	[smem:s4], [sflag:s15] =	dma.local [hbm:s2], $0x1  }
0x93: {  	_ =	swait.eq [sflag:s15], $0x1  }
0x94: {  	[sflag:s15] =	ssyncset.done $0x0  }
0x95: {  	[sflag:s15] =	ssyncadd.s32 $0xFFFFFFFF  }
0x96: {  	s16 =	sld [smem:$0x11];
	(tm) =	ssettm $0x1  }
0x97: {  	s17 =	sld [smem:$0x3FFB];
	_ =	sdelay $0x3  }
0x98: {  	_ =	strace s17  }
0x99: {  	s3 =	sld [smem:$0x3FFC];
	_ =	sdelay $0x3  }
0x9a: {  	_ =	strace s3  }
0x9b: {  	s3 =	sld [smem:$0x3FFD];
	_ =	sdelay $0x3  }
0x9c: {  	_ =	strace s3  }
0x9d: {  	_ =	strace $0x8FFFFFFF  }
0x9e: {  	s18 =	sld [smem:$0x3FDB];
	_ =	sdelay $0x1  }
0x9f: {  	s19 =	simm.s32 $_scs_section_size  }
0xa0: {  	s5 =	simm.s32 $_size__tile_overlayer_lowered;
	s6 =	simm.s32 $_tile_overlayer_lowered  }
0xa1: {  	s22 =	simm.s32 $0x1BFF;
	s21 =	sshll.u32 s6, $0x1;
	s3 =	sadd.s32 s19, s18  }
0xa2: {  	s7 =	simm.s32 $0x0;
	s20 =	sshll.u32 s5, $0x1;
	s5 =	sadd.s32 s21, s3  }
0xa3: {  	[timem:s7], [sflag:s22] =	dma.local [hbm:s5], s20  }
0xa4: {  	_ =	swait.ge [sflag:s22], s20  }
0xa5: {  	s4 =	ssub.s32 $0x0, s20;
	[sflag:s22] =	ssyncset.done $0x0  }
0xa6: {  	[sflag:s22] =	ssyncadd.s32 s4;
	_ =	sdelay $0x1  }
0xa7: {  	s23 =	simm.s32 $0x1B8B  }
0xa8: {  	_ =	swait.ge [sflag:s23], $0x1  }
0xa9: {  	[sflag:s23] =	ssyncset.done $0x0  }
0xaa: {  	s25 =	simm.s32 $0x1B8E;
	s24 =	sld [smem:$0x3FFE];
	[sflag:s23] =	ssyncadd.s32 $0xFFFFFFFF  }
0xab: {  	s26 =	simm.s32 $execute0_lowered;
	[smem:$0x3FD2] =	sst s25  }
0xac: {  	s5 =	sshll.u32 s26, $0x1;
	_ =	strace $0x80000046;
	[dreg:$0x1] =	wrdreg $0xFFFFFFFF  }
0xad: {  	s28 =	simm.s32 $_size_execute0_lowered;
	s3 =	sadd.s32 s3, s5;
	[dreg:$0x0] =	wrdreg $0x0  }
0xae: {  	s5 =	sshll.u32 s28, $0x1;
	[dreg:$0x2] =	wrdreg s3  }
0xaf: {  	[dreg:$0x3] =	wrdreg s5  }
0xb0: {  	[dreg:$0x4] =	wrdreg $0xC0  }
0xb1: {  	_ =	task [dreg:s7], $0x5FFFF  }
0xb2: {  	[dreg:$0x1] =	wrdreg $0xFFFFFFFF  }
0xb3: {  	[dreg:$0x0] =	wrdreg $0x60  }
0xb4: {  	[dreg:$0x2] =	wrdreg s24  }
0xb5: {  	[dreg:$0x3] =	wrdreg s16  }
0xb6: {  	[dreg:$0x4] =	wrdreg $0x5000  }
0xb7: {  	[dreg:$0x5] =	wrdreg $0x9  }
0xb8: {  	_ =	task.clear_ibuf [dreg:s7], $0x6FFFF;
	_ =	strace $0x90000046  }
0xb9: {  	s29 =	simm.s32 $0x9;
	_ =	strace $0x80000048  }
0xba: {  	_ =	swait.ge [sflag:s29], $0x1  }
0xbb: {  	[sflag:s29] =	ssyncadd.s32 $0xFFFFFFFF  }
0xbc: {  	_ =	strace $0x90000048  }
0xbd: {  	_ =	sfence  }
0xbe: {  	s30 =	sld [smem:$0x0];
	_ =	sdelay $0x2  }
0xbf: {  	s31 =	sshll.u32 s1, $0xD;
	s1 =	sshrl.u32 s1, $0x2  }
0xc0: {  	s3 =	sand.u32 $0x4000, s31;
	s1 =	sadd.s32 s1, s30  }
0xc1: {  	s0 =	sor.u32 s3, s0;
	s1 =	sshll.u32 s1, $0x11  }
0xc2: {  	s0 =	sor.u32 s1, s0  }
0xc3: {  	s0 =	sadd.s32 $0x8F2B, s0  }
0xc4: {  	[sflag:s0] =	ssyncadd.remote.s32 $0x1  }
0xc5: {  	_ =	sfence.sel $0xFFFF  }
0xc6: {  	[dreg:$0x0] =	wrdreg $0xFFFFFFFF;
	(pc) =	sbr.abs _section_cstart, $3  }
0xc7: {  	[dreg:$0x1] =	wrdreg $0xFFFFFFFF  }
0xc8: {  	_ =	task.clear_ibuf [dreg:s7], $0x2FFFF;
	_ =	strace $0x9FFFFFFF  }
0xc9: {  	(tm) =	ssettm $0x7FFFFFFF  }
tec
execute0_lowered:
.L_overlay_start_1:
0x0: {  	(tag) =	ssettag $0x1  }
0x1: {  	s3 =	rddreg [dreg:$0x0]  }
0x2: {  	s12 =	rddreg [dreg:$0x1]  }
0x3: {  	s1 =	rddreg [dreg:$0x2];
	s2 =	simm.s32 $0x0;
	s4 =	srdreg.scid  }
0x4: {  	s15 =	stileid.u32;
	s18 =	simm.s32 $0x100;
	s19 =	simm.s32 $0x1  }
0x5: {  	s20 =	simm.s32 $0x200;
	s21 =	simm.s32 $0x180;
	s22 =	simm.s32 $0x2  }
0x6: {  	s23 =	simm.s32 $0x3;
	s24 =	simm.s32 $0x4;
	s25 =	simm.s32 $0x0  }
0x7: {  	[smem:$0x7FF] =	sst s2;
	s3 =	sadd.s32 $0x3E00, s3;
	s13 =	sand.u32 $0x1, s4  }
0x8: {  	s8 =	smul.u32 $0x270, s15;
	s17 =	sshll.u32 s15, $0x4;
	p0 =	sne.s32 s15, $0x0  }
0x9: {  	_ =	strace $0x80000047;
	s5 =	ssub.s32 $0x2, s13;
	s4 =	sshll.u32 s13, $0x4  }
0xa: {  	s14 =	smul.u32 $0x2710, s13;
	s31 =	sshll.u32 s13, $0x8;
	s6 =	sshrl.u32 s5, $0x1  }
0xb: {  	s4 =	sor.u32 s15, s4;
	s15 =	simm.s32 $0x280;
	s16 =	ssub.s32 s5, s6  }
0xc: {  	s5 =	sadd.s32 s8, s1;
	s7 =	sshll.u32 s4, $0x4;
	s6 =	sadd.s32 $0x2700, s1  }
0xd: {  	s10 =	sadd.s32 s8, s14;
	s14 =	sshrl.u32 s14, $0x3;
	s7 =	sadd.s32 s3, s7  }
.Ltmp0:
0xe: {  	s11 =	sshrl.u32 s10, $0x3;
	s10 =	ssub.s32 $0x984, s4;
	(pc) =	sbr.rel .LBB2_1-.Ltmp0, $4  }
0xf: {  	s13 =	smax.u32 s16, $0x1;
	s16 =	simm.s32 $0x5;
	s0 =	sadd.s32 $0x200, s7  }
0x10: {  	s29 =	sadd.s32 $0x400, s7;
	s30 =	sadd.s32 s12, s11;
	[dreg:$0x4] =	wrdreg s0  }
0x11: {  	s12 =	sadd.s32 s12, s14;
	s14 =	sor.u32 s17, s31;
	[dreg:$0x5] =	wrdreg s29  }
0x12: {  	v0 =	vimm.f32 $1.000000000e+00;
	v1 =	vimm.f32 $0.0e+00;
	s17 =	simm.s32 $0x80;
	[dreg:$0x6] =	wrdreg s30;
	s12 =	sadd.s32 $0x4E0, s12  }
.LBB2_4:
0x13: {  	[bflag:$0x0] =	sbarrier.arrive $0xFFFF  }
0x14: {  	[tilespmem:s15], [sflag:$0x5] =	stream.linear.gather [spmem:s5], $0x270, $0x38;
	[tilespmem:$0x778] =	vst v63  }
0x15: {  	_ =	swait.ge [sflag:s16], $0x270  }
0x16: {  	[sflag:s16] =	ssyncset.done $0x0  }
0x17: {  	s0 =	rddreg [dreg:$0x6];
	[sflag:s16] =	ssyncadd.s32 $0xFFFFFD90  }
0x18: {  	[hbm4b:s0+s2] =	stream.linear.scatter [tilespmem:s15], [sflag:$0x5], $0x270, $0x38;
	[tilespmem:$0x778] =	vst v63  }
0x19: {  	_ =	swait.ge [sflag:s16], $0x270  }
0x1a: {  	[sflag:s16] =	ssyncset.done $0x0  }
0x1b: {  	s8 =	simm.s32 @!p0 $0x5;
	s0 =	simm.s32 @!p0 $0x280;
	[sflag:s16] =	ssyncadd.s32 $0xFFFFFD90  }
0x1c: {  	[tilespmem:s0], [sflag:$0x5] =	stream.linear.gather @!p0 [spmem:s6], $0x10, $0x38;
	[tilespmem:$0x778] =	vst v63  }
0x1d: {  	s25 =	sadd.s32 $0x1, s25;
	_ =	swait.ge @!p0 [sflag:s8], $0x10  }
0x1e: {  	p1 =	sne.s32 s25, s13;
	[sflag:s8] =	ssyncset.done @!p0 $0x0  }
.Ltmp1:
0x1f: {  	s9 =	simm.s32 @!p0 $0x0;
	[sflag:s8] =	ssyncadd.s32 @!p0 $0xFFFFFFF0;
	(pc) =	sbr.rel @!p1 .LBB2_5-.Ltmp1, $4  }
0x20: {  	[hbm4b:s12+s9] =	stream.linear.scatter @!p0 [tilespmem:s0], [sflag:$0x5], $0x10, $0x38;
	[tilespmem:$0x778] =	vst v63  }
0x21: {  	_ =	swait.ge @!p0 [sflag:s8], $0x10  }
0x22: {  	[sflag:s8] =	ssyncset.done @!p0 $0x0  }
0x23: {  	[sflag:s8] =	ssyncadd.s32 @!p0 $0xFFFFFFF0  }
.LBB2_1:
0x24: {  	[tilespmem:$0x200] =	vst v0  }
0x25: {  	[tilespmem:$0x210] =	vst v0  }
0x26: {  	[tilespmem:$0x220] =	vst v0  }
0x27: {  	[tilespmem:$0x230] =	vst v0  }
0x28: {  	[tilespmem:$0x240] =	vst v0  }
0x29: {  	[tilespmem:$0x250] =	vst v0  }
0x2a: {  	[tilespmem:$0x260] =	vst v0  }
0x2b: {  	[tilespmem:$0x270] =	vst v0  }
0x2c: {  	[tilespmem:$0x280] =	vst v1  }
0x2d: {  	[tilespmem:$0x290] =	vst v1  }
0x2e: {  	[tilespmem:$0x2A0] =	vst v1  }
0x2f: {  	[tilespmem:$0x2B0] =	vst v1  }
0x30: {  	[tilespmem:$0x2C0] =	vst v1  }
0x31: {  	[tilespmem:$0x2D0] =	vst v1  }
0x32: {  	[tilespmem:$0x2E0] =	vst v1  }
0x33: {  	[tilespmem:$0x2F0] =	vst v1  }
0x34: {  	[tilespmem:$0x300] =	vst v1  }
0x35: {  	[tilespmem:$0x310] =	vst v1  }
0x36: {  	[tilespmem:$0x320] =	vst v1  }
0x37: {  	[tilespmem:$0x330] =	vst v1  }
0x38: {  	[tilespmem:$0x340] =	vst v1  }
0x39: {  	[tilespmem:$0x350] =	vst v1  }
0x3a: {  	[tilespmem:$0x360] =	vst v1  }
0x3b: {  	[tilespmem:$0x370] =	vst v1  }
0x3c: {  	[tilespmem:$0x380] =	vst v1  }
0x3d: {  	[tilespmem:$0x390] =	vst v1  }
0x3e: {  	[tilespmem:$0x3A0] =	vst v1  }
0x3f: {  	[tilespmem:$0x3B0] =	vst v1  }
0x40: {  	[tilespmem:$0x3C0] =	vst v1  }
0x41: {  	[tilespmem:$0x3D0] =	vst v1  }
0x42: {  	[tilespmem:$0x3E0] =	vst v1  }
0x43: {  	[tilespmem:$0x3F0] =	vst v1  }
0x44: {  	[tilespmem:$0x400] =	vst v1  }
0x45: {  	[tilespmem:$0x410] =	vst v1  }
0x46: {  	[tilespmem:$0x420] =	vst v1  }
0x47: {  	[tilespmem:$0x430] =	vst v1  }
0x48: {  	[tilespmem:$0x440] =	vst v1  }
0x49: {  	[tilespmem:$0x450] =	vst v1  }
0x4a: {  	[tilespmem:$0x460] =	vst v1  }
0x4b: {  	[tilespmem:$0x470] =	vst v1  }
0x4c: {  	[tilespmem:$0x480] =	vst v1  }
0x4d: {  	[tilespmem:$0x490] =	vst v1  }
0x4e: {  	[tilespmem:$0x4A0] =	vst v1  }
0x4f: {  	[tilespmem:$0x4B0] =	vst v1  }
0x50: {  	[tilespmem:$0x4C0] =	vst v1  }
0x51: {  	[tilespmem:$0x4D0] =	vst v1  }
0x52: {  	[tilespmem:$0x4E0] =	vst v1  }
0x53: {  	[spmem:s5] =	stream.linear.scatter [tilespmem:s15], [sflag:$0x5], $0x270, $0x38;
	[tilespmem:$0x778] =	vst v63  }
0x54: {  	_ =	swait.ge [sflag:s16], $0x270  }
0x55: {  	[sflag:s16] =	ssyncset.done $0x0  }
0x56: {  	s26 =	simm.s32 @!p0 $0x280;
	[sflag:s16] =	ssyncadd.s32 $0xFFFFFD90  }
0x57: {  	[spmem:s6] =	stream.linear.scatter @!p0 [tilespmem:s26], [sflag:$0x5], $0x10, $0x38;
	[tilespmem:$0x778] =	vst v63  }
0x58: {  	s26 =	simm.s32 @!p0 $0x5  }
0x59: {  	_ =	swait.ge @!p0 [sflag:s26], $0x10  }
0x5a: {  	[sflag:s26] =	ssyncset.done @!p0 $0x0  }
0x5b: {  	[sflag:s26] =	ssyncadd.s32 @!p0 $0xFFFFFFF0  }
0x5c: {  	[bflag:$0x0] =	sbarrier.arrive $0xFFFF  }
0x5d: {  	[tilespmem:s2], [sflag:$0x1] =	stream.linear.gather [hbm4b:s7+s2], $0x80, $0x38;
	[tilespmem:$0x778] =	vst v63  }
0x5e: {  	s0 =	rddreg [dreg:$0x4]  }
0x5f: {  	[tilespmem:s17], [sflag:$0x2] =	stream.linear.gather [hbm4b:s0+s2], $0x80, $0x38;
	[tilespmem:$0x778] =	vst v63  }
0x60: {  	s28 =	simm.s32 $0x0;
	s26 =	smov.u32 s14;
	s31 =	rddreg [dreg:$0x5]  }
0x61: {  	[tilespmem:s18], [sflag:$0x3] =	stream.linear.gather [hbm4b:s31+s2], $0x80, $0x38;
	[tilespmem:$0x778] =	vst v63  }
.LBB2_2:
0x62: {  	_ =	swait.ge [sflag:s19], $0x80  }
0x63: {  	s29 =	sadd.s32 s28, s4;
	[sflag:s19] =	ssyncset.done $0x0  }
0x64: {  	s30 =	sadd.s32 $0x60, s29;
	[sflag:s19] =	ssyncadd.s32 $0xFFFFFF80  }
0x65: {  	[spmem:s1] =	stream.indirect.scatter.add.f32 [tilespmem:s20], [sflag:$0x5], $0x1, s2, s17, $0xb8;
	[tilespmem:$0x778] =	vst v63  }
0x66: {  	s31 =	sadd.s32 $0x600, s26;
	p1 =	slt.u32 s30, $0x9C4;
	_ =	swait.ge [sflag:s16], $0x80  }
0x67: {  	s31 =	simm.s32 @!p1 $0x0;
	[sflag:s16] =	ssyncset.done $0x0  }
0x68: {  	p1 =	seq.s32 s28, $0x980;
	s31 =	sadd.s32 s3, s31;
	[sflag:s16] =	ssyncadd.s32 $0xFFFFFF80  }
0x69: {  	[tilespmem:s21], [sflag:$0x4] =	stream.linear.gather [hbm4b:s31+s2], $0x80, $0x38;
	[tilespmem:$0x778] =	vst v63  }
0x6a: {  	s31 =	sadd.s32 @!p1 s28, s4;
	_ =	swait.ge [sflag:s22], $0x80  }
0x6b: {  	s0 =	sadd.s32 @!p1 $0x80, s31;
	[sflag:s22] =	ssyncset.done $0x0  }
0x6c: {  	p2 =	slt.u32 @!p1 s0, $0x9C4;
	[sflag:s22] =	ssyncadd.s32 $0xFFFFFF80  }
0x6d: {  	[spmem:s1] =	stream.indirect.scatter.add.f32 [tilespmem:s20], [sflag:$0x5], $0x1, s17, s17, $0xb8;
	[tilespmem:$0x778] =	vst v63  }
0x6e: {  	s0 =	sadd.s32 @!p1 $0x800, s26;
	p2 =	por !p2, p1;
	_ =	swait.ge [sflag:s16], $0x80  }
0x6f: {  	s0 =	simm.s32 @p2 $0x0;
	[sflag:s16] =	ssyncset.done $0x0  }
0x70: {  	s8 =	simm.s32 @!p1 $0x0;
	s0 =	sadd.s32 @!p1 s3, s0;
	[sflag:s16] =	ssyncadd.s32 $0xFFFFFF80  }
0x71: {  	[tilespmem:s8], [sflag:$0x1] =	stream.linear.gather @!p1 [hbm4b:s0+s8], $0x80, $0x38;
	[tilespmem:$0x778] =	vst v63  }
0x72: {  	p2 =	sge.u32 s28, s10;
	_ =	swait.ge [sflag:s23], $0x80  }
0x73: {  	s9 =	simm.s32 @!p2 $0x100;
	[sflag:s23] =	ssyncset.done $0x0  }
0x74: {  	s11 =	simm.s32 @!p2 $0x200;
	s0 =	simm.s32 @!p2 $0x80;
	[sflag:s23] =	ssyncadd.s32 $0xFFFFFF80  }
0x75: {  	[spmem:s1] =	stream.indirect.scatter.add.f32 @!p2 [tilespmem:s11], [sflag:$0x5], $0x1, s9, s0, $0xb8;
	[tilespmem:$0x778] =	vst v63  }
0x76: {  	s0 =	sadd.s32 @!p1 $0xA0, s31  }
0x77: {  	s9 =	simm.s32 @!p2 $0x5;
	p3 =	slt.u32 @!p1 s0, $0x9C4  }
0x78: {  	_ =	swait.ge @!p2 [sflag:s9], $0x80;
	s0 =	sadd.s32 @!p1 $0xA00, s26;
	p3 =	por !p3, p1  }
0x79: {  	[sflag:s9] =	ssyncset.done @!p2 $0x0;
	s0 =	simm.s32 @p3 $0x0  }
0x7a: {  	[sflag:s9] =	ssyncadd.s32 @!p2 $0xFFFFFF80;
	s9 =	simm.s32 @!p1 $0x80;
	s0 =	sadd.s32 @!p1 s3, s0  }
0x7b: {  	[tilespmem:s9], [sflag:$0x2] =	stream.linear.gather @!p1 [hbm4b:s0+s8], $0x80, $0x38;
	[tilespmem:$0x778] =	vst v63  }
0x7c: {  	p2 =	sgt.u32 s30, $0x9C3;
	_ =	swait.ge [sflag:s24], $0x80  }
0x7d: {  	s0 =	simm.s32 @!p2 $0x80;
	[sflag:s24] =	ssyncset.done $0x0  }
0x7e: {  	s8 =	simm.s32 @!p2 $0x180;
	s9 =	simm.s32 @!p2 $0x200;
	[sflag:s24] =	ssyncadd.s32 $0xFFFFFF80  }
0x7f: {  	[spmem:s1] =	stream.indirect.scatter.add.f32 @!p2 [tilespmem:s9], [sflag:$0x5], $0x1, s8, s0, $0xb8;
	[tilespmem:$0x778] =	vst v63  }
.Ltmp2:
0x80: {  	_ = 	snop;
	(pc) =	sbr.rel @p1 .LBB2_4-.Ltmp2, $4  }
0x81: {  	s0 =	simm.s32 @!p2 $0x5  }
0x82: {  	_ =	swait.ge @!p2 [sflag:s0], $0x80  }
0x83: {  	[sflag:s0] =	ssyncset.done @!p2 $0x0  }
0x84: {  	[sflag:s0] =	ssyncadd.s32 @!p2 $0xFFFFFF80  }
.Ltmp3:
0x85: {  	s0 =	sadd.s32 $0xC0, s29;
	(pc) =	sbr.rel .LBB2_2-.Ltmp3, $4  }
0x86: {  	p1 =	slt.u32 s0, $0x9C4;
	s0 =	sadd.s32 $0xC00, s26  }
0x87: {  	s0 =	simm.s32 @!p1 $0x0  }
0x88: {  	s28 =	sadd.s32 $0x80, s28;
	s26 =	sadd.s32 $0x800, s26;
	s0 =	sadd.s32 s3, s0  }
0x89: {  	[tilespmem:s18], [sflag:$0x3] =	stream.linear.gather [hbm4b:s0+s2], $0x80, $0x38;
	[tilespmem:$0x778] =	vst v63  }
.LBB2_5:
0x8a: {  	_ =	sfence.sel $0x180000  }
0x8b: {  	[bflag:$0x0] =	sbarrier.arrive $0xFFFF  }
0x8c: {  	_ =	strace $0x90000047  }
0x8d: {  	[bflag:$0x2] =	sbarrier.arrive $0xFFFF  }
0x8e: {  	s0 =	rddreg [dreg:$0x3]  }
0x8f: {  	s0 =	sadd.s32 @!p0 $0x100000, s0  }
0x90: {  	[sflag:s0] =	ssyncadd.tile.s32 @!p0 $0x1;
	_ =	shalt  }
.Lfunc_end2:
_tile_overlayer_lowered:
.L_overlay_start_2:
0x91: {  	(tag) =	ssettag $0x2  }
0x92: {  	s0 =	rddreg [dreg:$0x0];
	s2 =	stileid.u32  }
0x93: {  	s1 =	rddreg [dreg:$0x1];
	p0 =	sne.s32 s2, $0x0  }
0x94: {  	s3 =	rddreg [dreg:$0x2];
	[bflag:$0x3] =	sbarrier.arrive $0xFFFF;
	s2 =	simm.s32 @!p0 $0x1C05  }
0x95: {  	[timem:s3], [sflag:s2] =	dma.local @!p0 [hbm:s0], s1  }
0x96: {  	s0 =	simm.s32 @!p0 $0x5  }
0x97: {  	_ =	swait.ge @!p0 [sflag:s0], s1  }
0x98: {  	s1 =	ssub.s32 @!p0 $0x0, s1;
	[sflag:s0] =	ssyncset.done @!p0 $0x0  }
0x99: {  	[sflag:s0] =	ssyncadd.s32 @!p0 s1  }
0x9a: {  	[bflag:$0x3] =	sbarrier.arrive $0xFFFF  }
0x9b: {  	_ =	shalt  }

</sc_bundles>
